<compile_context>
chip_gen: v7x
topology: tpu7x:2x2x1
jax: 0.10.2.dev20260603
libtpu: 0.0.44.dev20260713+nightly
codegen_flags: <defaults>
</compile_context>

<pallas_src>
import functools

import jax
import jax.numpy as jnp
from jax import lax
from jax.experimental import pallas as pl
from jax.experimental.pallas import tpu as pltpu
from jax.experimental.pallas import tpu_sc as plsc

N = 10000
E = 320000
D = 128
H = 128
V = 10000

NC = 2
NS = 16
NW = NC * NS
CHUNK = 128
QC = 16
CPW = 80
NQ = CPW // QC
EPAD = CHUNK * NW * CPW
TBL = 10112
RPW = TBL // NS


def _make_ham(w):
    r, i, j, k = jnp.split(w, 4, axis=1)
    r2 = jnp.concatenate([r, -i, -j, -k], axis=0)
    i2 = jnp.concatenate([i, r, -k, j], axis=0)
    j2 = jnp.concatenate([j, k, r, -i], axis=0)
    k2 = jnp.concatenate([k, -j, i, r], axis=0)
    return jnp.concatenate([r2, i2, j2, k2], axis=1)



_BN = 2000


def _lin1_body(x_ref, w_ref, o_ref):
    o_ref[...] = jnp.dot(x_ref[...], _make_ham(w_ref[...]),
                         preferred_element_type=jnp.float32)


def _lin1(x, w):
    return pl.pallas_call(
        _lin1_body,
        grid=(N // _BN,),
        in_specs=[
            pl.BlockSpec((_BN, D), lambda i: (i, 0)),
            pl.BlockSpec((D // 4, H), lambda i: (0, 0)),
        ],
        out_specs=pl.BlockSpec((_BN, H), lambda i: (i, 0)),
        out_shape=jax.ShapeDtypeStruct((N, H), jnp.float32),
    )(x, w)


def _lin2_body(p_ref, w_ref, h_ref, s_ref):
    h = jnp.tanh(p_ref[0] + p_ref[1])
    h_ref[...] = h
    s_ref[...] = jnp.dot(h, _make_ham(w_ref[...]),
                         preferred_element_type=jnp.float32)


def _lin2(parts, w):
    return pl.pallas_call(
        _lin2_body,
        grid=(N // _BN,),
        in_specs=[
            pl.BlockSpec((2, _BN, H), lambda i: (0, i, 0)),
            pl.BlockSpec((H // 4, H), lambda i: (0, 0)),
        ],
        out_specs=[
            pl.BlockSpec((_BN, H), lambda i: (i, 0)),
            pl.BlockSpec((_BN, H), lambda i: (i, 0)),
        ],
        out_shape=[
            jax.ShapeDtypeStruct((N, H), jnp.float32),
            jax.ShapeDtypeStruct((N, H), jnp.float32),
        ],
    )(parts, w)


_HBN = 400


def _head_body(q_ref, h1_ref, w_ref, b_ref, o_ref):
    h2 = jnp.tanh(q_ref[0] + q_ref[1])
    vec = jnp.concatenate([h1_ref[...], h2], axis=1)
    dn = (((1,), (1,)), ((), ()))
    o_ref[...] = lax.dot_general(
        vec, w_ref[...], dn,
        preferred_element_type=jnp.float32) + b_ref[...]


def _head(parts, h1, sm_weight, sm_bias2d):
    return pl.pallas_call(
        _head_body,
        grid=(N // _HBN,),
        in_specs=[
            pl.BlockSpec((2, _HBN, H), lambda i: (0, i, 0)),
            pl.BlockSpec((_HBN, H), lambda i: (i, 0)),
            pl.BlockSpec((V, 2 * H), lambda i: (0, 0)),
            pl.BlockSpec((1, V), lambda i: (0, 0)),
        ],
        out_specs=pl.BlockSpec((_HBN, V), lambda i: (i, 0)),
        out_shape=jax.ShapeDtypeStruct((N, V), jnp.float32),
    )(parts, h1, sm_weight, sm_bias2d)




def _seg_sum(support, src2d, dst2d, zeros):
    mesh = plsc.VectorSubcoreMesh(core_axis_name="c", subcore_axis_name="s")

    @functools.partial(
        pl.kernel,
        out_type=jax.ShapeDtypeStruct((NC, TBL, D), jnp.float32),
        mesh=mesh,
        scratch_types=[
            pltpu.VMEM((QC, CHUNK), jnp.int32),
            pltpu.VMEM((QC, CHUNK), jnp.int32),
            pltpu.VMEM((QC, CHUNK), jnp.int32),
            pltpu.VMEM((QC, CHUNK), jnp.int32),
            pltpu.VMEM((CHUNK, D), jnp.float32),
            pltpu.VMEM((CHUNK, D), jnp.float32),
            pltpu.VMEM_SHARED((TBL, D), jnp.float32),
            pltpu.SemaphoreType.DMA,
            pltpu.SemaphoreType.DMA,
            pltpu.SemaphoreType.DMA,
            pltpu.SemaphoreType.DMA,
            pltpu.SemaphoreType.DMA,
        ],
    )
    def k(support_hbm, src_hbm, dst_hbm, zeros_hbm, out_hbm,
          src_a, dst_a, src_b, dst_b, buf0, buf1, acc,
          sem0, sem1, ssem0, ssem1, isem):
        cid = lax.axis_index("c")
        sid = lax.axis_index("s")
        wid = cid * NS + sid
        base = wid * CPW
        pltpu.sync_copy(zeros_hbm.at[pl.ds(sid * RPW, RPW)],
                        acc.at[pl.ds(sid * RPW, RPW)])
        idx_pairs = [(src_a, dst_a), (src_b, dst_b)]
        pltpu.sync_copy(src_hbm.at[pl.ds(base, QC)], src_a)
        pltpu.sync_copy(dst_hbm.at[pl.ds(base, QC)], dst_a)
        plsc.subcore_barrier()

        def drain_both(dv):
            pltpu.make_async_copy(buf0, acc.at[dv.at[0]], ssem0).wait()
            pltpu.make_async_copy(buf1, acc.at[dv.at[0]], ssem1).wait()

        for q in range(NQ):
            src_v, dst_v = idx_pairs[q % 2]
            src_n, dst_n = idx_pairs[(q + 1) % 2]
            if q > 0:
                drain_both(dst_v)
            if q + 1 < NQ:
                nbase = base + (q + 1) * QC
                ld_s = pltpu.async_copy(src_hbm.at[pl.ds(nbase, QC)],
                                        src_n, isem)
                ld_d = pltpu.async_copy(dst_hbm.at[pl.ds(nbase, QC)],
                                        dst_n, isem)

            def body(j, _, sv=src_v, dv=dst_v):
                c0 = 2 * j

                @pl.when(j > 0)
                def _():
                    pltpu.make_async_copy(buf0, acc.at[dv.at[c0]],
                                          ssem0).wait()
                    pltpu.make_async_copy(buf1, acc.at[dv.at[c0]],
                                          ssem1).wait()

                cp0 = pltpu.async_copy(support_hbm.at[sv.at[c0]], buf0,
                                       sem0)
                cp1 = pltpu.async_copy(support_hbm.at[sv.at[c0 + 1]], buf1,
                                       sem1)
                cp0.wait()
                pltpu.async_copy(buf0, acc.at[dv.at[c0]], ssem0, add=True)
                cp1.wait()
                pltpu.async_copy(buf1, acc.at[dv.at[c0 + 1]], ssem1,
                                 add=True)
                return 0

            lax.fori_loop(0, QC // 2, body, 0)
            if q + 1 < NQ:
                ld_s.wait()
                ld_d.wait()
        drain_both(idx_pairs[(NQ - 1) % 2][1])
        plsc.subcore_barrier()
        pltpu.sync_copy(acc.at[pl.ds(sid * RPW, RPW)],
                        out_hbm.at[cid, pl.ds(sid * RPW, RPW)])

    return k(support, src2d, dst2d, zeros)




def kernel(Adj_block, X_concat, idx_nodes, W1, W2, sm_weight, sm_bias):
    del idx_nodes
    src = Adj_block[1]
    dst = Adj_block[0]
    pad = EPAD - E
    src2d = jnp.concatenate(
        [src, jnp.zeros((pad,), jnp.int32)]).reshape(EPAD // CHUNK, CHUNK)
    dst2d = jnp.concatenate(
        [dst, jnp.full((pad,), N, jnp.int32)]).reshape(EPAD // CHUNK, CHUNK)
    zeros = jnp.zeros((TBL, D), jnp.float32)
    sm_bias2d = sm_bias.reshape(1, V)

    support1 = _lin1(X_concat, W1)
    parts1 = _seg_sum(support1, src2d, dst2d, zeros)
    h1, support2 = _lin2(parts1, W2)
    parts2 = _seg_sum(support2, src2d, dst2d, zeros)
    logits = _head(parts2, h1, sm_weight, sm_bias2d)
    return logits

# --- scband reference (transcript-rebuilt; emitter-appended) ---
"""Pipeline reference for scband-un-sup-qgnn-4861902979539 (READ-ONLY COPY).

The authoritative reference and input builder live on the scoring server;
editing this copy changes nothing except your own understanding.
"""

import jax, jax.numpy as jnp
import numpy as np

N = 10000
E = 320000
D = 128
H = 128
L = 2
V = 10000

def make_quaternion_mul(kernel):
    # kernel: [in_features//4, out_features]; builds [in_features, out_features] Hamilton matrix
    r, i, j, k = jnp.split(kernel, 4, axis=1)
    r2 = jnp.concatenate([r, -i, -j, -k], axis=0)
    i2 = jnp.concatenate([i, r, -k, j], axis=0)
    j2 = jnp.concatenate([j, k, r, -i], axis=0)
    k2 = jnp.concatenate([k, -j, i, r], axis=0)
    return jnp.concatenate([r2, i2, j2, k2], axis=1)

def setup_inputs(seed: int = 0):
    key = jax.random.key(seed)
    k1, k2, k3, k4, k5, k6 = jax.random.split(key, 6)
    X_concat = jax.random.normal(k1, (N, D), dtype=jnp.float32)
    Adj_block = jax.random.randint(k2, (2, E), 0, N, dtype=jnp.int32)
    idx_nodes = jax.random.randint(k3, (N,), 0, V, dtype=jnp.int32)
    s1 = float(np.sqrt(2.0 / (D + H)))
    s2 = float(np.sqrt(2.0 / (H + H)))
    s3 = float(np.sqrt(2.0 / (L * H + V)))
    W1 = jax.random.normal(k4, (D // 4, H), dtype=jnp.float32) * s1
    W2 = jax.random.normal(k5, (H // 4, H), dtype=jnp.float32) * s2
    sm_weight = jax.random.normal(k6, (V, L * H), dtype=jnp.float32) * s3
    sm_bias = jnp.zeros((V,), dtype=jnp.float32)
    return {"Adj_block": Adj_block, "X_concat": X_concat, "idx_nodes": idx_nodes,
            "W1": W1, "W2": W2, "sm_weight": sm_weight, "sm_bias": sm_bias}

def reference(Adj_block, X_concat, idx_nodes, W1, W2, sm_weight, sm_bias):
    # Q4GNN stack: per layer, quaternion linear (x @ hamilton) then sparse
    # adjacency aggregation (spmm -> scatter-add over edges), tanh activation.
    # Dropout is identity (eval mode). Adj_block given as COO edge list:
    # row 0 = dst, row 1 = src, implicit weight 1.0.
    dst = Adj_block[0]
    src = Adj_block[1]
    outs = []
    h = X_concat
    for W in (W1, W2):
        hamilton = make_quaternion_mul(W)
        support = h @ hamilton
        agg = jax.ops.segment_sum(jnp.take(support, src, axis=0), dst, num_segments=N)
        h = jnp.tanh(agg)
        outs.append(h)
    vec = jnp.concatenate(outs, axis=1)
    # SampledSoftmax full (eval) path: logits over full vocab; idx_nodes are
    # the labels, consumed by the loss outside this module.
    logits = vec @ sm_weight.T + sm_bias
    return logits

if __name__ == "__main__":
    import jax
    _d = setup_inputs()
    print(jax.jit(kernel)(*tuple(_d.values())))

</pallas_src>

<mosaic_0001>
#map = affine_map<(d0, d1) -> (0, 0)>
#map1 = affine_map<(d0, d1) -> (0, 0, 0)>
module attributes {stable_mosaic.version = 14 : i64} {
  func.func @k(%arg0: i32, %arg1: i32, %arg2: memref<10000x128xf32, #tpu.memory_space<hbm>>, %arg3: memref<2560x128xi32, #tpu.memory_space<hbm>>, %arg4: memref<2560x128xi32, #tpu.memory_space<hbm>>, %arg5: memref<10112x128xf32, #tpu.memory_space<hbm>>, %arg6: memref<2x10112x128xf32, #tpu.memory_space<hbm>>, %arg7: memref<16x128xi32, #tpu.memory_space<vmem>>, %arg8: memref<16x128xi32, #tpu.memory_space<vmem>>, %arg9: memref<16x128xi32, #tpu.memory_space<vmem>>, %arg10: memref<16x128xi32, #tpu.memory_space<vmem>>, %arg11: memref<128x128xf32, #tpu.memory_space<vmem>>, %arg12: memref<128x128xf32, #tpu.memory_space<vmem>>, %arg13: memref<10112x128xf32, #tpu.memory_space<vmem_shared>>, %arg14: memref<!tpu.dma_semaphore, #tpu.memory_space<semaphore_mem>>, %arg15: memref<!tpu.dma_semaphore, #tpu.memory_space<semaphore_mem>>, %arg16: memref<!tpu.dma_semaphore, #tpu.memory_space<semaphore_mem>>, %arg17: memref<!tpu.dma_semaphore, #tpu.memory_space<semaphore_mem>>, %arg18: memref<!tpu.dma_semaphore, #tpu.memory_space<semaphore_mem>>) attributes {dimension_semantics = [#tpu.dimension_semantics<core_parallel>, #tpu.dimension_semantics<subcore_parallel>], iteration_bounds = array<i64: 2, 16>, scalar_prefetch = 0 : i64, scratch_operands = 12 : i64, tpu.core_type = #tpu.core_type<sc_vector_subcore>, window_params = [{transform_indices = #map}, {transform_indices = #map}, {transform_indices = #map}, {transform_indices = #map}, {transform_indices = #map1}]} {
    %mul3A = arith.constant 16 : i32
    %mul3A_0 = arith.muli %arg0, %mul3A : i32
    %add3A = arith.addi %mul3A_0, %arg1 : i32
    %mul3A_1 = arith.constant 80 : i32
    %mul3A_2 = arith.muli %add3A, %mul3A_1 : i32
    %mul3A_3 = arith.constant 632 : i32
    %mul3A_4 = arith.muli %arg1, %mul3A_3 : i32
    %mul3A_5 = arith.constant 632 : i32
    %mul3A_6 = arith.muli %arg1, %mul3A_5 : i32
    "tpu.region"() ({
      %run_scoped3A = tpu.sem_alloc : memref<!tpu.dma_semaphore, #tpu.memory_space<semaphore_mem>>
      %dma_start3A_186 = arith.constant 0 : i32
      %dma_start3A_187 = tpu.memref_slice %arg13[%mul3A_6, %dma_start3A_186] : memref<10112x128xf32, #tpu.memory_space<vmem_shared>> -> memref<632x128xf32, #tpu.memory_space<vmem_shared>>
      %dma_start3A_188 = arith.constant 0 : i32
      %dma_start3A_189 = tpu.memref_slice %arg5[%mul3A_4, %dma_start3A_188] : memref<10112x128xf32, #tpu.memory_space<hbm>> -> memref<632x128xf32, #tpu.memory_space<hbm>>
      tpu.enqueue_dma source(%dma_start3A_189 : memref<632x128xf32, #tpu.memory_space<hbm>>) target(%dma_start3A_187 : memref<632x128xf32, #tpu.memory_space<vmem_shared>>) target_semaphore(%run_scoped3A : memref<!tpu.dma_semaphore, #tpu.memory_space<semaphore_mem>>)
      %dma_wait3A_190 = arith.constant 0 : i32
      %dma_wait3A_191 = tpu.memref_slice %arg13[%mul3A_6, %dma_wait3A_190] : memref<10112x128xf32, #tpu.memory_space<vmem_shared>> -> memref<632x128xf32, #tpu.memory_space<vmem_shared>>
      %dma_wait3A_192 = arith.constant 0 : i32
      %dma_wait3A_193 = tpu.memref_slice %arg5[%mul3A_4, %dma_wait3A_192] : memref<10112x128xf32, #tpu.memory_space<hbm>> -> memref<632x128xf32, #tpu.memory_space<hbm>>
      tpu.wait_dma2 semaphore(%run_scoped3A : memref<!tpu.dma_semaphore, #tpu.memory_space<semaphore_mem>>) src(%dma_wait3A_193 : memref<632x128xf32, #tpu.memory_space<hbm>>) dst(%dma_wait3A_191 : memref<632x128xf32, #tpu.memory_space<vmem_shared>>)
      tpu.yield
    }) : () -> ()
    "tpu.region"() ({
      %run_scoped3A = tpu.sem_alloc : memref<!tpu.dma_semaphore, #tpu.memory_space<semaphore_mem>>
      %dma_start3A_186 = arith.constant 0 : i32
      %dma_start3A_187 = tpu.memref_slice %arg3[%mul3A_2, %dma_start3A_186] : memref<2560x128xi32, #tpu.memory_space<hbm>> -> memref<16x128xi32, #tpu.memory_space<hbm>>
      %dma_start3A_188 = arith.constant 0 : i32
      %dma_start3A_189 = tpu.memref_slice %arg3[%mul3A_2, %dma_start3A_188] : memref<2560x128xi32, #tpu.memory_space<hbm>> -> memref<16x128xi32, #tpu.memory_space<hbm>>
      tpu.enqueue_dma source(%dma_start3A_189 : memref<16x128xi32, #tpu.memory_space<hbm>>) target(%arg7 : memref<16x128xi32, #tpu.memory_space<vmem>>) target_semaphore(%run_scoped3A : memref<!tpu.dma_semaphore, #tpu.memory_space<semaphore_mem>>)
      %dma_wait3A_190 = arith.constant 0 : i32
      %dma_wait3A_191 = tpu.memref_slice %arg3[%mul3A_2, %dma_wait3A_190] : memref<2560x128xi32, #tpu.memory_space<hbm>> -> memref<16x128xi32, #tpu.memory_space<hbm>>
      %dma_wait3A_192 = arith.constant 0 : i32
      %dma_wait3A_193 = tpu.memref_slice %arg3[%mul3A_2, %dma_wait3A_192] : memref<2560x128xi32, #tpu.memory_space<hbm>> -> memref<16x128xi32, #tpu.memory_space<hbm>>
      tpu.wait_dma2 semaphore(%run_scoped3A : memref<!tpu.dma_semaphore, #tpu.memory_space<semaphore_mem>>) src(%dma_wait3A_193 : memref<16x128xi32, #tpu.memory_space<hbm>>) dst(%arg7 : memref<16x128xi32, #tpu.memory_space<vmem>>)
      tpu.yield
    }) : () -> ()
    "tpu.region"() ({
      %run_scoped3A = tpu.sem_alloc : memref<!tpu.dma_semaphore, #tpu.memory_space<semaphore_mem>>
      %dma_start3A_186 = arith.constant 0 : i32
      %dma_start3A_187 = tpu.memref_slice %arg4[%mul3A_2, %dma_start3A_186] : memref<2560x128xi32, #tpu.memory_space<hbm>> -> memref<16x128xi32, #tpu.memory_space<hbm>>
      %dma_start3A_188 = arith.constant 0 : i32
      %dma_start3A_189 = tpu.memref_slice %arg4[%mul3A_2, %dma_start3A_188] : memref<2560x128xi32, #tpu.memory_space<hbm>> -> memref<16x128xi32, #tpu.memory_space<hbm>>
      tpu.enqueue_dma source(%dma_start3A_189 : memref<16x128xi32, #tpu.memory_space<hbm>>) target(%arg8 : memref<16x128xi32, #tpu.memory_space<vmem>>) target_semaphore(%run_scoped3A : memref<!tpu.dma_semaphore, #tpu.memory_space<semaphore_mem>>)
      %dma_wait3A_190 = arith.constant 0 : i32
      %dma_wait3A_191 = tpu.memref_slice %arg4[%mul3A_2, %dma_wait3A_190] : memref<2560x128xi32, #tpu.memory_space<hbm>> -> memref<16x128xi32, #tpu.memory_space<hbm>>
      %dma_wait3A_192 = arith.constant 0 : i32
      %dma_wait3A_193 = tpu.memref_slice %arg4[%mul3A_2, %dma_wait3A_192] : memref<2560x128xi32, #tpu.memory_space<hbm>> -> memref<16x128xi32, #tpu.memory_space<hbm>>
      tpu.wait_dma2 semaphore(%run_scoped3A : memref<!tpu.dma_semaphore, #tpu.memory_space<semaphore_mem>>) src(%dma_wait3A_193 : memref<16x128xi32, #tpu.memory_space<hbm>>) dst(%arg8 : memref<16x128xi32, #tpu.memory_space<vmem>>)
      tpu.yield
    }) : () -> ()
    %barrier3A = arith.constant 0 : index
    tpu.barrier barrier_id(%barrier3A)
    %add3A_7 = arith.constant 16 : i32
    %add3A_8 = arith.addi %mul3A_2, %add3A_7 : i32
    %dma_start3A = arith.constant 0 : i32
    %dma_start3A_9 = tpu.memref_slice %arg3[%add3A_8, %dma_start3A] : memref<2560x128xi32, #tpu.memory_space<hbm>> -> memref<16x128xi32, #tpu.memory_space<hbm>>
    %dma_start3A_10 = arith.constant 0 : i32
    %dma_start3A_11 = tpu.memref_slice %arg3[%add3A_8, %dma_start3A_10] : memref<2560x128xi32, #tpu.memory_space<hbm>> -> memref<16x128xi32, #tpu.memory_space<hbm>>
    tpu.enqueue_dma source(%dma_start3A_11 : memref<16x128xi32, #tpu.memory_space<hbm>>) target(%arg9 : memref<16x128xi32, #tpu.memory_space<vmem>>) target_semaphore(%arg18 : memref<!tpu.dma_semaphore, #tpu.memory_space<semaphore_mem>>)
    %dma_start3A_12 = arith.constant 0 : i32
    %dma_start3A_13 = tpu.memref_slice %arg4[%add3A_8, %dma_start3A_12] : memref<2560x128xi32, #tpu.memory_space<hbm>> -> memref<16x128xi32, #tpu.memory_space<hbm>>
    %dma_start3A_14 = arith.constant 0 : i32
    %dma_start3A_15 = tpu.memref_slice %arg4[%add3A_8, %dma_start3A_14] : memref<2560x128xi32, #tpu.memory_space<hbm>> -> memref<16x128xi32, #tpu.memory_space<hbm>>
    tpu.enqueue_dma source(%dma_start3A_15 : memref<16x128xi32, #tpu.memory_space<hbm>>) target(%arg10 : memref<16x128xi32, #tpu.memory_space<vmem>>) target_semaphore(%arg18 : memref<!tpu.dma_semaphore, #tpu.memory_space<semaphore_mem>>)
    %scan3A = arith.constant 0 : i32
    %scan3A_16 = arith.constant 0 : i32
    %scan3A_17 = arith.constant 8 : i32
    %scan3A_18 = arith.addi %scan3A_16, %scan3A_17 : i32
    %scan3A_19 = arith.constant 1 : i32
    %scan3A_20 = scf.for %scan3A_186 = %scan3A_16 to %scan3A_18 step %scan3A_19 iter_args(%scan3A_187 = %scan3A) -> (i32)  : i32 {
      %mul3A_188 = arith.constant 2 : i32
      %mul3A_189 = arith.muli %mul3A_188, %scan3A_186 : i32
      %gt3A = arith.constant 0 : i32
      %gt3A_190 = arith.cmpi sgt, %scan3A_186, %gt3A : i32
      %convert_element_type3A = arith.extui %gt3A_190 : i1 to i32
      %cond3A = arith.constant 0 : i32
      %cond3A_191 = arith.cmpi ne, %convert_element_type3A, %cond3A : i32
      scf.if %cond3A_191 {
        %dma_wait3A_233 = arith.constant 0 : i32
        %dma_wait3A_234 = tpu.memref_slice %arg8[%mul3A_189, %dma_wait3A_233] : memref<16x128xi32, #tpu.memory_space<vmem>> -> memref<1x128xi32, #tpu.memory_space<vmem>>
        %dma_wait3A_235 = tpu.memref_squeeze %dma_wait3A_234 : memref<1x128xi32, #tpu.memory_space<vmem>> -> memref<128xi32, #tpu.memory_space<vmem>>
        %dma_wait3A_236 = arith.constant 0 : i32
        %dma_wait3A_237 = arith.constant 0 : i32
        %dma_wait3A_238 = tpu.memref_slice %arg13[%dma_wait3A_236, %dma_wait3A_237] : memref<10112x128xf32, #tpu.memory_space<vmem_shared>> -> memref<10112x128xf32, #tpu.memory_space<vmem_shared>>
        tpu.wait_indirect_dma semaphore(%arg16 : memref<!tpu.dma_semaphore, #tpu.memory_space<semaphore_mem>>) src(%arg11 : memref<128x128xf32, #tpu.memory_space<vmem>>) dst(%dma_wait3A_238 : memref<10112x128xf32, #tpu.memory_space<vmem_shared>>)
        %dma_wait3A_239 = arith.constant 0 : i32
        %dma_wait3A_240 = tpu.memref_slice %arg8[%mul3A_189, %dma_wait3A_239] : memref<16x128xi32, #tpu.memory_space<vmem>> -> memref<1x128xi32, #tpu.memory_space<vmem>>
        %dma_wait3A_241 = tpu.memref_squeeze %dma_wait3A_240 : memref<1x128xi32, #tpu.memory_space<vmem>> -> memref<128xi32, #tpu.memory_space<vmem>>
        %dma_wait3A_242 = arith.constant 0 : i32
        %dma_wait3A_243 = arith.constant 0 : i32
        %dma_wait3A_244 = tpu.memref_slice %arg13[%dma_wait3A_242, %dma_wait3A_243] : memref<10112x128xf32, #tpu.memory_space<vmem_shared>> -> memref<10112x128xf32, #tpu.memory_space<vmem_shared>>
        tpu.wait_indirect_dma semaphore(%arg17 : memref<!tpu.dma_semaphore, #tpu.memory_space<semaphore_mem>>) src(%arg12 : memref<128x128xf32, #tpu.memory_space<vmem>>) dst(%dma_wait3A_244 : memref<10112x128xf32, #tpu.memory_space<vmem_shared>>)
      } else {
      }
      %dma_start3A_192 = arith.constant 0 : i32
      %dma_start3A_193 = tpu.memref_slice %arg7[%mul3A_189, %dma_start3A_192] : memref<16x128xi32, #tpu.memory_space<vmem>> -> memref<1x128xi32, #tpu.memory_space<vmem>>
      %dma_start3A_194 = tpu.memref_squeeze %dma_start3A_193 : memref<1x128xi32, #tpu.memory_space<vmem>> -> memref<128xi32, #tpu.memory_space<vmem>>
      %dma_start3A_195 = arith.constant 0 : i32
      %dma_start3A_196 = arith.constant 0 : i32
      %dma_start3A_197 = tpu.memref_slice %arg2[%dma_start3A_195, %dma_start3A_196] : memref<10000x128xf32, #tpu.memory_space<hbm>> -> memref<10000x128xf32, #tpu.memory_space<hbm>>
      tpu.enqueue_indirect_dma source(%dma_start3A_197 : memref<10000x128xf32, #tpu.memory_space<hbm>>) target(%arg11 : memref<128x128xf32, #tpu.memory_space<vmem>>) offsets(%dma_start3A_194 : memref<128xi32, #tpu.memory_space<vmem>>) semaphore(%arg14 : memref<!tpu.dma_semaphore, #tpu.memory_space<semaphore_mem>>)
      %add3A_198 = arith.constant 1 : i32
      %add3A_199 = arith.addi %mul3A_189, %add3A_198 : i32
      %dma_start3A_200 = arith.constant 0 : i32
      %dma_start3A_201 = tpu.memref_slice %arg7[%add3A_199, %dma_start3A_200] : memref<16x128xi32, #tpu.memory_space<vmem>> -> memref<1x128xi32, #tpu.memory_space<vmem>>
      %dma_start3A_202 = tpu.memref_squeeze %dma_start3A_201 : memref<1x128xi32, #tpu.memory_space<vmem>> -> memref<128xi32, #tpu.memory_space<vmem>>
      %dma_start3A_203 = arith.constant 0 : i32
      %dma_start3A_204 = arith.constant 0 : i32
      %dma_start3A_205 = tpu.memref_slice %arg2[%dma_start3A_203, %dma_start3A_204] : memref<10000x128xf32, #tpu.memory_space<hbm>> -> memref<10000x128xf32, #tpu.memory_space<hbm>>
      tpu.enqueue_indirect_dma source(%dma_start3A_205 : memref<10000x128xf32, #tpu.memory_space<hbm>>) target(%arg12 : memref<128x128xf32, #tpu.memory_space<vmem>>) offsets(%dma_start3A_202 : memref<128xi32, #tpu.memory_space<vmem>>) semaphore(%arg15 : memref<!tpu.dma_semaphore, #tpu.memory_space<semaphore_mem>>)
      %dma_wait3A_206 = arith.constant 0 : i32
      %dma_wait3A_207 = tpu.memref_slice %arg7[%mul3A_189, %dma_wait3A_206] : memref<16x128xi32, #tpu.memory_space<vmem>> -> memref<1x128xi32, #tpu.memory_space<vmem>>
      %dma_wait3A_208 = tpu.memref_squeeze %dma_wait3A_207 : memref<1x128xi32, #tpu.memory_space<vmem>> -> memref<128xi32, #tpu.memory_space<vmem>>
      %dma_wait3A_209 = arith.constant 0 : i32
      %dma_wait3A_210 = arith.constant 0 : i32
      %dma_wait3A_211 = tpu.memref_slice %arg2[%dma_wait3A_209, %dma_wait3A_210] : memref<10000x128xf32, #tpu.memory_space<hbm>> -> memref<10000x128xf32, #tpu.memory_space<hbm>>
      tpu.wait_indirect_dma semaphore(%arg14 : memref<!tpu.dma_semaphore, #tpu.memory_space<semaphore_mem>>) src(%dma_wait3A_211 : memref<10000x128xf32, #tpu.memory_space<hbm>>) dst(%arg11 : memref<128x128xf32, #tpu.memory_space<vmem>>)
      %dma_start3A_212 = arith.constant 0 : i32
      %dma_start3A_213 = tpu.memref_slice %arg8[%mul3A_189, %dma_start3A_212] : memref<16x128xi32, #tpu.memory_space<vmem>> -> memref<1x128xi32, #tpu.memory_space<vmem>>
      %dma_start3A_214 = tpu.memref_squeeze %dma_start3A_213 : memref<1x128xi32, #tpu.memory_space<vmem>> -> memref<128xi32, #tpu.memory_space<vmem>>
      %dma_start3A_215 = arith.constant 0 : i32
      %dma_start3A_216 = arith.constant 0 : i32
      %dma_start3A_217 = tpu.memref_slice %arg13[%dma_start3A_215, %dma_start3A_216] : memref<10112x128xf32, #tpu.memory_space<vmem_shared>> -> memref<10112x128xf32, #tpu.memory_space<vmem_shared>>
      tpu.enqueue_indirect_dma source(%arg11 : memref<128x128xf32, #tpu.memory_space<vmem>>) target(%dma_start3A_217 : memref<10112x128xf32, #tpu.memory_space<vmem_shared>>) offsets(%dma_start3A_214 : memref<128xi32, #tpu.memory_space<vmem>>) semaphore(%arg16 : memref<!tpu.dma_semaphore, #tpu.memory_space<semaphore_mem>>) {add = true}
      %dma_wait3A_218 = arith.constant 0 : i32
      %dma_wait3A_219 = tpu.memref_slice %arg7[%add3A_199, %dma_wait3A_218] : memref<16x128xi32, #tpu.memory_space<vmem>> -> memref<1x128xi32, #tpu.memory_space<vmem>>
      %dma_wait3A_220 = tpu.memref_squeeze %dma_wait3A_219 : memref<1x128xi32, #tpu.memory_space<vmem>> -> memref<128xi32, #tpu.memory_space<vmem>>
      %dma_wait3A_221 = arith.constant 0 : i32
      %dma_wait3A_222 = arith.constant 0 : i32
      %dma_wait3A_223 = tpu.memref_slice %arg2[%dma_wait3A_221, %dma_wait3A_222] : memref<10000x128xf32, #tpu.memory_space<hbm>> -> memref<10000x128xf32, #tpu.memory_space<hbm>>
      tpu.wait_indirect_dma semaphore(%arg15 : memref<!tpu.dma_semaphore, #tpu.memory_space<semaphore_mem>>) src(%dma_wait3A_223 : memref<10000x128xf32, #tpu.memory_space<hbm>>) dst(%arg12 : memref<128x128xf32, #tpu.memory_space<vmem>>)
      %add3A_224 = arith.constant 1 : i32
      %add3A_225 = arith.addi %mul3A_189, %add3A_224 : i32
      %dma_start3A_226 = arith.constant 0 : i32
      %dma_start3A_227 = tpu.memref_slice %arg8[%add3A_225, %dma_start3A_226] : memref<16x128xi32, #tpu.memory_space<vmem>> -> memref<1x128xi32, #tpu.memory_space<vmem>>
      %dma_start3A_228 = tpu.memref_squeeze %dma_start3A_227 : memref<1x128xi32, #tpu.memory_space<vmem>> -> memref<128xi32, #tpu.memory_space<vmem>>
      %dma_start3A_229 = arith.constant 0 : i32
      %dma_start3A_230 = arith.constant 0 : i32
      %dma_start3A_231 = tpu.memref_slice %arg13[%dma_start3A_229, %dma_start3A_230] : memref<10112x128xf32, #tpu.memory_space<vmem_shared>> -> memref<10112x128xf32, #tpu.memory_space<vmem_shared>>
      tpu.enqueue_indirect_dma source(%arg12 : memref<128x128xf32, #tpu.memory_space<vmem>>) target(%dma_start3A_231 : memref<10112x128xf32, #tpu.memory_space<vmem_shared>>) offsets(%dma_start3A_228 : memref<128xi32, #tpu.memory_space<vmem>>) semaphore(%arg17 : memref<!tpu.dma_semaphore, #tpu.memory_space<semaphore_mem>>) {add = true}
      %scan3A_232 = arith.constant 0 : i32
      scf.yield %scan3A_232 : i32
    }
    %scan3A_21 = arith.constant 8 : i32
    %dma_wait3A = arith.constant 0 : i32
    %dma_wait3A_22 = tpu.memref_slice %arg3[%add3A_8, %dma_wait3A] : memref<2560x128xi32, #tpu.memory_space<hbm>> -> memref<16x128xi32, #tpu.memory_space<hbm>>
    %dma_wait3A_23 = arith.constant 0 : i32
    %dma_wait3A_24 = tpu.memref_slice %arg3[%add3A_8, %dma_wait3A_23] : memref<2560x128xi32, #tpu.memory_space<hbm>> -> memref<16x128xi32, #tpu.memory_space<hbm>>
    tpu.wait_dma2 semaphore(%arg18 : memref<!tpu.dma_semaphore, #tpu.memory_space<semaphore_mem>>) src(%dma_wait3A_24 : memref<16x128xi32, #tpu.memory_space<hbm>>) dst(%arg9 : memref<16x128xi32, #tpu.memory_space<vmem>>)
    %dma_wait3A_25 = arith.constant 0 : i32
    %dma_wait3A_26 = tpu.memref_slice %arg4[%add3A_8, %dma_wait3A_25] : memref<2560x128xi32, #tpu.memory_space<hbm>> -> memref<16x128xi32, #tpu.memory_space<hbm>>
    %dma_wait3A_27 = arith.constant 0 : i32
    %dma_wait3A_28 = tpu.memref_slice %arg4[%add3A_8, %dma_wait3A_27] : memref<2560x128xi32, #tpu.memory_space<hbm>> -> memref<16x128xi32, #tpu.memory_space<hbm>>
    tpu.wait_dma2 semaphore(%arg18 : memref<!tpu.dma_semaphore, #tpu.memory_space<semaphore_mem>>) src(%dma_wait3A_28 : memref<16x128xi32, #tpu.memory_space<hbm>>) dst(%arg10 : memref<16x128xi32, #tpu.memory_space<vmem>>)
    %dma_wait3A_29 = arith.constant 0 : i32
    %dma_wait3A_30 = arith.constant 0 : i32
    %dma_wait3A_31 = tpu.memref_slice %arg10[%dma_wait3A_29, %dma_wait3A_30] : memref<16x128xi32, #tpu.memory_space<vmem>> -> memref<1x128xi32, #tpu.memory_space<vmem>>
    %dma_wait3A_32 = tpu.memref_squeeze %dma_wait3A_31 : memref<1x128xi32, #tpu.memory_space<vmem>> -> memref<128xi32, #tpu.memory_space<vmem>>
    %dma_wait3A_33 = arith.constant 0 : i32
    %dma_wait3A_34 = arith.constant 0 : i32
    %dma_wait3A_35 = tpu.memref_slice %arg13[%dma_wait3A_33, %dma_wait3A_34] : memref<10112x128xf32, #tpu.memory_space<vmem_shared>> -> memref<10112x128xf32, #tpu.memory_space<vmem_shared>>
    tpu.wait_indirect_dma semaphore(%arg16 : memref<!tpu.dma_semaphore, #tpu.memory_space<semaphore_mem>>) src(%arg11 : memref<128x128xf32, #tpu.memory_space<vmem>>) dst(%dma_wait3A_35 : memref<10112x128xf32, #tpu.memory_space<vmem_shared>>)
    %dma_wait3A_36 = arith.constant 0 : i32
    %dma_wait3A_37 = arith.constant 0 : i32
    %dma_wait3A_38 = tpu.memref_slice %arg10[%dma_wait3A_36, %dma_wait3A_37] : memref<16x128xi32, #tpu.memory_space<vmem>> -> memref<1x128xi32, #tpu.memory_space<vmem>>
    %dma_wait3A_39 = tpu.memref_squeeze %dma_wait3A_38 : memref<1x128xi32, #tpu.memory_space<vmem>> -> memref<128xi32, #tpu.memory_space<vmem>>
    %dma_wait3A_40 = arith.constant 0 : i32
    %dma_wait3A_41 = arith.constant 0 : i32
    %dma_wait3A_42 = tpu.memref_slice %arg13[%dma_wait3A_40, %dma_wait3A_41] : memref<10112x128xf32, #tpu.memory_space<vmem_shared>> -> memref<10112x128xf32, #tpu.memory_space<vmem_shared>>
    tpu.wait_indirect_dma semaphore(%arg17 : memref<!tpu.dma_semaphore, #tpu.memory_space<semaphore_mem>>) src(%arg12 : memref<128x128xf32, #tpu.memory_space<vmem>>) dst(%dma_wait3A_42 : memref<10112x128xf32, #tpu.memory_space<vmem_shared>>)
    %add3A_43 = arith.constant 32 : i32
    %add3A_44 = arith.addi %mul3A_2, %add3A_43 : i32
    %dma_start3A_45 = arith.constant 0 : i32
    %dma_start3A_46 = tpu.memref_slice %arg3[%add3A_44, %dma_start3A_45] : memref<2560x128xi32, #tpu.memory_space<hbm>> -> memref<16x128xi32, #tpu.memory_space<hbm>>
    %dma_start3A_47 = arith.constant 0 : i32
    %dma_start3A_48 = tpu.memref_slice %arg3[%add3A_44, %dma_start3A_47] : memref<2560x128xi32, #tpu.memory_space<hbm>> -> memref<16x128xi32, #tpu.memory_space<hbm>>
    tpu.enqueue_dma source(%dma_start3A_48 : memref<16x128xi32, #tpu.memory_space<hbm>>) target(%arg7 : memref<16x128xi32, #tpu.memory_space<vmem>>) target_semaphore(%arg18 : memref<!tpu.dma_semaphore, #tpu.memory_space<semaphore_mem>>)
    %dma_start3A_49 = arith.constant 0 : i32
    %dma_start3A_50 = tpu.memref_slice %arg4[%add3A_44, %dma_start3A_49] : memref<2560x128xi32, #tpu.memory_space<hbm>> -> memref<16x128xi32, #tpu.memory_space<hbm>>
    %dma_start3A_51 = arith.constant 0 : i32
    %dma_start3A_52 = tpu.memref_slice %arg4[%add3A_44, %dma_start3A_51] : memref<2560x128xi32, #tpu.memory_space<hbm>> -> memref<16x128xi32, #tpu.memory_space<hbm>>
    tpu.enqueue_dma source(%dma_start3A_52 : memref<16x128xi32, #tpu.memory_space<hbm>>) target(%arg8 : memref<16x128xi32, #tpu.memory_space<vmem>>) target_semaphore(%arg18 : memref<!tpu.dma_semaphore, #tpu.memory_space<semaphore_mem>>)
    %scan3A_53 = arith.constant 0 : i32
    %scan3A_54 = arith.constant 0 : i32
    %scan3A_55 = arith.constant 8 : i32
    %scan3A_56 = arith.addi %scan3A_54, %scan3A_55 : i32
    %scan3A_57 = arith.constant 1 : i32
    %scan3A_58 = scf.for %scan3A_186 = %scan3A_54 to %scan3A_56 step %scan3A_57 iter_args(%scan3A_187 = %scan3A_53) -> (i32)  : i32 {
      %mul3A_188 = arith.constant 2 : i32
      %mul3A_189 = arith.muli %mul3A_188, %scan3A_186 : i32
      %gt3A = arith.constant 0 : i32
      %gt3A_190 = arith.cmpi sgt, %scan3A_186, %gt3A : i32
      %convert_element_type3A = arith.extui %gt3A_190 : i1 to i32
      %cond3A = arith.constant 0 : i32
      %cond3A_191 = arith.cmpi ne, %convert_element_type3A, %cond3A : i32
      scf.if %cond3A_191 {
        %dma_wait3A_233 = arith.constant 0 : i32
        %dma_wait3A_234 = tpu.memref_slice %arg10[%mul3A_189, %dma_wait3A_233] : memref<16x128xi32, #tpu.memory_space<vmem>> -> memref<1x128xi32, #tpu.memory_space<vmem>>
        %dma_wait3A_235 = tpu.memref_squeeze %dma_wait3A_234 : memref<1x128xi32, #tpu.memory_space<vmem>> -> memref<128xi32, #tpu.memory_space<vmem>>
        %dma_wait3A_236 = arith.constant 0 : i32
        %dma_wait3A_237 = arith.constant 0 : i32
        %dma_wait3A_238 = tpu.memref_slice %arg13[%dma_wait3A_236, %dma_wait3A_237] : memref<10112x128xf32, #tpu.memory_space<vmem_shared>> -> memref<10112x128xf32, #tpu.memory_space<vmem_shared>>
        tpu.wait_indirect_dma semaphore(%arg16 : memref<!tpu.dma_semaphore, #tpu.memory_space<semaphore_mem>>) src(%arg11 : memref<128x128xf32, #tpu.memory_space<vmem>>) dst(%dma_wait3A_238 : memref<10112x128xf32, #tpu.memory_space<vmem_shared>>)
        %dma_wait3A_239 = arith.constant 0 : i32
        %dma_wait3A_240 = tpu.memref_slice %arg10[%mul3A_189, %dma_wait3A_239] : memref<16x128xi32, #tpu.memory_space<vmem>> -> memref<1x128xi32, #tpu.memory_space<vmem>>
        %dma_wait3A_241 = tpu.memref_squeeze %dma_wait3A_240 : memref<1x128xi32, #tpu.memory_space<vmem>> -> memref<128xi32, #tpu.memory_space<vmem>>
        %dma_wait3A_242 = arith.constant 0 : i32
        %dma_wait3A_243 = arith.constant 0 : i32
        %dma_wait3A_244 = tpu.memref_slice %arg13[%dma_wait3A_242, %dma_wait3A_243] : memref<10112x128xf32, #tpu.memory_space<vmem_shared>> -> memref<10112x128xf32, #tpu.memory_space<vmem_shared>>
        tpu.wait_indirect_dma semaphore(%arg17 : memref<!tpu.dma_semaphore, #tpu.memory_space<semaphore_mem>>) src(%arg12 : memref<128x128xf32, #tpu.memory_space<vmem>>) dst(%dma_wait3A_244 : memref<10112x128xf32, #tpu.memory_space<vmem_shared>>)
      } else {
      }
      %dma_start3A_192 = arith.constant 0 : i32
      %dma_start3A_193 = tpu.memref_slice %arg9[%mul3A_189, %dma_start3A_192] : memref<16x128xi32, #tpu.memory_space<vmem>> -> memref<1x128xi32, #tpu.memory_space<vmem>>
      %dma_start3A_194 = tpu.memref_squeeze %dma_start3A_193 : memref<1x128xi32, #tpu.memory_space<vmem>> -> memref<128xi32, #tpu.memory_space<vmem>>
      %dma_start3A_195 = arith.constant 0 : i32
      %dma_start3A_196 = arith.constant 0 : i32
      %dma_start3A_197 = tpu.memref_slice %arg2[%dma_start3A_195, %dma_start3A_196] : memref<10000x128xf32, #tpu.memory_space<hbm>> -> memref<10000x128xf32, #tpu.memory_space<hbm>>
      tpu.enqueue_indirect_dma source(%dma_start3A_197 : memref<10000x128xf32, #tpu.memory_space<hbm>>) target(%arg11 : memref<128x128xf32, #tpu.memory_space<vmem>>) offsets(%dma_start3A_194 : memref<128xi32, #tpu.memory_space<vmem>>) semaphore(%arg14 : memref<!tpu.dma_semaphore, #tpu.memory_space<semaphore_mem>>)
      %add3A_198 = arith.constant 1 : i32
      %add3A_199 = arith.addi %mul3A_189, %add3A_198 : i32
      %dma_start3A_200 = arith.constant 0 : i32
      %dma_start3A_201 = tpu.memref_slice %arg9[%add3A_199, %dma_start3A_200] : memref<16x128xi32, #tpu.memory_space<vmem>> -> memref<1x128xi32, #tpu.memory_space<vmem>>
      %dma_start3A_202 = tpu.memref_squeeze %dma_start3A_201 : memref<1x128xi32, #tpu.memory_space<vmem>> -> memref<128xi32, #tpu.memory_space<vmem>>
      %dma_start3A_203 = arith.constant 0 : i32
      %dma_start3A_204 = arith.constant 0 : i32
      %dma_start3A_205 = tpu.memref_slice %arg2[%dma_start3A_203, %dma_start3A_204] : memref<10000x128xf32, #tpu.memory_space<hbm>> -> memref<10000x128xf32, #tpu.memory_space<hbm>>
      tpu.enqueue_indirect_dma source(%dma_start3A_205 : memref<10000x128xf32, #tpu.memory_space<hbm>>) target(%arg12 : memref<128x128xf32, #tpu.memory_space<vmem>>) offsets(%dma_start3A_202 : memref<128xi32, #tpu.memory_space<vmem>>) semaphore(%arg15 : memref<!tpu.dma_semaphore, #tpu.memory_space<semaphore_mem>>)
      %dma_wait3A_206 = arith.constant 0 : i32
      %dma_wait3A_207 = tpu.memref_slice %arg9[%mul3A_189, %dma_wait3A_206] : memref<16x128xi32, #tpu.memory_space<vmem>> -> memref<1x128xi32, #tpu.memory_space<vmem>>
      %dma_wait3A_208 = tpu.memref_squeeze %dma_wait3A_207 : memref<1x128xi32, #tpu.memory_space<vmem>> -> memref<128xi32, #tpu.memory_space<vmem>>
      %dma_wait3A_209 = arith.constant 0 : i32
      %dma_wait3A_210 = arith.constant 0 : i32
      %dma_wait3A_211 = tpu.memref_slice %arg2[%dma_wait3A_209, %dma_wait3A_210] : memref<10000x128xf32, #tpu.memory_space<hbm>> -> memref<10000x128xf32, #tpu.memory_space<hbm>>
      tpu.wait_indirect_dma semaphore(%arg14 : memref<!tpu.dma_semaphore, #tpu.memory_space<semaphore_mem>>) src(%dma_wait3A_211 : memref<10000x128xf32, #tpu.memory_space<hbm>>) dst(%arg11 : memref<128x128xf32, #tpu.memory_space<vmem>>)
      %dma_start3A_212 = arith.constant 0 : i32
      %dma_start3A_213 = tpu.memref_slice %arg10[%mul3A_189, %dma_start3A_212] : memref<16x128xi32, #tpu.memory_space<vmem>> -> memref<1x128xi32, #tpu.memory_space<vmem>>
      %dma_start3A_214 = tpu.memref_squeeze %dma_start3A_213 : memref<1x128xi32, #tpu.memory_space<vmem>> -> memref<128xi32, #tpu.memory_space<vmem>>
      %dma_start3A_215 = arith.constant 0 : i32
      %dma_start3A_216 = arith.constant 0 : i32
      %dma_start3A_217 = tpu.memref_slice %arg13[%dma_start3A_215, %dma_start3A_216] : memref<10112x128xf32, #tpu.memory_space<vmem_shared>> -> memref<10112x128xf32, #tpu.memory_space<vmem_shared>>
      tpu.enqueue_indirect_dma source(%arg11 : memref<128x128xf32, #tpu.memory_space<vmem>>) target(%dma_start3A_217 : memref<10112x128xf32, #tpu.memory_space<vmem_shared>>) offsets(%dma_start3A_214 : memref<128xi32, #tpu.memory_space<vmem>>) semaphore(%arg16 : memref<!tpu.dma_semaphore, #tpu.memory_space<semaphore_mem>>) {add = true}
      %dma_wait3A_218 = arith.constant 0 : i32
      %dma_wait3A_219 = tpu.memref_slice %arg9[%add3A_199, %dma_wait3A_218] : memref<16x128xi32, #tpu.memory_space<vmem>> -> memref<1x128xi32, #tpu.memory_space<vmem>>
      %dma_wait3A_220 = tpu.memref_squeeze %dma_wait3A_219 : memref<1x128xi32, #tpu.memory_space<vmem>> -> memref<128xi32, #tpu.memory_space<vmem>>
      %dma_wait3A_221 = arith.constant 0 : i32
      %dma_wait3A_222 = arith.constant 0 : i32
      %dma_wait3A_223 = tpu.memref_slice %arg2[%dma_wait3A_221, %dma_wait3A_222] : memref<10000x128xf32, #tpu.memory_space<hbm>> -> memref<10000x128xf32, #tpu.memory_space<hbm>>
      tpu.wait_indirect_dma semaphore(%arg15 : memref<!tpu.dma_semaphore, #tpu.memory_space<semaphore_mem>>) src(%dma_wait3A_223 : memref<10000x128xf32, #tpu.memory_space<hbm>>) dst(%arg12 : memref<128x128xf32, #tpu.memory_space<vmem>>)
      %add3A_224 = arith.constant 1 : i32
      %add3A_225 = arith.addi %mul3A_189, %add3A_224 : i32
      %dma_start3A_226 = arith.constant 0 : i32
      %dma_start3A_227 = tpu.memref_slice %arg10[%add3A_225, %dma_start3A_226] : memref<16x128xi32, #tpu.memory_space<vmem>> -> memref<1x128xi32, #tpu.memory_space<vmem>>
      %dma_start3A_228 = tpu.memref_squeeze %dma_start3A_227 : memref<1x128xi32, #tpu.memory_space<vmem>> -> memref<128xi32, #tpu.memory_space<vmem>>
      %dma_start3A_229 = arith.constant 0 : i32
      %dma_start3A_230 = arith.constant 0 : i32
      %dma_start3A_231 = tpu.memref_slice %arg13[%dma_start3A_229, %dma_start3A_230] : memref<10112x128xf32, #tpu.memory_space<vmem_shared>> -> memref<10112x128xf32, #tpu.memory_space<vmem_shared>>
      tpu.enqueue_indirect_dma source(%arg12 : memref<128x128xf32, #tpu.memory_space<vmem>>) target(%dma_start3A_231 : memref<10112x128xf32, #tpu.memory_space<vmem_shared>>) offsets(%dma_start3A_228 : memref<128xi32, #tpu.memory_space<vmem>>) semaphore(%arg17 : memref<!tpu.dma_semaphore, #tpu.memory_space<semaphore_mem>>) {add = true}
      %scan3A_232 = arith.constant 0 : i32
      scf.yield %scan3A_232 : i32
    }
    %scan3A_59 = arith.constant 8 : i32
    %dma_wait3A_60 = arith.constant 0 : i32
    %dma_wait3A_61 = tpu.memref_slice %arg3[%add3A_44, %dma_wait3A_60] : memref<2560x128xi32, #tpu.memory_space<hbm>> -> memref<16x128xi32, #tpu.memory_space<hbm>>
    %dma_wait3A_62 = arith.constant 0 : i32
    %dma_wait3A_63 = tpu.memref_slice %arg3[%add3A_44, %dma_wait3A_62] : memref<2560x128xi32, #tpu.memory_space<hbm>> -> memref<16x128xi32, #tpu.memory_space<hbm>>
    tpu.wait_dma2 semaphore(%arg18 : memref<!tpu.dma_semaphore, #tpu.memory_space<semaphore_mem>>) src(%dma_wait3A_63 : memref<16x128xi32, #tpu.memory_space<hbm>>) dst(%arg7 : memref<16x128xi32, #tpu.memory_space<vmem>>)
    %dma_wait3A_64 = arith.constant 0 : i32
    %dma_wait3A_65 = tpu.memref_slice %arg4[%add3A_44, %dma_wait3A_64] : memref<2560x128xi32, #tpu.memory_space<hbm>> -> memref<16x128xi32, #tpu.memory_space<hbm>>
    %dma_wait3A_66 = arith.constant 0 : i32
    %dma_wait3A_67 = tpu.memref_slice %arg4[%add3A_44, %dma_wait3A_66] : memref<2560x128xi32, #tpu.memory_space<hbm>> -> memref<16x128xi32, #tpu.memory_space<hbm>>
    tpu.wait_dma2 semaphore(%arg18 : memref<!tpu.dma_semaphore, #tpu.memory_space<semaphore_mem>>) src(%dma_wait3A_67 : memref<16x128xi32, #tpu.memory_space<hbm>>) dst(%arg8 : memref<16x128xi32, #tpu.memory_space<vmem>>)
    %dma_wait3A_68 = arith.constant 0 : i32
    %dma_wait3A_69 = arith.constant 0 : i32
    %dma_wait3A_70 = tpu.memref_slice %arg8[%dma_wait3A_68, %dma_wait3A_69] : memref<16x128xi32, #tpu.memory_space<vmem>> -> memref<1x128xi32, #tpu.memory_space<vmem>>
    %dma_wait3A_71 = tpu.memref_squeeze %dma_wait3A_70 : memref<1x128xi32, #tpu.memory_space<vmem>> -> memref<128xi32, #tpu.memory_space<vmem>>
    %dma_wait3A_72 = arith.constant 0 : i32
    %dma_wait3A_73 = arith.constant 0 : i32
    %dma_wait3A_74 = tpu.memref_slice %arg13[%dma_wait3A_72, %dma_wait3A_73] : memref<10112x128xf32, #tpu.memory_space<vmem_shared>> -> memref<10112x128xf32, #tpu.memory_space<vmem_shared>>
    tpu.wait_indirect_dma semaphore(%arg16 : memref<!tpu.dma_semaphore, #tpu.memory_space<semaphore_mem>>) src(%arg11 : memref<128x128xf32, #tpu.memory_space<vmem>>) dst(%dma_wait3A_74 : memref<10112x128xf32, #tpu.memory_space<vmem_shared>>)
    %dma_wait3A_75 = arith.constant 0 : i32
    %dma_wait3A_76 = arith.constant 0 : i32
    %dma_wait3A_77 = tpu.memref_slice %arg8[%dma_wait3A_75, %dma_wait3A_76] : memref<16x128xi32, #tpu.memory_space<vmem>> -> memref<1x128xi32, #tpu.memory_space<vmem>>
    %dma_wait3A_78 = tpu.memref_squeeze %dma_wait3A_77 : memref<1x128xi32, #tpu.memory_space<vmem>> -> memref<128xi32, #tpu.memory_space<vmem>>
    %dma_wait3A_79 = arith.constant 0 : i32
    %dma_wait3A_80 = arith.constant 0 : i32
    %dma_wait3A_81 = tpu.memref_slice %arg13[%dma_wait3A_79, %dma_wait3A_80] : memref<10112x128xf32, #tpu.memory_space<vmem_shared>> -> memref<10112x128xf32, #tpu.memory_space<vmem_shared>>
    tpu.wait_indirect_dma semaphore(%arg17 : memref<!tpu.dma_semaphore, #tpu.memory_space<semaphore_mem>>) src(%arg12 : memref<128x128xf32, #tpu.memory_space<vmem>>) dst(%dma_wait3A_81 : memref<10112x128xf32, #tpu.memory_space<vmem_shared>>)
    %add3A_82 = arith.constant 48 : i32
    %add3A_83 = arith.addi %mul3A_2, %add3A_82 : i32
    %dma_start3A_84 = arith.constant 0 : i32
    %dma_start3A_85 = tpu.memref_slice %arg3[%add3A_83, %dma_start3A_84] : memref<2560x128xi32, #tpu.memory_space<hbm>> -> memref<16x128xi32, #tpu.memory_space<hbm>>
    %dma_start3A_86 = arith.constant 0 : i32
    %dma_start3A_87 = tpu.memref_slice %arg3[%add3A_83, %dma_start3A_86] : memref<2560x128xi32, #tpu.memory_space<hbm>> -> memref<16x128xi32, #tpu.memory_space<hbm>>
    tpu.enqueue_dma source(%dma_start3A_87 : memref<16x128xi32, #tpu.memory_space<hbm>>) target(%arg9 : memref<16x128xi32, #tpu.memory_space<vmem>>) target_semaphore(%arg18 : memref<!tpu.dma_semaphore, #tpu.memory_space<semaphore_mem>>)
    %dma_start3A_88 = arith.constant 0 : i32
    %dma_start3A_89 = tpu.memref_slice %arg4[%add3A_83, %dma_start3A_88] : memref<2560x128xi32, #tpu.memory_space<hbm>> -> memref<16x128xi32, #tpu.memory_space<hbm>>
    %dma_start3A_90 = arith.constant 0 : i32
    %dma_start3A_91 = tpu.memref_slice %arg4[%add3A_83, %dma_start3A_90] : memref<2560x128xi32, #tpu.memory_space<hbm>> -> memref<16x128xi32, #tpu.memory_space<hbm>>
    tpu.enqueue_dma source(%dma_start3A_91 : memref<16x128xi32, #tpu.memory_space<hbm>>) target(%arg10 : memref<16x128xi32, #tpu.memory_space<vmem>>) target_semaphore(%arg18 : memref<!tpu.dma_semaphore, #tpu.memory_space<semaphore_mem>>)
    %scan3A_92 = arith.constant 0 : i32
    %scan3A_93 = arith.constant 0 : i32
    %scan3A_94 = arith.constant 8 : i32
    %scan3A_95 = arith.addi %scan3A_93, %scan3A_94 : i32
    %scan3A_96 = arith.constant 1 : i32
    %scan3A_97 = scf.for %scan3A_186 = %scan3A_93 to %scan3A_95 step %scan3A_96 iter_args(%scan3A_187 = %scan3A_92) -> (i32)  : i32 {
      %mul3A_188 = arith.constant 2 : i32
      %mul3A_189 = arith.muli %mul3A_188, %scan3A_186 : i32
      %gt3A = arith.constant 0 : i32
      %gt3A_190 = arith.cmpi sgt, %scan3A_186, %gt3A : i32
      %convert_element_type3A = arith.extui %gt3A_190 : i1 to i32
      %cond3A = arith.constant 0 : i32
      %cond3A_191 = arith.cmpi ne, %convert_element_type3A, %cond3A : i32
      scf.if %cond3A_191 {
        %dma_wait3A_233 = arith.constant 0 : i32
        %dma_wait3A_234 = tpu.memref_slice %arg8[%mul3A_189, %dma_wait3A_233] : memref<16x128xi32, #tpu.memory_space<vmem>> -> memref<1x128xi32, #tpu.memory_space<vmem>>
        %dma_wait3A_235 = tpu.memref_squeeze %dma_wait3A_234 : memref<1x128xi32, #tpu.memory_space<vmem>> -> memref<128xi32, #tpu.memory_space<vmem>>
        %dma_wait3A_236 = arith.constant 0 : i32
        %dma_wait3A_237 = arith.constant 0 : i32
        %dma_wait3A_238 = tpu.memref_slice %arg13[%dma_wait3A_236, %dma_wait3A_237] : memref<10112x128xf32, #tpu.memory_space<vmem_shared>> -> memref<10112x128xf32, #tpu.memory_space<vmem_shared>>
        tpu.wait_indirect_dma semaphore(%arg16 : memref<!tpu.dma_semaphore, #tpu.memory_space<semaphore_mem>>) src(%arg11 : memref<128x128xf32, #tpu.memory_space<vmem>>) dst(%dma_wait3A_238 : memref<10112x128xf32, #tpu.memory_space<vmem_shared>>)
        %dma_wait3A_239 = arith.constant 0 : i32
        %dma_wait3A_240 = tpu.memref_slice %arg8[%mul3A_189, %dma_wait3A_239] : memref<16x128xi32, #tpu.memory_space<vmem>> -> memref<1x128xi32, #tpu.memory_space<vmem>>
        %dma_wait3A_241 = tpu.memref_squeeze %dma_wait3A_240 : memref<1x128xi32, #tpu.memory_space<vmem>> -> memref<128xi32, #tpu.memory_space<vmem>>
        %dma_wait3A_242 = arith.constant 0 : i32
        %dma_wait3A_243 = arith.constant 0 : i32
        %dma_wait3A_244 = tpu.memref_slice %arg13[%dma_wait3A_242, %dma_wait3A_243] : memref<10112x128xf32, #tpu.memory_space<vmem_shared>> -> memref<10112x128xf32, #tpu.memory_space<vmem_shared>>
        tpu.wait_indirect_dma semaphore(%arg17 : memref<!tpu.dma_semaphore, #tpu.memory_space<semaphore_mem>>) src(%arg12 : memref<128x128xf32, #tpu.memory_space<vmem>>) dst(%dma_wait3A_244 : memref<10112x128xf32, #tpu.memory_space<vmem_shared>>)
      } else {
      }
      %dma_start3A_192 = arith.constant 0 : i32
      %dma_start3A_193 = tpu.memref_slice %arg7[%mul3A_189, %dma_start3A_192] : memref<16x128xi32, #tpu.memory_space<vmem>> -> memref<1x128xi32, #tpu.memory_space<vmem>>
      %dma_start3A_194 = tpu.memref_squeeze %dma_start3A_193 : memref<1x128xi32, #tpu.memory_space<vmem>> -> memref<128xi32, #tpu.memory_space<vmem>>
      %dma_start3A_195 = arith.constant 0 : i32
      %dma_start3A_196 = arith.constant 0 : i32
      %dma_start3A_197 = tpu.memref_slice %arg2[%dma_start3A_195, %dma_start3A_196] : memref<10000x128xf32, #tpu.memory_space<hbm>> -> memref<10000x128xf32, #tpu.memory_space<hbm>>
      tpu.enqueue_indirect_dma source(%dma_start3A_197 : memref<10000x128xf32, #tpu.memory_space<hbm>>) target(%arg11 : memref<128x128xf32, #tpu.memory_space<vmem>>) offsets(%dma_start3A_194 : memref<128xi32, #tpu.memory_space<vmem>>) semaphore(%arg14 : memref<!tpu.dma_semaphore, #tpu.memory_space<semaphore_mem>>)
      %add3A_198 = arith.constant 1 : i32
      %add3A_199 = arith.addi %mul3A_189, %add3A_198 : i32
      %dma_start3A_200 = arith.constant 0 : i32
      %dma_start3A_201 = tpu.memref_slice %arg7[%add3A_199, %dma_start3A_200] : memref<16x128xi32, #tpu.memory_space<vmem>> -> memref<1x128xi32, #tpu.memory_space<vmem>>
      %dma_start3A_202 = tpu.memref_squeeze %dma_start3A_201 : memref<1x128xi32, #tpu.memory_space<vmem>> -> memref<128xi32, #tpu.memory_space<vmem>>
      %dma_start3A_203 = arith.constant 0 : i32
      %dma_start3A_204 = arith.constant 0 : i32
      %dma_start3A_205 = tpu.memref_slice %arg2[%dma_start3A_203, %dma_start3A_204] : memref<10000x128xf32, #tpu.memory_space<hbm>> -> memref<10000x128xf32, #tpu.memory_space<hbm>>
      tpu.enqueue_indirect_dma source(%dma_start3A_205 : memref<10000x128xf32, #tpu.memory_space<hbm>>) target(%arg12 : memref<128x128xf32, #tpu.memory_space<vmem>>) offsets(%dma_start3A_202 : memref<128xi32, #tpu.memory_space<vmem>>) semaphore(%arg15 : memref<!tpu.dma_semaphore, #tpu.memory_space<semaphore_mem>>)
      %dma_wait3A_206 = arith.constant 0 : i32
      %dma_wait3A_207 = tpu.memref_slice %arg7[%mul3A_189, %dma_wait3A_206] : memref<16x128xi32, #tpu.memory_space<vmem>> -> memref<1x128xi32, #tpu.memory_space<vmem>>
      %dma_wait3A_208 = tpu.memref_squeeze %dma_wait3A_207 : memref<1x128xi32, #tpu.memory_space<vmem>> -> memref<128xi32, #tpu.memory_space<vmem>>
      %dma_wait3A_209 = arith.constant 0 : i32
      %dma_wait3A_210 = arith.constant 0 : i32
      %dma_wait3A_211 = tpu.memref_slice %arg2[%dma_wait3A_209, %dma_wait3A_210] : memref<10000x128xf32, #tpu.memory_space<hbm>> -> memref<10000x128xf32, #tpu.memory_space<hbm>>
      tpu.wait_indirect_dma semaphore(%arg14 : memref<!tpu.dma_semaphore, #tpu.memory_space<semaphore_mem>>) src(%dma_wait3A_211 : memref<10000x128xf32, #tpu.memory_space<hbm>>) dst(%arg11 : memref<128x128xf32, #tpu.memory_space<vmem>>)
      %dma_start3A_212 = arith.constant 0 : i32
      %dma_start3A_213 = tpu.memref_slice %arg8[%mul3A_189, %dma_start3A_212] : memref<16x128xi32, #tpu.memory_space<vmem>> -> memref<1x128xi32, #tpu.memory_space<vmem>>
      %dma_start3A_214 = tpu.memref_squeeze %dma_start3A_213 : memref<1x128xi32, #tpu.memory_space<vmem>> -> memref<128xi32, #tpu.memory_space<vmem>>
      %dma_start3A_215 = arith.constant 0 : i32
      %dma_start3A_216 = arith.constant 0 : i32
      %dma_start3A_217 = tpu.memref_slice %arg13[%dma_start3A_215, %dma_start3A_216] : memref<10112x128xf32, #tpu.memory_space<vmem_shared>> -> memref<10112x128xf32, #tpu.memory_space<vmem_shared>>
      tpu.enqueue_indirect_dma source(%arg11 : memref<128x128xf32, #tpu.memory_space<vmem>>) target(%dma_start3A_217 : memref<10112x128xf32, #tpu.memory_space<vmem_shared>>) offsets(%dma_start3A_214 : memref<128xi32, #tpu.memory_space<vmem>>) semaphore(%arg16 : memref<!tpu.dma_semaphore, #tpu.memory_space<semaphore_mem>>) {add = true}
      %dma_wait3A_218 = arith.constant 0 : i32
      %dma_wait3A_219 = tpu.memref_slice %arg7[%add3A_199, %dma_wait3A_218] : memref<16x128xi32, #tpu.memory_space<vmem>> -> memref<1x128xi32, #tpu.memory_space<vmem>>
      %dma_wait3A_220 = tpu.memref_squeeze %dma_wait3A_219 : memref<1x128xi32, #tpu.memory_space<vmem>> -> memref<128xi32, #tpu.memory_space<vmem>>
      %dma_wait3A_221 = arith.constant 0 : i32
      %dma_wait3A_222 = arith.constant 0 : i32
      %dma_wait3A_223 = tpu.memref_slice %arg2[%dma_wait3A_221, %dma_wait3A_222] : memref<10000x128xf32, #tpu.memory_space<hbm>> -> memref<10000x128xf32, #tpu.memory_space<hbm>>
      tpu.wait_indirect_dma semaphore(%arg15 : memref<!tpu.dma_semaphore, #tpu.memory_space<semaphore_mem>>) src(%dma_wait3A_223 : memref<10000x128xf32, #tpu.memory_space<hbm>>) dst(%arg12 : memref<128x128xf32, #tpu.memory_space<vmem>>)
      %add3A_224 = arith.constant 1 : i32
      %add3A_225 = arith.addi %mul3A_189, %add3A_224 : i32
      %dma_start3A_226 = arith.constant 0 : i32
      %dma_start3A_227 = tpu.memref_slice %arg8[%add3A_225, %dma_start3A_226] : memref<16x128xi32, #tpu.memory_space<vmem>> -> memref<1x128xi32, #tpu.memory_space<vmem>>
      %dma_start3A_228 = tpu.memref_squeeze %dma_start3A_227 : memref<1x128xi32, #tpu.memory_space<vmem>> -> memref<128xi32, #tpu.memory_space<vmem>>
      %dma_start3A_229 = arith.constant 0 : i32
      %dma_start3A_230 = arith.constant 0 : i32
      %dma_start3A_231 = tpu.memref_slice %arg13[%dma_start3A_229, %dma_start3A_230] : memref<10112x128xf32, #tpu.memory_space<vmem_shared>> -> memref<10112x128xf32, #tpu.memory_space<vmem_shared>>
      tpu.enqueue_indirect_dma source(%arg12 : memref<128x128xf32, #tpu.memory_space<vmem>>) target(%dma_start3A_231 : memref<10112x128xf32, #tpu.memory_space<vmem_shared>>) offsets(%dma_start3A_228 : memref<128xi32, #tpu.memory_space<vmem>>) semaphore(%arg17 : memref<!tpu.dma_semaphore, #tpu.memory_space<semaphore_mem>>) {add = true}
      %scan3A_232 = arith.constant 0 : i32
      scf.yield %scan3A_232 : i32
    }
    %scan3A_98 = arith.constant 8 : i32
    %dma_wait3A_99 = arith.constant 0 : i32
    %dma_wait3A_100 = tpu.memref_slice %arg3[%add3A_83, %dma_wait3A_99] : memref<2560x128xi32, #tpu.memory_space<hbm>> -> memref<16x128xi32, #tpu.memory_space<hbm>>
    %dma_wait3A_101 = arith.constant 0 : i32
    %dma_wait3A_102 = tpu.memref_slice %arg3[%add3A_83, %dma_wait3A_101] : memref<2560x128xi32, #tpu.memory_space<hbm>> -> memref<16x128xi32, #tpu.memory_space<hbm>>
    tpu.wait_dma2 semaphore(%arg18 : memref<!tpu.dma_semaphore, #tpu.memory_space<semaphore_mem>>) src(%dma_wait3A_102 : memref<16x128xi32, #tpu.memory_space<hbm>>) dst(%arg9 : memref<16x128xi32, #tpu.memory_space<vmem>>)
    %dma_wait3A_103 = arith.constant 0 : i32
    %dma_wait3A_104 = tpu.memref_slice %arg4[%add3A_83, %dma_wait3A_103] : memref<2560x128xi32, #tpu.memory_space<hbm>> -> memref<16x128xi32, #tpu.memory_space<hbm>>
    %dma_wait3A_105 = arith.constant 0 : i32
    %dma_wait3A_106 = tpu.memref_slice %arg4[%add3A_83, %dma_wait3A_105] : memref<2560x128xi32, #tpu.memory_space<hbm>> -> memref<16x128xi32, #tpu.memory_space<hbm>>
    tpu.wait_dma2 semaphore(%arg18 : memref<!tpu.dma_semaphore, #tpu.memory_space<semaphore_mem>>) src(%dma_wait3A_106 : memref<16x128xi32, #tpu.memory_space<hbm>>) dst(%arg10 : memref<16x128xi32, #tpu.memory_space<vmem>>)
    %dma_wait3A_107 = arith.constant 0 : i32
    %dma_wait3A_108 = arith.constant 0 : i32
    %dma_wait3A_109 = tpu.memref_slice %arg10[%dma_wait3A_107, %dma_wait3A_108] : memref<16x128xi32, #tpu.memory_space<vmem>> -> memref<1x128xi32, #tpu.memory_space<vmem>>
    %dma_wait3A_110 = tpu.memref_squeeze %dma_wait3A_109 : memref<1x128xi32, #tpu.memory_space<vmem>> -> memref<128xi32, #tpu.memory_space<vmem>>
    %dma_wait3A_111 = arith.constant 0 : i32
    %dma_wait3A_112 = arith.constant 0 : i32
    %dma_wait3A_113 = tpu.memref_slice %arg13[%dma_wait3A_111, %dma_wait3A_112] : memref<10112x128xf32, #tpu.memory_space<vmem_shared>> -> memref<10112x128xf32, #tpu.memory_space<vmem_shared>>
    tpu.wait_indirect_dma semaphore(%arg16 : memref<!tpu.dma_semaphore, #tpu.memory_space<semaphore_mem>>) src(%arg11 : memref<128x128xf32, #tpu.memory_space<vmem>>) dst(%dma_wait3A_113 : memref<10112x128xf32, #tpu.memory_space<vmem_shared>>)
    %dma_wait3A_114 = arith.constant 0 : i32
    %dma_wait3A_115 = arith.constant 0 : i32
    %dma_wait3A_116 = tpu.memref_slice %arg10[%dma_wait3A_114, %dma_wait3A_115] : memref<16x128xi32, #tpu.memory_space<vmem>> -> memref<1x128xi32, #tpu.memory_space<vmem>>
    %dma_wait3A_117 = tpu.memref_squeeze %dma_wait3A_116 : memref<1x128xi32, #tpu.memory_space<vmem>> -> memref<128xi32, #tpu.memory_space<vmem>>
    %dma_wait3A_118 = arith.constant 0 : i32
    %dma_wait3A_119 = arith.constant 0 : i32
    %dma_wait3A_120 = tpu.memref_slice %arg13[%dma_wait3A_118, %dma_wait3A_119] : memref<10112x128xf32, #tpu.memory_space<vmem_shared>> -> memref<10112x128xf32, #tpu.memory_space<vmem_shared>>
    tpu.wait_indirect_dma semaphore(%arg17 : memref<!tpu.dma_semaphore, #tpu.memory_space<semaphore_mem>>) src(%arg12 : memref<128x128xf32, #tpu.memory_space<vmem>>) dst(%dma_wait3A_120 : memref<10112x128xf32, #tpu.memory_space<vmem_shared>>)
    %add3A_121 = arith.constant 64 : i32
    %add3A_122 = arith.addi %mul3A_2, %add3A_121 : i32
    %dma_start3A_123 = arith.constant 0 : i32
    %dma_start3A_124 = tpu.memref_slice %arg3[%add3A_122, %dma_start3A_123] : memref<2560x128xi32, #tpu.memory_space<hbm>> -> memref<16x128xi32, #tpu.memory_space<hbm>>
    %dma_start3A_125 = arith.constant 0 : i32
    %dma_start3A_126 = tpu.memref_slice %arg3[%add3A_122, %dma_start3A_125] : memref<2560x128xi32, #tpu.memory_space<hbm>> -> memref<16x128xi32, #tpu.memory_space<hbm>>
    tpu.enqueue_dma source(%dma_start3A_126 : memref<16x128xi32, #tpu.memory_space<hbm>>) target(%arg7 : memref<16x128xi32, #tpu.memory_space<vmem>>) target_semaphore(%arg18 : memref<!tpu.dma_semaphore, #tpu.memory_space<semaphore_mem>>)
    %dma_start3A_127 = arith.constant 0 : i32
    %dma_start3A_128 = tpu.memref_slice %arg4[%add3A_122, %dma_start3A_127] : memref<2560x128xi32, #tpu.memory_space<hbm>> -> memref<16x128xi32, #tpu.memory_space<hbm>>
    %dma_start3A_129 = arith.constant 0 : i32
    %dma_start3A_130 = tpu.memref_slice %arg4[%add3A_122, %dma_start3A_129] : memref<2560x128xi32, #tpu.memory_space<hbm>> -> memref<16x128xi32, #tpu.memory_space<hbm>>
    tpu.enqueue_dma source(%dma_start3A_130 : memref<16x128xi32, #tpu.memory_space<hbm>>) target(%arg8 : memref<16x128xi32, #tpu.memory_space<vmem>>) target_semaphore(%arg18 : memref<!tpu.dma_semaphore, #tpu.memory_space<semaphore_mem>>)
    %scan3A_131 = arith.constant 0 : i32
    %scan3A_132 = arith.constant 0 : i32
    %scan3A_133 = arith.constant 8 : i32
    %scan3A_134 = arith.addi %scan3A_132, %scan3A_133 : i32
    %scan3A_135 = arith.constant 1 : i32
    %scan3A_136 = scf.for %scan3A_186 = %scan3A_132 to %scan3A_134 step %scan3A_135 iter_args(%scan3A_187 = %scan3A_131) -> (i32)  : i32 {
      %mul3A_188 = arith.constant 2 : i32
      %mul3A_189 = arith.muli %mul3A_188, %scan3A_186 : i32
      %gt3A = arith.constant 0 : i32
      %gt3A_190 = arith.cmpi sgt, %scan3A_186, %gt3A : i32
      %convert_element_type3A = arith.extui %gt3A_190 : i1 to i32
      %cond3A = arith.constant 0 : i32
      %cond3A_191 = arith.cmpi ne, %convert_element_type3A, %cond3A : i32
      scf.if %cond3A_191 {
        %dma_wait3A_233 = arith.constant 0 : i32
        %dma_wait3A_234 = tpu.memref_slice %arg10[%mul3A_189, %dma_wait3A_233] : memref<16x128xi32, #tpu.memory_space<vmem>> -> memref<1x128xi32, #tpu.memory_space<vmem>>
        %dma_wait3A_235 = tpu.memref_squeeze %dma_wait3A_234 : memref<1x128xi32, #tpu.memory_space<vmem>> -> memref<128xi32, #tpu.memory_space<vmem>>
        %dma_wait3A_236 = arith.constant 0 : i32
        %dma_wait3A_237 = arith.constant 0 : i32
        %dma_wait3A_238 = tpu.memref_slice %arg13[%dma_wait3A_236, %dma_wait3A_237] : memref<10112x128xf32, #tpu.memory_space<vmem_shared>> -> memref<10112x128xf32, #tpu.memory_space<vmem_shared>>
        tpu.wait_indirect_dma semaphore(%arg16 : memref<!tpu.dma_semaphore, #tpu.memory_space<semaphore_mem>>) src(%arg11 : memref<128x128xf32, #tpu.memory_space<vmem>>) dst(%dma_wait3A_238 : memref<10112x128xf32, #tpu.memory_space<vmem_shared>>)
        %dma_wait3A_239 = arith.constant 0 : i32
        %dma_wait3A_240 = tpu.memref_slice %arg10[%mul3A_189, %dma_wait3A_239] : memref<16x128xi32, #tpu.memory_space<vmem>> -> memref<1x128xi32, #tpu.memory_space<vmem>>
        %dma_wait3A_241 = tpu.memref_squeeze %dma_wait3A_240 : memref<1x128xi32, #tpu.memory_space<vmem>> -> memref<128xi32, #tpu.memory_space<vmem>>
        %dma_wait3A_242 = arith.constant 0 : i32
        %dma_wait3A_243 = arith.constant 0 : i32
        %dma_wait3A_244 = tpu.memref_slice %arg13[%dma_wait3A_242, %dma_wait3A_243] : memref<10112x128xf32, #tpu.memory_space<vmem_shared>> -> memref<10112x128xf32, #tpu.memory_space<vmem_shared>>
        tpu.wait_indirect_dma semaphore(%arg17 : memref<!tpu.dma_semaphore, #tpu.memory_space<semaphore_mem>>) src(%arg12 : memref<128x128xf32, #tpu.memory_space<vmem>>) dst(%dma_wait3A_244 : memref<10112x128xf32, #tpu.memory_space<vmem_shared>>)
      } else {
      }
      %dma_start3A_192 = arith.constant 0 : i32
      %dma_start3A_193 = tpu.memref_slice %arg9[%mul3A_189, %dma_start3A_192] : memref<16x128xi32, #tpu.memory_space<vmem>> -> memref<1x128xi32, #tpu.memory_space<vmem>>
      %dma_start3A_194 = tpu.memref_squeeze %dma_start3A_193 : memref<1x128xi32, #tpu.memory_space<vmem>> -> memref<128xi32, #tpu.memory_space<vmem>>
      %dma_start3A_195 = arith.constant 0 : i32
      %dma_start3A_196 = arith.constant 0 : i32
      %dma_start3A_197 = tpu.memref_slice %arg2[%dma_start3A_195, %dma_start3A_196] : memref<10000x128xf32, #tpu.memory_space<hbm>> -> memref<10000x128xf32, #tpu.memory_space<hbm>>
      tpu.enqueue_indirect_dma source(%dma_start3A_197 : memref<10000x128xf32, #tpu.memory_space<hbm>>) target(%arg11 : memref<128x128xf32, #tpu.memory_space<vmem>>) offsets(%dma_start3A_194 : memref<128xi32, #tpu.memory_space<vmem>>) semaphore(%arg14 : memref<!tpu.dma_semaphore, #tpu.memory_space<semaphore_mem>>)
      %add3A_198 = arith.constant 1 : i32
      %add3A_199 = arith.addi %mul3A_189, %add3A_198 : i32
      %dma_start3A_200 = arith.constant 0 : i32
      %dma_start3A_201 = tpu.memref_slice %arg9[%add3A_199, %dma_start3A_200] : memref<16x128xi32, #tpu.memory_space<vmem>> -> memref<1x128xi32, #tpu.memory_space<vmem>>
      %dma_start3A_202 = tpu.memref_squeeze %dma_start3A_201 : memref<1x128xi32, #tpu.memory_space<vmem>> -> memref<128xi32, #tpu.memory_space<vmem>>
      %dma_start3A_203 = arith.constant 0 : i32
      %dma_start3A_204 = arith.constant 0 : i32
      %dma_start3A_205 = tpu.memref_slice %arg2[%dma_start3A_203, %dma_start3A_204] : memref<10000x128xf32, #tpu.memory_space<hbm>> -> memref<10000x128xf32, #tpu.memory_space<hbm>>
      tpu.enqueue_indirect_dma source(%dma_start3A_205 : memref<10000x128xf32, #tpu.memory_space<hbm>>) target(%arg12 : memref<128x128xf32, #tpu.memory_space<vmem>>) offsets(%dma_start3A_202 : memref<128xi32, #tpu.memory_space<vmem>>) semaphore(%arg15 : memref<!tpu.dma_semaphore, #tpu.memory_space<semaphore_mem>>)
      %dma_wait3A_206 = arith.constant 0 : i32
      %dma_wait3A_207 = tpu.memref_slice %arg9[%mul3A_189, %dma_wait3A_206] : memref<16x128xi32, #tpu.memory_space<vmem>> -> memref<1x128xi32, #tpu.memory_space<vmem>>
      %dma_wait3A_208 = tpu.memref_squeeze %dma_wait3A_207 : memref<1x128xi32, #tpu.memory_space<vmem>> -> memref<128xi32, #tpu.memory_space<vmem>>
      %dma_wait3A_209 = arith.constant 0 : i32
      %dma_wait3A_210 = arith.constant 0 : i32
      %dma_wait3A_211 = tpu.memref_slice %arg2[%dma_wait3A_209, %dma_wait3A_210] : memref<10000x128xf32, #tpu.memory_space<hbm>> -> memref<10000x128xf32, #tpu.memory_space<hbm>>
      tpu.wait_indirect_dma semaphore(%arg14 : memref<!tpu.dma_semaphore, #tpu.memory_space<semaphore_mem>>) src(%dma_wait3A_211 : memref<10000x128xf32, #tpu.memory_space<hbm>>) dst(%arg11 : memref<128x128xf32, #tpu.memory_space<vmem>>)
      %dma_start3A_212 = arith.constant 0 : i32
      %dma_start3A_213 = tpu.memref_slice %arg10[%mul3A_189, %dma_start3A_212] : memref<16x128xi32, #tpu.memory_space<vmem>> -> memref<1x128xi32, #tpu.memory_space<vmem>>
      %dma_start3A_214 = tpu.memref_squeeze %dma_start3A_213 : memref<1x128xi32, #tpu.memory_space<vmem>> -> memref<128xi32, #tpu.memory_space<vmem>>
      %dma_start3A_215 = arith.constant 0 : i32
      %dma_start3A_216 = arith.constant 0 : i32
      %dma_start3A_217 = tpu.memref_slice %arg13[%dma_start3A_215, %dma_start3A_216] : memref<10112x128xf32, #tpu.memory_space<vmem_shared>> -> memref<10112x128xf32, #tpu.memory_space<vmem_shared>>
      tpu.enqueue_indirect_dma source(%arg11 : memref<128x128xf32, #tpu.memory_space<vmem>>) target(%dma_start3A_217 : memref<10112x128xf32, #tpu.memory_space<vmem_shared>>) offsets(%dma_start3A_214 : memref<128xi32, #tpu.memory_space<vmem>>) semaphore(%arg16 : memref<!tpu.dma_semaphore, #tpu.memory_space<semaphore_mem>>) {add = true}
      %dma_wait3A_218 = arith.constant 0 : i32
      %dma_wait3A_219 = tpu.memref_slice %arg9[%add3A_199, %dma_wait3A_218] : memref<16x128xi32, #tpu.memory_space<vmem>> -> memref<1x128xi32, #tpu.memory_space<vmem>>
      %dma_wait3A_220 = tpu.memref_squeeze %dma_wait3A_219 : memref<1x128xi32, #tpu.memory_space<vmem>> -> memref<128xi32, #tpu.memory_space<vmem>>
      %dma_wait3A_221 = arith.constant 0 : i32
      %dma_wait3A_222 = arith.constant 0 : i32
      %dma_wait3A_223 = tpu.memref_slice %arg2[%dma_wait3A_221, %dma_wait3A_222] : memref<10000x128xf32, #tpu.memory_space<hbm>> -> memref<10000x128xf32, #tpu.memory_space<hbm>>
      tpu.wait_indirect_dma semaphore(%arg15 : memref<!tpu.dma_semaphore, #tpu.memory_space<semaphore_mem>>) src(%dma_wait3A_223 : memref<10000x128xf32, #tpu.memory_space<hbm>>) dst(%arg12 : memref<128x128xf32, #tpu.memory_space<vmem>>)
      %add3A_224 = arith.constant 1 : i32
      %add3A_225 = arith.addi %mul3A_189, %add3A_224 : i32
      %dma_start3A_226 = arith.constant 0 : i32
      %dma_start3A_227 = tpu.memref_slice %arg10[%add3A_225, %dma_start3A_226] : memref<16x128xi32, #tpu.memory_space<vmem>> -> memref<1x128xi32, #tpu.memory_space<vmem>>
      %dma_start3A_228 = tpu.memref_squeeze %dma_start3A_227 : memref<1x128xi32, #tpu.memory_space<vmem>> -> memref<128xi32, #tpu.memory_space<vmem>>
      %dma_start3A_229 = arith.constant 0 : i32
      %dma_start3A_230 = arith.constant 0 : i32
      %dma_start3A_231 = tpu.memref_slice %arg13[%dma_start3A_229, %dma_start3A_230] : memref<10112x128xf32, #tpu.memory_space<vmem_shared>> -> memref<10112x128xf32, #tpu.memory_space<vmem_shared>>
      tpu.enqueue_indirect_dma source(%arg12 : memref<128x128xf32, #tpu.memory_space<vmem>>) target(%dma_start3A_231 : memref<10112x128xf32, #tpu.memory_space<vmem_shared>>) offsets(%dma_start3A_228 : memref<128xi32, #tpu.memory_space<vmem>>) semaphore(%arg17 : memref<!tpu.dma_semaphore, #tpu.memory_space<semaphore_mem>>) {add = true}
      %scan3A_232 = arith.constant 0 : i32
      scf.yield %scan3A_232 : i32
    }
    %scan3A_137 = arith.constant 8 : i32
    %dma_wait3A_138 = arith.constant 0 : i32
    %dma_wait3A_139 = tpu.memref_slice %arg3[%add3A_122, %dma_wait3A_138] : memref<2560x128xi32, #tpu.memory_space<hbm>> -> memref<16x128xi32, #tpu.memory_space<hbm>>
    %dma_wait3A_140 = arith.constant 0 : i32
    %dma_wait3A_141 = tpu.memref_slice %arg3[%add3A_122, %dma_wait3A_140] : memref<2560x128xi32, #tpu.memory_space<hbm>> -> memref<16x128xi32, #tpu.memory_space<hbm>>
    tpu.wait_dma2 semaphore(%arg18 : memref<!tpu.dma_semaphore, #tpu.memory_space<semaphore_mem>>) src(%dma_wait3A_141 : memref<16x128xi32, #tpu.memory_space<hbm>>) dst(%arg7 : memref<16x128xi32, #tpu.memory_space<vmem>>)
    %dma_wait3A_142 = arith.constant 0 : i32
    %dma_wait3A_143 = tpu.memref_slice %arg4[%add3A_122, %dma_wait3A_142] : memref<2560x128xi32, #tpu.memory_space<hbm>> -> memref<16x128xi32, #tpu.memory_space<hbm>>
    %dma_wait3A_144 = arith.constant 0 : i32
    %dma_wait3A_145 = tpu.memref_slice %arg4[%add3A_122, %dma_wait3A_144] : memref<2560x128xi32, #tpu.memory_space<hbm>> -> memref<16x128xi32, #tpu.memory_space<hbm>>
    tpu.wait_dma2 semaphore(%arg18 : memref<!tpu.dma_semaphore, #tpu.memory_space<semaphore_mem>>) src(%dma_wait3A_145 : memref<16x128xi32, #tpu.memory_space<hbm>>) dst(%arg8 : memref<16x128xi32, #tpu.memory_space<vmem>>)
    %dma_wait3A_146 = arith.constant 0 : i32
    %dma_wait3A_147 = arith.constant 0 : i32
    %dma_wait3A_148 = tpu.memref_slice %arg8[%dma_wait3A_146, %dma_wait3A_147] : memref<16x128xi32, #tpu.memory_space<vmem>> -> memref<1x128xi32, #tpu.memory_space<vmem>>
    %dma_wait3A_149 = tpu.memref_squeeze %dma_wait3A_148 : memref<1x128xi32, #tpu.memory_space<vmem>> -> memref<128xi32, #tpu.memory_space<vmem>>
    %dma_wait3A_150 = arith.constant 0 : i32
    %dma_wait3A_151 = arith.constant 0 : i32
    %dma_wait3A_152 = tpu.memref_slice %arg13[%dma_wait3A_150, %dma_wait3A_151] : memref<10112x128xf32, #tpu.memory_space<vmem_shared>> -> memref<10112x128xf32, #tpu.memory_space<vmem_shared>>
    tpu.wait_indirect_dma semaphore(%arg16 : memref<!tpu.dma_semaphore, #tpu.memory_space<semaphore_mem>>) src(%arg11 : memref<128x128xf32, #tpu.memory_space<vmem>>) dst(%dma_wait3A_152 : memref<10112x128xf32, #tpu.memory_space<vmem_shared>>)
    %dma_wait3A_153 = arith.constant 0 : i32
    %dma_wait3A_154 = arith.constant 0 : i32
    %dma_wait3A_155 = tpu.memref_slice %arg8[%dma_wait3A_153, %dma_wait3A_154] : memref<16x128xi32, #tpu.memory_space<vmem>> -> memref<1x128xi32, #tpu.memory_space<vmem>>
    %dma_wait3A_156 = tpu.memref_squeeze %dma_wait3A_155 : memref<1x128xi32, #tpu.memory_space<vmem>> -> memref<128xi32, #tpu.memory_space<vmem>>
    %dma_wait3A_157 = arith.constant 0 : i32
    %dma_wait3A_158 = arith.constant 0 : i32
    %dma_wait3A_159 = tpu.memref_slice %arg13[%dma_wait3A_157, %dma_wait3A_158] : memref<10112x128xf32, #tpu.memory_space<vmem_shared>> -> memref<10112x128xf32, #tpu.memory_space<vmem_shared>>
    tpu.wait_indirect_dma semaphore(%arg17 : memref<!tpu.dma_semaphore, #tpu.memory_space<semaphore_mem>>) src(%arg12 : memref<128x128xf32, #tpu.memory_space<vmem>>) dst(%dma_wait3A_159 : memref<10112x128xf32, #tpu.memory_space<vmem_shared>>)
    %scan3A_160 = arith.constant 0 : i32
    %scan3A_161 = arith.constant 0 : i32
    %scan3A_162 = arith.constant 8 : i32
    %scan3A_163 = arith.addi %scan3A_161, %scan3A_162 : i32
    %scan3A_164 = arith.constant 1 : i32
    %scan3A_165 = scf.for %scan3A_186 = %scan3A_161 to %scan3A_163 step %scan3A_164 iter_args(%scan3A_187 = %scan3A_160) -> (i32)  : i32 {
      %mul3A_188 = arith.constant 2 : i32
      %mul3A_189 = arith.muli %mul3A_188, %scan3A_186 : i32
      %gt3A = arith.constant 0 : i32
      %gt3A_190 = arith.cmpi sgt, %scan3A_186, %gt3A : i32
      %convert_element_type3A = arith.extui %gt3A_190 : i1 to i32
      %cond3A = arith.constant 0 : i32
      %cond3A_191 = arith.cmpi ne, %convert_element_type3A, %cond3A : i32
      scf.if %cond3A_191 {
        %dma_wait3A_233 = arith.constant 0 : i32
        %dma_wait3A_234 = tpu.memref_slice %arg8[%mul3A_189, %dma_wait3A_233] : memref<16x128xi32, #tpu.memory_space<vmem>> -> memref<1x128xi32, #tpu.memory_space<vmem>>
        %dma_wait3A_235 = tpu.memref_squeeze %dma_wait3A_234 : memref<1x128xi32, #tpu.memory_space<vmem>> -> memref<128xi32, #tpu.memory_space<vmem>>
        %dma_wait3A_236 = arith.constant 0 : i32
        %dma_wait3A_237 = arith.constant 0 : i32
        %dma_wait3A_238 = tpu.memref_slice %arg13[%dma_wait3A_236, %dma_wait3A_237] : memref<10112x128xf32, #tpu.memory_space<vmem_shared>> -> memref<10112x128xf32, #tpu.memory_space<vmem_shared>>
        tpu.wait_indirect_dma semaphore(%arg16 : memref<!tpu.dma_semaphore, #tpu.memory_space<semaphore_mem>>) src(%arg11 : memref<128x128xf32, #tpu.memory_space<vmem>>) dst(%dma_wait3A_238 : memref<10112x128xf32, #tpu.memory_space<vmem_shared>>)
        %dma_wait3A_239 = arith.constant 0 : i32
        %dma_wait3A_240 = tpu.memref_slice %arg8[%mul3A_189, %dma_wait3A_239] : memref<16x128xi32, #tpu.memory_space<vmem>> -> memref<1x128xi32, #tpu.memory_space<vmem>>
        %dma_wait3A_241 = tpu.memref_squeeze %dma_wait3A_240 : memref<1x128xi32, #tpu.memory_space<vmem>> -> memref<128xi32, #tpu.memory_space<vmem>>
        %dma_wait3A_242 = arith.constant 0 : i32
        %dma_wait3A_243 = arith.constant 0 : i32
        %dma_wait3A_244 = tpu.memref_slice %arg13[%dma_wait3A_242, %dma_wait3A_243] : memref<10112x128xf32, #tpu.memory_space<vmem_shared>> -> memref<10112x128xf32, #tpu.memory_space<vmem_shared>>
        tpu.wait_indirect_dma semaphore(%arg17 : memref<!tpu.dma_semaphore, #tpu.memory_space<semaphore_mem>>) src(%arg12 : memref<128x128xf32, #tpu.memory_space<vmem>>) dst(%dma_wait3A_244 : memref<10112x128xf32, #tpu.memory_space<vmem_shared>>)
      } else {
      }
      %dma_start3A_192 = arith.constant 0 : i32
      %dma_start3A_193 = tpu.memref_slice %arg7[%mul3A_189, %dma_start3A_192] : memref<16x128xi32, #tpu.memory_space<vmem>> -> memref<1x128xi32, #tpu.memory_space<vmem>>
      %dma_start3A_194 = tpu.memref_squeeze %dma_start3A_193 : memref<1x128xi32, #tpu.memory_space<vmem>> -> memref<128xi32, #tpu.memory_space<vmem>>
      %dma_start3A_195 = arith.constant 0 : i32
      %dma_start3A_196 = arith.constant 0 : i32
      %dma_start3A_197 = tpu.memref_slice %arg2[%dma_start3A_195, %dma_start3A_196] : memref<10000x128xf32, #tpu.memory_space<hbm>> -> memref<10000x128xf32, #tpu.memory_space<hbm>>
      tpu.enqueue_indirect_dma source(%dma_start3A_197 : memref<10000x128xf32, #tpu.memory_space<hbm>>) target(%arg11 : memref<128x128xf32, #tpu.memory_space<vmem>>) offsets(%dma_start3A_194 : memref<128xi32, #tpu.memory_space<vmem>>) semaphore(%arg14 : memref<!tpu.dma_semaphore, #tpu.memory_space<semaphore_mem>>)
      %add3A_198 = arith.constant 1 : i32
      %add3A_199 = arith.addi %mul3A_189, %add3A_198 : i32
      %dma_start3A_200 = arith.constant 0 : i32
      %dma_start3A_201 = tpu.memref_slice %arg7[%add3A_199, %dma_start3A_200] : memref<16x128xi32, #tpu.memory_space<vmem>> -> memref<1x128xi32, #tpu.memory_space<vmem>>
      %dma_start3A_202 = tpu.memref_squeeze %dma_start3A_201 : memref<1x128xi32, #tpu.memory_space<vmem>> -> memref<128xi32, #tpu.memory_space<vmem>>
      %dma_start3A_203 = arith.constant 0 : i32
      %dma_start3A_204 = arith.constant 0 : i32
      %dma_start3A_205 = tpu.memref_slice %arg2[%dma_start3A_203, %dma_start3A_204] : memref<10000x128xf32, #tpu.memory_space<hbm>> -> memref<10000x128xf32, #tpu.memory_space<hbm>>
      tpu.enqueue_indirect_dma source(%dma_start3A_205 : memref<10000x128xf32, #tpu.memory_space<hbm>>) target(%arg12 : memref<128x128xf32, #tpu.memory_space<vmem>>) offsets(%dma_start3A_202 : memref<128xi32, #tpu.memory_space<vmem>>) semaphore(%arg15 : memref<!tpu.dma_semaphore, #tpu.memory_space<semaphore_mem>>)
      %dma_wait3A_206 = arith.constant 0 : i32
      %dma_wait3A_207 = tpu.memref_slice %arg7[%mul3A_189, %dma_wait3A_206] : memref<16x128xi32, #tpu.memory_space<vmem>> -> memref<1x128xi32, #tpu.memory_space<vmem>>
      %dma_wait3A_208 = tpu.memref_squeeze %dma_wait3A_207 : memref<1x128xi32, #tpu.memory_space<vmem>> -> memref<128xi32, #tpu.memory_space<vmem>>
      %dma_wait3A_209 = arith.constant 0 : i32
      %dma_wait3A_210 = arith.constant 0 : i32
      %dma_wait3A_211 = tpu.memref_slice %arg2[%dma_wait3A_209, %dma_wait3A_210] : memref<10000x128xf32, #tpu.memory_space<hbm>> -> memref<10000x128xf32, #tpu.memory_space<hbm>>
      tpu.wait_indirect_dma semaphore(%arg14 : memref<!tpu.dma_semaphore, #tpu.memory_space<semaphore_mem>>) src(%dma_wait3A_211 : memref<10000x128xf32, #tpu.memory_space<hbm>>) dst(%arg11 : memref<128x128xf32, #tpu.memory_space<vmem>>)
      %dma_start3A_212 = arith.constant 0 : i32
      %dma_start3A_213 = tpu.memref_slice %arg8[%mul3A_189, %dma_start3A_212] : memref<16x128xi32, #tpu.memory_space<vmem>> -> memref<1x128xi32, #tpu.memory_space<vmem>>
      %dma_start3A_214 = tpu.memref_squeeze %dma_start3A_213 : memref<1x128xi32, #tpu.memory_space<vmem>> -> memref<128xi32, #tpu.memory_space<vmem>>
      %dma_start3A_215 = arith.constant 0 : i32
      %dma_start3A_216 = arith.constant 0 : i32
      %dma_start3A_217 = tpu.memref_slice %arg13[%dma_start3A_215, %dma_start3A_216] : memref<10112x128xf32, #tpu.memory_space<vmem_shared>> -> memref<10112x128xf32, #tpu.memory_space<vmem_shared>>
      tpu.enqueue_indirect_dma source(%arg11 : memref<128x128xf32, #tpu.memory_space<vmem>>) target(%dma_start3A_217 : memref<10112x128xf32, #tpu.memory_space<vmem_shared>>) offsets(%dma_start3A_214 : memref<128xi32, #tpu.memory_space<vmem>>) semaphore(%arg16 : memref<!tpu.dma_semaphore, #tpu.memory_space<semaphore_mem>>) {add = true}
      %dma_wait3A_218 = arith.constant 0 : i32
      %dma_wait3A_219 = tpu.memref_slice %arg7[%add3A_199, %dma_wait3A_218] : memref<16x128xi32, #tpu.memory_space<vmem>> -> memref<1x128xi32, #tpu.memory_space<vmem>>
      %dma_wait3A_220 = tpu.memref_squeeze %dma_wait3A_219 : memref<1x128xi32, #tpu.memory_space<vmem>> -> memref<128xi32, #tpu.memory_space<vmem>>
      %dma_wait3A_221 = arith.constant 0 : i32
      %dma_wait3A_222 = arith.constant 0 : i32
      %dma_wait3A_223 = tpu.memref_slice %arg2[%dma_wait3A_221, %dma_wait3A_222] : memref<10000x128xf32, #tpu.memory_space<hbm>> -> memref<10000x128xf32, #tpu.memory_space<hbm>>
      tpu.wait_indirect_dma semaphore(%arg15 : memref<!tpu.dma_semaphore, #tpu.memory_space<semaphore_mem>>) src(%dma_wait3A_223 : memref<10000x128xf32, #tpu.memory_space<hbm>>) dst(%arg12 : memref<128x128xf32, #tpu.memory_space<vmem>>)
      %add3A_224 = arith.constant 1 : i32
      %add3A_225 = arith.addi %mul3A_189, %add3A_224 : i32
      %dma_start3A_226 = arith.constant 0 : i32
      %dma_start3A_227 = tpu.memref_slice %arg8[%add3A_225, %dma_start3A_226] : memref<16x128xi32, #tpu.memory_space<vmem>> -> memref<1x128xi32, #tpu.memory_space<vmem>>
      %dma_start3A_228 = tpu.memref_squeeze %dma_start3A_227 : memref<1x128xi32, #tpu.memory_space<vmem>> -> memref<128xi32, #tpu.memory_space<vmem>>
      %dma_start3A_229 = arith.constant 0 : i32
      %dma_start3A_230 = arith.constant 0 : i32
      %dma_start3A_231 = tpu.memref_slice %arg13[%dma_start3A_229, %dma_start3A_230] : memref<10112x128xf32, #tpu.memory_space<vmem_shared>> -> memref<10112x128xf32, #tpu.memory_space<vmem_shared>>
      tpu.enqueue_indirect_dma source(%arg12 : memref<128x128xf32, #tpu.memory_space<vmem>>) target(%dma_start3A_231 : memref<10112x128xf32, #tpu.memory_space<vmem_shared>>) offsets(%dma_start3A_228 : memref<128xi32, #tpu.memory_space<vmem>>) semaphore(%arg17 : memref<!tpu.dma_semaphore, #tpu.memory_space<semaphore_mem>>) {add = true}
      %scan3A_232 = arith.constant 0 : i32
      scf.yield %scan3A_232 : i32
    }
    %scan3A_166 = arith.constant 8 : i32
    %dma_wait3A_167 = arith.constant 0 : i32
    %dma_wait3A_168 = arith.constant 0 : i32
    %dma_wait3A_169 = tpu.memref_slice %arg8[%dma_wait3A_167, %dma_wait3A_168] : memref<16x128xi32, #tpu.memory_space<vmem>> -> memref<1x128xi32, #tpu.memory_space<vmem>>
    %dma_wait3A_170 = tpu.memref_squeeze %dma_wait3A_169 : memref<1x128xi32, #tpu.memory_space<vmem>> -> memref<128xi32, #tpu.memory_space<vmem>>
    %dma_wait3A_171 = arith.constant 0 : i32
    %dma_wait3A_172 = arith.constant 0 : i32
    %dma_wait3A_173 = tpu.memref_slice %arg13[%dma_wait3A_171, %dma_wait3A_172] : memref<10112x128xf32, #tpu.memory_space<vmem_shared>> -> memref<10112x128xf32, #tpu.memory_space<vmem_shared>>
    tpu.wait_indirect_dma semaphore(%arg16 : memref<!tpu.dma_semaphore, #tpu.memory_space<semaphore_mem>>) src(%arg11 : memref<128x128xf32, #tpu.memory_space<vmem>>) dst(%dma_wait3A_173 : memref<10112x128xf32, #tpu.memory_space<vmem_shared>>)
    %dma_wait3A_174 = arith.constant 0 : i32
    %dma_wait3A_175 = arith.constant 0 : i32
    %dma_wait3A_176 = tpu.memref_slice %arg8[%dma_wait3A_174, %dma_wait3A_175] : memref<16x128xi32, #tpu.memory_space<vmem>> -> memref<1x128xi32, #tpu.memory_space<vmem>>
    %dma_wait3A_177 = tpu.memref_squeeze %dma_wait3A_176 : memref<1x128xi32, #tpu.memory_space<vmem>> -> memref<128xi32, #tpu.memory_space<vmem>>
    %dma_wait3A_178 = arith.constant 0 : i32
    %dma_wait3A_179 = arith.constant 0 : i32
    %dma_wait3A_180 = tpu.memref_slice %arg13[%dma_wait3A_178, %dma_wait3A_179] : memref<10112x128xf32, #tpu.memory_space<vmem_shared>> -> memref<10112x128xf32, #tpu.memory_space<vmem_shared>>
    tpu.wait_indirect_dma semaphore(%arg17 : memref<!tpu.dma_semaphore, #tpu.memory_space<semaphore_mem>>) src(%arg12 : memref<128x128xf32, #tpu.memory_space<vmem>>) dst(%dma_wait3A_180 : memref<10112x128xf32, #tpu.memory_space<vmem_shared>>)
    %barrier3A_181 = arith.constant 0 : index
    tpu.barrier barrier_id(%barrier3A_181)
    %mul3A_182 = arith.constant 632 : i32
    %mul3A_183 = arith.muli %arg1, %mul3A_182 : i32
    %mul3A_184 = arith.constant 632 : i32
    %mul3A_185 = arith.muli %arg1, %mul3A_184 : i32
    "tpu.region"() ({
      %run_scoped3A = tpu.sem_alloc : memref<!tpu.dma_semaphore, #tpu.memory_space<semaphore_mem>>
      %dma_start3A_186 = arith.constant 0 : i32
      %dma_start3A_187 = tpu.memref_slice %arg6[%arg0, %mul3A_185, %dma_start3A_186] : memref<2x10112x128xf32, #tpu.memory_space<hbm>> -> memref<1x632x128xf32, #tpu.memory_space<hbm>>
      %dma_start3A_188 = tpu.memref_squeeze %dma_start3A_187 : memref<1x632x128xf32, #tpu.memory_space<hbm>> -> memref<632x128xf32, #tpu.memory_space<hbm>>
      %dma_start3A_189 = arith.constant 0 : i32
      %dma_start3A_190 = tpu.memref_slice %arg13[%mul3A_183, %dma_start3A_189] : memref<10112x128xf32, #tpu.memory_space<vmem_shared>> -> memref<632x128xf32, #tpu.memory_space<vmem_shared>>
      tpu.enqueue_dma source(%dma_start3A_190 : memref<632x128xf32, #tpu.memory_space<vmem_shared>>) target(%dma_start3A_188 : memref<632x128xf32, #tpu.memory_space<hbm>>) target_semaphore(%run_scoped3A : memref<!tpu.dma_semaphore, #tpu.memory_space<semaphore_mem>>)
      %dma_wait3A_191 = arith.constant 0 : i32
      %dma_wait3A_192 = tpu.memref_slice %arg6[%arg0, %mul3A_185, %dma_wait3A_191] : memref<2x10112x128xf32, #tpu.memory_space<hbm>> -> memref<1x632x128xf32, #tpu.memory_space<hbm>>
      %dma_wait3A_193 = tpu.memref_squeeze %dma_wait3A_192 : memref<1x632x128xf32, #tpu.memory_space<hbm>> -> memref<632x128xf32, #tpu.memory_space<hbm>>
      %dma_wait3A_194 = arith.constant 0 : i32
      %dma_wait3A_195 = tpu.memref_slice %arg13[%mul3A_183, %dma_wait3A_194] : memref<10112x128xf32, #tpu.memory_space<vmem_shared>> -> memref<632x128xf32, #tpu.memory_space<vmem_shared>>
      tpu.wait_dma2 semaphore(%run_scoped3A : memref<!tpu.dma_semaphore, #tpu.memory_space<semaphore_mem>>) src(%dma_wait3A_195 : memref<632x128xf32, #tpu.memory_space<vmem_shared>>) dst(%dma_wait3A_193 : memref<632x128xf32, #tpu.memory_space<hbm>>)
      tpu.yield
    }) : () -> ()
    return
  }
}

#map = affine_map<(d0, d1) -> (0, 0)>
#map1 = affine_map<(d0, d1) -> (0, 0, 0)>
module attributes {stable_mosaic.version = 14 : i64} {
  func.func @k(%arg0: i32, %arg1: i32, %arg2: memref<10000x128xf32, #tpu.memory_space<hbm>>, %arg3: memref<2560x128xi32, #tpu.memory_space<hbm>>, %arg4: memref<2560x128xi32, #tpu.memory_space<hbm>>, %arg5: memref<10112x128xf32, #tpu.memory_space<hbm>>, %arg6: memref<2x10112x128xf32, #tpu.memory_space<hbm>>, %arg7: memref<16x128xi32, #tpu.memory_space<vmem>>, %arg8: memref<16x128xi32, #tpu.memory_space<vmem>>, %arg9: memref<16x128xi32, #tpu.memory_space<vmem>>, %arg10: memref<16x128xi32, #tpu.memory_space<vmem>>, %arg11: memref<128x128xf32, #tpu.memory_space<vmem>>, %arg12: memref<128x128xf32, #tpu.memory_space<vmem>>, %arg13: memref<10112x128xf32, #tpu.memory_space<vmem_shared>>, %arg14: memref<!tpu.dma_semaphore, #tpu.memory_space<semaphore_mem>>, %arg15: memref<!tpu.dma_semaphore, #tpu.memory_space<semaphore_mem>>, %arg16: memref<!tpu.dma_semaphore, #tpu.memory_space<semaphore_mem>>, %arg17: memref<!tpu.dma_semaphore, #tpu.memory_space<semaphore_mem>>, %arg18: memref<!tpu.dma_semaphore, #tpu.memory_space<semaphore_mem>>) attributes {dimension_semantics = [#tpu.dimension_semantics<core_parallel>, #tpu.dimension_semantics<subcore_parallel>], iteration_bounds = array<i64: 2, 16>, scalar_prefetch = 0 : i64, scratch_operands = 12 : i64, tpu.core_type = #tpu.core_type<sc_vector_subcore>, window_params = [{transform_indices = #map}, {transform_indices = #map}, {transform_indices = #map}, {transform_indices = #map}, {transform_indices = #map1}]} {
    %mul3A = arith.constant 16 : i32
    %mul3A_0 = arith.muli %arg0, %mul3A : i32
    %add3A = arith.addi %mul3A_0, %arg1 : i32
    %mul3A_1 = arith.constant 80 : i32
    %mul3A_2 = arith.muli %add3A, %mul3A_1 : i32
    %mul3A_3 = arith.constant 632 : i32
    %mul3A_4 = arith.muli %arg1, %mul3A_3 : i32
    %mul3A_5 = arith.constant 632 : i32
    %mul3A_6 = arith.muli %arg1, %mul3A_5 : i32
    "tpu.region"() ({
      %run_scoped3A = tpu.sem_alloc : memref<!tpu.dma_semaphore, #tpu.memory_space<semaphore_mem>>
      %dma_start3A_186 = arith.constant 0 : i32
      %dma_start3A_187 = tpu.memref_slice %arg13[%mul3A_6, %dma_start3A_186] : memref<10112x128xf32, #tpu.memory_space<vmem_shared>> -> memref<632x128xf32, #tpu.memory_space<vmem_shared>>
      %dma_start3A_188 = arith.constant 0 : i32
      %dma_start3A_189 = tpu.memref_slice %arg5[%mul3A_4, %dma_start3A_188] : memref<10112x128xf32, #tpu.memory_space<hbm>> -> memref<632x128xf32, #tpu.memory_space<hbm>>
      tpu.enqueue_dma source(%dma_start3A_189 : memref<632x128xf32, #tpu.memory_space<hbm>>) target(%dma_start3A_187 : memref<632x128xf32, #tpu.memory_space<vmem_shared>>) target_semaphore(%run_scoped3A : memref<!tpu.dma_semaphore, #tpu.memory_space<semaphore_mem>>)
      %dma_wait3A_190 = arith.constant 0 : i32
      %dma_wait3A_191 = tpu.memref_slice %arg13[%mul3A_6, %dma_wait3A_190] : memref<10112x128xf32, #tpu.memory_space<vmem_shared>> -> memref<632x128xf32, #tpu.memory_space<vmem_shared>>
      %dma_wait3A_192 = arith.constant 0 : i32
      %dma_wait3A_193 = tpu.memref_slice %arg5[%mul3A_4, %dma_wait3A_192] : memref<10112x128xf32, #tpu.memory_space<hbm>> -> memref<632x128xf32, #tpu.memory_space<hbm>>
      tpu.wait_dma2 semaphore(%run_scoped3A : memref<!tpu.dma_semaphore, #tpu.memory_space<semaphore_mem>>) src(%dma_wait3A_193 : memref<632x128xf32, #tpu.memory_space<hbm>>) dst(%dma_wait3A_191 : memref<632x128xf32, #tpu.memory_space<vmem_shared>>)
      tpu.yield
    }) : () -> ()
    "tpu.region"() ({
      %run_scoped3A = tpu.sem_alloc : memref<!tpu.dma_semaphore, #tpu.memory_space<semaphore_mem>>
      %dma_start3A_186 = arith.constant 0 : i32
      %dma_start3A_187 = tpu.memref_slice %arg3[%mul3A_2, %dma_start3A_186] : memref<2560x128xi32, #tpu.memory_space<hbm>> -> memref<16x128xi32, #tpu.memory_space<hbm>>
      %dma_start3A_188 = arith.constant 0 : i32
      %dma_start3A_189 = tpu.memref_slice %arg3[%mul3A_2, %dma_start3A_188] : memref<2560x128xi32, #tpu.memory_space<hbm>> -> memref<16x128xi32, #tpu.memory_space<hbm>>
      tpu.enqueue_dma source(%dma_start3A_189 : memref<16x128xi32, #tpu.memory_space<hbm>>) target(%arg7 : memref<16x128xi32, #tpu.memory_space<vmem>>) target_semaphore(%run_scoped3A : memref<!tpu.dma_semaphore, #tpu.memory_space<semaphore_mem>>)
      %dma_wait3A_190 = arith.constant 0 : i32
      %dma_wait3A_191 = tpu.memref_slice %arg3[%mul3A_2, %dma_wait3A_190] : memref<2560x128xi32, #tpu.memory_space<hbm>> -> memref<16x128xi32, #tpu.memory_space<hbm>>
      %dma_wait3A_192 = arith.constant 0 : i32
      %dma_wait3A_193 = tpu.memref_slice %arg3[%mul3A_2, %dma_wait3A_192] : memref<2560x128xi32, #tpu.memory_space<hbm>> -> memref<16x128xi32, #tpu.memory_space<hbm>>
      tpu.wait_dma2 semaphore(%run_scoped3A : memref<!tpu.dma_semaphore, #tpu.memory_space<semaphore_mem>>) src(%dma_wait3A_193 : memref<16x128xi32, #tpu.memory_space<hbm>>) dst(%arg7 : memref<16x128xi32, #tpu.memory_space<vmem>>)
      tpu.yield
    }) : () -> ()
    "tpu.region"() ({
      %run_scoped3A = tpu.sem_alloc : memref<!tpu.dma_semaphore, #tpu.memory_space<semaphore_mem>>
      %dma_start3A_186 = arith.constant 0 : i32
      %dma_start3A_187 = tpu.memref_slice %arg4[%mul3A_2, %dma_start3A_186] : memref<2560x128xi32, #tpu.memory_space<hbm>> -> memref<16x128xi32, #tpu.memory_space<hbm>>
      %dma_start3A_188 = arith.constant 0 : i32
      %dma_start3A_189 = tpu.memref_slice %arg4[%mul3A_2, %dma_start3A_188] : memref<2560x128xi32, #tpu.memory_space<hbm>> -> memref<16x128xi32, #tpu.memory_space<hbm>>
      tpu.enqueue_dma source(%dma_start3A_189 : memref<16x128xi32, #tpu.memory_space<hbm>>) target(%arg8 : memref<16x128xi32, #tpu.memory_space<vmem>>) target_semaphore(%run_scoped3A : memref<!tpu.dma_semaphore, #tpu.memory_space<semaphore_mem>>)
      %dma_wait3A_190 = arith.constant 0 : i32
      %dma_wait3A_191 = tpu.memref_slice %arg4[%mul3A_2, %dma_wait3A_190] : memref<2560x128xi32, #tpu.memory_space<hbm>> -> memref<16x128xi32, #tpu.memory_space<hbm>>
      %dma_wait3A_192 = arith.constant 0 : i32
      %dma_wait3A_193 = tpu.memref_slice %arg4[%mul3A_2, %dma_wait3A_192] : memref<2560x128xi32, #tpu.memory_space<hbm>> -> memref<16x128xi32, #tpu.memory_space<hbm>>
      tpu.wait_dma2 semaphore(%run_scoped3A : memref<!tpu.dma_semaphore, #tpu.memory_space<semaphore_mem>>) src(%dma_wait3A_193 : memref<16x128xi32, #tpu.memory_space<hbm>>) dst(%arg8 : memref<16x128xi32, #tpu.memory_space<vmem>>)
      tpu.yield
    }) : () -> ()
    %barrier3A = arith.constant 0 : index
    tpu.barrier barrier_id(%barrier3A)
    %add3A_7 = arith.constant 16 : i32
    %add3A_8 = arith.addi %mul3A_2, %add3A_7 : i32
    %dma_start3A = arith.constant 0 : i32
    %dma_start3A_9 = tpu.memref_slice %arg3[%add3A_8, %dma_start3A] : memref<2560x128xi32, #tpu.memory_space<hbm>> -> memref<16x128xi32, #tpu.memory_space<hbm>>
    %dma_start3A_10 = arith.constant 0 : i32
    %dma_start3A_11 = tpu.memref_slice %arg3[%add3A_8, %dma_start3A_10] : memref<2560x128xi32, #tpu.memory_space<hbm>> -> memref<16x128xi32, #tpu.memory_space<hbm>>
    tpu.enqueue_dma source(%dma_start3A_11 : memref<16x128xi32, #tpu.memory_space<hbm>>) target(%arg9 : memref<16x128xi32, #tpu.memory_space<vmem>>) target_semaphore(%arg18 : memref<!tpu.dma_semaphore, #tpu.memory_space<semaphore_mem>>)
    %dma_start3A_12 = arith.constant 0 : i32
    %dma_start3A_13 = tpu.memref_slice %arg4[%add3A_8, %dma_start3A_12] : memref<2560x128xi32, #tpu.memory_space<hbm>> -> memref<16x128xi32, #tpu.memory_space<hbm>>
    %dma_start3A_14 = arith.constant 0 : i32
    %dma_start3A_15 = tpu.memref_slice %arg4[%add3A_8, %dma_start3A_14] : memref<2560x128xi32, #tpu.memory_space<hbm>> -> memref<16x128xi32, #tpu.memory_space<hbm>>
    tpu.enqueue_dma source(%dma_start3A_15 : memref<16x128xi32, #tpu.memory_space<hbm>>) target(%arg10 : memref<16x128xi32, #tpu.memory_space<vmem>>) target_semaphore(%arg18 : memref<!tpu.dma_semaphore, #tpu.memory_space<semaphore_mem>>)
    %scan3A = arith.constant 0 : i32
    %scan3A_16 = arith.constant 0 : i32
    %scan3A_17 = arith.constant 8 : i32
    %scan3A_18 = arith.addi %scan3A_16, %scan3A_17 : i32
    %scan3A_19 = arith.constant 1 : i32
    %scan3A_20 = scf.for %scan3A_186 = %scan3A_16 to %scan3A_18 step %scan3A_19 iter_args(%scan3A_187 = %scan3A) -> (i32)  : i32 {
      %mul3A_188 = arith.constant 2 : i32
      %mul3A_189 = arith.muli %mul3A_188, %scan3A_186 : i32
      %gt3A = arith.constant 0 : i32
      %gt3A_190 = arith.cmpi sgt, %scan3A_186, %gt3A : i32
      %convert_element_type3A = arith.extui %gt3A_190 : i1 to i32
      %cond3A = arith.constant 0 : i32
      %cond3A_191 = arith.cmpi ne, %convert_element_type3A, %cond3A : i32
      scf.if %cond3A_191 {
        %dma_wait3A_233 = arith.constant 0 : i32
        %dma_wait3A_234 = tpu.memref_slice %arg8[%mul3A_189, %dma_wait3A_233] : memref<16x128xi32, #tpu.memory_space<vmem>> -> memref<1x128xi32, #tpu.memory_space<vmem>>
        %dma_wait3A_235 = tpu.memref_squeeze %dma_wait3A_234 : memref<1x128xi32, #tpu.memory_space<vmem>> -> memref<128xi32, #tpu.memory_space<vmem>>
        %dma_wait3A_236 = arith.constant 0 : i32
        %dma_wait3A_237 = arith.constant 0 : i32
        %dma_wait3A_238 = tpu.memref_slice %arg13[%dma_wait3A_236, %dma_wait3A_237] : memref<10112x128xf32, #tpu.memory_space<vmem_shared>> -> memref<10112x128xf32, #tpu.memory_space<vmem_shared>>
        tpu.wait_indirect_dma semaphore(%arg16 : memref<!tpu.dma_semaphore, #tpu.memory_space<semaphore_mem>>) src(%arg11 : memref<128x128xf32, #tpu.memory_space<vmem>>) dst(%dma_wait3A_238 : memref<10112x128xf32, #tpu.memory_space<vmem_shared>>)
        %dma_wait3A_239 = arith.constant 0 : i32
        %dma_wait3A_240 = tpu.memref_slice %arg8[%mul3A_189, %dma_wait3A_239] : memref<16x128xi32, #tpu.memory_space<vmem>> -> memref<1x128xi32, #tpu.memory_space<vmem>>
        %dma_wait3A_241 = tpu.memref_squeeze %dma_wait3A_240 : memref<1x128xi32, #tpu.memory_space<vmem>> -> memref<128xi32, #tpu.memory_space<vmem>>
        %dma_wait3A_242 = arith.constant 0 : i32
        %dma_wait3A_243 = arith.constant 0 : i32
        %dma_wait3A_244 = tpu.memref_slice %arg13[%dma_wait3A_242, %dma_wait3A_243] : memref<10112x128xf32, #tpu.memory_space<vmem_shared>> -> memref<10112x128xf32, #tpu.memory_space<vmem_shared>>
        tpu.wait_indirect_dma semaphore(%arg17 : memref<!tpu.dma_semaphore, #tpu.memory_space<semaphore_mem>>) src(%arg12 : memref<128x128xf32, #tpu.memory_space<vmem>>) dst(%dma_wait3A_244 : memref<10112x128xf32, #tpu.memory_space<vmem_shared>>)
      } else {
      }
      %dma_start3A_192 = arith.constant 0 : i32
      %dma_start3A_193 = tpu.memref_slice %arg7[%mul3A_189, %dma_start3A_192] : memref<16x128xi32, #tpu.memory_space<vmem>> -> memref<1x128xi32, #tpu.memory_space<vmem>>
      %dma_start3A_194 = tpu.memref_squeeze %dma_start3A_193 : memref<1x128xi32, #tpu.memory_space<vmem>> -> memref<128xi32, #tpu.memory_space<vmem>>
      %dma_start3A_195 = arith.constant 0 : i32
      %dma_start3A_196 = arith.constant 0 : i32
      %dma_start3A_197 = tpu.memref_slice %arg2[%dma_start3A_195, %dma_start3A_196] : memref<10000x128xf32, #tpu.memory_space<hbm>> -> memref<10000x128xf32, #tpu.memory_space<hbm>>
      tpu.enqueue_indirect_dma source(%dma_start3A_197 : memref<10000x128xf32, #tpu.memory_space<hbm>>) target(%arg11 : memref<128x128xf32, #tpu.memory_space<vmem>>) offsets(%dma_start3A_194 : memref<128xi32, #tpu.memory_space<vmem>>) semaphore(%arg14 : memref<!tpu.dma_semaphore, #tpu.memory_space<semaphore_mem>>)
      %add3A_198 = arith.constant 1 : i32
      %add3A_199 = arith.addi %mul3A_189, %add3A_198 : i32
      %dma_start3A_200 = arith.constant 0 : i32
      %dma_start3A_201 = tpu.memref_slice %arg7[%add3A_199, %dma_start3A_200] : memref<16x128xi32, #tpu.memory_space<vmem>> -> memref<1x128xi32, #tpu.memory_space<vmem>>
      %dma_start3A_202 = tpu.memref_squeeze %dma_start3A_201 : memref<1x128xi32, #tpu.memory_space<vmem>> -> memref<128xi32, #tpu.memory_space<vmem>>
      %dma_start3A_203 = arith.constant 0 : i32
      %dma_start3A_204 = arith.constant 0 : i32
      %dma_start3A_205 = tpu.memref_slice %arg2[%dma_start3A_203, %dma_start3A_204] : memref<10000x128xf32, #tpu.memory_space<hbm>> -> memref<10000x128xf32, #tpu.memory_space<hbm>>
      tpu.enqueue_indirect_dma source(%dma_start3A_205 : memref<10000x128xf32, #tpu.memory_space<hbm>>) target(%arg12 : memref<128x128xf32, #tpu.memory_space<vmem>>) offsets(%dma_start3A_202 : memref<128xi32, #tpu.memory_space<vmem>>) semaphore(%arg15 : memref<!tpu.dma_semaphore, #tpu.memory_space<semaphore_mem>>)
      %dma_wait3A_206 = arith.constant 0 : i32
      %dma_wait3A_207 = tpu.memref_slice %arg7[%mul3A_189, %dma_wait3A_206] : memref<16x128xi32, #tpu.memory_space<vmem>> -> memref<1x128xi32, #tpu.memory_space<vmem>>
      %dma_wait3A_208 = tpu.memref_squeeze %dma_wait3A_207 : memref<1x128xi32, #tpu.memory_space<vmem>> -> memref<128xi32, #tpu.memory_space<vmem>>
      %dma_wait3A_209 = arith.constant 0 : i32
      %dma_wait3A_210 = arith.constant 0 : i32
      %dma_wait3A_211 = tpu.memref_slice %arg2[%dma_wait3A_209, %dma_wait3A_210] : memref<10000x128xf32, #tpu.memory_space<hbm>> -> memref<10000x128xf32, #tpu.memory_space<hbm>>
      tpu.wait_indirect_dma semaphore(%arg14 : memref<!tpu.dma_semaphore, #tpu.memory_space<semaphore_mem>>) src(%dma_wait3A_211 : memref<10000x128xf32, #tpu.memory_space<hbm>>) dst(%arg11 : memref<128x128xf32, #tpu.memory_space<vmem>>)
      %dma_start3A_212 = arith.constant 0 : i32
      %dma_start3A_213 = tpu.memref_slice %arg8[%mul3A_189, %dma_start3A_212] : memref<16x128xi32, #tpu.memory_space<vmem>> -> memref<1x128xi32, #tpu.memory_space<vmem>>
      %dma_start3A_214 = tpu.memref_squeeze %dma_start3A_213 : memref<1x128xi32, #tpu.memory_space<vmem>> -> memref<128xi32, #tpu.memory_space<vmem>>
      %dma_start3A_215 = arith.constant 0 : i32
      %dma_start3A_216 = arith.constant 0 : i32
      %dma_start3A_217 = tpu.memref_slice %arg13[%dma_start3A_215, %dma_start3A_216] : memref<10112x128xf32, #tpu.memory_space<vmem_shared>> -> memref<10112x128xf32, #tpu.memory_space<vmem_shared>>
      tpu.enqueue_indirect_dma source(%arg11 : memref<128x128xf32, #tpu.memory_space<vmem>>) target(%dma_start3A_217 : memref<10112x128xf32, #tpu.memory_space<vmem_shared>>) offsets(%dma_start3A_214 : memref<128xi32, #tpu.memory_space<vmem>>) semaphore(%arg16 : memref<!tpu.dma_semaphore, #tpu.memory_space<semaphore_mem>>) {add = true}
      %dma_wait3A_218 = arith.constant 0 : i32
      %dma_wait3A_219 = tpu.memref_slice %arg7[%add3A_199, %dma_wait3A_218] : memref<16x128xi32, #tpu.memory_space<vmem>> -> memref<1x128xi32, #tpu.memory_space<vmem>>
      %dma_wait3A_220 = tpu.memref_squeeze %dma_wait3A_219 : memref<1x128xi32, #tpu.memory_space<vmem>> -> memref<128xi32, #tpu.memory_space<vmem>>
      %dma_wait3A_221 = arith.constant 0 : i32
      %dma_wait3A_222 = arith.constant 0 : i32
      %dma_wait3A_223 = tpu.memref_slice %arg2[%dma_wait3A_221, %dma_wait3A_222] : memref<10000x128xf32, #tpu.memory_space<hbm>> -> memref<10000x128xf32, #tpu.memory_space<hbm>>
      tpu.wait_indirect_dma semaphore(%arg15 : memref<!tpu.dma_semaphore, #tpu.memory_space<semaphore_mem>>) src(%dma_wait3A_223 : memref<10000x128xf32, #tpu.memory_space<hbm>>) dst(%arg12 : memref<128x128xf32, #tpu.memory_space<vmem>>)
      %add3A_224 = arith.constant 1 : i32
      %add3A_225 = arith.addi %mul3A_189, %add3A_224 : i32
      %dma_start3A_226 = arith.constant 0 : i32
      %dma_start3A_227 = tpu.memref_slice %arg8[%add3A_225, %dma_start3A_226] : memref<16x128xi32, #tpu.memory_space<vmem>> -> memref<1x128xi32, #tpu.memory_space<vmem>>
      %dma_start3A_228 = tpu.memref_squeeze %dma_start3A_227 : memref<1x128xi32, #tpu.memory_space<vmem>> -> memref<128xi32, #tpu.memory_space<vmem>>
      %dma_start3A_229 = arith.constant 0 : i32
      %dma_start3A_230 = arith.constant 0 : i32
      %dma_start3A_231 = tpu.memref_slice %arg13[%dma_start3A_229, %dma_start3A_230] : memref<10112x128xf32, #tpu.memory_space<vmem_shared>> -> memref<10112x128xf32, #tpu.memory_space<vmem_shared>>
      tpu.enqueue_indirect_dma source(%arg12 : memref<128x128xf32, #tpu.memory_space<vmem>>) target(%dma_start3A_231 : memref<10112x128xf32, #tpu.memory_space<vmem_shared>>) offsets(%dma_start3A_228 : memref<128xi32, #tpu.memory_space<vmem>>) semaphore(%arg17 : memref<!tpu.dma_semaphore, #tpu.memory_space<semaphore_mem>>) {add = true}
      %scan3A_232 = arith.constant 0 : i32
      scf.yield %scan3A_232 : i32
    }
    %scan3A_21 = arith.constant 8 : i32
    %dma_wait3A = arith.constant 0 : i32
    %dma_wait3A_22 = tpu.memref_slice %arg3[%add3A_8, %dma_wait3A] : memref<2560x128xi32, #tpu.memory_space<hbm>> -> memref<16x128xi32, #tpu.memory_space<hbm>>
    %dma_wait3A_23 = arith.constant 0 : i32
    %dma_wait3A_24 = tpu.memref_slice %arg3[%add3A_8, %dma_wait3A_23] : memref<2560x128xi32, #tpu.memory_space<hbm>> -> memref<16x128xi32, #tpu.memory_space<hbm>>
    tpu.wait_dma2 semaphore(%arg18 : memref<!tpu.dma_semaphore, #tpu.memory_space<semaphore_mem>>) src(%dma_wait3A_24 : memref<16x128xi32, #tpu.memory_space<hbm>>) dst(%arg9 : memref<16x128xi32, #tpu.memory_space<vmem>>)
    %dma_wait3A_25 = arith.constant 0 : i32
    %dma_wait3A_26 = tpu.memref_slice %arg4[%add3A_8, %dma_wait3A_25] : memref<2560x128xi32, #tpu.memory_space<hbm>> -> memref<16x128xi32, #tpu.memory_space<hbm>>
    %dma_wait3A_27 = arith.constant 0 : i32
    %dma_wait3A_28 = tpu.memref_slice %arg4[%add3A_8, %dma_wait3A_27] : memref<2560x128xi32, #tpu.memory_space<hbm>> -> memref<16x128xi32, #tpu.memory_space<hbm>>
    tpu.wait_dma2 semaphore(%arg18 : memref<!tpu.dma_semaphore, #tpu.memory_space<semaphore_mem>>) src(%dma_wait3A_28 : memref<16x128xi32, #tpu.memory_space<hbm>>) dst(%arg10 : memref<16x128xi32, #tpu.memory_space<vmem>>)
    %dma_wait3A_29 = arith.constant 0 : i32
    %dma_wait3A_30 = arith.constant 0 : i32
    %dma_wait3A_31 = tpu.memref_slice %arg10[%dma_wait3A_29, %dma_wait3A_30] : memref<16x128xi32, #tpu.memory_space<vmem>> -> memref<1x128xi32, #tpu.memory_space<vmem>>
    %dma_wait3A_32 = tpu.memref_squeeze %dma_wait3A_31 : memref<1x128xi32, #tpu.memory_space<vmem>> -> memref<128xi32, #tpu.memory_space<vmem>>
    %dma_wait3A_33 = arith.constant 0 : i32
    %dma_wait3A_34 = arith.constant 0 : i32
    %dma_wait3A_35 = tpu.memref_slice %arg13[%dma_wait3A_33, %dma_wait3A_34] : memref<10112x128xf32, #tpu.memory_space<vmem_shared>> -> memref<10112x128xf32, #tpu.memory_space<vmem_shared>>
    tpu.wait_indirect_dma semaphore(%arg16 : memref<!tpu.dma_semaphore, #tpu.memory_space<semaphore_mem>>) src(%arg11 : memref<128x128xf32, #tpu.memory_space<vmem>>) dst(%dma_wait3A_35 : memref<10112x128xf32, #tpu.memory_space<vmem_shared>>)
    %dma_wait3A_36 = arith.constant 0 : i32
    %dma_wait3A_37 = arith.constant 0 : i32
    %dma_wait3A_38 = tpu.memref_slice %arg10[%dma_wait3A_36, %dma_wait3A_37] : memref<16x128xi32, #tpu.memory_space<vmem>> -> memref<1x128xi32, #tpu.memory_space<vmem>>
    %dma_wait3A_39 = tpu.memref_squeeze %dma_wait3A_38 : memref<1x128xi32, #tpu.memory_space<vmem>> -> memref<128xi32, #tpu.memory_space<vmem>>
    %dma_wait3A_40 = arith.constant 0 : i32
    %dma_wait3A_41 = arith.constant 0 : i32
    %dma_wait3A_42 = tpu.memref_slice %arg13[%dma_wait3A_40, %dma_wait3A_41] : memref<10112x128xf32, #tpu.memory_space<vmem_shared>> -> memref<10112x128xf32, #tpu.memory_space<vmem_shared>>
    tpu.wait_indirect_dma semaphore(%arg17 : memref<!tpu.dma_semaphore, #tpu.memory_space<semaphore_mem>>) src(%arg12 : memref<128x128xf32, #tpu.memory_space<vmem>>) dst(%dma_wait3A_42 : memref<10112x128xf32, #tpu.memory_space<vmem_shared>>)
    %add3A_43 = arith.constant 32 : i32
    %add3A_44 = arith.addi %mul3A_2, %add3A_43 : i32
    %dma_start3A_45 = arith.constant 0 : i32
    %dma_start3A_46 = tpu.memref_slice %arg3[%add3A_44, %dma_start3A_45] : memref<2560x128xi32, #tpu.memory_space<hbm>> -> memref<16x128xi32, #tpu.memory_space<hbm>>
    %dma_start3A_47 = arith.constant 0 : i32
    %dma_start3A_48 = tpu.memref_slice %arg3[%add3A_44, %dma_start3A_47] : memref<2560x128xi32, #tpu.memory_space<hbm>> -> memref<16x128xi32, #tpu.memory_space<hbm>>
    tpu.enqueue_dma source(%dma_start3A_48 : memref<16x128xi32, #tpu.memory_space<hbm>>) target(%arg7 : memref<16x128xi32, #tpu.memory_space<vmem>>) target_semaphore(%arg18 : memref<!tpu.dma_semaphore, #tpu.memory_space<semaphore_mem>>)
    %dma_start3A_49 = arith.constant 0 : i32
    %dma_start3A_50 = tpu.memref_slice %arg4[%add3A_44, %dma_start3A_49] : memref<2560x128xi32, #tpu.memory_space<hbm>> -> memref<16x128xi32, #tpu.memory_space<hbm>>
    %dma_start3A_51 = arith.constant 0 : i32
    %dma_start3A_52 = tpu.memref_slice %arg4[%add3A_44, %dma_start3A_51] : memref<2560x128xi32, #tpu.memory_space<hbm>> -> memref<16x128xi32, #tpu.memory_space<hbm>>
    tpu.enqueue_dma source(%dma_start3A_52 : memref<16x128xi32, #tpu.memory_space<hbm>>) target(%arg8 : memref<16x128xi32, #tpu.memory_space<vmem>>) target_semaphore(%arg18 : memref<!tpu.dma_semaphore, #tpu.memory_space<semaphore_mem>>)
    %scan3A_53 = arith.constant 0 : i32
    %scan3A_54 = arith.constant 0 : i32
    %scan3A_55 = arith.constant 8 : i32
    %scan3A_56 = arith.addi %scan3A_54, %scan3A_55 : i32
    %scan3A_57 = arith.constant 1 : i32
    %scan3A_58 = scf.for %scan3A_186 = %scan3A_54 to %scan3A_56 step %scan3A_57 iter_args(%scan3A_187 = %scan3A_53) -> (i32)  : i32 {
      %mul3A_188 = arith.constant 2 : i32
      %mul3A_189 = arith.muli %mul3A_188, %scan3A_186 : i32
      %gt3A = arith.constant 0 : i32
      %gt3A_190 = arith.cmpi sgt, %scan3A_186, %gt3A : i32
      %convert_element_type3A = arith.extui %gt3A_190 : i1 to i32
      %cond3A = arith.constant 0 : i32
      %cond3A_191 = arith.cmpi ne, %convert_element_type3A, %cond3A : i32
      scf.if %cond3A_191 {
        %dma_wait3A_233 = arith.constant 0 : i32
        %dma_wait3A_234 = tpu.memref_slice %arg10[%mul3A_189, %dma_wait3A_233] : memref<16x128xi32, #tpu.memory_space<vmem>> -> memref<1x128xi32, #tpu.memory_space<vmem>>
        %dma_wait3A_235 = tpu.memref_squeeze %dma_wait3A_234 : memref<1x128xi32, #tpu.memory_space<vmem>> -> memref<128xi32, #tpu.memory_space<vmem>>
        %dma_wait3A_236 = arith.constant 0 : i32
        %dma_wait3A_237 = arith.constant 0 : i32
        %dma_wait3A_238 = tpu.memref_slice %arg13[%dma_wait3A_236, %dma_wait3A_237] : memref<10112x128xf32, #tpu.memory_space<vmem_shared>> -> memref<10112x128xf32, #tpu.memory_space<vmem_shared>>
        tpu.wait_indirect_dma semaphore(%arg16 : memref<!tpu.dma_semaphore, #tpu.memory_space<semaphore_mem>>) src(%arg11 : memref<128x128xf32, #tpu.memory_space<vmem>>) dst(%dma_wait3A_238 : memref<10112x128xf32, #tpu.memory_space<vmem_shared>>)
        %dma_wait3A_239 = arith.constant 0 : i32
        %dma_wait3A_240 = tpu.memref_slice %arg10[%mul3A_189, %dma_wait3A_239] : memref<16x128xi32, #tpu.memory_space<vmem>> -> memref<1x128xi32, #tpu.memory_space<vmem>>
        %dma_wait3A_241 = tpu.memref_squeeze %dma_wait3A_240 : memref<1x128xi32, #tpu.memory_space<vmem>> -> memref<128xi32, #tpu.memory_space<vmem>>
        %dma_wait3A_242 = arith.constant 0 : i32
        %dma_wait3A_243 = arith.constant 0 : i32
        %dma_wait3A_244 = tpu.memref_slice %arg13[%dma_wait3A_242, %dma_wait3A_243] : memref<10112x128xf32, #tpu.memory_space<vmem_shared>> -> memref<10112x128xf32, #tpu.memory_space<vmem_shared>>
        tpu.wait_indirect_dma semaphore(%arg17 : memref<!tpu.dma_semaphore, #tpu.memory_space<semaphore_mem>>) src(%arg12 : memref<128x128xf32, #tpu.memory_space<vmem>>) dst(%dma_wait3A_244 : memref<10112x128xf32, #tpu.memory_space<vmem_shared>>)
      } else {
      }
      %dma_start3A_192 = arith.constant 0 : i32
      %dma_start3A_193 = tpu.memref_slice %arg9[%mul3A_189, %dma_start3A_192] : memref<16x128xi32, #tpu.memory_space<vmem>> -> memref<1x128xi32, #tpu.memory_space<vmem>>
      %dma_start3A_194 = tpu.memref_squeeze %dma_start3A_193 : memref<1x128xi32, #tpu.memory_space<vmem>> -> memref<128xi32, #tpu.memory_space<vmem>>
      %dma_start3A_195 = arith.constant 0 : i32
      %dma_start3A_196 = arith.constant 0 : i32
      %dma_start3A_197 = tpu.memref_slice %arg2[%dma_start3A_195, %dma_start3A_196] : memref<10000x128xf32, #tpu.memory_space<hbm>> -> memref<10000x128xf32, #tpu.memory_space<hbm>>
      tpu.enqueue_indirect_dma source(%dma_start3A_197 : memref<10000x128xf32, #tpu.memory_space<hbm>>) target(%arg11 : memref<128x128xf32, #tpu.memory_space<vmem>>) offsets(%dma_start3A_194 : memref<128xi32, #tpu.memory_space<vmem>>) semaphore(%arg14 : memref<!tpu.dma_semaphore, #tpu.memory_space<semaphore_mem>>)
      %add3A_198 = arith.constant 1 : i32
      %add3A_199 = arith.addi %mul3A_189, %add3A_198 : i32
      %dma_start3A_200 = arith.constant 0 : i32
      %dma_start3A_201 = tpu.memref_slice %arg9[%add3A_199, %dma_start3A_200] : memref<16x128xi32, #tpu.memory_space<vmem>> -> memref<1x128xi32, #tpu.memory_space<vmem>>
      %dma_start3A_202 = tpu.memref_squeeze %dma_start3A_201 : memref<1x128xi32, #tpu.memory_space<vmem>> -> memref<128xi32, #tpu.memory_space<vmem>>
      %dma_start3A_203 = arith.constant 0 : i32
      %dma_start3A_204 = arith.constant 0 : i32
      %dma_start3A_205 = tpu.memref_slice %arg2[%dma_start3A_203, %dma_start3A_204] : memref<10000x128xf32, #tpu.memory_space<hbm>> -> memref<10000x128xf32, #tpu.memory_space<hbm>>
      tpu.enqueue_indirect_dma source(%dma_start3A_205 : memref<10000x128xf32, #tpu.memory_space<hbm>>) target(%arg12 : memref<128x128xf32, #tpu.memory_space<vmem>>) offsets(%dma_start3A_202 : memref<128xi32, #tpu.memory_space<vmem>>) semaphore(%arg15 : memref<!tpu.dma_semaphore, #tpu.memory_space<semaphore_mem>>)
      %dma_wait3A_206 = arith.constant 0 : i32
      %dma_wait3A_207 = tpu.memref_slice %arg9[%mul3A_189, %dma_wait3A_206] : memref<16x128xi32, #tpu.memory_space<vmem>> -> memref<1x128xi32, #tpu.memory_space<vmem>>
      %dma_wait3A_208 = tpu.memref_squeeze %dma_wait3A_207 : memref<1x128xi32, #tpu.memory_space<vmem>> -> memref<128xi32, #tpu.memory_space<vmem>>
      %dma_wait3A_209 = arith.constant 0 : i32
      %dma_wait3A_210 = arith.constant 0 : i32
      %dma_wait3A_211 = tpu.memref_slice %arg2[%dma_wait3A_209, %dma_wait3A_210] : memref<10000x128xf32, #tpu.memory_space<hbm>> -> memref<10000x128xf32, #tpu.memory_space<hbm>>
      tpu.wait_indirect_dma semaphore(%arg14 : memref<!tpu.dma_semaphore, #tpu.memory_space<semaphore_mem>>) src(%dma_wait3A_211 : memref<10000x128xf32, #tpu.memory_space<hbm>>) dst(%arg11 : memref<128x128xf32, #tpu.memory_space<vmem>>)
      %dma_start3A_212 = arith.constant 0 : i32
      %dma_start3A_213 = tpu.memref_slice %arg10[%mul3A_189, %dma_start3A_212] : memref<16x128xi32, #tpu.memory_space<vmem>> -> memref<1x128xi32, #tpu.memory_space<vmem>>
      %dma_start3A_214 = tpu.memref_squeeze %dma_start3A_213 : memref<1x128xi32, #tpu.memory_space<vmem>> -> memref<128xi32, #tpu.memory_space<vmem>>
      %dma_start3A_215 = arith.constant 0 : i32
      %dma_start3A_216 = arith.constant 0 : i32
      %dma_start3A_217 = tpu.memref_slice %arg13[%dma_start3A_215, %dma_start3A_216] : memref<10112x128xf32, #tpu.memory_space<vmem_shared>> -> memref<10112x128xf32, #tpu.memory_space<vmem_shared>>
      tpu.enqueue_indirect_dma source(%arg11 : memref<128x128xf32, #tpu.memory_space<vmem>>) target(%dma_start3A_217 : memref<10112x128xf32, #tpu.memory_space<vmem_shared>>) offsets(%dma_start3A_214 : memref<128xi32, #tpu.memory_space<vmem>>) semaphore(%arg16 : memref<!tpu.dma_semaphore, #tpu.memory_space<semaphore_mem>>) {add = true}
      %dma_wait3A_218 = arith.constant 0 : i32
      %dma_wait3A_219 = tpu.memref_slice %arg9[%add3A_199, %dma_wait3A_218] : memref<16x128xi32, #tpu.memory_space<vmem>> -> memref<1x128xi32, #tpu.memory_space<vmem>>
      %dma_wait3A_220 = tpu.memref_squeeze %dma_wait3A_219 : memref<1x128xi32, #tpu.memory_space<vmem>> -> memref<128xi32, #tpu.memory_space<vmem>>
      %dma_wait3A_221 = arith.constant 0 : i32
      %dma_wait3A_222 = arith.constant 0 : i32
      %dma_wait3A_223 = tpu.memref_slice %arg2[%dma_wait3A_221, %dma_wait3A_222] : memref<10000x128xf32, #tpu.memory_space<hbm>> -> memref<10000x128xf32, #tpu.memory_space<hbm>>
      tpu.wait_indirect_dma semaphore(%arg15 : memref<!tpu.dma_semaphore, #tpu.memory_space<semaphore_mem>>) src(%dma_wait3A_223 : memref<10000x128xf32, #tpu.memory_space<hbm>>) dst(%arg12 : memref<128x128xf32, #tpu.memory_space<vmem>>)
      %add3A_224 = arith.constant 1 : i32
      %add3A_225 = arith.addi %mul3A_189, %add3A_224 : i32
      %dma_start3A_226 = arith.constant 0 : i32
      %dma_start3A_227 = tpu.memref_slice %arg10[%add3A_225, %dma_start3A_226] : memref<16x128xi32, #tpu.memory_space<vmem>> -> memref<1x128xi32, #tpu.memory_space<vmem>>
      %dma_start3A_228 = tpu.memref_squeeze %dma_start3A_227 : memref<1x128xi32, #tpu.memory_space<vmem>> -> memref<128xi32, #tpu.memory_space<vmem>>
      %dma_start3A_229 = arith.constant 0 : i32
      %dma_start3A_230 = arith.constant 0 : i32
      %dma_start3A_231 = tpu.memref_slice %arg13[%dma_start3A_229, %dma_start3A_230] : memref<10112x128xf32, #tpu.memory_space<vmem_shared>> -> memref<10112x128xf32, #tpu.memory_space<vmem_shared>>
      tpu.enqueue_indirect_dma source(%arg12 : memref<128x128xf32, #tpu.memory_space<vmem>>) target(%dma_start3A_231 : memref<10112x128xf32, #tpu.memory_space<vmem_shared>>) offsets(%dma_start3A_228 : memref<128xi32, #tpu.memory_space<vmem>>) semaphore(%arg17 : memref<!tpu.dma_semaphore, #tpu.memory_space<semaphore_mem>>) {add = true}
      %scan3A_232 = arith.constant 0 : i32
      scf.yield %scan3A_232 : i32
    }
    %scan3A_59 = arith.constant 8 : i32
    %dma_wait3A_60 = arith.constant 0 : i32
    %dma_wait3A_61 = tpu.memref_slice %arg3[%add3A_44, %dma_wait3A_60] : memref<2560x128xi32, #tpu.memory_space<hbm>> -> memref<16x128xi32, #tpu.memory_space<hbm>>
    %dma_wait3A_62 = arith.constant 0 : i32
    %dma_wait3A_63 = tpu.memref_slice %arg3[%add3A_44, %dma_wait3A_62] : memref<2560x128xi32, #tpu.memory_space<hbm>> -> memref<16x128xi32, #tpu.memory_space<hbm>>
    tpu.wait_dma2 semaphore(%arg18 : memref<!tpu.dma_semaphore, #tpu.memory_space<semaphore_mem>>) src(%dma_wait3A_63 : memref<16x128xi32, #tpu.memory_space<hbm>>) dst(%arg7 : memref<16x128xi32, #tpu.memory_space<vmem>>)
    %dma_wait3A_64 = arith.constant 0 : i32
    %dma_wait3A_65 = tpu.memref_slice %arg4[%add3A_44, %dma_wait3A_64] : memref<2560x128xi32, #tpu.memory_space<hbm>> -> memref<16x128xi32, #tpu.memory_space<hbm>>
    %dma_wait3A_66 = arith.constant 0 : i32
    %dma_wait3A_67 = tpu.memref_slice %arg4[%add3A_44, %dma_wait3A_66] : memref<2560x128xi32, #tpu.memory_space<hbm>> -> memref<16x128xi32, #tpu.memory_space<hbm>>
    tpu.wait_dma2 semaphore(%arg18 : memref<!tpu.dma_semaphore, #tpu.memory_space<semaphore_mem>>) src(%dma_wait3A_67 : memref<16x128xi32, #tpu.memory_space<hbm>>) dst(%arg8 : memref<16x128xi32, #tpu.memory_space<vmem>>)
    %dma_wait3A_68 = arith.constant 0 : i32
    %dma_wait3A_69 = arith.constant 0 : i32
    %dma_wait3A_70 = tpu.memref_slice %arg8[%dma_wait3A_68, %dma_wait3A_69] : memref<16x128xi32, #tpu.memory_space<vmem>> -> memref<1x128xi32, #tpu.memory_space<vmem>>
    %dma_wait3A_71 = tpu.memref_squeeze %dma_wait3A_70 : memref<1x128xi32, #tpu.memory_space<vmem>> -> memref<128xi32, #tpu.memory_space<vmem>>
    %dma_wait3A_72 = arith.constant 0 : i32
    %dma_wait3A_73 = arith.constant 0 : i32
    %dma_wait3A_74 = tpu.memref_slice %arg13[%dma_wait3A_72, %dma_wait3A_73] : memref<10112x128xf32, #tpu.memory_space<vmem_shared>> -> memref<10112x128xf32, #tpu.memory_space<vmem_shared>>
    tpu.wait_indirect_dma semaphore(%arg16 : memref<!tpu.dma_semaphore, #tpu.memory_space<semaphore_mem>>) src(%arg11 : memref<128x128xf32, #tpu.memory_space<vmem>>) dst(%dma_wait3A_74 : memref<10112x128xf32, #tpu.memory_space<vmem_shared>>)
    %dma_wait3A_75 = arith.constant 0 : i32
    %dma_wait3A_76 = arith.constant 0 : i32
    %dma_wait3A_77 = tpu.memref_slice %arg8[%dma_wait3A_75, %dma_wait3A_76] : memref<16x128xi32, #tpu.memory_space<vmem>> -> memref<1x128xi32, #tpu.memory_space<vmem>>
    %dma_wait3A_78 = tpu.memref_squeeze %dma_wait3A_77 : memref<1x128xi32, #tpu.memory_space<vmem>> -> memref<128xi32, #tpu.memory_space<vmem>>
    %dma_wait3A_79 = arith.constant 0 : i32
    %dma_wait3A_80 = arith.constant 0 : i32
    %dma_wait3A_81 = tpu.memref_slice %arg13[%dma_wait3A_79, %dma_wait3A_80] : memref<10112x128xf32, #tpu.memory_space<vmem_shared>> -> memref<10112x128xf32, #tpu.memory_space<vmem_shared>>
    tpu.wait_indirect_dma semaphore(%arg17 : memref<!tpu.dma_semaphore, #tpu.memory_space<semaphore_mem>>) src(%arg12 : memref<128x128xf32, #tpu.memory_space<vmem>>) dst(%dma_wait3A_81 : memref<10112x128xf32, #tpu.memory_space<vmem_shared>>)
    %add3A_82 = arith.constant 48 : i32
    %add3A_83 = arith.addi %mul3A_2, %add3A_82 : i32
    %dma_start3A_84 = arith.constant 0 : i32
    %dma_start3A_85 = tpu.memref_slice %arg3[%add3A_83, %dma_start3A_84] : memref<2560x128xi32, #tpu.memory_space<hbm>> -> memref<16x128xi32, #tpu.memory_space<hbm>>
    %dma_start3A_86 = arith.constant 0 : i32
    %dma_start3A_87 = tpu.memref_slice %arg3[%add3A_83, %dma_start3A_86] : memref<2560x128xi32, #tpu.memory_space<hbm>> -> memref<16x128xi32, #tpu.memory_space<hbm>>
    tpu.enqueue_dma source(%dma_start3A_87 : memref<16x128xi32, #tpu.memory_space<hbm>>) target(%arg9 : memref<16x128xi32, #tpu.memory_space<vmem>>) target_semaphore(%arg18 : memref<!tpu.dma_semaphore, #tpu.memory_space<semaphore_mem>>)
    %dma_start3A_88 = arith.constant 0 : i32
    %dma_start3A_89 = tpu.memref_slice %arg4[%add3A_83, %dma_start3A_88] : memref<2560x128xi32, #tpu.memory_space<hbm>> -> memref<16x128xi32, #tpu.memory_space<hbm>>
    %dma_start3A_90 = arith.constant 0 : i32
    %dma_start3A_91 = tpu.memref_slice %arg4[%add3A_83, %dma_start3A_90] : memref<2560x128xi32, #tpu.memory_space<hbm>> -> memref<16x128xi32, #tpu.memory_space<hbm>>
    tpu.enqueue_dma source(%dma_start3A_91 : memref<16x128xi32, #tpu.memory_space<hbm>>) target(%arg10 : memref<16x128xi32, #tpu.memory_space<vmem>>) target_semaphore(%arg18 : memref<!tpu.dma_semaphore, #tpu.memory_space<semaphore_mem>>)
    %scan3A_92 = arith.constant 0 : i32
    %scan3A_93 = arith.constant 0 : i32
    %scan3A_94 = arith.constant 8 : i32
    %scan3A_95 = arith.addi %scan3A_93, %scan3A_94 : i32
    %scan3A_96 = arith.constant 1 : i32
    %scan3A_97 = scf.for %scan3A_186 = %scan3A_93 to %scan3A_95 step %scan3A_96 iter_args(%scan3A_187 = %scan3A_92) -> (i32)  : i32 {
      %mul3A_188 = arith.constant 2 : i32
      %mul3A_189 = arith.muli %mul3A_188, %scan3A_186 : i32
      %gt3A = arith.constant 0 : i32
      %gt3A_190 = arith.cmpi sgt, %scan3A_186, %gt3A : i32
      %convert_element_type3A = arith.extui %gt3A_190 : i1 to i32
      %cond3A = arith.constant 0 : i32
      %cond3A_191 = arith.cmpi ne, %convert_element_type3A, %cond3A : i32
      scf.if %cond3A_191 {
        %dma_wait3A_233 = arith.constant 0 : i32
        %dma_wait3A_234 = tpu.memref_slice %arg8[%mul3A_189, %dma_wait3A_233] : memref<16x128xi32, #tpu.memory_space<vmem>> -> memref<1x128xi32, #tpu.memory_space<vmem>>
        %dma_wait3A_235 = tpu.memref_squeeze %dma_wait3A_234 : memref<1x128xi32, #tpu.memory_space<vmem>> -> memref<128xi32, #tpu.memory_space<vmem>>
        %dma_wait3A_236 = arith.constant 0 : i32
        %dma_wait3A_237 = arith.constant 0 : i32
        %dma_wait3A_238 = tpu.memref_slice %arg13[%dma_wait3A_236, %dma_wait3A_237] : memref<10112x128xf32, #tpu.memory_space<vmem_shared>> -> memref<10112x128xf32, #tpu.memory_space<vmem_shared>>
        tpu.wait_indirect_dma semaphore(%arg16 : memref<!tpu.dma_semaphore, #tpu.memory_space<semaphore_mem>>) src(%arg11 : memref<128x128xf32, #tpu.memory_space<vmem>>) dst(%dma_wait3A_238 : memref<10112x128xf32, #tpu.memory_space<vmem_shared>>)
        %dma_wait3A_239 = arith.constant 0 : i32
        %dma_wait3A_240 = tpu.memref_slice %arg8[%mul3A_189, %dma_wait3A_239] : memref<16x128xi32, #tpu.memory_space<vmem>> -> memref<1x128xi32, #tpu.memory_space<vmem>>
        %dma_wait3A_241 = tpu.memref_squeeze %dma_wait3A_240 : memref<1x128xi32, #tpu.memory_space<vmem>> -> memref<128xi32, #tpu.memory_space<vmem>>
        %dma_wait3A_242 = arith.constant 0 : i32
        %dma_wait3A_243 = arith.constant 0 : i32
        %dma_wait3A_244 = tpu.memref_slice %arg13[%dma_wait3A_242, %dma_wait3A_243] : memref<10112x128xf32, #tpu.memory_space<vmem_shared>> -> memref<10112x128xf32, #tpu.memory_space<vmem_shared>>
        tpu.wait_indirect_dma semaphore(%arg17 : memref<!tpu.dma_semaphore, #tpu.memory_space<semaphore_mem>>) src(%arg12 : memref<128x128xf32, #tpu.memory_space<vmem>>) dst(%dma_wait3A_244 : memref<10112x128xf32, #tpu.memory_space<vmem_shared>>)
      } else {
      }
      %dma_start3A_192 = arith.constant 0 : i32
      %dma_start3A_193 = tpu.memref_slice %arg7[%mul3A_189, %dma_start3A_192] : memref<16x128xi32, #tpu.memory_space<vmem>> -> memref<1x128xi32, #tpu.memory_space<vmem>>
      %dma_start3A_194 = tpu.memref_squeeze %dma_start3A_193 : memref<1x128xi32, #tpu.memory_space<vmem>> -> memref<128xi32, #tpu.memory_space<vmem>>
      %dma_start3A_195 = arith.constant 0 : i32
      %dma_start3A_196 = arith.constant 0 : i32
      %dma_start3A_197 = tpu.memref_slice %arg2[%dma_start3A_195, %dma_start3A_196] : memref<10000x128xf32, #tpu.memory_space<hbm>> -> memref<10000x128xf32, #tpu.memory_space<hbm>>
      tpu.enqueue_indirect_dma source(%dma_start3A_197 : memref<10000x128xf32, #tpu.memory_space<hbm>>) target(%arg11 : memref<128x128xf32, #tpu.memory_space<vmem>>) offsets(%dma_start3A_194 : memref<128xi32, #tpu.memory_space<vmem>>) semaphore(%arg14 : memref<!tpu.dma_semaphore, #tpu.memory_space<semaphore_mem>>)
      %add3A_198 = arith.constant 1 : i32
      %add3A_199 = arith.addi %mul3A_189, %add3A_198 : i32
      %dma_start3A_200 = arith.constant 0 : i32
      %dma_start3A_201 = tpu.memref_slice %arg7[%add3A_199, %dma_start3A_200] : memref<16x128xi32, #tpu.memory_space<vmem>> -> memref<1x128xi32, #tpu.memory_space<vmem>>
      %dma_start3A_202 = tpu.memref_squeeze %dma_start3A_201 : memref<1x128xi32, #tpu.memory_space<vmem>> -> memref<128xi32, #tpu.memory_space<vmem>>
      %dma_start3A_203 = arith.constant 0 : i32
      %dma_start3A_204 = arith.constant 0 : i32
      %dma_start3A_205 = tpu.memref_slice %arg2[%dma_start3A_203, %dma_start3A_204] : memref<10000x128xf32, #tpu.memory_space<hbm>> -> memref<10000x128xf32, #tpu.memory_space<hbm>>
      tpu.enqueue_indirect_dma source(%dma_start3A_205 : memref<10000x128xf32, #tpu.memory_space<hbm>>) target(%arg12 : memref<128x128xf32, #tpu.memory_space<vmem>>) offsets(%dma_start3A_202 : memref<128xi32, #tpu.memory_space<vmem>>) semaphore(%arg15 : memref<!tpu.dma_semaphore, #tpu.memory_space<semaphore_mem>>)
      %dma_wait3A_206 = arith.constant 0 : i32
      %dma_wait3A_207 = tpu.memref_slice %arg7[%mul3A_189, %dma_wait3A_206] : memref<16x128xi32, #tpu.memory_space<vmem>> -> memref<1x128xi32, #tpu.memory_space<vmem>>
      %dma_wait3A_208 = tpu.memref_squeeze %dma_wait3A_207 : memref<1x128xi32, #tpu.memory_space<vmem>> -> memref<128xi32, #tpu.memory_space<vmem>>
      %dma_wait3A_209 = arith.constant 0 : i32
      %dma_wait3A_210 = arith.constant 0 : i32
      %dma_wait3A_211 = tpu.memref_slice %arg2[%dma_wait3A_209, %dma_wait3A_210] : memref<10000x128xf32, #tpu.memory_space<hbm>> -> memref<10000x128xf32, #tpu.memory_space<hbm>>
      tpu.wait_indirect_dma semaphore(%arg14 : memref<!tpu.dma_semaphore, #tpu.memory_space<semaphore_mem>>) src(%dma_wait3A_211 : memref<10000x128xf32, #tpu.memory_space<hbm>>) dst(%arg11 : memref<128x128xf32, #tpu.memory_space<vmem>>)
      %dma_start3A_212 = arith.constant 0 : i32
      %dma_start3A_213 = tpu.memref_slice %arg8[%mul3A_189, %dma_start3A_212] : memref<16x128xi32, #tpu.memory_space<vmem>> -> memref<1x128xi32, #tpu.memory_space<vmem>>
      %dma_start3A_214 = tpu.memref_squeeze %dma_start3A_213 : memref<1x128xi32, #tpu.memory_space<vmem>> -> memref<128xi32, #tpu.memory_space<vmem>>
      %dma_start3A_215 = arith.constant 0 : i32
      %dma_start3A_216 = arith.constant 0 : i32
      %dma_start3A_217 = tpu.memref_slice %arg13[%dma_start3A_215, %dma_start3A_216] : memref<10112x128xf32, #tpu.memory_space<vmem_shared>> -> memref<10112x128xf32, #tpu.memory_space<vmem_shared>>
      tpu.enqueue_indirect_dma source(%arg11 : memref<128x128xf32, #tpu.memory_space<vmem>>) target(%dma_start3A_217 : memref<10112x128xf32, #tpu.memory_space<vmem_shared>>) offsets(%dma_start3A_214 : memref<128xi32, #tpu.memory_space<vmem>>) semaphore(%arg16 : memref<!tpu.dma_semaphore, #tpu.memory_space<semaphore_mem>>) {add = true}
      %dma_wait3A_218 = arith.constant 0 : i32
      %dma_wait3A_219 = tpu.memref_slice %arg7[%add3A_199, %dma_wait3A_218] : memref<16x128xi32, #tpu.memory_space<vmem>> -> memref<1x128xi32, #tpu.memory_space<vmem>>
      %dma_wait3A_220 = tpu.memref_squeeze %dma_wait3A_219 : memref<1x128xi32, #tpu.memory_space<vmem>> -> memref<128xi32, #tpu.memory_space<vmem>>
      %dma_wait3A_221 = arith.constant 0 : i32
      %dma_wait3A_222 = arith.constant 0 : i32
      %dma_wait3A_223 = tpu.memref_slice %arg2[%dma_wait3A_221, %dma_wait3A_222] : memref<10000x128xf32, #tpu.memory_space<hbm>> -> memref<10000x128xf32, #tpu.memory_space<hbm>>
      tpu.wait_indirect_dma semaphore(%arg15 : memref<!tpu.dma_semaphore, #tpu.memory_space<semaphore_mem>>) src(%dma_wait3A_223 : memref<10000x128xf32, #tpu.memory_space<hbm>>) dst(%arg12 : memref<128x128xf32, #tpu.memory_space<vmem>>)
      %add3A_224 = arith.constant 1 : i32
      %add3A_225 = arith.addi %mul3A_189, %add3A_224 : i32
      %dma_start3A_226 = arith.constant 0 : i32
      %dma_start3A_227 = tpu.memref_slice %arg8[%add3A_225, %dma_start3A_226] : memref<16x128xi32, #tpu.memory_space<vmem>> -> memref<1x128xi32, #tpu.memory_space<vmem>>
      %dma_start3A_228 = tpu.memref_squeeze %dma_start3A_227 : memref<1x128xi32, #tpu.memory_space<vmem>> -> memref<128xi32, #tpu.memory_space<vmem>>
      %dma_start3A_229 = arith.constant 0 : i32
      %dma_start3A_230 = arith.constant 0 : i32
      %dma_start3A_231 = tpu.memref_slice %arg13[%dma_start3A_229, %dma_start3A_230] : memref<10112x128xf32, #tpu.memory_space<vmem_shared>> -> memref<10112x128xf32, #tpu.memory_space<vmem_shared>>
      tpu.enqueue_indirect_dma source(%arg12 : memref<128x128xf32, #tpu.memory_space<vmem>>) target(%dma_start3A_231 : memref<10112x128xf32, #tpu.memory_space<vmem_shared>>) offsets(%dma_start3A_228 : memref<128xi32, #tpu.memory_space<vmem>>) semaphore(%arg17 : memref<!tpu.dma_semaphore, #tpu.memory_space<semaphore_mem>>) {add = true}
      %scan3A_232 = arith.constant 0 : i32
      scf.yield %scan3A_232 : i32
    }
    %scan3A_98 = arith.constant 8 : i32
    %dma_wait3A_99 = arith.constant 0 : i32
    %dma_wait3A_100 = tpu.memref_slice %arg3[%add3A_83, %dma_wait3A_99] : memref<2560x128xi32, #tpu.memory_space<hbm>> -> memref<16x128xi32, #tpu.memory_space<hbm>>
    %dma_wait3A_101 = arith.constant 0 : i32
    %dma_wait3A_102 = tpu.memref_slice %arg3[%add3A_83, %dma_wait3A_101] : memref<2560x128xi32, #tpu.memory_space<hbm>> -> memref<16x128xi32, #tpu.memory_space<hbm>>
    tpu.wait_dma2 semaphore(%arg18 : memref<!tpu.dma_semaphore, #tpu.memory_space<semaphore_mem>>) src(%dma_wait3A_102 : memref<16x128xi32, #tpu.memory_space<hbm>>) dst(%arg9 : memref<16x128xi32, #tpu.memory_space<vmem>>)
    %dma_wait3A_103 = arith.constant 0 : i32
    %dma_wait3A_104 = tpu.memref_slice %arg4[%add3A_83, %dma_wait3A_103] : memref<2560x128xi32, #tpu.memory_space<hbm>> -> memref<16x128xi32, #tpu.memory_space<hbm>>
    %dma_wait3A_105 = arith.constant 0 : i32
    %dma_wait3A_106 = tpu.memref_slice %arg4[%add3A_83, %dma_wait3A_105] : memref<2560x128xi32, #tpu.memory_space<hbm>> -> memref<16x128xi32, #tpu.memory_space<hbm>>
    tpu.wait_dma2 semaphore(%arg18 : memref<!tpu.dma_semaphore, #tpu.memory_space<semaphore_mem>>) src(%dma_wait3A_106 : memref<16x128xi32, #tpu.memory_space<hbm>>) dst(%arg10 : memref<16x128xi32, #tpu.memory_space<vmem>>)
    %dma_wait3A_107 = arith.constant 0 : i32
    %dma_wait3A_108 = arith.constant 0 : i32
    %dma_wait3A_109 = tpu.memref_slice %arg10[%dma_wait3A_107, %dma_wait3A_108] : memref<16x128xi32, #tpu.memory_space<vmem>> -> memref<1x128xi32, #tpu.memory_space<vmem>>
    %dma_wait3A_110 = tpu.memref_squeeze %dma_wait3A_109 : memref<1x128xi32, #tpu.memory_space<vmem>> -> memref<128xi32, #tpu.memory_space<vmem>>
    %dma_wait3A_111 = arith.constant 0 : i32
    %dma_wait3A_112 = arith.constant 0 : i32
    %dma_wait3A_113 = tpu.memref_slice %arg13[%dma_wait3A_111, %dma_wait3A_112] : memref<10112x128xf32, #tpu.memory_space<vmem_shared>> -> memref<10112x128xf32, #tpu.memory_space<vmem_shared>>
    tpu.wait_indirect_dma semaphore(%arg16 : memref<!tpu.dma_semaphore, #tpu.memory_space<semaphore_mem>>) src(%arg11 : memref<128x128xf32, #tpu.memory_space<vmem>>) dst(%dma_wait3A_113 : memref<10112x128xf32, #tpu.memory_space<vmem_shared>>)
    %dma_wait3A_114 = arith.constant 0 : i32
    %dma_wait3A_115 = arith.constant 0 : i32
    %dma_wait3A_116 = tpu.memref_slice %arg10[%dma_wait3A_114, %dma_wait3A_115] : memref<16x128xi32, #tpu.memory_space<vmem>> -> memref<1x128xi32, #tpu.memory_space<vmem>>
    %dma_wait3A_117 = tpu.memref_squeeze %dma_wait3A_116 : memref<1x128xi32, #tpu.memory_space<vmem>> -> memref<128xi32, #tpu.memory_space<vmem>>
    %dma_wait3A_118 = arith.constant 0 : i32
    %dma_wait3A_119 = arith.constant 0 : i32
    %dma_wait3A_120 = tpu.memref_slice %arg13[%dma_wait3A_118, %dma_wait3A_119] : memref<10112x128xf32, #tpu.memory_space<vmem_shared>> -> memref<10112x128xf32, #tpu.memory_space<vmem_shared>>
    tpu.wait_indirect_dma semaphore(%arg17 : memref<!tpu.dma_semaphore, #tpu.memory_space<semaphore_mem>>) src(%arg12 : memref<128x128xf32, #tpu.memory_space<vmem>>) dst(%dma_wait3A_120 : memref<10112x128xf32, #tpu.memory_space<vmem_shared>>)
    %add3A_121 = arith.constant 64 : i32
    %add3A_122 = arith.addi %mul3A_2, %add3A_121 : i32
    %dma_start3A_123 = arith.constant 0 : i32
    %dma_start3A_124 = tpu.memref_slice %arg3[%add3A_122, %dma_start3A_123] : memref<2560x128xi32, #tpu.memory_space<hbm>> -> memref<16x128xi32, #tpu.memory_space<hbm>>
    %dma_start3A_125 = arith.constant 0 : i32
    %dma_start3A_126 = tpu.memref_slice %arg3[%add3A_122, %dma_start3A_125] : memref<2560x128xi32, #tpu.memory_space<hbm>> -> memref<16x128xi32, #tpu.memory_space<hbm>>
    tpu.enqueue_dma source(%dma_start3A_126 : memref<16x128xi32, #tpu.memory_space<hbm>>) target(%arg7 : memref<16x128xi32, #tpu.memory_space<vmem>>) target_semaphore(%arg18 : memref<!tpu.dma_semaphore, #tpu.memory_space<semaphore_mem>>)
    %dma_start3A_127 = arith.constant 0 : i32
    %dma_start3A_128 = tpu.memref_slice %arg4[%add3A_122, %dma_start3A_127] : memref<2560x128xi32, #tpu.memory_space<hbm>> -> memref<16x128xi32, #tpu.memory_space<hbm>>
    %dma_start3A_129 = arith.constant 0 : i32
    %dma_start3A_130 = tpu.memref_slice %arg4[%add3A_122, %dma_start3A_129] : memref<2560x128xi32, #tpu.memory_space<hbm>> -> memref<16x128xi32, #tpu.memory_space<hbm>>
    tpu.enqueue_dma source(%dma_start3A_130 : memref<16x128xi32, #tpu.memory_space<hbm>>) target(%arg8 : memref<16x128xi32, #tpu.memory_space<vmem>>) target_semaphore(%arg18 : memref<!tpu.dma_semaphore, #tpu.memory_space<semaphore_mem>>)
    %scan3A_131 = arith.constant 0 : i32
    %scan3A_132 = arith.constant 0 : i32
    %scan3A_133 = arith.constant 8 : i32
    %scan3A_134 = arith.addi %scan3A_132, %scan3A_133 : i32
    %scan3A_135 = arith.constant 1 : i32
    %scan3A_136 = scf.for %scan3A_186 = %scan3A_132 to %scan3A_134 step %scan3A_135 iter_args(%scan3A_187 = %scan3A_131) -> (i32)  : i32 {
      %mul3A_188 = arith.constant 2 : i32
      %mul3A_189 = arith.muli %mul3A_188, %scan3A_186 : i32
      %gt3A = arith.constant 0 : i32
      %gt3A_190 = arith.cmpi sgt, %scan3A_186, %gt3A : i32
      %convert_element_type3A = arith.extui %gt3A_190 : i1 to i32
      %cond3A = arith.constant 0 : i32
      %cond3A_191 = arith.cmpi ne, %convert_element_type3A, %cond3A : i32
      scf.if %cond3A_191 {
        %dma_wait3A_233 = arith.constant 0 : i32
        %dma_wait3A_234 = tpu.memref_slice %arg10[%mul3A_189, %dma_wait3A_233] : memref<16x128xi32, #tpu.memory_space<vmem>> -> memref<1x128xi32, #tpu.memory_space<vmem>>
        %dma_wait3A_235 = tpu.memref_squeeze %dma_wait3A_234 : memref<1x128xi32, #tpu.memory_space<vmem>> -> memref<128xi32, #tpu.memory_space<vmem>>
        %dma_wait3A_236 = arith.constant 0 : i32
        %dma_wait3A_237 = arith.constant 0 : i32
        %dma_wait3A_238 = tpu.memref_slice %arg13[%dma_wait3A_236, %dma_wait3A_237] : memref<10112x128xf32, #tpu.memory_space<vmem_shared>> -> memref<10112x128xf32, #tpu.memory_space<vmem_shared>>
        tpu.wait_indirect_dma semaphore(%arg16 : memref<!tpu.dma_semaphore, #tpu.memory_space<semaphore_mem>>) src(%arg11 : memref<128x128xf32, #tpu.memory_space<vmem>>) dst(%dma_wait3A_238 : memref<10112x128xf32, #tpu.memory_space<vmem_shared>>)
        %dma_wait3A_239 = arith.constant 0 : i32
        %dma_wait3A_240 = tpu.memref_slice %arg10[%mul3A_189, %dma_wait3A_239] : memref<16x128xi32, #tpu.memory_space<vmem>> -> memref<1x128xi32, #tpu.memory_space<vmem>>
        %dma_wait3A_241 = tpu.memref_squeeze %dma_wait3A_240 : memref<1x128xi32, #tpu.memory_space<vmem>> -> memref<128xi32, #tpu.memory_space<vmem>>
        %dma_wait3A_242 = arith.constant 0 : i32
        %dma_wait3A_243 = arith.constant 0 : i32
        %dma_wait3A_244 = tpu.memref_slice %arg13[%dma_wait3A_242, %dma_wait3A_243] : memref<10112x128xf32, #tpu.memory_space<vmem_shared>> -> memref<10112x128xf32, #tpu.memory_space<vmem_shared>>
        tpu.wait_indirect_dma semaphore(%arg17 : memref<!tpu.dma_semaphore, #tpu.memory_space<semaphore_mem>>) src(%arg12 : memref<128x128xf32, #tpu.memory_space<vmem>>) dst(%dma_wait3A_244 : memref<10112x128xf32, #tpu.memory_space<vmem_shared>>)
      } else {
      }
      %dma_start3A_192 = arith.constant 0 : i32
      %dma_start3A_193 = tpu.memref_slice %arg9[%mul3A_189, %dma_start3A_192] : memref<16x128xi32, #tpu.memory_space<vmem>> -> memref<1x128xi32, #tpu.memory_space<vmem>>
      %dma_start3A_194 = tpu.memref_squeeze %dma_start3A_193 : memref<1x128xi32, #tpu.memory_space<vmem>> -> memref<128xi32, #tpu.memory_space<vmem>>
      %dma_start3A_195 = arith.constant 0 : i32
      %dma_start3A_196 = arith.constant 0 : i32
      %dma_start3A_197 = tpu.memref_slice %arg2[%dma_start3A_195, %dma_start3A_196] : memref<10000x128xf32, #tpu.memory_space<hbm>> -> memref<10000x128xf32, #tpu.memory_space<hbm>>
      tpu.enqueue_indirect_dma source(%dma_start3A_197 : memref<10000x128xf32, #tpu.memory_space<hbm>>) target(%arg11 : memref<128x128xf32, #tpu.memory_space<vmem>>) offsets(%dma_start3A_194 : memref<128xi32, #tpu.memory_space<vmem>>) semaphore(%arg14 : memref<!tpu.dma_semaphore, #tpu.memory_space<semaphore_mem>>)
      %add3A_198 = arith.constant 1 : i32
      %add3A_199 = arith.addi %mul3A_189, %add3A_198 : i32
      %dma_start3A_200 = arith.constant 0 : i32
      %dma_start3A_201 = tpu.memref_slice %arg9[%add3A_199, %dma_start3A_200] : memref<16x128xi32, #tpu.memory_space<vmem>> -> memref<1x128xi32, #tpu.memory_space<vmem>>
      %dma_start3A_202 = tpu.memref_squeeze %dma_start3A_201 : memref<1x128xi32, #tpu.memory_space<vmem>> -> memref<128xi32, #tpu.memory_space<vmem>>
      %dma_start3A_203 = arith.constant 0 : i32
      %dma_start3A_204 = arith.constant 0 : i32
      %dma_start3A_205 = tpu.memref_slice %arg2[%dma_start3A_203, %dma_start3A_204] : memref<10000x128xf32, #tpu.memory_space<hbm>> -> memref<10000x128xf32, #tpu.memory_space<hbm>>
      tpu.enqueue_indirect_dma source(%dma_start3A_205 : memref<10000x128xf32, #tpu.memory_space<hbm>>) target(%arg12 : memref<128x128xf32, #tpu.memory_space<vmem>>) offsets(%dma_start3A_202 : memref<128xi32, #tpu.memory_space<vmem>>) semaphore(%arg15 : memref<!tpu.dma_semaphore, #tpu.memory_space<semaphore_mem>>)
      %dma_wait3A_206 = arith.constant 0 : i32
      %dma_wait3A_207 = tpu.memref_slice %arg9[%mul3A_189, %dma_wait3A_206] : memref<16x128xi32, #tpu.memory_space<vmem>> -> memref<1x128xi32, #tpu.memory_space<vmem>>
      %dma_wait3A_208 = tpu.memref_squeeze %dma_wait3A_207 : memref<1x128xi32, #tpu.memory_space<vmem>> -> memref<128xi32, #tpu.memory_space<vmem>>
      %dma_wait3A_209 = arith.constant 0 : i32
      %dma_wait3A_210 = arith.constant 0 : i32
      %dma_wait3A_211 = tpu.memref_slice %arg2[%dma_wait3A_209, %dma_wait3A_210] : memref<10000x128xf32, #tpu.memory_space<hbm>> -> memref<10000x128xf32, #tpu.memory_space<hbm>>
      tpu.wait_indirect_dma semaphore(%arg14 : memref<!tpu.dma_semaphore, #tpu.memory_space<semaphore_mem>>) src(%dma_wait3A_211 : memref<10000x128xf32, #tpu.memory_space<hbm>>) dst(%arg11 : memref<128x128xf32, #tpu.memory_space<vmem>>)
      %dma_start3A_212 = arith.constant 0 : i32
      %dma_start3A_213 = tpu.memref_slice %arg10[%mul3A_189, %dma_start3A_212] : memref<16x128xi32, #tpu.memory_space<vmem>> -> memref<1x128xi32, #tpu.memory_space<vmem>>
      %dma_start3A_214 = tpu.memref_squeeze %dma_start3A_213 : memref<1x128xi32, #tpu.memory_space<vmem>> -> memref<128xi32, #tpu.memory_space<vmem>>
      %dma_start3A_215 = arith.constant 0 : i32
      %dma_start3A_216 = arith.constant 0 : i32
      %dma_start3A_217 = tpu.memref_slice %arg13[%dma_start3A_215, %dma_start3A_216] : memref<10112x128xf32, #tpu.memory_space<vmem_shared>> -> memref<10112x128xf32, #tpu.memory_space<vmem_shared>>
      tpu.enqueue_indirect_dma source(%arg11 : memref<128x128xf32, #tpu.memory_space<vmem>>) target(%dma_start3A_217 : memref<10112x128xf32, #tpu.memory_space<vmem_shared>>) offsets(%dma_start3A_214 : memref<128xi32, #tpu.memory_space<vmem>>) semaphore(%arg16 : memref<!tpu.dma_semaphore, #tpu.memory_space<semaphore_mem>>) {add = true}
      %dma_wait3A_218 = arith.constant 0 : i32
      %dma_wait3A_219 = tpu.memref_slice %arg9[%add3A_199, %dma_wait3A_218] : memref<16x128xi32, #tpu.memory_space<vmem>> -> memref<1x128xi32, #tpu.memory_space<vmem>>
      %dma_wait3A_220 = tpu.memref_squeeze %dma_wait3A_219 : memref<1x128xi32, #tpu.memory_space<vmem>> -> memref<128xi32, #tpu.memory_space<vmem>>
      %dma_wait3A_221 = arith.constant 0 : i32
      %dma_wait3A_222 = arith.constant 0 : i32
      %dma_wait3A_223 = tpu.memref_slice %arg2[%dma_wait3A_221, %dma_wait3A_222] : memref<10000x128xf32, #tpu.memory_space<hbm>> -> memref<10000x128xf32, #tpu.memory_space<hbm>>
      tpu.wait_indirect_dma semaphore(%arg15 : memref<!tpu.dma_semaphore, #tpu.memory_space<semaphore_mem>>) src(%dma_wait3A_223 : memref<10000x128xf32, #tpu.memory_space<hbm>>) dst(%arg12 : memref<128x128xf32, #tpu.memory_space<vmem>>)
      %add3A_224 = arith.constant 1 : i32
      %add3A_225 = arith.addi %mul3A_189, %add3A_224 : i32
      %dma_start3A_226 = arith.constant 0 : i32
      %dma_start3A_227 = tpu.memref_slice %arg10[%add3A_225, %dma_start3A_226] : memref<16x128xi32, #tpu.memory_space<vmem>> -> memref<1x128xi32, #tpu.memory_space<vmem>>
      %dma_start3A_228 = tpu.memref_squeeze %dma_start3A_227 : memref<1x128xi32, #tpu.memory_space<vmem>> -> memref<128xi32, #tpu.memory_space<vmem>>
      %dma_start3A_229 = arith.constant 0 : i32
      %dma_start3A_230 = arith.constant 0 : i32
      %dma_start3A_231 = tpu.memref_slice %arg13[%dma_start3A_229, %dma_start3A_230] : memref<10112x128xf32, #tpu.memory_space<vmem_shared>> -> memref<10112x128xf32, #tpu.memory_space<vmem_shared>>
      tpu.enqueue_indirect_dma source(%arg12 : memref<128x128xf32, #tpu.memory_space<vmem>>) target(%dma_start3A_231 : memref<10112x128xf32, #tpu.memory_space<vmem_shared>>) offsets(%dma_start3A_228 : memref<128xi32, #tpu.memory_space<vmem>>) semaphore(%arg17 : memref<!tpu.dma_semaphore, #tpu.memory_space<semaphore_mem>>) {add = true}
      %scan3A_232 = arith.constant 0 : i32
      scf.yield %scan3A_232 : i32
    }
    %scan3A_137 = arith.constant 8 : i32
    %dma_wait3A_138 = arith.constant 0 : i32
    %dma_wait3A_139 = tpu.memref_slice %arg3[%add3A_122, %dma_wait3A_138] : memref<2560x128xi32, #tpu.memory_space<hbm>> -> memref<16x128xi32, #tpu.memory_space<hbm>>
    %dma_wait3A_140 = arith.constant 0 : i32
    %dma_wait3A_141 = tpu.memref_slice %arg3[%add3A_122, %dma_wait3A_140] : memref<2560x128xi32, #tpu.memory_space<hbm>> -> memref<16x128xi32, #tpu.memory_space<hbm>>
    tpu.wait_dma2 semaphore(%arg18 : memref<!tpu.dma_semaphore, #tpu.memory_space<semaphore_mem>>) src(%dma_wait3A_141 : memref<16x128xi32, #tpu.memory_space<hbm>>) dst(%arg7 : memref<16x128xi32, #tpu.memory_space<vmem>>)
    %dma_wait3A_142 = arith.constant 0 : i32
    %dma_wait3A_143 = tpu.memref_slice %arg4[%add3A_122, %dma_wait3A_142] : memref<2560x128xi32, #tpu.memory_space<hbm>> -> memref<16x128xi32, #tpu.memory_space<hbm>>
    %dma_wait3A_144 = arith.constant 0 : i32
    %dma_wait3A_145 = tpu.memref_slice %arg4[%add3A_122, %dma_wait3A_144] : memref<2560x128xi32, #tpu.memory_space<hbm>> -> memref<16x128xi32, #tpu.memory_space<hbm>>
    tpu.wait_dma2 semaphore(%arg18 : memref<!tpu.dma_semaphore, #tpu.memory_space<semaphore_mem>>) src(%dma_wait3A_145 : memref<16x128xi32, #tpu.memory_space<hbm>>) dst(%arg8 : memref<16x128xi32, #tpu.memory_space<vmem>>)
    %dma_wait3A_146 = arith.constant 0 : i32
    %dma_wait3A_147 = arith.constant 0 : i32
    %dma_wait3A_148 = tpu.memref_slice %arg8[%dma_wait3A_146, %dma_wait3A_147] : memref<16x128xi32, #tpu.memory_space<vmem>> -> memref<1x128xi32, #tpu.memory_space<vmem>>
    %dma_wait3A_149 = tpu.memref_squeeze %dma_wait3A_148 : memref<1x128xi32, #tpu.memory_space<vmem>> -> memref<128xi32, #tpu.memory_space<vmem>>
    %dma_wait3A_150 = arith.constant 0 : i32
    %dma_wait3A_151 = arith.constant 0 : i32
    %dma_wait3A_152 = tpu.memref_slice %arg13[%dma_wait3A_150, %dma_wait3A_151] : memref<10112x128xf32, #tpu.memory_space<vmem_shared>> -> memref<10112x128xf32, #tpu.memory_space<vmem_shared>>
    tpu.wait_indirect_dma semaphore(%arg16 : memref<!tpu.dma_semaphore, #tpu.memory_space<semaphore_mem>>) src(%arg11 : memref<128x128xf32, #tpu.memory_space<vmem>>) dst(%dma_wait3A_152 : memref<10112x128xf32, #tpu.memory_space<vmem_shared>>)
    %dma_wait3A_153 = arith.constant 0 : i32
    %dma_wait3A_154 = arith.constant 0 : i32
    %dma_wait3A_155 = tpu.memref_slice %arg8[%dma_wait3A_153, %dma_wait3A_154] : memref<16x128xi32, #tpu.memory_space<vmem>> -> memref<1x128xi32, #tpu.memory_space<vmem>>
    %dma_wait3A_156 = tpu.memref_squeeze %dma_wait3A_155 : memref<1x128xi32, #tpu.memory_space<vmem>> -> memref<128xi32, #tpu.memory_space<vmem>>
    %dma_wait3A_157 = arith.constant 0 : i32
    %dma_wait3A_158 = arith.constant 0 : i32
    %dma_wait3A_159 = tpu.memref_slice %arg13[%dma_wait3A_157, %dma_wait3A_158] : memref<10112x128xf32, #tpu.memory_space<vmem_shared>> -> memref<10112x128xf32, #tpu.memory_space<vmem_shared>>
    tpu.wait_indirect_dma semaphore(%arg17 : memref<!tpu.dma_semaphore, #tpu.memory_space<semaphore_mem>>) src(%arg12 : memref<128x128xf32, #tpu.memory_space<vmem>>) dst(%dma_wait3A_159 : memref<10112x128xf32, #tpu.memory_space<vmem_shared>>)
    %scan3A_160 = arith.constant 0 : i32
    %scan3A_161 = arith.constant 0 : i32
    %scan3A_162 = arith.constant 8 : i32
    %scan3A_163 = arith.addi %scan3A_161, %scan3A_162 : i32
    %scan3A_164 = arith.constant 1 : i32
    %scan3A_165 = scf.for %scan3A_186 = %scan3A_161 to %scan3A_163 step %scan3A_164 iter_args(%scan3A_187 = %scan3A_160) -> (i32)  : i32 {
      %mul3A_188 = arith.constant 2 : i32
      %mul3A_189 = arith.muli %mul3A_188, %scan3A_186 : i32
      %gt3A = arith.constant 0 : i32
      %gt3A_190 = arith.cmpi sgt, %scan3A_186, %gt3A : i32
      %convert_element_type3A = arith.extui %gt3A_190 : i1 to i32
      %cond3A = arith.constant 0 : i32
      %cond3A_191 = arith.cmpi ne, %convert_element_type3A, %cond3A : i32
      scf.if %cond3A_191 {
        %dma_wait3A_233 = arith.constant 0 : i32
        %dma_wait3A_234 = tpu.memref_slice %arg8[%mul3A_189, %dma_wait3A_233] : memref<16x128xi32, #tpu.memory_space<vmem>> -> memref<1x128xi32, #tpu.memory_space<vmem>>
        %dma_wait3A_235 = tpu.memref_squeeze %dma_wait3A_234 : memref<1x128xi32, #tpu.memory_space<vmem>> -> memref<128xi32, #tpu.memory_space<vmem>>
        %dma_wait3A_236 = arith.constant 0 : i32
        %dma_wait3A_237 = arith.constant 0 : i32
        %dma_wait3A_238 = tpu.memref_slice %arg13[%dma_wait3A_236, %dma_wait3A_237] : memref<10112x128xf32, #tpu.memory_space<vmem_shared>> -> memref<10112x128xf32, #tpu.memory_space<vmem_shared>>
        tpu.wait_indirect_dma semaphore(%arg16 : memref<!tpu.dma_semaphore, #tpu.memory_space<semaphore_mem>>) src(%arg11 : memref<128x128xf32, #tpu.memory_space<vmem>>) dst(%dma_wait3A_238 : memref<10112x128xf32, #tpu.memory_space<vmem_shared>>)
        %dma_wait3A_239 = arith.constant 0 : i32
        %dma_wait3A_240 = tpu.memref_slice %arg8[%mul3A_189, %dma_wait3A_239] : memref<16x128xi32, #tpu.memory_space<vmem>> -> memref<1x128xi32, #tpu.memory_space<vmem>>
        %dma_wait3A_241 = tpu.memref_squeeze %dma_wait3A_240 : memref<1x128xi32, #tpu.memory_space<vmem>> -> memref<128xi32, #tpu.memory_space<vmem>>
        %dma_wait3A_242 = arith.constant 0 : i32
        %dma_wait3A_243 = arith.constant 0 : i32
        %dma_wait3A_244 = tpu.memref_slice %arg13[%dma_wait3A_242, %dma_wait3A_243] : memref<10112x128xf32, #tpu.memory_space<vmem_shared>> -> memref<10112x128xf32, #tpu.memory_space<vmem_shared>>
        tpu.wait_indirect_dma semaphore(%arg17 : memref<!tpu.dma_semaphore, #tpu.memory_space<semaphore_mem>>) src(%arg12 : memref<128x128xf32, #tpu.memory_space<vmem>>) dst(%dma_wait3A_244 : memref<10112x128xf32, #tpu.memory_space<vmem_shared>>)
      } else {
      }
      %dma_start3A_192 = arith.constant 0 : i32
      %dma_start3A_193 = tpu.memref_slice %arg7[%mul3A_189, %dma_start3A_192] : memref<16x128xi32, #tpu.memory_space<vmem>> -> memref<1x128xi32, #tpu.memory_space<vmem>>
      %dma_start3A_194 = tpu.memref_squeeze %dma_start3A_193 : memref<1x128xi32, #tpu.memory_space<vmem>> -> memref<128xi32, #tpu.memory_space<vmem>>
      %dma_start3A_195 = arith.constant 0 : i32
      %dma_start3A_196 = arith.constant 0 : i32
      %dma_start3A_197 = tpu.memref_slice %arg2[%dma_start3A_195, %dma_start3A_196] : memref<10000x128xf32, #tpu.memory_space<hbm>> -> memref<10000x128xf32, #tpu.memory_space<hbm>>
      tpu.enqueue_indirect_dma source(%dma_start3A_197 : memref<10000x128xf32, #tpu.memory_space<hbm>>) target(%arg11 : memref<128x128xf32, #tpu.memory_space<vmem>>) offsets(%dma_start3A_194 : memref<128xi32, #tpu.memory_space<vmem>>) semaphore(%arg14 : memref<!tpu.dma_semaphore, #tpu.memory_space<semaphore_mem>>)
      %add3A_198 = arith.constant 1 : i32
      %add3A_199 = arith.addi %mul3A_189, %add3A_198 : i32
      %dma_start3A_200 = arith.constant 0 : i32
      %dma_start3A_201 = tpu.memref_slice %arg7[%add3A_199, %dma_start3A_200] : memref<16x128xi32, #tpu.memory_space<vmem>> -> memref<1x128xi32, #tpu.memory_space<vmem>>
      %dma_start3A_202 = tpu.memref_squeeze %dma_start3A_201 : memref<1x128xi32, #tpu.memory_space<vmem>> -> memref<128xi32, #tpu.memory_space<vmem>>
      %dma_start3A_203 = arith.constant 0 : i32
      %dma_start3A_204 = arith.constant 0 : i32
      %dma_start3A_205 = tpu.memref_slice %arg2[%dma_start3A_203, %dma_start3A_204] : memref<10000x128xf32, #tpu.memory_space<hbm>> -> memref<10000x128xf32, #tpu.memory_space<hbm>>
      tpu.enqueue_indirect_dma source(%dma_start3A_205 : memref<10000x128xf32, #tpu.memory_space<hbm>>) target(%arg12 : memref<128x128xf32, #tpu.memory_space<vmem>>) offsets(%dma_start3A_202 : memref<128xi32, #tpu.memory_space<vmem>>) semaphore(%arg15 : memref<!tpu.dma_semaphore, #tpu.memory_space<semaphore_mem>>)
      %dma_wait3A_206 = arith.constant 0 : i32
      %dma_wait3A_207 = tpu.memref_slice %arg7[%mul3A_189, %dma_wait3A_206] : memref<16x128xi32, #tpu.memory_space<vmem>> -> memref<1x128xi32, #tpu.memory_space<vmem>>
      %dma_wait3A_208 = tpu.memref_squeeze %dma_wait3A_207 : memref<1x128xi32, #tpu.memory_space<vmem>> -> memref<128xi32, #tpu.memory_space<vmem>>
      %dma_wait3A_209 = arith.constant 0 : i32
      %dma_wait3A_210 = arith.constant 0 : i32
      %dma_wait3A_211 = tpu.memref_slice %arg2[%dma_wait3A_209, %dma_wait3A_210] : memref<10000x128xf32, #tpu.memory_space<hbm>> -> memref<10000x128xf32, #tpu.memory_space<hbm>>
      tpu.wait_indirect_dma semaphore(%arg14 : memref<!tpu.dma_semaphore, #tpu.memory_space<semaphore_mem>>) src(%dma_wait3A_211 : memref<10000x128xf32, #tpu.memory_space<hbm>>) dst(%arg11 : memref<128x128xf32, #tpu.memory_space<vmem>>)
      %dma_start3A_212 = arith.constant 0 : i32
      %dma_start3A_213 = tpu.memref_slice %arg8[%mul3A_189, %dma_start3A_212] : memref<16x128xi32, #tpu.memory_space<vmem>> -> memref<1x128xi32, #tpu.memory_space<vmem>>
      %dma_start3A_214 = tpu.memref_squeeze %dma_start3A_213 : memref<1x128xi32, #tpu.memory_space<vmem>> -> memref<128xi32, #tpu.memory_space<vmem>>
      %dma_start3A_215 = arith.constant 0 : i32
      %dma_start3A_216 = arith.constant 0 : i32
      %dma_start3A_217 = tpu.memref_slice %arg13[%dma_start3A_215, %dma_start3A_216] : memref<10112x128xf32, #tpu.memory_space<vmem_shared>> -> memref<10112x128xf32, #tpu.memory_space<vmem_shared>>
      tpu.enqueue_indirect_dma source(%arg11 : memref<128x128xf32, #tpu.memory_space<vmem>>) target(%dma_start3A_217 : memref<10112x128xf32, #tpu.memory_space<vmem_shared>>) offsets(%dma_start3A_214 : memref<128xi32, #tpu.memory_space<vmem>>) semaphore(%arg16 : memref<!tpu.dma_semaphore, #tpu.memory_space<semaphore_mem>>) {add = true}
      %dma_wait3A_218 = arith.constant 0 : i32
      %dma_wait3A_219 = tpu.memref_slice %arg7[%add3A_199, %dma_wait3A_218] : memref<16x128xi32, #tpu.memory_space<vmem>> -> memref<1x128xi32, #tpu.memory_space<vmem>>
      %dma_wait3A_220 = tpu.memref_squeeze %dma_wait3A_219 : memref<1x128xi32, #tpu.memory_space<vmem>> -> memref<128xi32, #tpu.memory_space<vmem>>
      %dma_wait3A_221 = arith.constant 0 : i32
      %dma_wait3A_222 = arith.constant 0 : i32
      %dma_wait3A_223 = tpu.memref_slice %arg2[%dma_wait3A_221, %dma_wait3A_222] : memref<10000x128xf32, #tpu.memory_space<hbm>> -> memref<10000x128xf32, #tpu.memory_space<hbm>>
      tpu.wait_indirect_dma semaphore(%arg15 : memref<!tpu.dma_semaphore, #tpu.memory_space<semaphore_mem>>) src(%dma_wait3A_223 : memref<10000x128xf32, #tpu.memory_space<hbm>>) dst(%arg12 : memref<128x128xf32, #tpu.memory_space<vmem>>)
      %add3A_224 = arith.constant 1 : i32
      %add3A_225 = arith.addi %mul3A_189, %add3A_224 : i32
      %dma_start3A_226 = arith.constant 0 : i32
      %dma_start3A_227 = tpu.memref_slice %arg8[%add3A_225, %dma_start3A_226] : memref<16x128xi32, #tpu.memory_space<vmem>> -> memref<1x128xi32, #tpu.memory_space<vmem>>
      %dma_start3A_228 = tpu.memref_squeeze %dma_start3A_227 : memref<1x128xi32, #tpu.memory_space<vmem>> -> memref<128xi32, #tpu.memory_space<vmem>>
      %dma_start3A_229 = arith.constant 0 : i32
      %dma_start3A_230 = arith.constant 0 : i32
      %dma_start3A_231 = tpu.memref_slice %arg13[%dma_start3A_229, %dma_start3A_230] : memref<10112x128xf32, #tpu.memory_space<vmem_shared>> -> memref<10112x128xf32, #tpu.memory_space<vmem_shared>>
      tpu.enqueue_indirect_dma source(%arg12 : memref<128x128xf32, #tpu.memory_space<vmem>>) target(%dma_start3A_231 : memref<10112x128xf32, #tpu.memory_space<vmem_shared>>) offsets(%dma_start3A_228 : memref<128xi32, #tpu.memory_space<vmem>>) semaphore(%arg17 : memref<!tpu.dma_semaphore, #tpu.memory_space<semaphore_mem>>) {add = true}
      %scan3A_232 = arith.constant 0 : i32
      scf.yield %scan3A_232 : i32
    }
    %scan3A_166 = arith.constant 8 : i32
    %dma_wait3A_167 = arith.constant 0 : i32
    %dma_wait3A_168 = arith.constant 0 : i32
    %dma_wait3A_169 = tpu.memref_slice %arg8[%dma_wait3A_167, %dma_wait3A_168] : memref<16x128xi32, #tpu.memory_space<vmem>> -> memref<1x128xi32, #tpu.memory_space<vmem>>
    %dma_wait3A_170 = tpu.memref_squeeze %dma_wait3A_169 : memref<1x128xi32, #tpu.memory_space<vmem>> -> memref<128xi32, #tpu.memory_space<vmem>>
    %dma_wait3A_171 = arith.constant 0 : i32
    %dma_wait3A_172 = arith.constant 0 : i32
    %dma_wait3A_173 = tpu.memref_slice %arg13[%dma_wait3A_171, %dma_wait3A_172] : memref<10112x128xf32, #tpu.memory_space<vmem_shared>> -> memref<10112x128xf32, #tpu.memory_space<vmem_shared>>
    tpu.wait_indirect_dma semaphore(%arg16 : memref<!tpu.dma_semaphore, #tpu.memory_space<semaphore_mem>>) src(%arg11 : memref<128x128xf32, #tpu.memory_space<vmem>>) dst(%dma_wait3A_173 : memref<10112x128xf32, #tpu.memory_space<vmem_shared>>)
    %dma_wait3A_174 = arith.constant 0 : i32
    %dma_wait3A_175 = arith.constant 0 : i32
    %dma_wait3A_176 = tpu.memref_slice %arg8[%dma_wait3A_174, %dma_wait3A_175] : memref<16x128xi32, #tpu.memory_space<vmem>> -> memref<1x128xi32, #tpu.memory_space<vmem>>
    %dma_wait3A_177 = tpu.memref_squeeze %dma_wait3A_176 : memref<1x128xi32, #tpu.memory_space<vmem>> -> memref<128xi32, #tpu.memory_space<vmem>>
    %dma_wait3A_178 = arith.constant 0 : i32
    %dma_wait3A_179 = arith.constant 0 : i32
    %dma_wait3A_180 = tpu.memref_slice %arg13[%dma_wait3A_178, %dma_wait3A_179] : memref<10112x128xf32, #tpu.memory_space<vmem_shared>> -> memref<10112x128xf32, #tpu.memory_space<vmem_shared>>
    tpu.wait_indirect_dma semaphore(%arg17 : memref<!tpu.dma_semaphore, #tpu.memory_space<semaphore_mem>>) src(%arg12 : memref<128x128xf32, #tpu.memory_space<vmem>>) dst(%dma_wait3A_180 : memref<10112x128xf32, #tpu.memory_space<vmem_shared>>)
    %barrier3A_181 = arith.constant 0 : index
    tpu.barrier barrier_id(%barrier3A_181)
    %mul3A_182 = arith.constant 632 : i32
    %mul3A_183 = arith.muli %arg1, %mul3A_182 : i32
    %mul3A_184 = arith.constant 632 : i32
    %mul3A_185 = arith.muli %arg1, %mul3A_184 : i32
    "tpu.region"() ({
      %run_scoped3A = tpu.sem_alloc : memref<!tpu.dma_semaphore, #tpu.memory_space<semaphore_mem>>
      %dma_start3A_186 = arith.constant 0 : i32
      %dma_start3A_187 = tpu.memref_slice %arg6[%arg0, %mul3A_185, %dma_start3A_186] : memref<2x10112x128xf32, #tpu.memory_space<hbm>> -> memref<1x632x128xf32, #tpu.memory_space<hbm>>
      %dma_start3A_188 = tpu.memref_squeeze %dma_start3A_187 : memref<1x632x128xf32, #tpu.memory_space<hbm>> -> memref<632x128xf32, #tpu.memory_space<hbm>>
      %dma_start3A_189 = arith.constant 0 : i32
      %dma_start3A_190 = tpu.memref_slice %arg13[%mul3A_183, %dma_start3A_189] : memref<10112x128xf32, #tpu.memory_space<vmem_shared>> -> memref<632x128xf32, #tpu.memory_space<vmem_shared>>
      tpu.enqueue_dma source(%dma_start3A_190 : memref<632x128xf32, #tpu.memory_space<vmem_shared>>) target(%dma_start3A_188 : memref<632x128xf32, #tpu.memory_space<hbm>>) target_semaphore(%run_scoped3A : memref<!tpu.dma_semaphore, #tpu.memory_space<semaphore_mem>>)
      %dma_wait3A_191 = arith.constant 0 : i32
      %dma_wait3A_192 = tpu.memref_slice %arg6[%arg0, %mul3A_185, %dma_wait3A_191] : memref<2x10112x128xf32, #tpu.memory_space<hbm>> -> memref<1x632x128xf32, #tpu.memory_space<hbm>>
      %dma_wait3A_193 = tpu.memref_squeeze %dma_wait3A_192 : memref<1x632x128xf32, #tpu.memory_space<hbm>> -> memref<632x128xf32, #tpu.memory_space<hbm>>
      %dma_wait3A_194 = arith.constant 0 : i32
      %dma_wait3A_195 = tpu.memref_slice %arg13[%mul3A_183, %dma_wait3A_194] : memref<10112x128xf32, #tpu.memory_space<vmem_shared>> -> memref<632x128xf32, #tpu.memory_space<vmem_shared>>
      tpu.wait_dma2 semaphore(%run_scoped3A : memref<!tpu.dma_semaphore, #tpu.memory_space<semaphore_mem>>) src(%dma_wait3A_195 : memref<632x128xf32, #tpu.memory_space<vmem_shared>>) dst(%dma_wait3A_193 : memref<632x128xf32, #tpu.memory_space<hbm>>)
      tpu.yield
    }) : () -> ()
    return
  }
}

module attributes {stable_mosaic.version = 14 : i64} {
  func.func @_lin1_body(%arg0: i32, %arg1: memref<2000x128xf32, #tpu.memory_space<vmem>>, %arg2: memref<32x128xf32, #tpu.memory_space<vmem>>, %arg3: memref<2000x128xf32, #tpu.memory_space<vmem>>) attributes {dimension_semantics = [#tpu.dimension_semantics<arbitrary>], iteration_bounds = array<i64: 5>, scalar_prefetch = 0 : i64, scratch_operands = 0 : i64, tpu.core_type = #tpu.core_type<tc>, window_params = [{transform_indices = @transform_0, window_bounds = array<i64: 2000, 128>}, {pipeline_mode = #tpu.pipeline_mode<synchronous>, transform_indices = @transform_1, window_bounds = array<i64: 32, 128>}, {transform_indices = @transform_2, window_bounds = array<i64: 2000, 128>}]} {
    %get3A = arith.constant 0 : index
    %get3A_0 = arith.constant 0 : index
    %get3A_1 = vector.load %arg1[%get3A, %get3A_0] : memref<2000x128xf32, #tpu.memory_space<vmem>>, vector<2000x128xf32>
    %get3A_2 = arith.constant 0 : index
    %get3A_3 = arith.constant 0 : index
    %get3A_4 = vector.load %arg2[%get3A_2, %get3A_3] : memref<32x128xf32, #tpu.memory_space<vmem>>, vector<32x128xf32>
    %split3A = vector.extract_strided_slice %get3A_4 {offsets = [0, 0], sizes = [32, 32], strides = [1, 1]} : vector<32x128xf32> to vector<32x32xf32>
    %split3A_5 = vector.extract_strided_slice %get3A_4 {offsets = [0, 32], sizes = [32, 32], strides = [1, 1]} : vector<32x128xf32> to vector<32x32xf32>
    %split3A_6 = vector.extract_strided_slice %get3A_4 {offsets = [0, 64], sizes = [32, 32], strides = [1, 1]} : vector<32x128xf32> to vector<32x32xf32>
    %split3A_7 = vector.extract_strided_slice %get3A_4 {offsets = [0, 96], sizes = [32, 32], strides = [1, 1]} : vector<32x128xf32> to vector<32x32xf32>
    %neg3A = arith.constant 0.000000e+00 : f32
    %neg3A_8 = vector.broadcast %neg3A : f32 to vector<32x32xf32>
    %neg3A_9 = arith.subf %neg3A_8, %split3A_5 : vector<32x32xf32>
    %neg3A_10 = arith.constant 0.000000e+00 : f32
    %neg3A_11 = vector.broadcast %neg3A_10 : f32 to vector<32x32xf32>
    %neg3A_12 = arith.subf %neg3A_11, %split3A_6 : vector<32x32xf32>
    %neg3A_13 = arith.constant 0.000000e+00 : f32
    %neg3A_14 = vector.broadcast %neg3A_13 : f32 to vector<32x32xf32>
    %neg3A_15 = arith.subf %neg3A_14, %split3A_7 : vector<32x32xf32>
    %concatenate3A = tpu.concatenate %split3A, %neg3A_9, %neg3A_12, %neg3A_15 in 0 : vector<32x32xf32>, vector<32x32xf32>, vector<32x32xf32>, vector<32x32xf32> -> vector<128x32xf32>
    %neg3A_16 = arith.constant 0.000000e+00 : f32
    %neg3A_17 = vector.broadcast %neg3A_16 : f32 to vector<32x32xf32>
    %neg3A_18 = arith.subf %neg3A_17, %split3A_7 : vector<32x32xf32>
    %concatenate3A_19 = tpu.concatenate %split3A_5, %split3A, %neg3A_18, %split3A_6 in 0 : vector<32x32xf32>, vector<32x32xf32>, vector<32x32xf32>, vector<32x32xf32> -> vector<128x32xf32>
    %neg3A_20 = arith.constant 0.000000e+00 : f32
    %neg3A_21 = vector.broadcast %neg3A_20 : f32 to vector<32x32xf32>
    %neg3A_22 = arith.subf %neg3A_21, %split3A_5 : vector<32x32xf32>
    %concatenate3A_23 = tpu.concatenate %split3A_6, %split3A_7, %split3A, %neg3A_22 in 0 : vector<32x32xf32>, vector<32x32xf32>, vector<32x32xf32>, vector<32x32xf32> -> vector<128x32xf32>
    %neg3A_24 = arith.constant 0.000000e+00 : f32
    %neg3A_25 = vector.broadcast %neg3A_24 : f32 to vector<32x32xf32>
    %neg3A_26 = arith.subf %neg3A_25, %split3A_6 : vector<32x32xf32>
    %concatenate3A_27 = tpu.concatenate %split3A_7, %neg3A_26, %split3A_5, %split3A in 0 : vector<32x32xf32>, vector<32x32xf32>, vector<32x32xf32>, vector<32x32xf32> -> vector<128x32xf32>
    %concatenate3A_28 = tpu.concatenate %concatenate3A, %concatenate3A_19, %concatenate3A_23, %concatenate3A_27 in 1 : vector<128x32xf32>, vector<128x32xf32>, vector<128x32xf32>, vector<128x32xf32> -> vector<128x128xf32>
    %dot_general3A = arith.constant dense<0.000000e+00> : vector<2000x128xf32>
    %dot_general3A_29 = tpu.matmul %get3A_1, %concatenate3A_28, %dot_general3A {dimension_numbers = #tpu.dot_dimension_numbers<[1], [0], [0], [1], [0, 0, 1, 1], [], []>, transpose_lhs_hint = false} : vector<2000x128xf32>, vector<128x128xf32>, vector<2000x128xf32> -> vector<2000x128xf32>
    %swap3A = arith.constant 0 : index
    %swap3A_30 = arith.constant 0 : index
    %swap3A_31 = vector.load %arg3[%swap3A, %swap3A_30] : memref<2000x128xf32, #tpu.memory_space<vmem>>, vector<2000x128xf32>
    tpu.vector_store %arg3[%swap3A, %swap3A_30], %dot_general3A_29 {strides = array<i32>} : memref<2000x128xf32, #tpu.memory_space<vmem>>, vector<2000x128xf32>,
    return
  }
  func.func @transform_0(%arg0: i32) -> (i32, i32) {
    %c0_i32 = arith.constant 0 : i32
    %c0_i32_0 = arith.constant 0 : i32
    return %arg0, %c0_i32 : i32, i32
  }
  func.func @transform_1(%arg0: i32) -> (i32, i32) {
    %c0_i32 = arith.constant 0 : i32
    %c0_i32_0 = arith.constant 0 : i32
    %c0_i32_1 = arith.constant 0 : i32
    return %c0_i32, %c0_i32_0 : i32, i32
  }
  func.func @transform_2(%arg0: i32) -> (i32, i32) {
    %c0_i32 = arith.constant 0 : i32
    %c0_i32_0 = arith.constant 0 : i32
    return %arg0, %c0_i32 : i32, i32
  }
}

module attributes {stable_mosaic.version = 14 : i64} {
  func.func @_lin2_body(%arg0: i32, %arg1: memref<2x2000x128xf32, #tpu.memory_space<vmem>>, %arg2: memref<32x128xf32, #tpu.memory_space<vmem>>, %arg3: memref<2000x128xf32, #tpu.memory_space<vmem>>, %arg4: memref<2000x128xf32, #tpu.memory_space<vmem>>) attributes {dimension_semantics = [#tpu.dimension_semantics<arbitrary>], iteration_bounds = array<i64: 5>, scalar_prefetch = 0 : i64, scratch_operands = 0 : i64, tpu.core_type = #tpu.core_type<tc>, window_params = [{transform_indices = @transform_0, window_bounds = array<i64: 2, 2000, 128>}, {pipeline_mode = #tpu.pipeline_mode<synchronous>, transform_indices = @transform_1, window_bounds = array<i64: 32, 128>}, {transform_indices = @transform_2, window_bounds = array<i64: 2000, 128>}, {transform_indices = @transform_3, window_bounds = array<i64: 2000, 128>}]} {
    %get3A = arith.constant 0 : index
    %get3A_0 = arith.constant 0 : index
    %get3A_1 = arith.constant 0 : index
    %get3A_2 = vector.load %arg1[%get3A, %get3A_0, %get3A_1] : memref<2x2000x128xf32, #tpu.memory_space<vmem>>, vector<1x2000x128xf32>
    %get3A_3 = vector.shape_cast %get3A_2 : vector<1x2000x128xf32> to vector<2000x128xf32>
    %get3A_4 = arith.constant 1 : index
    %get3A_5 = arith.constant 0 : index
    %get3A_6 = arith.constant 0 : index
    %get3A_7 = vector.load %arg1[%get3A_4, %get3A_5, %get3A_6] : memref<2x2000x128xf32, #tpu.memory_space<vmem>>, vector<1x2000x128xf32>
    %get3A_8 = vector.shape_cast %get3A_7 : vector<1x2000x128xf32> to vector<2000x128xf32>
    %add3A = arith.addf %get3A_3, %get3A_8 : vector<2000x128xf32>
    %tanh3A = math.tanh %add3A : vector<2000x128xf32>
    %swap3A = arith.constant 0 : index
    %swap3A_9 = arith.constant 0 : index
    %swap3A_10 = vector.load %arg3[%swap3A, %swap3A_9] : memref<2000x128xf32, #tpu.memory_space<vmem>>, vector<2000x128xf32>
    tpu.vector_store %arg3[%swap3A, %swap3A_9], %tanh3A {strides = array<i32>} : memref<2000x128xf32, #tpu.memory_space<vmem>>, vector<2000x128xf32>,
    %get3A_11 = arith.constant 0 : index
    %get3A_12 = arith.constant 0 : index
    %get3A_13 = vector.load %arg2[%get3A_11, %get3A_12] : memref<32x128xf32, #tpu.memory_space<vmem>>, vector<32x128xf32>
    %split3A = vector.extract_strided_slice %get3A_13 {offsets = [0, 0], sizes = [32, 32], strides = [1, 1]} : vector<32x128xf32> to vector<32x32xf32>
    %split3A_14 = vector.extract_strided_slice %get3A_13 {offsets = [0, 32], sizes = [32, 32], strides = [1, 1]} : vector<32x128xf32> to vector<32x32xf32>
    %split3A_15 = vector.extract_strided_slice %get3A_13 {offsets = [0, 64], sizes = [32, 32], strides = [1, 1]} : vector<32x128xf32> to vector<32x32xf32>
    %split3A_16 = vector.extract_strided_slice %get3A_13 {offsets = [0, 96], sizes = [32, 32], strides = [1, 1]} : vector<32x128xf32> to vector<32x32xf32>
    %neg3A = arith.constant 0.000000e+00 : f32
    %neg3A_17 = vector.broadcast %neg3A : f32 to vector<32x32xf32>
    %neg3A_18 = arith.subf %neg3A_17, %split3A_14 : vector<32x32xf32>
    %neg3A_19 = arith.constant 0.000000e+00 : f32
    %neg3A_20 = vector.broadcast %neg3A_19 : f32 to vector<32x32xf32>
    %neg3A_21 = arith.subf %neg3A_20, %split3A_15 : vector<32x32xf32>
    %neg3A_22 = arith.constant 0.000000e+00 : f32
    %neg3A_23 = vector.broadcast %neg3A_22 : f32 to vector<32x32xf32>
    %neg3A_24 = arith.subf %neg3A_23, %split3A_16 : vector<32x32xf32>
    %concatenate3A = tpu.concatenate %split3A, %neg3A_18, %neg3A_21, %neg3A_24 in 0 : vector<32x32xf32>, vector<32x32xf32>, vector<32x32xf32>, vector<32x32xf32> -> vector<128x32xf32>
    %neg3A_25 = arith.constant 0.000000e+00 : f32
    %neg3A_26 = vector.broadcast %neg3A_25 : f32 to vector<32x32xf32>
    %neg3A_27 = arith.subf %neg3A_26, %split3A_16 : vector<32x32xf32>
    %concatenate3A_28 = tpu.concatenate %split3A_14, %split3A, %neg3A_27, %split3A_15 in 0 : vector<32x32xf32>, vector<32x32xf32>, vector<32x32xf32>, vector<32x32xf32> -> vector<128x32xf32>
    %neg3A_29 = arith.constant 0.000000e+00 : f32
    %neg3A_30 = vector.broadcast %neg3A_29 : f32 to vector<32x32xf32>
    %neg3A_31 = arith.subf %neg3A_30, %split3A_14 : vector<32x32xf32>
    %concatenate3A_32 = tpu.concatenate %split3A_15, %split3A_16, %split3A, %neg3A_31 in 0 : vector<32x32xf32>, vector<32x32xf32>, vector<32x32xf32>, vector<32x32xf32> -> vector<128x32xf32>
    %neg3A_33 = arith.constant 0.000000e+00 : f32
    %neg3A_34 = vector.broadcast %neg3A_33 : f32 to vector<32x32xf32>
    %neg3A_35 = arith.subf %neg3A_34, %split3A_15 : vector<32x32xf32>
    %concatenate3A_36 = tpu.concatenate %split3A_16, %neg3A_35, %split3A_14, %split3A in 0 : vector<32x32xf32>, vector<32x32xf32>, vector<32x32xf32>, vector<32x32xf32> -> vector<128x32xf32>
    %concatenate3A_37 = tpu.concatenate %concatenate3A, %concatenate3A_28, %concatenate3A_32, %concatenate3A_36 in 1 : vector<128x32xf32>, vector<128x32xf32>, vector<128x32xf32>, vector<128x32xf32> -> vector<128x128xf32>
    %dot_general3A = arith.constant dense<0.000000e+00> : vector<2000x128xf32>
    %dot_general3A_38 = tpu.matmul %tanh3A, %concatenate3A_37, %dot_general3A {dimension_numbers = #tpu.dot_dimension_numbers<[1], [0], [0], [1], [0, 0, 1, 1], [], []>, transpose_lhs_hint = false} : vector<2000x128xf32>, vector<128x128xf32>, vector<2000x128xf32> -> vector<2000x128xf32>
    %swap3A_39 = arith.constant 0 : index
    %swap3A_40 = arith.constant 0 : index
    %swap3A_41 = vector.load %arg4[%swap3A_39, %swap3A_40] : memref<2000x128xf32, #tpu.memory_space<vmem>>, vector<2000x128xf32>
    tpu.vector_store %arg4[%swap3A_39, %swap3A_40], %dot_general3A_38 {strides = array<i32>} : memref<2000x128xf32, #tpu.memory_space<vmem>>, vector<2000x128xf32>,
    return
  }
  func.func @transform_0(%arg0: i32) -> (i32, i32, i32) {
    %c0_i32 = arith.constant 0 : i32
    %c0_i32_0 = arith.constant 0 : i32
    %c0_i32_1 = arith.constant 0 : i32
    return %c0_i32, %arg0, %c0_i32_0 : i32, i32, i32
  }
  func.func @transform_1(%arg0: i32) -> (i32, i32) {
    %c0_i32 = arith.constant 0 : i32
    %c0_i32_0 = arith.constant 0 : i32
    %c0_i32_1 = arith.constant 0 : i32
    return %c0_i32, %c0_i32_0 : i32, i32
  }
  func.func @transform_2(%arg0: i32) -> (i32, i32) {
    %c0_i32 = arith.constant 0 : i32
    %c0_i32_0 = arith.constant 0 : i32
    return %arg0, %c0_i32 : i32, i32
  }
  func.func @transform_3(%arg0: i32) -> (i32, i32) {
    %c0_i32 = arith.constant 0 : i32
    %c0_i32_0 = arith.constant 0 : i32
    return %arg0, %c0_i32 : i32, i32
  }
}

module attributes {stable_mosaic.version = 14 : i64} {
  func.func @_head_body(%arg0: i32, %arg1: memref<2x400x128xf32, #tpu.memory_space<vmem>>, %arg2: memref<400x128xf32, #tpu.memory_space<vmem>>, %arg3: memref<10000x256xf32, #tpu.memory_space<vmem>>, %arg4: memref<1x10000xf32, #tpu.memory_space<vmem>>, %arg5: memref<400x10000xf32, #tpu.memory_space<vmem>>) attributes {dimension_semantics = [#tpu.dimension_semantics<arbitrary>], iteration_bounds = array<i64: 25>, scalar_prefetch = 0 : i64, scratch_operands = 0 : i64, tpu.core_type = #tpu.core_type<tc>, window_params = [{transform_indices = @transform_0, window_bounds = array<i64: 2, 400, 128>}, {transform_indices = @transform_1, window_bounds = array<i64: 400, 128>}, {pipeline_mode = #tpu.pipeline_mode<synchronous>, transform_indices = @transform_2, window_bounds = array<i64: 10000, 256>}, {pipeline_mode = #tpu.pipeline_mode<synchronous>, transform_indices = @transform_3, window_bounds = array<i64: 1, 10000>}, {transform_indices = @transform_4, window_bounds = array<i64: 400, 10000>}]} {
    %get3A = arith.constant 0 : index
    %get3A_0 = arith.constant 0 : index
    %get3A_1 = arith.constant 0 : index
    %get3A_2 = vector.load %arg1[%get3A, %get3A_0, %get3A_1] : memref<2x400x128xf32, #tpu.memory_space<vmem>>, vector<1x400x128xf32>
    %get3A_3 = vector.shape_cast %get3A_2 : vector<1x400x128xf32> to vector<400x128xf32>
    %get3A_4 = arith.constant 1 : index
    %get3A_5 = arith.constant 0 : index
    %get3A_6 = arith.constant 0 : index
    %get3A_7 = vector.load %arg1[%get3A_4, %get3A_5, %get3A_6] : memref<2x400x128xf32, #tpu.memory_space<vmem>>, vector<1x400x128xf32>
    %get3A_8 = vector.shape_cast %get3A_7 : vector<1x400x128xf32> to vector<400x128xf32>
    %add3A = arith.addf %get3A_3, %get3A_8 : vector<400x128xf32>
    %tanh3A = math.tanh %add3A : vector<400x128xf32>
    %get3A_9 = arith.constant 0 : index
    %get3A_10 = arith.constant 0 : index
    %get3A_11 = vector.load %arg2[%get3A_9, %get3A_10] : memref<400x128xf32, #tpu.memory_space<vmem>>, vector<400x128xf32>
    %concatenate3A = tpu.concatenate %get3A_11, %tanh3A in 1 : vector<400x128xf32>, vector<400x128xf32> -> vector<400x256xf32>
    %get3A_12 = arith.constant 0 : index
    %get3A_13 = arith.constant 0 : index
    %get3A_14 = vector.load %arg3[%get3A_12, %get3A_13] : memref<10000x256xf32, #tpu.memory_space<vmem>>, vector<10000x256xf32>
    %dot_general3A = arith.constant dense<0.000000e+00> : vector<400x10000xf32>
    %dot_general3A_15 = tpu.matmul %concatenate3A, %get3A_14, %dot_general3A {dimension_numbers = #tpu.dot_dimension_numbers<[1], [1], [0], [0], [0, 0, 1, 0], [], []>, transpose_lhs_hint = false} : vector<400x256xf32>, vector<10000x256xf32>, vector<400x10000xf32> -> vector<400x10000xf32>
    %get3A_16 = arith.constant 0 : index
    %get3A_17 = arith.constant 0 : index
    %get3A_18 = vector.load %arg4[%get3A_16, %get3A_17] : memref<1x10000xf32, #tpu.memory_space<vmem>>, vector<1x10000xf32>
    %add3A_19 = vector.broadcast %get3A_18 : vector<1x10000xf32> to vector<400x10000xf32>
    %add3A_20 = arith.addf %dot_general3A_15, %add3A_19 : vector<400x10000xf32>
    %swap3A = arith.constant 0 : index
    %swap3A_21 = arith.constant 0 : index
    %swap3A_22 = vector.load %arg5[%swap3A, %swap3A_21] : memref<400x10000xf32, #tpu.memory_space<vmem>>, vector<400x10000xf32>
    tpu.vector_store %arg5[%swap3A, %swap3A_21], %add3A_20 {strides = array<i32>} : memref<400x10000xf32, #tpu.memory_space<vmem>>, vector<400x10000xf32>,
    return
  }
  func.func @transform_0(%arg0: i32) -> (i32, i32, i32) {
    %c0_i32 = arith.constant 0 : i32
    %c0_i32_0 = arith.constant 0 : i32
    %c0_i32_1 = arith.constant 0 : i32
    return %c0_i32, %arg0, %c0_i32_0 : i32, i32, i32
  }
  func.func @transform_1(%arg0: i32) -> (i32, i32) {
    %c0_i32 = arith.constant 0 : i32
    %c0_i32_0 = arith.constant 0 : i32
    return %arg0, %c0_i32 : i32, i32
  }
  func.func @transform_2(%arg0: i32) -> (i32, i32) {
    %c0_i32 = arith.constant 0 : i32
    %c0_i32_0 = arith.constant 0 : i32
    %c0_i32_1 = arith.constant 0 : i32
    return %c0_i32, %c0_i32_0 : i32, i32
  }
  func.func @transform_3(%arg0: i32) -> (i32, i32) {
    %c0_i32 = arith.constant 0 : i32
    %c0_i32_0 = arith.constant 0 : i32
    %c0_i32_1 = arith.constant 0 : i32
    return %c0_i32, %c0_i32_0 : i32, i32
  }
  func.func @transform_4(%arg0: i32) -> (i32, i32) {
    %c0_i32 = arith.constant 0 : i32
    %c0_i32_0 = arith.constant 0 : i32
    return %arg0, %c0_i32 : i32, i32
  }
}

</mosaic_0001>

<sc_bundles>
// kernel: kernel.10.cloned.1.call-start
scs
__scs_entry_jumppad:
0x0: {  	(pc) =	sbr.rel $0x88, $3  }
0x1: {  	(tag) =	ssettag $0x0;
	lr =	simm.s32 $0x1  }
0x2: {  	[smem:$0x3F9B] =	sst lr;
	_ =	strace $0xD0000000  }
0x3: {  	_ = 	snop  }
0x4: {  	_ = 	snop  }
0x5: {  	_ = 	snop  }
0x6: {  	_ = 	snop  }
0x7: {  	_ = 	snop  }
__scs_overlays_trampoline_lowered:
0x8: {  	[smem:$0x3FAA] =	sst s0  }
0x9: {  	[smem:$0x3FAB] =	sst s1  }
0xa: {  	[smem:$0x3FAC] =	sst s2  }
0xb: {  	[smem:$0x3FAD] =	sst s3  }
0xc: {  	[smem:$0x3FAE] =	sst s4  }
0xd: {  	[smem:$0x3FAF] =	sst s5  }
0xe: {  	[smem:$0x3FB0] =	sst s6  }
0xf: {  	[smem:$0x3FB1] =	sst s7  }
0x10: {  	[smem:$0x3FB2] =	sst s8  }
0x11: {  	[smem:$0x3FB3] =	sst s9;
	s0 =	simm.s32 @!p0 $0x0  }
0x12: {  	s1 =	sld [smem:$0x3F99];
	s0 =	simm.s32 @p0 $0x1  }
0x13: {  	[smem:$0x3FB4] =	sst s0;
	s0 =	simm.s32 @!p1 $0x0  }
0x14: {  	s2 =	sld [smem:$0x3F98];
	s0 =	simm.s32 @p1 $0x1  }
0x15: {  	[smem:$0x3FB5] =	sst s0;
	s0 =	simm.s32 @!p2 $0x0  }
0x16: {  	s3 =	sld [smem:$0x3FDB];
	s0 =	simm.s32 @p2 $0x1  }
0x17: {  	s4 =	simm.s32 $0x1BF5;
	[smem:$0x3FB7] =	sst s0  }
0x18: {  	s0 =	sld [smem:$0x3F9A];
	_ =	swait.ge [sflag:s4], $0x0  }
0x19: {  	s7 =	sld [smem:$0x3F9B]  }
0x1a: {  	s8 =	sadd.s32 $0xFFFFE003, lr  }
0x1b: {  	s9 =	sadd.s32 $0xFFFFFEF7, lr;
	s5 =	simm.s32 $0xFFFFFFFF;
	p2 =	slt.u32 s8, $0xFFFFF086  }
0x1c: {  	p1 =	slt.u32 s9, $0xF7A;
	s5 =	simm.s32 @!p2 $0x0  }
0x1d: {  	s5 =	simm.s32 @p1 $0x1;
	p0 =	seq.s32 s7, s2  }
0x1e: {  	s7 =	smul.u32 @!p0 $0xF7A, s2;
	p2 =	seq.s32 @!p0 s5, $0x0  }
0x1f: {  	s9 =	smul.u32 $0xF7A, s1;
	s8 =	simm.s32 @!p0 $0x1BF5;
	p2 =	por !p2, p0  }
0x20: {  	[sflag:s8] =	ssyncset.s32 @!p0 $0xFFFFF086;
	s6 =	sadd.s32 @!p0 s3, s7;
	s7 =	simm.s32 @!p0 $0x108  }
0x21: {  	s3 =	sadd.s32 s3, s9;
	s6 =	sadd.s32 @!p0 $0x88, s6;
	s7 =	simm.s32 @p2 $0x1082  }
0x22: {  	[simem:s7], [sflag:s8] =	dma.local @!p0 [hbm:s6], $0xF7A  }
0x23: {  	s9 =	sor.u32 $0xD0000000, s2;
	s6 =	simm.s32 $0x108;
	_ =	swait.ge @!p0 [sflag:s8], $0x0  }
0x24: {  	s3 =	sadd.s32 $0x88, s3;
	s6 =	simm.s32 @!p1 $0x1082;
	[sflag:s4] =	ssyncset.s32 $0xFFFFF086  }
0x25: {  	[simem:s6], [sflag:s4] =	dma.local [hbm:s3], $0xF7A  }
0x26: {  	[smem:$0x3F9B] =	sst s1;
	(tag) =	ssettag s2;
	_ =	strace s9  }
0x27: {  	s1 =	sld [smem:$0x3FAB]  }
0x28: {  	s2 =	sld [smem:$0x3FAC]  }
0x29: {  	s4 =	sld [smem:$0x3FAE]  }
0x2a: {  	p0 =	seq.s32 s5, $0x0;
	s5 =	sld [smem:$0x3FAF]  }
0x2b: {  	s6 =	sld [smem:$0x3FB0]  }
0x2c: {  	s7 =	sld [smem:$0x3FB1]  }
0x2d: {  	s3 =	simm.s32 $0x108;
	s8 =	sld [smem:$0x3FB2]  }
0x2e: {  	s3 =	simm.s32 @!p0 $0x1082;
	s9 =	sld [smem:$0x3FB3]  }
0x2f: {  	lr =	sadd.s32 s0, s3;
	s0 =	sld [smem:$0x3FAA]  }
0x30: {  	s3 =	sld [smem:$0x3FAD]  }
0x31: {  	[smem:$0x3FB6] =	sst s10  }
0x32: {  	s10 =	sld [smem:$0x3FB4];
	_ =	sdelay $0x3  }
0x33: {  	p0 =	seq.s32 s10, $0x1;
	s10 =	sld [smem:$0x3FB6];
	_ =	sdelay $0x3  }
0x34: {  	[smem:$0x3FB6] =	sst s10  }
0x35: {  	s10 =	sld [smem:$0x3FB5];
	_ =	sdelay $0x3  }
0x36: {  	p1 =	seq.s32 s10, $0x1;
	s10 =	sld [smem:$0x3FB6];
	_ =	sdelay $0x3  }
0x37: {  	[smem:$0x3FB6] =	sst s10  }
0x38: {  	s10 =	sld [smem:$0x3FB7]  }
0x39: {  	_ = 	snop;
	(pc) =	sbr.ind lr, $3  }
0x3a: {  	_ = 	snop  }
0x3b: {  	_ = 	snop  }
0x3c: {  	p2 =	seq.s32 s10, $0x1;
	s10 =	sld [smem:$0x3FB6]  }
0x3d: {  	_ =	shalt  }
0x3e: {  	_ =	shalt  }
0x3f: {  	_ =	shalt  }
0x40: {  	_ =	shalt  }
0x41: {  	_ =	shalt  }
0x42: {  	_ =	shalt  }
0x43: {  	_ =	shalt  }
0x44: {  	_ =	shalt  }
0x45: {  	_ =	shalt  }
0x46: {  	_ =	shalt  }
0x47: {  	_ =	shalt  }
0x48: {  	_ =	shalt  }
0x49: {  	_ =	shalt  }
0x4a: {  	_ =	shalt  }
0x4b: {  	_ =	shalt  }
0x4c: {  	_ =	shalt  }
0x4d: {  	_ =	shalt  }
0x4e: {  	_ =	shalt  }
0x4f: {  	_ =	shalt  }
0x50: {  	_ =	shalt  }
0x51: {  	_ =	shalt  }
0x52: {  	_ =	shalt  }
0x53: {  	_ =	shalt  }
0x54: {  	_ =	shalt  }
0x55: {  	_ =	shalt  }
0x56: {  	_ =	shalt  }
0x57: {  	_ =	shalt  }
0x58: {  	_ =	shalt  }
0x59: {  	_ =	shalt  }
0x5a: {  	_ =	shalt  }
0x5b: {  	_ =	shalt  }
0x5c: {  	_ =	shalt  }
0x5d: {  	_ =	shalt  }
0x5e: {  	_ =	shalt  }
0x5f: {  	_ =	shalt  }
0x60: {  	_ =	shalt  }
0x61: {  	_ =	shalt  }
0x62: {  	_ =	shalt  }
0x63: {  	_ =	shalt  }
0x64: {  	_ =	shalt  }
0x65: {  	_ =	shalt  }
0x66: {  	_ =	shalt  }
0x67: {  	_ =	shalt  }
0x68: {  	_ =	shalt  }
0x69: {  	_ =	shalt  }
0x6a: {  	_ =	shalt  }
0x6b: {  	_ =	shalt  }
0x6c: {  	_ =	shalt  }
0x6d: {  	_ =	shalt  }
0x6e: {  	_ =	shalt  }
0x6f: {  	_ =	shalt  }
0x70: {  	_ =	shalt  }
0x71: {  	_ =	shalt  }
0x72: {  	_ =	shalt  }
0x73: {  	_ =	shalt  }
0x74: {  	_ =	shalt  }
0x75: {  	_ =	shalt  }
0x76: {  	_ =	shalt  }
0x77: {  	_ =	shalt  }
0x78: {  	_ =	shalt  }
0x79: {  	_ =	shalt  }
0x7a: {  	_ =	shalt  }
0x7b: {  	_ =	shalt  }
0x7c: {  	_ =	shalt  }
0x7d: {  	_ =	shalt  }
0x7e: {  	_ =	shalt  }
0x7f: {  	_ =	shalt  }
0x80: {  	_ =	shalt  }
0x81: {  	_ =	shalt  }
0x82: {  	_ =	shalt  }
0x83: {  	_ =	shalt  }
0x84: {  	_ =	shalt  }
0x85: {  	_ =	shalt  }
0x86: {  	_ =	shalt  }
0x87: {  	_ =	shalt  }
.Lfunc_end0:
.L_simem_size_0:
called_computation.1_lowered:
.L_overlay_start_0:
0x88: {  	s2 =	sld [smem:$0x3FD9]  }
0x89: {  	s3 =	sld [smem:$0x3FFE];
	_ =	sdelay $0x1  }
0x8a: {  	s1 =	srdreg.scid  }
0x8b: {  	s0 =	sand.u32 $0x1, s1  }
0x8c: {  	s17 =	sshll.u32 s0, $0xA;
	s2 =	sadd.s32 s3, s2  }
0x8d: {  	s2 =	sadd.s32 s2, s17  }
0x8e: {  	[smem:$0x3FC2] =	sst s2  }
0x8f: {  	_ = 	snop  }
0x90: {  	s2 =	sld [smem:$0x3FD0];
	(tm) =	ssettm $0x1  }
0x91: {  	s18 =	sld [smem:$0x3FFB];
	_ =	sdelay $0x3  }
0x92: {  	_ =	strace s18  }
0x93: {  	s3 =	sld [smem:$0x3FFC];
	_ =	sdelay $0x3  }
0x94: {  	_ =	strace s3  }
0x95: {  	s3 =	sld [smem:$0x3FFD];
	_ =	sdelay $0x3  }
0x96: {  	_ =	strace s3  }
0x97: {  	_ =	strace $0x8FFFFFFF  }
0x98: {  	s19 =	sld [smem:$0x3FDB];
	_ =	sdelay $0x1  }
0x99: {  	s4 =	simm.s32 $_scs_section_size  }
0x9a: {  	s5 =	simm.s32 $_size__tile_overlayer_lowered;
	s6 =	simm.s32 $_tile_overlayer_lowered  }
0x9b: {  	s22 =	simm.s32 $0x1BFF;
	s21 =	sshll.u32 s6, $0x1;
	s3 =	sadd.s32 s4, s19  }
0x9c: {  	s7 =	simm.s32 $0x0;
	s20 =	sshll.u32 s5, $0x1;
	s5 =	sadd.s32 s21, s3  }
0x9d: {  	[timem:s7], [sflag:s22] =	dma.local [hbm:s5], s20  }
0x9e: {  	_ =	swait.ge [sflag:s22], s20  }
0x9f: {  	s4 =	ssub.s32 $0x0, s20;
	[sflag:s22] =	ssyncset.done $0x0  }
0xa0: {  	[sflag:s22] =	ssyncadd.s32 s4;
	_ =	sdelay $0x1  }
0xa1: {  	s23 =	simm.s32 $0x1B8B  }
0xa2: {  	_ =	swait.ge [sflag:s23], $0x1  }
0xa3: {  	[sflag:s23] =	ssyncset.done $0x0  }
0xa4: {  	s25 =	simm.s32 $0x1B8E;
	s24 =	sld [smem:$0x3FFE];
	[sflag:s23] =	ssyncadd.s32 $0xFFFFFFFF  }
0xa5: {  	s26 =	simm.s32 $execute0_lowered;
	[smem:$0x3FD2] =	sst s25  }
0xa6: {  	s5 =	sshll.u32 s26, $0x1;
	_ =	strace $0x80000049;
	[dreg:$0x1] =	wrdreg $0xFFFFFFFF  }
0xa7: {  	s28 =	simm.s32 $_size_execute0_lowered;
	s3 =	sadd.s32 s3, s5;
	[dreg:$0x0] =	wrdreg $0x0  }
0xa8: {  	s5 =	sshll.u32 s28, $0x1;
	[dreg:$0x2] =	wrdreg s3  }
0xa9: {  	[dreg:$0x3] =	wrdreg s5  }
0xaa: {  	[dreg:$0x4] =	wrdreg $0xC0  }
0xab: {  	_ =	task [dreg:s7], $0x5FFFF  }
0xac: {  	[dreg:$0x1] =	wrdreg $0xFFFFFFFF  }
0xad: {  	[dreg:$0x0] =	wrdreg $0x60  }
0xae: {  	[dreg:$0x2] =	wrdreg s2  }
0xaf: {  	[dreg:$0x3] =	wrdreg s24  }
0xb0: {  	[dreg:$0x4] =	wrdreg $0xA0000  }
0xb1: {  	[dreg:$0x5] =	wrdreg $0x9  }
0xb2: {  	_ =	task.clear_ibuf [dreg:s7], $0x6FFFF;
	_ =	strace $0x90000049  }
0xb3: {  	s29 =	simm.s32 $0x9;
	_ =	strace $0x8000004B  }
0xb4: {  	_ =	swait.ge [sflag:s29], $0x1  }
0xb5: {  	[sflag:s29] =	ssyncadd.s32 $0xFFFFFFFF  }
0xb6: {  	_ =	strace $0x9000004B  }
0xb7: {  	_ =	sfence  }
0xb8: {  	s30 =	sld [smem:$0x0];
	_ =	sdelay $0x2  }
0xb9: {  	s31 =	sshll.u32 s1, $0xD;
	s1 =	sshrl.u32 s1, $0x2  }
0xba: {  	s3 =	sand.u32 $0x4000, s31;
	s1 =	sadd.s32 s1, s30  }
0xbb: {  	s0 =	sor.u32 s3, s0;
	s1 =	sshll.u32 s1, $0x11  }
0xbc: {  	s0 =	sor.u32 s1, s0  }
0xbd: {  	s0 =	sadd.s32 $0x8F2B, s0  }
0xbe: {  	[sflag:s0] =	ssyncadd.remote.s32 $0x1  }
0xbf: {  	_ =	sfence.sel $0xFFFF  }
0xc0: {  	[dreg:$0x0] =	wrdreg $0xFFFFFFFF;
	(pc) =	sbr.abs _section_cstart, $3  }
0xc1: {  	[dreg:$0x1] =	wrdreg $0xFFFFFFFF  }
0xc2: {  	_ =	task.clear_ibuf [dreg:s7], $0x2FFFF;
	_ =	strace $0x9FFFFFFF  }
0xc3: {  	(tm) =	ssettm $0x7FFFFFFF  }
tec
execute0_lowered:
.L_overlay_start_1:
0x0: {  	(tag) =	ssettag $0x1  }
0x1: {  	s2 =	rddreg [dreg:$0x0]  }
0x2: {  	s0 =	rddreg [dreg:$0x1]  }
0x3: {  	s3 =	rddreg [dreg:$0x2]  }
0x4: {  	s1 =	srdreg.scid;
	s11 =	stileid.u32;
	s4 =	simm.s32 $0x0  }
0x5: {  	s10 =	sand.u32 $0x1, s1;
	s17 =	smul.u32 $0x13C00, s11;
	[smem:$0x7FF] =	sst s4  }
0x6: {  	s8 =	sadd.s32 $0xBE00, s0;
	[dreg:$0x12] =	wrdreg s10;
	s5 =	sshll.u32 s10, $0x4  }
0x7: {  	s10 =	smul.u32 $0x13C000, s10;
	s5 =	sor.u32 s11, s5;
	s6 =	sshrl.u32 s17, $0x3  }
0x8: {  	s9 =	sadd.s32 $0x1E00, s0;
	s7 =	smul.u32 $0x500, s5;
	s6 =	sadd.s32 s6, s0  }
0x9: {  	_ =	strace $0x8000004A;
	s5 =	smul.u32 $0x2800, s5;
	s6 =	sadd.s32 $0x3D000, s6  }
0xa: {  	s1 =	sadd.s32 s17, s10;
	[dreg:$0x4] =	wrdreg s6;
	s18 =	sadd.s32 s8, s7  }
0xb: {  	s1 =	sshrl.u32 s1, $0x3;
	s19 =	sadd.s32 s9, s7;
	[dreg:$0x5] =	wrdreg s18  }
0xc: {  	s5 =	sshrl.u32 s5, $0x3;
	s0 =	sadd.s32 s1, s0;
	[dreg:$0x6] =	wrdreg s19  }
0xd: {  	s20 =	sadd.s32 $0x100, s5;
	s14 =	rddreg [dreg:$0x4];
	s0 =	sadd.s32 $0x64800, s0  }
0xe: {  	s28 =	smul.u32 $0x4F000, s11;
	s21 =	sadd.s32 s8, s20;
	[dreg:$0xf] =	wrdreg s0  }
0xf: {  	s23 =	sadd.s32 $0x200, s5;
	s22 =	sadd.s32 s9, s20;
	[dreg:$0x7] =	wrdreg s21  }
0x10: {  	s12 =	sshll.u32 s11, $0x6;
	s24 =	sadd.s32 s8, s23;
	[dreg:$0x8] =	wrdreg s22  }
0x11: {  	s26 =	sadd.s32 $0x300, s5;
	s25 =	sadd.s32 s9, s23;
	[dreg:$0x9] =	wrdreg s24  }
0x12: {  	s31 =	sshrl.u32 s28, $0x2;
	s29 =	sadd.s32 s8, s26;
	[dreg:$0xa] =	wrdreg s25  }
0x13: {  	s5 =	sadd.s32 $0x400, s5;
	s30 =	sadd.s32 s9, s26;
	[dreg:$0xb] =	wrdreg s29  }
0x14: {  	s10 =	sadd.s32 s31, s3;
	s8 =	sadd.s32 s8, s5;
	[dreg:$0xc] =	wrdreg s30  }
0x15: {  	s6 =	simm.s32 $0x6;
	s13 =	sadd.s32 s9, s5;
	[dreg:$0xd] =	wrdreg s8  }
0x16: {  	s9 =	sshrl.u32 s10, $0x3;
	s30 =	sor.u32 $0x1C06, s12;
	[dreg:$0xe] =	wrdreg s13  }
0x17: {  	[spmem:s9], [sflag:s30] =	dma.local [hbm:s14], $0x2780  }
0x18: {  	_ =	swait.ge [sflag:s6], $0x2780  }
0x19: {  	[sflag:s6] =	ssyncset.done $0x0  }
0x1a: {  	s15 =	rddreg [dreg:$0x5];
	[sflag:s6] =	ssyncadd.s32 $0xFFFFD880  }
0x1b: {  	[tilespmem:s4], [sflag:$0x6] =	stream.linear.gather [hbm4b:s15+s4], $0x800, $0x38;
	[tilespmem:$0x1DC00] =	vst v63  }
0x1c: {  	_ =	swait.ge [sflag:s6], $0x800  }
0x1d: {  	[sflag:s6] =	ssyncset.done $0x0  }
0x1e: {  	s10 =	simm.s32 $0x800;
	s16 =	rddreg [dreg:$0x6];
	[sflag:s6] =	ssyncadd.s32 $0xFFFFF800  }
0x1f: {  	[tilespmem:s10], [sflag:$0x6] =	stream.linear.gather [hbm4b:s16+s4], $0x800, $0x38;
	[tilespmem:$0x1DC00] =	vst v63  }
0x20: {  	_ =	swait.ge [sflag:s6], $0x800  }
0x21: {  	[sflag:s6] =	ssyncset.done $0x0  }
0x22: {  	[sflag:s6] =	ssyncadd.s32 $0xFFFFF800  }
0x23: {  	[bflag:$0x0] =	sbarrier.arrive $0xFFFF  }
0x24: {  	s18 =	simm.s32 $0x1000;
	s17 =	rddreg [dreg:$0x7]  }
0x25: {  	[tilespmem:s18], [sflag:$0x5] =	stream.linear.gather [hbm4b:s17+s4], $0x800, $0x38;
	[tilespmem:$0x1DC00] =	vst v63  }
0x26: {  	s20 =	simm.s32 $0x1800;
	s19 =	rddreg [dreg:$0x8]  }
0x27: {  	[tilespmem:s20], [sflag:$0x5] =	stream.linear.gather [hbm4b:s19+s4], $0x800, $0x38;
	[tilespmem:$0x1DC00] =	vst v63  }
0x28: {  	s11 =	simm.s32 $0x80;
	s12 =	simm.s32 $0x2000  }
0x29: {  	[tilespmem:s12], [sflag:$0x1] =	stream.indirect.gather [hbm4b:s2+s11], $0x80, s4, s11, $0xb8;
	[tilespmem:$0x1DC00] =	vst v63  }
0x2a: {  	s13 =	simm.s32 $0x6000;
	s14 =	simm.s32 $0x1  }
0x2b: {  	[tilespmem:s13], [sflag:$0x2] =	stream.indirect.gather [hbm4b:s2+s11], $0x80, s11, s11, $0xb8;
	[tilespmem:$0x1DC00] =	vst v63  }
0x2c: {  	_ =	swait.ge [sflag:s14], $0x4000  }
0x2d: {  	[sflag:s14] =	ssyncset.done $0x0  }
0x2e: {  	s15 =	simm.s32 $0x2;
	[sflag:s14] =	ssyncadd.s32 $0xFFFFC000  }
0x2f: {  	[spmem:s3] =	stream.indirect.scatter.add.f32 [tilespmem:s12], [sflag:$0x3], $0x80, s10, s11, $0xb8;
	[tilespmem:$0x1DC00] =	vst v63  }
0x30: {  	_ =	swait.ge [sflag:s15], $0x4000  }
0x31: {  	[sflag:s15] =	ssyncset.done $0x0  }
0x32: {  	s21 =	simm.s32 $0x880;
	s17 =	simm.s32 $0x3;
	[sflag:s15] =	ssyncadd.s32 $0xFFFFC000  }
0x33: {  	[spmem:s3] =	stream.indirect.scatter.add.f32 [tilespmem:s13], [sflag:$0x4], $0x80, s21, s11, $0xb8;
	[tilespmem:$0x1DC00] =	vst v63  }
0x34: {  	_ =	swait.ge [sflag:s17], $0x4000  }
0x35: {  	[sflag:s17] =	ssyncset.done $0x0  }
0x36: {  	s18 =	simm.s32 $0x4;
	[sflag:s17] =	ssyncadd.s32 $0xFFFFC000  }
0x37: {  	_ =	swait.ge [sflag:s18], $0x4000  }
0x38: {  	[sflag:s18] =	ssyncset.done $0x0  }
0x39: {  	s22 =	simm.s32 $0x100;
	[sflag:s18] =	ssyncadd.s32 $0xFFFFC000  }
0x3a: {  	[tilespmem:s12], [sflag:$0x1] =	stream.indirect.gather [hbm4b:s2+s11], $0x80, s22, s11, $0xb8;
	[tilespmem:$0x1DC00] =	vst v63  }
0x3b: {  	s23 =	simm.s32 $0x180  }
0x3c: {  	[tilespmem:s13], [sflag:$0x2] =	stream.indirect.gather [hbm4b:s2+s11], $0x80, s23, s11, $0xb8;
	[tilespmem:$0x1DC00] =	vst v63  }
0x3d: {  	_ =	swait.ge [sflag:s14], $0x4000  }
0x3e: {  	[sflag:s14] =	ssyncset.done $0x0  }
0x3f: {  	s24 =	simm.s32 $0x900;
	[sflag:s14] =	ssyncadd.s32 $0xFFFFC000  }
0x40: {  	[spmem:s3] =	stream.indirect.scatter.add.f32 [tilespmem:s12], [sflag:$0x3], $0x80, s24, s11, $0xb8;
	[tilespmem:$0x1DC00] =	vst v63  }
0x41: {  	_ =	swait.ge [sflag:s15], $0x4000  }
0x42: {  	[sflag:s15] =	ssyncset.done $0x0  }
0x43: {  	s25 =	simm.s32 $0x980;
	[sflag:s15] =	ssyncadd.s32 $0xFFFFC000  }
0x44: {  	[spmem:s3] =	stream.indirect.scatter.add.f32 [tilespmem:s13], [sflag:$0x4], $0x80, s25, s11, $0xb8;
	[tilespmem:$0x1DC00] =	vst v63  }
0x45: {  	_ =	swait.ge [sflag:s17], $0x4000  }
0x46: {  	[sflag:s17] =	ssyncset.done $0x0  }
0x47: {  	[sflag:s17] =	ssyncadd.s32 $0xFFFFC000  }
0x48: {  	_ =	swait.ge [sflag:s18], $0x4000  }
0x49: {  	[sflag:s18] =	ssyncset.done $0x0  }
0x4a: {  	s26 =	simm.s32 $0x200;
	[sflag:s18] =	ssyncadd.s32 $0xFFFFC000  }
0x4b: {  	[tilespmem:s12], [sflag:$0x1] =	stream.indirect.gather [hbm4b:s2+s11], $0x80, s26, s11, $0xb8;
	[tilespmem:$0x1DC00] =	vst v63  }
0x4c: {  	s28 =	simm.s32 $0x280  }
0x4d: {  	[tilespmem:s13], [sflag:$0x2] =	stream.indirect.gather [hbm4b:s2+s11], $0x80, s28, s11, $0xb8;
	[tilespmem:$0x1DC00] =	vst v63  }
0x4e: {  	_ =	swait.ge [sflag:s14], $0x4000  }
0x4f: {  	[sflag:s14] =	ssyncset.done $0x0  }
0x50: {  	s29 =	simm.s32 $0xA00;
	[sflag:s14] =	ssyncadd.s32 $0xFFFFC000  }
0x51: {  	[spmem:s3] =	stream.indirect.scatter.add.f32 [tilespmem:s12], [sflag:$0x3], $0x80, s29, s11, $0xb8;
	[tilespmem:$0x1DC00] =	vst v63  }
0x52: {  	_ =	swait.ge [sflag:s15], $0x4000  }
0x53: {  	[sflag:s15] =	ssyncset.done $0x0  }
0x54: {  	s31 =	simm.s32 $0xA80;
	[sflag:s15] =	ssyncadd.s32 $0xFFFFC000  }
0x55: {  	[spmem:s3] =	stream.indirect.scatter.add.f32 [tilespmem:s13], [sflag:$0x4], $0x80, s31, s11, $0xb8;
	[tilespmem:$0x1DC00] =	vst v63  }
0x56: {  	_ =	swait.ge [sflag:s17], $0x4000  }
0x57: {  	[sflag:s17] =	ssyncset.done $0x0  }
0x58: {  	[sflag:s17] =	ssyncadd.s32 $0xFFFFC000  }
0x59: {  	_ =	swait.ge [sflag:s18], $0x4000  }
0x5a: {  	[sflag:s18] =	ssyncset.done $0x0  }
0x5b: {  	s1 =	simm.s32 $0x300;
	[sflag:s18] =	ssyncadd.s32 $0xFFFFC000  }
0x5c: {  	[tilespmem:s12], [sflag:$0x1] =	stream.indirect.gather [hbm4b:s2+s11], $0x80, s1, s11, $0xb8;
	[tilespmem:$0x1DC00] =	vst v63  }
0x5d: {  	s7 =	simm.s32 $0x380  }
0x5e: {  	[tilespmem:s13], [sflag:$0x2] =	stream.indirect.gather [hbm4b:s2+s11], $0x80, s7, s11, $0xb8;
	[tilespmem:$0x1DC00] =	vst v63  }
0x5f: {  	_ =	swait.ge [sflag:s14], $0x4000  }
0x60: {  	[sflag:s14] =	ssyncset.done $0x0  }
0x61: {  	s8 =	simm.s32 $0xB00;
	[sflag:s14] =	ssyncadd.s32 $0xFFFFC000  }
0x62: {  	[spmem:s3] =	stream.indirect.scatter.add.f32 [tilespmem:s12], [sflag:$0x3], $0x80, s8, s11, $0xb8;
	[tilespmem:$0x1DC00] =	vst v63  }
0x63: {  	_ =	swait.ge [sflag:s15], $0x4000  }
0x64: {  	[sflag:s15] =	ssyncset.done $0x0  }
0x65: {  	s16 =	simm.s32 $0xB80;
	[sflag:s15] =	ssyncadd.s32 $0xFFFFC000  }
0x66: {  	[spmem:s3] =	stream.indirect.scatter.add.f32 [tilespmem:s13], [sflag:$0x4], $0x80, s16, s11, $0xb8;
	[tilespmem:$0x1DC00] =	vst v63  }
0x67: {  	_ =	swait.ge [sflag:s17], $0x4000  }
0x68: {  	[sflag:s17] =	ssyncset.done $0x0  }
0x69: {  	[sflag:s17] =	ssyncadd.s32 $0xFFFFC000  }
0x6a: {  	_ =	swait.ge [sflag:s18], $0x4000  }
0x6b: {  	[sflag:s18] =	ssyncset.done $0x0  }
0x6c: {  	s19 =	simm.s32 $0x400;
	[sflag:s18] =	ssyncadd.s32 $0xFFFFC000  }
0x6d: {  	[tilespmem:s12], [sflag:$0x1] =	stream.indirect.gather [hbm4b:s2+s11], $0x80, s19, s11, $0xb8;
	[tilespmem:$0x1DC00] =	vst v63  }
0x6e: {  	s20 =	simm.s32 $0x480  }
0x6f: {  	[tilespmem:s13], [sflag:$0x2] =	stream.indirect.gather [hbm4b:s2+s11], $0x80, s20, s11, $0xb8;
	[tilespmem:$0x1DC00] =	vst v63  }
0x70: {  	_ =	swait.ge [sflag:s14], $0x4000  }
0x71: {  	[sflag:s14] =	ssyncset.done $0x0  }
0x72: {  	s21 =	simm.s32 $0xC00;
	[sflag:s14] =	ssyncadd.s32 $0xFFFFC000  }
0x73: {  	[spmem:s3] =	stream.indirect.scatter.add.f32 [tilespmem:s12], [sflag:$0x3], $0x80, s21, s11, $0xb8;
	[tilespmem:$0x1DC00] =	vst v63  }
0x74: {  	_ =	swait.ge [sflag:s15], $0x4000  }
0x75: {  	[sflag:s15] =	ssyncset.done $0x0  }
0x76: {  	s22 =	simm.s32 $0xC80;
	[sflag:s15] =	ssyncadd.s32 $0xFFFFC000  }
0x77: {  	[spmem:s3] =	stream.indirect.scatter.add.f32 [tilespmem:s13], [sflag:$0x4], $0x80, s22, s11, $0xb8;
	[tilespmem:$0x1DC00] =	vst v63  }
0x78: {  	_ =	swait.ge [sflag:s17], $0x4000  }
0x79: {  	[sflag:s17] =	ssyncset.done $0x0  }
0x7a: {  	[sflag:s17] =	ssyncadd.s32 $0xFFFFC000  }
0x7b: {  	_ =	swait.ge [sflag:s18], $0x4000  }
0x7c: {  	[sflag:s18] =	ssyncset.done $0x0  }
0x7d: {  	s23 =	simm.s32 $0x500;
	[sflag:s18] =	ssyncadd.s32 $0xFFFFC000  }
0x7e: {  	[tilespmem:s12], [sflag:$0x1] =	stream.indirect.gather [hbm4b:s2+s11], $0x80, s23, s11, $0xb8;
	[tilespmem:$0x1DC00] =	vst v63  }
0x7f: {  	s24 =	simm.s32 $0x580  }
0x80: {  	[tilespmem:s13], [sflag:$0x2] =	stream.indirect.gather [hbm4b:s2+s11], $0x80, s24, s11, $0xb8;
	[tilespmem:$0x1DC00] =	vst v63  }
0x81: {  	_ =	swait.ge [sflag:s14], $0x4000  }
0x82: {  	[sflag:s14] =	ssyncset.done $0x0  }
0x83: {  	s25 =	simm.s32 $0xD00;
	[sflag:s14] =	ssyncadd.s32 $0xFFFFC000  }
0x84: {  	[spmem:s3] =	stream.indirect.scatter.add.f32 [tilespmem:s12], [sflag:$0x3], $0x80, s25, s11, $0xb8;
	[tilespmem:$0x1DC00] =	vst v63  }
0x85: {  	_ =	swait.ge [sflag:s15], $0x4000  }
0x86: {  	[sflag:s15] =	ssyncset.done $0x0  }
0x87: {  	s26 =	simm.s32 $0xD80;
	[sflag:s15] =	ssyncadd.s32 $0xFFFFC000  }
0x88: {  	[spmem:s3] =	stream.indirect.scatter.add.f32 [tilespmem:s13], [sflag:$0x4], $0x80, s26, s11, $0xb8;
	[tilespmem:$0x1DC00] =	vst v63  }
0x89: {  	_ =	swait.ge [sflag:s17], $0x4000  }
0x8a: {  	[sflag:s17] =	ssyncset.done $0x0  }
0x8b: {  	[sflag:s17] =	ssyncadd.s32 $0xFFFFC000  }
0x8c: {  	_ =	swait.ge [sflag:s18], $0x4000  }
0x8d: {  	[sflag:s18] =	ssyncset.done $0x0  }
0x8e: {  	s28 =	simm.s32 $0x600;
	[sflag:s18] =	ssyncadd.s32 $0xFFFFC000  }
0x8f: {  	[tilespmem:s12], [sflag:$0x1] =	stream.indirect.gather [hbm4b:s2+s11], $0x80, s28, s11, $0xb8;
	[tilespmem:$0x1DC00] =	vst v63  }
0x90: {  	s29 =	simm.s32 $0x680  }
0x91: {  	[tilespmem:s13], [sflag:$0x2] =	stream.indirect.gather [hbm4b:s2+s11], $0x80, s29, s11, $0xb8;
	[tilespmem:$0x1DC00] =	vst v63  }
0x92: {  	_ =	swait.ge [sflag:s14], $0x4000  }
0x93: {  	[sflag:s14] =	ssyncset.done $0x0  }
0x94: {  	s31 =	simm.s32 $0xE00;
	[sflag:s14] =	ssyncadd.s32 $0xFFFFC000  }
0x95: {  	[spmem:s3] =	stream.indirect.scatter.add.f32 [tilespmem:s12], [sflag:$0x3], $0x80, s31, s11, $0xb8;
	[tilespmem:$0x1DC00] =	vst v63  }
0x96: {  	_ =	swait.ge [sflag:s15], $0x4000  }
0x97: {  	[sflag:s15] =	ssyncset.done $0x0  }
0x98: {  	s1 =	simm.s32 $0xE80;
	[sflag:s15] =	ssyncadd.s32 $0xFFFFC000  }
0x99: {  	[spmem:s3] =	stream.indirect.scatter.add.f32 [tilespmem:s13], [sflag:$0x4], $0x80, s1, s11, $0xb8;
	[tilespmem:$0x1DC00] =	vst v63  }
0x9a: {  	_ =	swait.ge [sflag:s17], $0x4000  }
0x9b: {  	[sflag:s17] =	ssyncset.done $0x0  }
0x9c: {  	[sflag:s17] =	ssyncadd.s32 $0xFFFFC000  }
0x9d: {  	_ =	swait.ge [sflag:s18], $0x4000  }
0x9e: {  	[sflag:s18] =	ssyncset.done $0x0  }
0x9f: {  	s7 =	simm.s32 $0x700;
	[sflag:s18] =	ssyncadd.s32 $0xFFFFC000  }
0xa0: {  	[tilespmem:s12], [sflag:$0x1] =	stream.indirect.gather [hbm4b:s2+s11], $0x80, s7, s11, $0xb8;
	[tilespmem:$0x1DC00] =	vst v63  }
0xa1: {  	s8 =	simm.s32 $0x780  }
0xa2: {  	[tilespmem:s13], [sflag:$0x2] =	stream.indirect.gather [hbm4b:s2+s11], $0x80, s8, s11, $0xb8;
	[tilespmem:$0x1DC00] =	vst v63  }
0xa3: {  	_ =	swait.ge [sflag:s14], $0x4000  }
0xa4: {  	[sflag:s14] =	ssyncset.done $0x0  }
0xa5: {  	s16 =	simm.s32 $0xF00;
	[sflag:s14] =	ssyncadd.s32 $0xFFFFC000  }
0xa6: {  	[spmem:s3] =	stream.indirect.scatter.add.f32 [tilespmem:s12], [sflag:$0x3], $0x80, s16, s11, $0xb8;
	[tilespmem:$0x1DC00] =	vst v63  }
0xa7: {  	_ =	swait.ge [sflag:s15], $0x4000  }
0xa8: {  	[sflag:s15] =	ssyncset.done $0x0  }
0xa9: {  	s19 =	simm.s32 $0xF80;
	s1 =	simm.s32 $0x5;
	[sflag:s15] =	ssyncadd.s32 $0xFFFFC000  }
0xaa: {  	[spmem:s3] =	stream.indirect.scatter.add.f32 [tilespmem:s13], [sflag:$0x4], $0x80, s19, s11, $0xb8;
	[tilespmem:$0x1DC00] =	vst v63  }
0xab: {  	_ =	swait.ge [sflag:s1], $0x800  }
0xac: {  	[sflag:s1] =	ssyncset.done $0x0  }
0xad: {  	[sflag:s1] =	ssyncadd.s32 $0xFFFFF800  }
0xae: {  	_ =	swait.ge [sflag:s1], $0x800  }
0xaf: {  	[sflag:s1] =	ssyncset.done $0x0  }
0xb0: {  	[sflag:s1] =	ssyncadd.s32 $0xFFFFF800  }
0xb1: {  	_ =	swait.ge [sflag:s17], $0x4000  }
0xb2: {  	[sflag:s17] =	ssyncset.done $0x0  }
0xb3: {  	[sflag:s17] =	ssyncadd.s32 $0xFFFFC000  }
0xb4: {  	_ =	swait.ge [sflag:s18], $0x4000  }
0xb5: {  	[sflag:s18] =	ssyncset.done $0x0  }
0xb6: {  	s20 =	rddreg [dreg:$0x9];
	[sflag:s18] =	ssyncadd.s32 $0xFFFFC000  }
0xb7: {  	[tilespmem:s4], [sflag:$0x5] =	stream.linear.gather [hbm4b:s20+s4], $0x800, $0x38;
	[tilespmem:$0x1DC00] =	vst v63  }
0xb8: {  	s16 =	rddreg [dreg:$0xa]  }
0xb9: {  	[tilespmem:s10], [sflag:$0x5] =	stream.linear.gather [hbm4b:s16+s4], $0x800, $0x38;
	[tilespmem:$0x1DC00] =	vst v63  }
0xba: {  	s5 =	simm.s32 $0x1000  }
0xbb: {  	[tilespmem:s12], [sflag:$0x1] =	stream.indirect.gather [hbm4b:s2+s11], $0x80, s5, s11, $0xb8;
	[tilespmem:$0x1DC00] =	vst v63  }
0xbc: {  	s21 =	simm.s32 $0x1080  }
0xbd: {  	[tilespmem:s13], [sflag:$0x2] =	stream.indirect.gather [hbm4b:s2+s11], $0x80, s21, s11, $0xb8;
	[tilespmem:$0x1DC00] =	vst v63  }
0xbe: {  	_ =	swait.ge [sflag:s14], $0x4000  }
0xbf: {  	[sflag:s14] =	ssyncset.done $0x0  }
0xc0: {  	s0 =	simm.s32 $0x1800;
	[sflag:s14] =	ssyncadd.s32 $0xFFFFC000  }
0xc1: {  	[spmem:s3] =	stream.indirect.scatter.add.f32 [tilespmem:s12], [sflag:$0x3], $0x80, s0, s11, $0xb8;
	[tilespmem:$0x1DC00] =	vst v63  }
0xc2: {  	_ =	swait.ge [sflag:s15], $0x4000  }
0xc3: {  	[sflag:s15] =	ssyncset.done $0x0  }
0xc4: {  	s22 =	simm.s32 $0x1880;
	[sflag:s15] =	ssyncadd.s32 $0xFFFFC000  }
0xc5: {  	[spmem:s3] =	stream.indirect.scatter.add.f32 [tilespmem:s13], [sflag:$0x4], $0x80, s22, s11, $0xb8;
	[tilespmem:$0x1DC00] =	vst v63  }
0xc6: {  	_ =	swait.ge [sflag:s17], $0x4000  }
0xc7: {  	[sflag:s17] =	ssyncset.done $0x0  }
0xc8: {  	[sflag:s17] =	ssyncadd.s32 $0xFFFFC000  }
0xc9: {  	_ =	swait.ge [sflag:s18], $0x4000  }
0xca: {  	[sflag:s18] =	ssyncset.done $0x0  }
0xcb: {  	s23 =	simm.s32 $0x1100;
	[sflag:s18] =	ssyncadd.s32 $0xFFFFC000  }
0xcc: {  	[tilespmem:s12], [sflag:$0x1] =	stream.indirect.gather [hbm4b:s2+s11], $0x80, s23, s11, $0xb8;
	[tilespmem:$0x1DC00] =	vst v63  }
0xcd: {  	s24 =	simm.s32 $0x1180  }
0xce: {  	[tilespmem:s13], [sflag:$0x2] =	stream.indirect.gather [hbm4b:s2+s11], $0x80, s24, s11, $0xb8;
	[tilespmem:$0x1DC00] =	vst v63  }
0xcf: {  	_ =	swait.ge [sflag:s14], $0x4000  }
0xd0: {  	[sflag:s14] =	ssyncset.done $0x0  }
0xd1: {  	s25 =	simm.s32 $0x1900;
	[sflag:s14] =	ssyncadd.s32 $0xFFFFC000  }
0xd2: {  	[spmem:s3] =	stream.indirect.scatter.add.f32 [tilespmem:s12], [sflag:$0x3], $0x80, s25, s11, $0xb8;
	[tilespmem:$0x1DC00] =	vst v63  }
0xd3: {  	_ =	swait.ge [sflag:s15], $0x4000  }
0xd4: {  	[sflag:s15] =	ssyncset.done $0x0  }
0xd5: {  	s26 =	simm.s32 $0x1980;
	[sflag:s15] =	ssyncadd.s32 $0xFFFFC000  }
0xd6: {  	[spmem:s3] =	stream.indirect.scatter.add.f32 [tilespmem:s13], [sflag:$0x4], $0x80, s26, s11, $0xb8;
	[tilespmem:$0x1DC00] =	vst v63  }
0xd7: {  	_ =	swait.ge [sflag:s17], $0x4000  }
0xd8: {  	[sflag:s17] =	ssyncset.done $0x0  }
0xd9: {  	[sflag:s17] =	ssyncadd.s32 $0xFFFFC000  }
0xda: {  	_ =	swait.ge [sflag:s18], $0x4000  }
0xdb: {  	[sflag:s18] =	ssyncset.done $0x0  }
0xdc: {  	s28 =	simm.s32 $0x1200;
	[sflag:s18] =	ssyncadd.s32 $0xFFFFC000  }
0xdd: {  	[tilespmem:s12], [sflag:$0x1] =	stream.indirect.gather [hbm4b:s2+s11], $0x80, s28, s11, $0xb8;
	[tilespmem:$0x1DC00] =	vst v63  }
0xde: {  	s29 =	simm.s32 $0x1280  }
0xdf: {  	[tilespmem:s13], [sflag:$0x2] =	stream.indirect.gather [hbm4b:s2+s11], $0x80, s29, s11, $0xb8;
	[tilespmem:$0x1DC00] =	vst v63  }
0xe0: {  	_ =	swait.ge [sflag:s14], $0x4000  }
0xe1: {  	[sflag:s14] =	ssyncset.done $0x0  }
0xe2: {  	s31 =	simm.s32 $0x1A00;
	[sflag:s14] =	ssyncadd.s32 $0xFFFFC000  }
0xe3: {  	[spmem:s3] =	stream.indirect.scatter.add.f32 [tilespmem:s12], [sflag:$0x3], $0x80, s31, s11, $0xb8;
	[tilespmem:$0x1DC00] =	vst v63  }
0xe4: {  	_ =	swait.ge [sflag:s15], $0x4000  }
0xe5: {  	[sflag:s15] =	ssyncset.done $0x0  }
0xe6: {  	s8 =	simm.s32 $0x1A80;
	[sflag:s15] =	ssyncadd.s32 $0xFFFFC000  }
0xe7: {  	[spmem:s3] =	stream.indirect.scatter.add.f32 [tilespmem:s13], [sflag:$0x4], $0x80, s8, s11, $0xb8;
	[tilespmem:$0x1DC00] =	vst v63  }
0xe8: {  	_ =	swait.ge [sflag:s17], $0x4000  }
0xe9: {  	[sflag:s17] =	ssyncset.done $0x0  }
0xea: {  	[sflag:s17] =	ssyncadd.s32 $0xFFFFC000  }
0xeb: {  	_ =	swait.ge [sflag:s18], $0x4000  }
0xec: {  	[sflag:s18] =	ssyncset.done $0x0  }
0xed: {  	s16 =	simm.s32 $0x1300;
	[sflag:s18] =	ssyncadd.s32 $0xFFFFC000  }
0xee: {  	[tilespmem:s12], [sflag:$0x1] =	stream.indirect.gather [hbm4b:s2+s11], $0x80, s16, s11, $0xb8;
	[tilespmem:$0x1DC00] =	vst v63  }
0xef: {  	s19 =	simm.s32 $0x1380  }
0xf0: {  	[tilespmem:s13], [sflag:$0x2] =	stream.indirect.gather [hbm4b:s2+s11], $0x80, s19, s11, $0xb8;
	[tilespmem:$0x1DC00] =	vst v63  }
0xf1: {  	_ =	swait.ge [sflag:s14], $0x4000  }
0xf2: {  	[sflag:s14] =	ssyncset.done $0x0  }
0xf3: {  	s20 =	simm.s32 $0x1B00;
	[sflag:s14] =	ssyncadd.s32 $0xFFFFC000  }
0xf4: {  	[spmem:s3] =	stream.indirect.scatter.add.f32 [tilespmem:s12], [sflag:$0x3], $0x80, s20, s11, $0xb8;
	[tilespmem:$0x1DC00] =	vst v63  }
0xf5: {  	_ =	swait.ge [sflag:s15], $0x4000  }
0xf6: {  	[sflag:s15] =	ssyncset.done $0x0  }
0xf7: {  	s21 =	simm.s32 $0x1B80;
	[sflag:s15] =	ssyncadd.s32 $0xFFFFC000  }
0xf8: {  	[spmem:s3] =	stream.indirect.scatter.add.f32 [tilespmem:s13], [sflag:$0x4], $0x80, s21, s11, $0xb8;
	[tilespmem:$0x1DC00] =	vst v63  }
0xf9: {  	_ =	swait.ge [sflag:s17], $0x4000  }
0xfa: {  	[sflag:s17] =	ssyncset.done $0x0  }
0xfb: {  	[sflag:s17] =	ssyncadd.s32 $0xFFFFC000  }
0xfc: {  	_ =	swait.ge [sflag:s18], $0x4000  }
0xfd: {  	[sflag:s18] =	ssyncset.done $0x0  }
0xfe: {  	s22 =	simm.s32 $0x1400;
	[sflag:s18] =	ssyncadd.s32 $0xFFFFC000  }
0xff: {  	[tilespmem:s12], [sflag:$0x1] =	stream.indirect.gather [hbm4b:s2+s11], $0x80, s22, s11, $0xb8;
	[tilespmem:$0x1DC00] =	vst v63  }
0x100: {  	s23 =	simm.s32 $0x1480  }
0x101: {  	[tilespmem:s13], [sflag:$0x2] =	stream.indirect.gather [hbm4b:s2+s11], $0x80, s23, s11, $0xb8;
	[tilespmem:$0x1DC00] =	vst v63  }
0x102: {  	_ =	swait.ge [sflag:s14], $0x4000  }
0x103: {  	[sflag:s14] =	ssyncset.done $0x0  }
0x104: {  	s24 =	simm.s32 $0x1C00;
	[sflag:s14] =	ssyncadd.s32 $0xFFFFC000  }
0x105: {  	[spmem:s3] =	stream.indirect.scatter.add.f32 [tilespmem:s12], [sflag:$0x3], $0x80, s24, s11, $0xb8;
	[tilespmem:$0x1DC00] =	vst v63  }
0x106: {  	_ =	swait.ge [sflag:s15], $0x4000  }
0x107: {  	[sflag:s15] =	ssyncset.done $0x0  }
0x108: {  	s25 =	simm.s32 $0x1C80;
	[sflag:s15] =	ssyncadd.s32 $0xFFFFC000  }
0x109: {  	[spmem:s3] =	stream.indirect.scatter.add.f32 [tilespmem:s13], [sflag:$0x4], $0x80, s25, s11, $0xb8;
	[tilespmem:$0x1DC00] =	vst v63  }
0x10a: {  	_ =	swait.ge [sflag:s17], $0x4000  }
0x10b: {  	[sflag:s17] =	ssyncset.done $0x0  }
0x10c: {  	[sflag:s17] =	ssyncadd.s32 $0xFFFFC000  }
0x10d: {  	_ =	swait.ge [sflag:s18], $0x4000  }
0x10e: {  	[sflag:s18] =	ssyncset.done $0x0  }
0x10f: {  	s26 =	simm.s32 $0x1500;
	[sflag:s18] =	ssyncadd.s32 $0xFFFFC000  }
0x110: {  	[tilespmem:s12], [sflag:$0x1] =	stream.indirect.gather [hbm4b:s2+s11], $0x80, s26, s11, $0xb8;
	[tilespmem:$0x1DC00] =	vst v63  }
0x111: {  	s28 =	simm.s32 $0x1580  }
0x112: {  	[tilespmem:s13], [sflag:$0x2] =	stream.indirect.gather [hbm4b:s2+s11], $0x80, s28, s11, $0xb8;
	[tilespmem:$0x1DC00] =	vst v63  }
0x113: {  	_ =	swait.ge [sflag:s14], $0x4000  }
0x114: {  	[sflag:s14] =	ssyncset.done $0x0  }
0x115: {  	s29 =	simm.s32 $0x1D00;
	[sflag:s14] =	ssyncadd.s32 $0xFFFFC000  }
0x116: {  	[spmem:s3] =	stream.indirect.scatter.add.f32 [tilespmem:s12], [sflag:$0x3], $0x80, s29, s11, $0xb8;
	[tilespmem:$0x1DC00] =	vst v63  }
0x117: {  	_ =	swait.ge [sflag:s15], $0x4000  }
0x118: {  	[sflag:s15] =	ssyncset.done $0x0  }
0x119: {  	s31 =	simm.s32 $0x1D80;
	[sflag:s15] =	ssyncadd.s32 $0xFFFFC000  }
0x11a: {  	[spmem:s3] =	stream.indirect.scatter.add.f32 [tilespmem:s13], [sflag:$0x4], $0x80, s31, s11, $0xb8;
	[tilespmem:$0x1DC00] =	vst v63  }
0x11b: {  	_ =	swait.ge [sflag:s17], $0x4000  }
0x11c: {  	[sflag:s17] =	ssyncset.done $0x0  }
0x11d: {  	[sflag:s17] =	ssyncadd.s32 $0xFFFFC000  }
0x11e: {  	_ =	swait.ge [sflag:s18], $0x4000  }
0x11f: {  	[sflag:s18] =	ssyncset.done $0x0  }
0x120: {  	s8 =	simm.s32 $0x1600;
	[sflag:s18] =	ssyncadd.s32 $0xFFFFC000  }
0x121: {  	[tilespmem:s12], [sflag:$0x1] =	stream.indirect.gather [hbm4b:s2+s11], $0x80, s8, s11, $0xb8;
	[tilespmem:$0x1DC00] =	vst v63  }
0x122: {  	s16 =	simm.s32 $0x1680  }
0x123: {  	[tilespmem:s13], [sflag:$0x2] =	stream.indirect.gather [hbm4b:s2+s11], $0x80, s16, s11, $0xb8;
	[tilespmem:$0x1DC00] =	vst v63  }
0x124: {  	_ =	swait.ge [sflag:s14], $0x4000  }
0x125: {  	[sflag:s14] =	ssyncset.done $0x0  }
0x126: {  	s19 =	simm.s32 $0x1E00;
	[sflag:s14] =	ssyncadd.s32 $0xFFFFC000  }
0x127: {  	[spmem:s3] =	stream.indirect.scatter.add.f32 [tilespmem:s12], [sflag:$0x3], $0x80, s19, s11, $0xb8;
	[tilespmem:$0x1DC00] =	vst v63  }
0x128: {  	_ =	swait.ge [sflag:s15], $0x4000  }
0x129: {  	[sflag:s15] =	ssyncset.done $0x0  }
0x12a: {  	s20 =	simm.s32 $0x1E80;
	[sflag:s15] =	ssyncadd.s32 $0xFFFFC000  }
0x12b: {  	[spmem:s3] =	stream.indirect.scatter.add.f32 [tilespmem:s13], [sflag:$0x4], $0x80, s20, s11, $0xb8;
	[tilespmem:$0x1DC00] =	vst v63  }
0x12c: {  	_ =	swait.ge [sflag:s17], $0x4000  }
0x12d: {  	[sflag:s17] =	ssyncset.done $0x0  }
0x12e: {  	[sflag:s17] =	ssyncadd.s32 $0xFFFFC000  }
0x12f: {  	_ =	swait.ge [sflag:s18], $0x4000  }
0x130: {  	[sflag:s18] =	ssyncset.done $0x0  }
0x131: {  	s21 =	simm.s32 $0x1700;
	[sflag:s18] =	ssyncadd.s32 $0xFFFFC000  }
0x132: {  	[tilespmem:s12], [sflag:$0x1] =	stream.indirect.gather [hbm4b:s2+s11], $0x80, s21, s11, $0xb8;
	[tilespmem:$0x1DC00] =	vst v63  }
0x133: {  	s22 =	simm.s32 $0x1780  }
0x134: {  	[tilespmem:s13], [sflag:$0x2] =	stream.indirect.gather [hbm4b:s2+s11], $0x80, s22, s11, $0xb8;
	[tilespmem:$0x1DC00] =	vst v63  }
0x135: {  	_ =	swait.ge [sflag:s14], $0x4000  }
0x136: {  	[sflag:s14] =	ssyncset.done $0x0  }
0x137: {  	s23 =	simm.s32 $0x1F00;
	[sflag:s14] =	ssyncadd.s32 $0xFFFFC000  }
0x138: {  	[spmem:s3] =	stream.indirect.scatter.add.f32 [tilespmem:s12], [sflag:$0x3], $0x80, s23, s11, $0xb8;
	[tilespmem:$0x1DC00] =	vst v63  }
0x139: {  	_ =	swait.ge [sflag:s15], $0x4000  }
0x13a: {  	[sflag:s15] =	ssyncset.done $0x0  }
0x13b: {  	s24 =	simm.s32 $0x1F80;
	[sflag:s15] =	ssyncadd.s32 $0xFFFFC000  }
0x13c: {  	[spmem:s3] =	stream.indirect.scatter.add.f32 [tilespmem:s13], [sflag:$0x4], $0x80, s24, s11, $0xb8;
	[tilespmem:$0x1DC00] =	vst v63  }
0x13d: {  	_ =	swait.ge [sflag:s1], $0x800  }
0x13e: {  	[sflag:s1] =	ssyncset.done $0x0  }
0x13f: {  	[sflag:s1] =	ssyncadd.s32 $0xFFFFF800  }
0x140: {  	_ =	swait.ge [sflag:s1], $0x800  }
0x141: {  	[sflag:s1] =	ssyncset.done $0x0  }
0x142: {  	[sflag:s1] =	ssyncadd.s32 $0xFFFFF800  }
0x143: {  	_ =	swait.ge [sflag:s17], $0x4000  }
0x144: {  	[sflag:s17] =	ssyncset.done $0x0  }
0x145: {  	[sflag:s17] =	ssyncadd.s32 $0xFFFFC000  }
0x146: {  	_ =	swait.ge [sflag:s18], $0x4000  }
0x147: {  	[sflag:s18] =	ssyncset.done $0x0  }
0x148: {  	s5 =	simm.s32 $0x1000;
	s25 =	rddreg [dreg:$0xb];
	[sflag:s18] =	ssyncadd.s32 $0xFFFFC000  }
0x149: {  	[tilespmem:s5], [sflag:$0x5] =	stream.linear.gather [hbm4b:s25+s4], $0x800, $0x38;
	[tilespmem:$0x1DC00] =	vst v63  }
0x14a: {  	s26 =	rddreg [dreg:$0xc]  }
0x14b: {  	[tilespmem:s0], [sflag:$0x5] =	stream.linear.gather [hbm4b:s26+s4], $0x800, $0x38;
	[tilespmem:$0x1DC00] =	vst v63  }
0x14c: {  	_ = 	snop  }
0x14d: {  	[tilespmem:s12], [sflag:$0x1] =	stream.indirect.gather [hbm4b:s2+s11], $0x80, s4, s11, $0xb8;
	[tilespmem:$0x1DC00] =	vst v63  }
0x14e: {  	_ = 	snop  }
0x14f: {  	[tilespmem:s13], [sflag:$0x2] =	stream.indirect.gather [hbm4b:s2+s11], $0x80, s11, s11, $0xb8;
	[tilespmem:$0x1DC00] =	vst v63  }
0x150: {  	_ =	swait.ge [sflag:s14], $0x4000  }
0x151: {  	[sflag:s14] =	ssyncset.done $0x0  }
0x152: {  	[sflag:s14] =	ssyncadd.s32 $0xFFFFC000  }
0x153: {  	[spmem:s3] =	stream.indirect.scatter.add.f32 [tilespmem:s12], [sflag:$0x3], $0x80, s10, s11, $0xb8;
	[tilespmem:$0x1DC00] =	vst v63  }
0x154: {  	_ =	swait.ge [sflag:s15], $0x4000  }
0x155: {  	[sflag:s15] =	ssyncset.done $0x0  }
0x156: {  	s28 =	simm.s32 $0x880;
	[sflag:s15] =	ssyncadd.s32 $0xFFFFC000  }
0x157: {  	[spmem:s3] =	stream.indirect.scatter.add.f32 [tilespmem:s13], [sflag:$0x4], $0x80, s28, s11, $0xb8;
	[tilespmem:$0x1DC00] =	vst v63  }
0x158: {  	_ =	swait.ge [sflag:s17], $0x4000  }
0x159: {  	[sflag:s17] =	ssyncset.done $0x0  }
0x15a: {  	[sflag:s17] =	ssyncadd.s32 $0xFFFFC000  }
0x15b: {  	_ =	swait.ge [sflag:s18], $0x4000  }
0x15c: {  	[sflag:s18] =	ssyncset.done $0x0  }
0x15d: {  	s29 =	simm.s32 $0x100;
	[sflag:s18] =	ssyncadd.s32 $0xFFFFC000  }
0x15e: {  	[tilespmem:s12], [sflag:$0x1] =	stream.indirect.gather [hbm4b:s2+s11], $0x80, s29, s11, $0xb8;
	[tilespmem:$0x1DC00] =	vst v63  }
0x15f: {  	s8 =	simm.s32 $0x180  }
0x160: {  	[tilespmem:s13], [sflag:$0x2] =	stream.indirect.gather [hbm4b:s2+s11], $0x80, s8, s11, $0xb8;
	[tilespmem:$0x1DC00] =	vst v63  }
0x161: {  	_ =	swait.ge [sflag:s14], $0x4000  }
0x162: {  	[sflag:s14] =	ssyncset.done $0x0  }
0x163: {  	s31 =	simm.s32 $0x900;
	[sflag:s14] =	ssyncadd.s32 $0xFFFFC000  }
0x164: {  	[spmem:s3] =	stream.indirect.scatter.add.f32 [tilespmem:s12], [sflag:$0x3], $0x80, s31, s11, $0xb8;
	[tilespmem:$0x1DC00] =	vst v63  }
0x165: {  	_ =	swait.ge [sflag:s15], $0x4000  }
0x166: {  	[sflag:s15] =	ssyncset.done $0x0  }
0x167: {  	s19 =	simm.s32 $0x980;
	[sflag:s15] =	ssyncadd.s32 $0xFFFFC000  }
0x168: {  	[spmem:s3] =	stream.indirect.scatter.add.f32 [tilespmem:s13], [sflag:$0x4], $0x80, s19, s11, $0xb8;
	[tilespmem:$0x1DC00] =	vst v63  }
0x169: {  	_ =	swait.ge [sflag:s17], $0x4000  }
0x16a: {  	[sflag:s17] =	ssyncset.done $0x0  }
0x16b: {  	[sflag:s17] =	ssyncadd.s32 $0xFFFFC000  }
0x16c: {  	_ =	swait.ge [sflag:s18], $0x4000  }
0x16d: {  	[sflag:s18] =	ssyncset.done $0x0  }
0x16e: {  	s20 =	simm.s32 $0x200;
	[sflag:s18] =	ssyncadd.s32 $0xFFFFC000  }
0x16f: {  	[tilespmem:s12], [sflag:$0x1] =	stream.indirect.gather [hbm4b:s2+s11], $0x80, s20, s11, $0xb8;
	[tilespmem:$0x1DC00] =	vst v63  }
0x170: {  	s21 =	simm.s32 $0x280  }
0x171: {  	[tilespmem:s13], [sflag:$0x2] =	stream.indirect.gather [hbm4b:s2+s11], $0x80, s21, s11, $0xb8;
	[tilespmem:$0x1DC00] =	vst v63  }
0x172: {  	_ =	swait.ge [sflag:s14], $0x4000  }
0x173: {  	[sflag:s14] =	ssyncset.done $0x0  }
0x174: {  	s22 =	simm.s32 $0xA00;
	[sflag:s14] =	ssyncadd.s32 $0xFFFFC000  }
0x175: {  	[spmem:s3] =	stream.indirect.scatter.add.f32 [tilespmem:s12], [sflag:$0x3], $0x80, s22, s11, $0xb8;
	[tilespmem:$0x1DC00] =	vst v63  }
0x176: {  	_ =	swait.ge [sflag:s15], $0x4000  }
0x177: {  	[sflag:s15] =	ssyncset.done $0x0  }
0x178: {  	s23 =	simm.s32 $0xA80;
	[sflag:s15] =	ssyncadd.s32 $0xFFFFC000  }
0x179: {  	[spmem:s3] =	stream.indirect.scatter.add.f32 [tilespmem:s13], [sflag:$0x4], $0x80, s23, s11, $0xb8;
	[tilespmem:$0x1DC00] =	vst v63  }
0x17a: {  	_ =	swait.ge [sflag:s17], $0x4000  }
0x17b: {  	[sflag:s17] =	ssyncset.done $0x0  }
0x17c: {  	[sflag:s17] =	ssyncadd.s32 $0xFFFFC000  }
0x17d: {  	_ =	swait.ge [sflag:s18], $0x4000  }
0x17e: {  	[sflag:s18] =	ssyncset.done $0x0  }
0x17f: {  	s24 =	simm.s32 $0x300;
	[sflag:s18] =	ssyncadd.s32 $0xFFFFC000  }
0x180: {  	[tilespmem:s12], [sflag:$0x1] =	stream.indirect.gather [hbm4b:s2+s11], $0x80, s24, s11, $0xb8;
	[tilespmem:$0x1DC00] =	vst v63  }
0x181: {  	s25 =	simm.s32 $0x380  }
0x182: {  	[tilespmem:s13], [sflag:$0x2] =	stream.indirect.gather [hbm4b:s2+s11], $0x80, s25, s11, $0xb8;
	[tilespmem:$0x1DC00] =	vst v63  }
0x183: {  	_ =	swait.ge [sflag:s14], $0x4000  }
0x184: {  	[sflag:s14] =	ssyncset.done $0x0  }
0x185: {  	s26 =	simm.s32 $0xB00;
	[sflag:s14] =	ssyncadd.s32 $0xFFFFC000  }
0x186: {  	[spmem:s3] =	stream.indirect.scatter.add.f32 [tilespmem:s12], [sflag:$0x3], $0x80, s26, s11, $0xb8;
	[tilespmem:$0x1DC00] =	vst v63  }
0x187: {  	_ =	swait.ge [sflag:s15], $0x4000  }
0x188: {  	[sflag:s15] =	ssyncset.done $0x0  }
0x189: {  	s28 =	simm.s32 $0xB80;
	[sflag:s15] =	ssyncadd.s32 $0xFFFFC000  }
0x18a: {  	[spmem:s3] =	stream.indirect.scatter.add.f32 [tilespmem:s13], [sflag:$0x4], $0x80, s28, s11, $0xb8;
	[tilespmem:$0x1DC00] =	vst v63  }
0x18b: {  	_ =	swait.ge [sflag:s17], $0x4000  }
0x18c: {  	[sflag:s17] =	ssyncset.done $0x0  }
0x18d: {  	[sflag:s17] =	ssyncadd.s32 $0xFFFFC000  }
0x18e: {  	_ =	swait.ge [sflag:s18], $0x4000  }
0x18f: {  	[sflag:s18] =	ssyncset.done $0x0  }
0x190: {  	s29 =	simm.s32 $0x400;
	[sflag:s18] =	ssyncadd.s32 $0xFFFFC000  }
0x191: {  	[tilespmem:s12], [sflag:$0x1] =	stream.indirect.gather [hbm4b:s2+s11], $0x80, s29, s11, $0xb8;
	[tilespmem:$0x1DC00] =	vst v63  }
0x192: {  	s31 =	simm.s32 $0x480  }
0x193: {  	[tilespmem:s13], [sflag:$0x2] =	stream.indirect.gather [hbm4b:s2+s11], $0x80, s31, s11, $0xb8;
	[tilespmem:$0x1DC00] =	vst v63  }
0x194: {  	_ =	swait.ge [sflag:s14], $0x4000  }
0x195: {  	[sflag:s14] =	ssyncset.done $0x0  }
0x196: {  	s5 =	simm.s32 $0xC00;
	[sflag:s14] =	ssyncadd.s32 $0xFFFFC000  }
0x197: {  	[spmem:s3] =	stream.indirect.scatter.add.f32 [tilespmem:s12], [sflag:$0x3], $0x80, s5, s11, $0xb8;
	[tilespmem:$0x1DC00] =	vst v63  }
0x198: {  	_ =	swait.ge [sflag:s15], $0x4000  }
0x199: {  	[sflag:s15] =	ssyncset.done $0x0  }
0x19a: {  	s5 =	simm.s32 $0xC80;
	[sflag:s15] =	ssyncadd.s32 $0xFFFFC000  }
0x19b: {  	[spmem:s3] =	stream.indirect.scatter.add.f32 [tilespmem:s13], [sflag:$0x4], $0x80, s5, s11, $0xb8;
	[tilespmem:$0x1DC00] =	vst v63  }
0x19c: {  	_ =	swait.ge [sflag:s17], $0x4000  }
0x19d: {  	[sflag:s17] =	ssyncset.done $0x0  }
0x19e: {  	[sflag:s17] =	ssyncadd.s32 $0xFFFFC000  }
0x19f: {  	_ =	swait.ge [sflag:s18], $0x4000  }
0x1a0: {  	[sflag:s18] =	ssyncset.done $0x0  }
0x1a1: {  	s5 =	simm.s32 $0x500;
	[sflag:s18] =	ssyncadd.s32 $0xFFFFC000  }
0x1a2: {  	[tilespmem:s12], [sflag:$0x1] =	stream.indirect.gather [hbm4b:s2+s11], $0x80, s5, s11, $0xb8;
	[tilespmem:$0x1DC00] =	vst v63  }
0x1a3: {  	s5 =	simm.s32 $0x580  }
0x1a4: {  	[tilespmem:s13], [sflag:$0x2] =	stream.indirect.gather [hbm4b:s2+s11], $0x80, s5, s11, $0xb8;
	[tilespmem:$0x1DC00] =	vst v63  }
0x1a5: {  	_ =	swait.ge [sflag:s14], $0x4000  }
0x1a6: {  	[sflag:s14] =	ssyncset.done $0x0  }
0x1a7: {  	s5 =	simm.s32 $0xD00;
	[sflag:s14] =	ssyncadd.s32 $0xFFFFC000  }
0x1a8: {  	[spmem:s3] =	stream.indirect.scatter.add.f32 [tilespmem:s12], [sflag:$0x3], $0x80, s5, s11, $0xb8;
	[tilespmem:$0x1DC00] =	vst v63  }
0x1a9: {  	_ =	swait.ge [sflag:s15], $0x4000  }
0x1aa: {  	[sflag:s15] =	ssyncset.done $0x0  }
0x1ab: {  	s5 =	simm.s32 $0xD80;
	[sflag:s15] =	ssyncadd.s32 $0xFFFFC000  }
0x1ac: {  	[spmem:s3] =	stream.indirect.scatter.add.f32 [tilespmem:s13], [sflag:$0x4], $0x80, s5, s11, $0xb8;
	[tilespmem:$0x1DC00] =	vst v63  }
0x1ad: {  	_ =	swait.ge [sflag:s17], $0x4000  }
0x1ae: {  	[sflag:s17] =	ssyncset.done $0x0  }
0x1af: {  	[sflag:s17] =	ssyncadd.s32 $0xFFFFC000  }
0x1b0: {  	_ =	swait.ge [sflag:s18], $0x4000  }
0x1b1: {  	[sflag:s18] =	ssyncset.done $0x0  }
0x1b2: {  	s5 =	simm.s32 $0x600;
	[sflag:s18] =	ssyncadd.s32 $0xFFFFC000  }
0x1b3: {  	[tilespmem:s12], [sflag:$0x1] =	stream.indirect.gather [hbm4b:s2+s11], $0x80, s5, s11, $0xb8;
	[tilespmem:$0x1DC00] =	vst v63  }
0x1b4: {  	s5 =	simm.s32 $0x680  }
0x1b5: {  	[tilespmem:s13], [sflag:$0x2] =	stream.indirect.gather [hbm4b:s2+s11], $0x80, s5, s11, $0xb8;
	[tilespmem:$0x1DC00] =	vst v63  }
0x1b6: {  	_ =	swait.ge [sflag:s14], $0x4000  }
0x1b7: {  	[sflag:s14] =	ssyncset.done $0x0  }
0x1b8: {  	s5 =	simm.s32 $0xE00;
	[sflag:s14] =	ssyncadd.s32 $0xFFFFC000  }
0x1b9: {  	[spmem:s3] =	stream.indirect.scatter.add.f32 [tilespmem:s12], [sflag:$0x3], $0x80, s5, s11, $0xb8;
	[tilespmem:$0x1DC00] =	vst v63  }
0x1ba: {  	_ =	swait.ge [sflag:s15], $0x4000  }
0x1bb: {  	[sflag:s15] =	ssyncset.done $0x0  }
0x1bc: {  	s5 =	simm.s32 $0xE80;
	[sflag:s15] =	ssyncadd.s32 $0xFFFFC000  }
0x1bd: {  	[spmem:s3] =	stream.indirect.scatter.add.f32 [tilespmem:s13], [sflag:$0x4], $0x80, s5, s11, $0xb8;
	[tilespmem:$0x1DC00] =	vst v63  }
0x1be: {  	_ =	swait.ge [sflag:s17], $0x4000  }
0x1bf: {  	[sflag:s17] =	ssyncset.done $0x0  }
0x1c0: {  	[sflag:s17] =	ssyncadd.s32 $0xFFFFC000  }
0x1c1: {  	_ =	swait.ge [sflag:s18], $0x4000  }
0x1c2: {  	[sflag:s18] =	ssyncset.done $0x0  }
0x1c3: {  	s5 =	simm.s32 $0x700;
	[sflag:s18] =	ssyncadd.s32 $0xFFFFC000  }
0x1c4: {  	[tilespmem:s12], [sflag:$0x1] =	stream.indirect.gather [hbm4b:s2+s11], $0x80, s5, s11, $0xb8;
	[tilespmem:$0x1DC00] =	vst v63  }
0x1c5: {  	s5 =	simm.s32 $0x780  }
0x1c6: {  	[tilespmem:s13], [sflag:$0x2] =	stream.indirect.gather [hbm4b:s2+s11], $0x80, s5, s11, $0xb8;
	[tilespmem:$0x1DC00] =	vst v63  }
0x1c7: {  	_ =	swait.ge [sflag:s14], $0x4000  }
0x1c8: {  	[sflag:s14] =	ssyncset.done $0x0  }
0x1c9: {  	s5 =	simm.s32 $0xF00;
	[sflag:s14] =	ssyncadd.s32 $0xFFFFC000  }
0x1ca: {  	[spmem:s3] =	stream.indirect.scatter.add.f32 [tilespmem:s12], [sflag:$0x3], $0x80, s5, s11, $0xb8;
	[tilespmem:$0x1DC00] =	vst v63  }
0x1cb: {  	_ =	swait.ge [sflag:s15], $0x4000  }
0x1cc: {  	[sflag:s15] =	ssyncset.done $0x0  }
0x1cd: {  	s5 =	simm.s32 $0xF80;
	[sflag:s15] =	ssyncadd.s32 $0xFFFFC000  }
0x1ce: {  	[spmem:s3] =	stream.indirect.scatter.add.f32 [tilespmem:s13], [sflag:$0x4], $0x80, s5, s11, $0xb8;
	[tilespmem:$0x1DC00] =	vst v63  }
0x1cf: {  	_ =	swait.ge [sflag:s1], $0x800  }
0x1d0: {  	[sflag:s1] =	ssyncset.done $0x0  }
0x1d1: {  	[sflag:s1] =	ssyncadd.s32 $0xFFFFF800  }
0x1d2: {  	_ =	swait.ge [sflag:s1], $0x800  }
0x1d3: {  	[sflag:s1] =	ssyncset.done $0x0  }
0x1d4: {  	[sflag:s1] =	ssyncadd.s32 $0xFFFFF800  }
0x1d5: {  	_ =	swait.ge [sflag:s17], $0x4000  }
0x1d6: {  	[sflag:s17] =	ssyncset.done $0x0  }
0x1d7: {  	[sflag:s17] =	ssyncadd.s32 $0xFFFFC000  }
0x1d8: {  	_ =	swait.ge [sflag:s18], $0x4000  }
0x1d9: {  	s5 =	rddreg [dreg:$0xd]  }
0x1da: {  	[sflag:s18] =	ssyncset.done $0x0;
	[dreg:$0x13] =	wrdreg s5  }
0x1db: {  	[sflag:s18] =	ssyncadd.s32 $0xFFFFC000;
	s5 =	rddreg [dreg:$0x13]  }
0x1dc: {  	[tilespmem:s4], [sflag:$0x5] =	stream.linear.gather [hbm4b:s5+s4], $0x800, $0x38;
	[tilespmem:$0x1DC00] =	vst v63  }
0x1dd: {  	s16 =	rddreg [dreg:$0xe]  }
0x1de: {  	[tilespmem:s10], [sflag:$0x5] =	stream.linear.gather [hbm4b:s16+s4], $0x800, $0x38;
	[tilespmem:$0x1DC00] =	vst v63  }
0x1df: {  	s7 =	simm.s32 $0x1000  }
0x1e0: {  	[tilespmem:s12], [sflag:$0x1] =	stream.indirect.gather [hbm4b:s2+s11], $0x80, s7, s11, $0xb8;
	[tilespmem:$0x1DC00] =	vst v63  }
0x1e1: {  	s5 =	simm.s32 $0x1080  }
0x1e2: {  	[tilespmem:s13], [sflag:$0x2] =	stream.indirect.gather [hbm4b:s2+s11], $0x80, s5, s11, $0xb8;
	[tilespmem:$0x1DC00] =	vst v63  }
0x1e3: {  	_ =	swait.ge [sflag:s14], $0x4000  }
0x1e4: {  	[sflag:s14] =	ssyncset.done $0x0  }
0x1e5: {  	s0 =	simm.s32 $0x1800;
	[sflag:s14] =	ssyncadd.s32 $0xFFFFC000  }
0x1e6: {  	[spmem:s3] =	stream.indirect.scatter.add.f32 [tilespmem:s12], [sflag:$0x3], $0x80, s0, s11, $0xb8;
	[tilespmem:$0x1DC00] =	vst v63  }
0x1e7: {  	_ =	swait.ge [sflag:s15], $0x4000  }
0x1e8: {  	[sflag:s15] =	ssyncset.done $0x0  }
0x1e9: {  	s16 =	simm.s32 $0x1880;
	[sflag:s15] =	ssyncadd.s32 $0xFFFFC000  }
0x1ea: {  	[spmem:s3] =	stream.indirect.scatter.add.f32 [tilespmem:s13], [sflag:$0x4], $0x80, s16, s11, $0xb8;
	[tilespmem:$0x1DC00] =	vst v63  }
0x1eb: {  	_ =	swait.ge [sflag:s17], $0x4000  }
0x1ec: {  	[sflag:s17] =	ssyncset.done $0x0  }
0x1ed: {  	[sflag:s17] =	ssyncadd.s32 $0xFFFFC000  }
0x1ee: {  	_ =	swait.ge [sflag:s18], $0x4000  }
0x1ef: {  	[sflag:s18] =	ssyncset.done $0x0  }
0x1f0: {  	s5 =	simm.s32 $0x1100;
	[sflag:s18] =	ssyncadd.s32 $0xFFFFC000  }
0x1f1: {  	[tilespmem:s12], [sflag:$0x1] =	stream.indirect.gather [hbm4b:s2+s11], $0x80, s5, s11, $0xb8;
	[tilespmem:$0x1DC00] =	vst v63  }
0x1f2: {  	s7 =	simm.s32 $0x1180  }
0x1f3: {  	[tilespmem:s13], [sflag:$0x2] =	stream.indirect.gather [hbm4b:s2+s11], $0x80, s7, s11, $0xb8;
	[tilespmem:$0x1DC00] =	vst v63  }
0x1f4: {  	_ =	swait.ge [sflag:s14], $0x4000  }
0x1f5: {  	[sflag:s14] =	ssyncset.done $0x0  }
0x1f6: {  	s16 =	simm.s32 $0x1900;
	[sflag:s14] =	ssyncadd.s32 $0xFFFFC000  }
0x1f7: {  	[spmem:s3] =	stream.indirect.scatter.add.f32 [tilespmem:s12], [sflag:$0x3], $0x80, s16, s11, $0xb8;
	[tilespmem:$0x1DC00] =	vst v63  }
0x1f8: {  	_ =	swait.ge [sflag:s15], $0x4000  }
0x1f9: {  	[sflag:s15] =	ssyncset.done $0x0  }
0x1fa: {  	s5 =	simm.s32 $0x1980;
	[sflag:s15] =	ssyncadd.s32 $0xFFFFC000  }
0x1fb: {  	[spmem:s3] =	stream.indirect.scatter.add.f32 [tilespmem:s13], [sflag:$0x4], $0x80, s5, s11, $0xb8;
	[tilespmem:$0x1DC00] =	vst v63  }
0x1fc: {  	_ =	swait.ge [sflag:s17], $0x4000  }
0x1fd: {  	[sflag:s17] =	ssyncset.done $0x0  }
0x1fe: {  	[sflag:s17] =	ssyncadd.s32 $0xFFFFC000  }
0x1ff: {  	_ =	swait.ge [sflag:s18], $0x4000  }
0x200: {  	[sflag:s18] =	ssyncset.done $0x0  }
0x201: {  	s7 =	simm.s32 $0x1200;
	[sflag:s18] =	ssyncadd.s32 $0xFFFFC000  }
0x202: {  	[tilespmem:s12], [sflag:$0x1] =	stream.indirect.gather [hbm4b:s2+s11], $0x80, s7, s11, $0xb8;
	[tilespmem:$0x1DC00] =	vst v63  }
0x203: {  	s16 =	simm.s32 $0x1280  }
0x204: {  	[tilespmem:s13], [sflag:$0x2] =	stream.indirect.gather [hbm4b:s2+s11], $0x80, s16, s11, $0xb8;
	[tilespmem:$0x1DC00] =	vst v63  }
0x205: {  	_ =	swait.ge [sflag:s14], $0x4000  }
0x206: {  	[sflag:s14] =	ssyncset.done $0x0  }
0x207: {  	s5 =	simm.s32 $0x1A00;
	[sflag:s14] =	ssyncadd.s32 $0xFFFFC000  }
0x208: {  	[spmem:s3] =	stream.indirect.scatter.add.f32 [tilespmem:s12], [sflag:$0x3], $0x80, s5, s11, $0xb8;
	[tilespmem:$0x1DC00] =	vst v63  }
0x209: {  	_ =	swait.ge [sflag:s15], $0x4000  }
0x20a: {  	[sflag:s15] =	ssyncset.done $0x0  }
0x20b: {  	s7 =	simm.s32 $0x1A80;
	[sflag:s15] =	ssyncadd.s32 $0xFFFFC000  }
0x20c: {  	[spmem:s3] =	stream.indirect.scatter.add.f32 [tilespmem:s13], [sflag:$0x4], $0x80, s7, s11, $0xb8;
	[tilespmem:$0x1DC00] =	vst v63  }
0x20d: {  	_ =	swait.ge [sflag:s17], $0x4000  }
0x20e: {  	[sflag:s17] =	ssyncset.done $0x0  }
0x20f: {  	[sflag:s17] =	ssyncadd.s32 $0xFFFFC000  }
0x210: {  	_ =	swait.ge [sflag:s18], $0x4000  }
0x211: {  	[sflag:s18] =	ssyncset.done $0x0  }
0x212: {  	s16 =	simm.s32 $0x1300;
	[sflag:s18] =	ssyncadd.s32 $0xFFFFC000  }
0x213: {  	[tilespmem:s12], [sflag:$0x1] =	stream.indirect.gather [hbm4b:s2+s11], $0x80, s16, s11, $0xb8;
	[tilespmem:$0x1DC00] =	vst v63  }
0x214: {  	s5 =	simm.s32 $0x1380  }
0x215: {  	[tilespmem:s13], [sflag:$0x2] =	stream.indirect.gather [hbm4b:s2+s11], $0x80, s5, s11, $0xb8;
	[tilespmem:$0x1DC00] =	vst v63  }
0x216: {  	_ =	swait.ge [sflag:s14], $0x4000  }
0x217: {  	[sflag:s14] =	ssyncset.done $0x0  }
0x218: {  	s7 =	simm.s32 $0x1B00;
	[sflag:s14] =	ssyncadd.s32 $0xFFFFC000  }
0x219: {  	[spmem:s3] =	stream.indirect.scatter.add.f32 [tilespmem:s12], [sflag:$0x3], $0x80, s7, s11, $0xb8;
	[tilespmem:$0x1DC00] =	vst v63  }
0x21a: {  	_ =	swait.ge [sflag:s15], $0x4000  }
0x21b: {  	[sflag:s15] =	ssyncset.done $0x0  }
0x21c: {  	s16 =	simm.s32 $0x1B80;
	[sflag:s15] =	ssyncadd.s32 $0xFFFFC000  }
0x21d: {  	[spmem:s3] =	stream.indirect.scatter.add.f32 [tilespmem:s13], [sflag:$0x4], $0x80, s16, s11, $0xb8;
	[tilespmem:$0x1DC00] =	vst v63  }
0x21e: {  	_ =	swait.ge [sflag:s17], $0x4000  }
0x21f: {  	[sflag:s17] =	ssyncset.done $0x0  }
0x220: {  	[sflag:s17] =	ssyncadd.s32 $0xFFFFC000  }
0x221: {  	_ =	swait.ge [sflag:s18], $0x4000  }
0x222: {  	[sflag:s18] =	ssyncset.done $0x0  }
0x223: {  	s5 =	simm.s32 $0x1400;
	[sflag:s18] =	ssyncadd.s32 $0xFFFFC000  }
0x224: {  	[tilespmem:s12], [sflag:$0x1] =	stream.indirect.gather [hbm4b:s2+s11], $0x80, s5, s11, $0xb8;
	[tilespmem:$0x1DC00] =	vst v63  }
0x225: {  	s7 =	simm.s32 $0x1480  }
0x226: {  	[tilespmem:s13], [sflag:$0x2] =	stream.indirect.gather [hbm4b:s2+s11], $0x80, s7, s11, $0xb8;
	[tilespmem:$0x1DC00] =	vst v63  }
0x227: {  	_ =	swait.ge [sflag:s14], $0x4000  }
0x228: {  	[sflag:s14] =	ssyncset.done $0x0  }
0x229: {  	s16 =	simm.s32 $0x1C00;
	[sflag:s14] =	ssyncadd.s32 $0xFFFFC000  }
0x22a: {  	[spmem:s3] =	stream.indirect.scatter.add.f32 [tilespmem:s12], [sflag:$0x3], $0x80, s16, s11, $0xb8;
	[tilespmem:$0x1DC00] =	vst v63  }
0x22b: {  	_ =	swait.ge [sflag:s15], $0x4000  }
0x22c: {  	[sflag:s15] =	ssyncset.done $0x0  }
0x22d: {  	s5 =	simm.s32 $0x1C80;
	[sflag:s15] =	ssyncadd.s32 $0xFFFFC000  }
0x22e: {  	[spmem:s3] =	stream.indirect.scatter.add.f32 [tilespmem:s13], [sflag:$0x4], $0x80, s5, s11, $0xb8;
	[tilespmem:$0x1DC00] =	vst v63  }
0x22f: {  	_ =	swait.ge [sflag:s17], $0x4000  }
0x230: {  	[sflag:s17] =	ssyncset.done $0x0  }
0x231: {  	[sflag:s17] =	ssyncadd.s32 $0xFFFFC000  }
0x232: {  	_ =	swait.ge [sflag:s18], $0x4000  }
0x233: {  	[sflag:s18] =	ssyncset.done $0x0  }
0x234: {  	s7 =	simm.s32 $0x1500;
	[sflag:s18] =	ssyncadd.s32 $0xFFFFC000  }
0x235: {  	[tilespmem:s12], [sflag:$0x1] =	stream.indirect.gather [hbm4b:s2+s11], $0x80, s7, s11, $0xb8;
	[tilespmem:$0x1DC00] =	vst v63  }
0x236: {  	s16 =	simm.s32 $0x1580  }
0x237: {  	[tilespmem:s13], [sflag:$0x2] =	stream.indirect.gather [hbm4b:s2+s11], $0x80, s16, s11, $0xb8;
	[tilespmem:$0x1DC00] =	vst v63  }
0x238: {  	_ =	swait.ge [sflag:s14], $0x4000  }
0x239: {  	[sflag:s14] =	ssyncset.done $0x0  }
0x23a: {  	s5 =	simm.s32 $0x1D00;
	[sflag:s14] =	ssyncadd.s32 $0xFFFFC000  }
0x23b: {  	[spmem:s3] =	stream.indirect.scatter.add.f32 [tilespmem:s12], [sflag:$0x3], $0x80, s5, s11, $0xb8;
	[tilespmem:$0x1DC00] =	vst v63  }
0x23c: {  	_ =	swait.ge [sflag:s15], $0x4000  }
0x23d: {  	[sflag:s15] =	ssyncset.done $0x0  }
0x23e: {  	s7 =	simm.s32 $0x1D80;
	[sflag:s15] =	ssyncadd.s32 $0xFFFFC000  }
0x23f: {  	[spmem:s3] =	stream.indirect.scatter.add.f32 [tilespmem:s13], [sflag:$0x4], $0x80, s7, s11, $0xb8;
	[tilespmem:$0x1DC00] =	vst v63  }
0x240: {  	_ =	swait.ge [sflag:s17], $0x4000  }
0x241: {  	[sflag:s17] =	ssyncset.done $0x0  }
0x242: {  	[sflag:s17] =	ssyncadd.s32 $0xFFFFC000  }
0x243: {  	_ =	swait.ge [sflag:s18], $0x4000  }
0x244: {  	[sflag:s18] =	ssyncset.done $0x0  }
0x245: {  	s16 =	simm.s32 $0x1600;
	[sflag:s18] =	ssyncadd.s32 $0xFFFFC000  }
0x246: {  	[tilespmem:s12], [sflag:$0x1] =	stream.indirect.gather [hbm4b:s2+s11], $0x80, s16, s11, $0xb8;
	[tilespmem:$0x1DC00] =	vst v63  }
0x247: {  	s5 =	simm.s32 $0x1680  }
0x248: {  	[tilespmem:s13], [sflag:$0x2] =	stream.indirect.gather [hbm4b:s2+s11], $0x80, s5, s11, $0xb8;
	[tilespmem:$0x1DC00] =	vst v63  }
0x249: {  	_ =	swait.ge [sflag:s14], $0x4000  }
0x24a: {  	[sflag:s14] =	ssyncset.done $0x0  }
0x24b: {  	s7 =	simm.s32 $0x1E00;
	[sflag:s14] =	ssyncadd.s32 $0xFFFFC000  }
0x24c: {  	[spmem:s3] =	stream.indirect.scatter.add.f32 [tilespmem:s12], [sflag:$0x3], $0x80, s7, s11, $0xb8;
	[tilespmem:$0x1DC00] =	vst v63  }
0x24d: {  	_ =	swait.ge [sflag:s15], $0x4000  }
0x24e: {  	[sflag:s15] =	ssyncset.done $0x0  }
0x24f: {  	s16 =	simm.s32 $0x1E80;
	[sflag:s15] =	ssyncadd.s32 $0xFFFFC000  }
0x250: {  	[spmem:s3] =	stream.indirect.scatter.add.f32 [tilespmem:s13], [sflag:$0x4], $0x80, s16, s11, $0xb8;
	[tilespmem:$0x1DC00] =	vst v63  }
0x251: {  	_ =	swait.ge [sflag:s17], $0x4000  }
0x252: {  	[sflag:s17] =	ssyncset.done $0x0  }
0x253: {  	[sflag:s17] =	ssyncadd.s32 $0xFFFFC000  }
0x254: {  	_ =	swait.ge [sflag:s18], $0x4000  }
0x255: {  	[sflag:s18] =	ssyncset.done $0x0  }
0x256: {  	s5 =	simm.s32 $0x1700;
	[sflag:s18] =	ssyncadd.s32 $0xFFFFC000  }
0x257: {  	[tilespmem:s12], [sflag:$0x1] =	stream.indirect.gather [hbm4b:s2+s11], $0x80, s5, s11, $0xb8;
	[tilespmem:$0x1DC00] =	vst v63  }
0x258: {  	s7 =	simm.s32 $0x1780  }
0x259: {  	[tilespmem:s13], [sflag:$0x2] =	stream.indirect.gather [hbm4b:s2+s11], $0x80, s7, s11, $0xb8;
	[tilespmem:$0x1DC00] =	vst v63  }
0x25a: {  	_ =	swait.ge [sflag:s14], $0x4000  }
0x25b: {  	[sflag:s14] =	ssyncset.done $0x0  }
0x25c: {  	s16 =	simm.s32 $0x1F00;
	[sflag:s14] =	ssyncadd.s32 $0xFFFFC000  }
0x25d: {  	[spmem:s3] =	stream.indirect.scatter.add.f32 [tilespmem:s12], [sflag:$0x3], $0x80, s16, s11, $0xb8;
	[tilespmem:$0x1DC00] =	vst v63  }
0x25e: {  	_ =	swait.ge [sflag:s15], $0x4000  }
0x25f: {  	[sflag:s15] =	ssyncset.done $0x0  }
0x260: {  	s5 =	simm.s32 $0x1F80;
	[sflag:s15] =	ssyncadd.s32 $0xFFFFC000  }
0x261: {  	[spmem:s3] =	stream.indirect.scatter.add.f32 [tilespmem:s13], [sflag:$0x4], $0x80, s5, s11, $0xb8;
	[tilespmem:$0x1DC00] =	vst v63  }
0x262: {  	_ =	swait.ge [sflag:s1], $0x800  }
0x263: {  	[sflag:s1] =	ssyncset.done $0x0  }
0x264: {  	[sflag:s1] =	ssyncadd.s32 $0xFFFFF800  }
0x265: {  	_ =	swait.ge [sflag:s1], $0x800  }
0x266: {  	[sflag:s1] =	ssyncset.done $0x0  }
0x267: {  	[sflag:s1] =	ssyncadd.s32 $0xFFFFF800  }
0x268: {  	_ =	swait.ge [sflag:s17], $0x4000  }
0x269: {  	[sflag:s17] =	ssyncset.done $0x0  }
0x26a: {  	[sflag:s17] =	ssyncadd.s32 $0xFFFFC000  }
0x26b: {  	_ =	swait.ge [sflag:s18], $0x4000  }
0x26c: {  	[sflag:s18] =	ssyncset.done $0x0  }
0x26d: {  	[sflag:s18] =	ssyncadd.s32 $0xFFFFC000  }
0x26e: {  	[tilespmem:s12], [sflag:$0x1] =	stream.indirect.gather [hbm4b:s2+s11], $0x80, s4, s11, $0xb8;
	[tilespmem:$0x1DC00] =	vst v63  }
0x26f: {  	_ = 	snop  }
0x270: {  	[tilespmem:s13], [sflag:$0x2] =	stream.indirect.gather [hbm4b:s2+s11], $0x80, s11, s11, $0xb8;
	[tilespmem:$0x1DC00] =	vst v63  }
0x271: {  	_ =	swait.ge [sflag:s14], $0x4000  }
0x272: {  	[sflag:s14] =	ssyncset.done $0x0  }
0x273: {  	[sflag:s14] =	ssyncadd.s32 $0xFFFFC000  }
0x274: {  	[spmem:s3] =	stream.indirect.scatter.add.f32 [tilespmem:s12], [sflag:$0x3], $0x80, s10, s11, $0xb8;
	[tilespmem:$0x1DC00] =	vst v63  }
0x275: {  	_ =	swait.ge [sflag:s15], $0x4000  }
0x276: {  	[sflag:s15] =	ssyncset.done $0x0  }
0x277: {  	s7 =	simm.s32 $0x880;
	[sflag:s15] =	ssyncadd.s32 $0xFFFFC000  }
0x278: {  	[spmem:s3] =	stream.indirect.scatter.add.f32 [tilespmem:s13], [sflag:$0x4], $0x80, s7, s11, $0xb8;
	[tilespmem:$0x1DC00] =	vst v63  }
0x279: {  	_ =	swait.ge [sflag:s17], $0x4000  }
0x27a: {  	[sflag:s17] =	ssyncset.done $0x0  }
0x27b: {  	[sflag:s17] =	ssyncadd.s32 $0xFFFFC000  }
0x27c: {  	_ =	swait.ge [sflag:s18], $0x4000  }
0x27d: {  	[sflag:s18] =	ssyncset.done $0x0  }
0x27e: {  	s10 =	simm.s32 $0x100;
	[sflag:s18] =	ssyncadd.s32 $0xFFFFC000  }
0x27f: {  	[tilespmem:s12], [sflag:$0x1] =	stream.indirect.gather [hbm4b:s2+s11], $0x80, s10, s11, $0xb8;
	[tilespmem:$0x1DC00] =	vst v63  }
0x280: {  	_ = 	snop  }
0x281: {  	[tilespmem:s13], [sflag:$0x2] =	stream.indirect.gather [hbm4b:s2+s11], $0x80, s8, s11, $0xb8;
	[tilespmem:$0x1DC00] =	vst v63  }
0x282: {  	_ =	swait.ge [sflag:s14], $0x4000  }
0x283: {  	[sflag:s14] =	ssyncset.done $0x0  }
0x284: {  	s16 =	simm.s32 $0x900;
	[sflag:s14] =	ssyncadd.s32 $0xFFFFC000  }
0x285: {  	[spmem:s3] =	stream.indirect.scatter.add.f32 [tilespmem:s12], [sflag:$0x3], $0x80, s16, s11, $0xb8;
	[tilespmem:$0x1DC00] =	vst v63  }
0x286: {  	_ =	swait.ge [sflag:s15], $0x4000  }
0x287: {  	[sflag:s15] =	ssyncset.done $0x0  }
0x288: {  	[sflag:s15] =	ssyncadd.s32 $0xFFFFC000  }
0x289: {  	[spmem:s3] =	stream.indirect.scatter.add.f32 [tilespmem:s13], [sflag:$0x4], $0x80, s19, s11, $0xb8;
	[tilespmem:$0x1DC00] =	vst v63  }
0x28a: {  	_ =	swait.ge [sflag:s17], $0x4000  }
0x28b: {  	[sflag:s17] =	ssyncset.done $0x0  }
0x28c: {  	[sflag:s17] =	ssyncadd.s32 $0xFFFFC000  }
0x28d: {  	_ =	swait.ge [sflag:s18], $0x4000  }
0x28e: {  	[sflag:s18] =	ssyncset.done $0x0  }
0x28f: {  	[sflag:s18] =	ssyncadd.s32 $0xFFFFC000  }
0x290: {  	[tilespmem:s12], [sflag:$0x1] =	stream.indirect.gather [hbm4b:s2+s11], $0x80, s20, s11, $0xb8;
	[tilespmem:$0x1DC00] =	vst v63  }
0x291: {  	_ = 	snop  }
0x292: {  	[tilespmem:s13], [sflag:$0x2] =	stream.indirect.gather [hbm4b:s2+s11], $0x80, s21, s11, $0xb8;
	[tilespmem:$0x1DC00] =	vst v63  }
0x293: {  	_ =	swait.ge [sflag:s14], $0x4000  }
0x294: {  	[sflag:s14] =	ssyncset.done $0x0  }
0x295: {  	[sflag:s14] =	ssyncadd.s32 $0xFFFFC000  }
0x296: {  	[spmem:s3] =	stream.indirect.scatter.add.f32 [tilespmem:s12], [sflag:$0x3], $0x80, s22, s11, $0xb8;
	[tilespmem:$0x1DC00] =	vst v63  }
0x297: {  	_ =	swait.ge [sflag:s15], $0x4000  }
0x298: {  	[sflag:s15] =	ssyncset.done $0x0  }
0x299: {  	[sflag:s15] =	ssyncadd.s32 $0xFFFFC000  }
0x29a: {  	[spmem:s3] =	stream.indirect.scatter.add.f32 [tilespmem:s13], [sflag:$0x4], $0x80, s23, s11, $0xb8;
	[tilespmem:$0x1DC00] =	vst v63  }
0x29b: {  	_ =	swait.ge [sflag:s17], $0x4000  }
0x29c: {  	[sflag:s17] =	ssyncset.done $0x0  }
0x29d: {  	[sflag:s17] =	ssyncadd.s32 $0xFFFFC000  }
0x29e: {  	_ =	swait.ge [sflag:s18], $0x4000  }
0x29f: {  	[sflag:s18] =	ssyncset.done $0x0  }
0x2a0: {  	[sflag:s18] =	ssyncadd.s32 $0xFFFFC000  }
0x2a1: {  	[tilespmem:s12], [sflag:$0x1] =	stream.indirect.gather [hbm4b:s2+s11], $0x80, s24, s11, $0xb8;
	[tilespmem:$0x1DC00] =	vst v63  }
0x2a2: {  	_ = 	snop  }
0x2a3: {  	[tilespmem:s13], [sflag:$0x2] =	stream.indirect.gather [hbm4b:s2+s11], $0x80, s25, s11, $0xb8;
	[tilespmem:$0x1DC00] =	vst v63  }
0x2a4: {  	_ =	swait.ge [sflag:s14], $0x4000  }
0x2a5: {  	[sflag:s14] =	ssyncset.done $0x0  }
0x2a6: {  	[sflag:s14] =	ssyncadd.s32 $0xFFFFC000  }
0x2a7: {  	[spmem:s3] =	stream.indirect.scatter.add.f32 [tilespmem:s12], [sflag:$0x3], $0x80, s26, s11, $0xb8;
	[tilespmem:$0x1DC00] =	vst v63  }
0x2a8: {  	_ =	swait.ge [sflag:s15], $0x4000  }
0x2a9: {  	[sflag:s15] =	ssyncset.done $0x0  }
0x2aa: {  	[sflag:s15] =	ssyncadd.s32 $0xFFFFC000  }
0x2ab: {  	[spmem:s3] =	stream.indirect.scatter.add.f32 [tilespmem:s13], [sflag:$0x4], $0x80, s28, s11, $0xb8;
	[tilespmem:$0x1DC00] =	vst v63  }
0x2ac: {  	_ =	swait.ge [sflag:s17], $0x4000  }
0x2ad: {  	[sflag:s17] =	ssyncset.done $0x0  }
0x2ae: {  	[sflag:s17] =	ssyncadd.s32 $0xFFFFC000  }
0x2af: {  	_ =	swait.ge [sflag:s18], $0x4000  }
0x2b0: {  	[sflag:s18] =	ssyncset.done $0x0  }
0x2b1: {  	[sflag:s18] =	ssyncadd.s32 $0xFFFFC000  }
0x2b2: {  	[tilespmem:s12], [sflag:$0x1] =	stream.indirect.gather [hbm4b:s2+s11], $0x80, s29, s11, $0xb8;
	[tilespmem:$0x1DC00] =	vst v63  }
0x2b3: {  	_ = 	snop  }
0x2b4: {  	[tilespmem:s13], [sflag:$0x2] =	stream.indirect.gather [hbm4b:s2+s11], $0x80, s31, s11, $0xb8;
	[tilespmem:$0x1DC00] =	vst v63  }
0x2b5: {  	_ =	swait.ge [sflag:s14], $0x4000  }
0x2b6: {  	[sflag:s14] =	ssyncset.done $0x0  }
0x2b7: {  	s31 =	simm.s32 $0xC00;
	[sflag:s14] =	ssyncadd.s32 $0xFFFFC000  }
0x2b8: {  	[spmem:s3] =	stream.indirect.scatter.add.f32 [tilespmem:s12], [sflag:$0x3], $0x80, s31, s11, $0xb8;
	[tilespmem:$0x1DC00] =	vst v63  }
0x2b9: {  	_ =	swait.ge [sflag:s15], $0x4000  }
0x2ba: {  	[sflag:s15] =	ssyncset.done $0x0  }
0x2bb: {  	s5 =	simm.s32 $0xC80;
	[sflag:s15] =	ssyncadd.s32 $0xFFFFC000  }
0x2bc: {  	[spmem:s3] =	stream.indirect.scatter.add.f32 [tilespmem:s13], [sflag:$0x4], $0x80, s5, s11, $0xb8;
	[tilespmem:$0x1DC00] =	vst v63  }
0x2bd: {  	_ =	swait.ge [sflag:s17], $0x4000  }
0x2be: {  	[sflag:s17] =	ssyncset.done $0x0  }
0x2bf: {  	[sflag:s17] =	ssyncadd.s32 $0xFFFFC000  }
0x2c0: {  	_ =	swait.ge [sflag:s18], $0x4000  }
0x2c1: {  	[sflag:s18] =	ssyncset.done $0x0  }
0x2c2: {  	s7 =	simm.s32 $0x500;
	[sflag:s18] =	ssyncadd.s32 $0xFFFFC000  }
0x2c3: {  	[tilespmem:s12], [sflag:$0x1] =	stream.indirect.gather [hbm4b:s2+s11], $0x80, s7, s11, $0xb8;
	[tilespmem:$0x1DC00] =	vst v63  }
0x2c4: {  	s8 =	simm.s32 $0x580  }
0x2c5: {  	[tilespmem:s13], [sflag:$0x2] =	stream.indirect.gather [hbm4b:s2+s11], $0x80, s8, s11, $0xb8;
	[tilespmem:$0x1DC00] =	vst v63  }
0x2c6: {  	_ =	swait.ge [sflag:s14], $0x4000  }
0x2c7: {  	[sflag:s14] =	ssyncset.done $0x0  }
0x2c8: {  	s10 =	simm.s32 $0xD00;
	[sflag:s14] =	ssyncadd.s32 $0xFFFFC000  }
0x2c9: {  	[spmem:s3] =	stream.indirect.scatter.add.f32 [tilespmem:s12], [sflag:$0x3], $0x80, s10, s11, $0xb8;
	[tilespmem:$0x1DC00] =	vst v63  }
0x2ca: {  	_ =	swait.ge [sflag:s15], $0x4000  }
0x2cb: {  	[sflag:s15] =	ssyncset.done $0x0  }
0x2cc: {  	s16 =	simm.s32 $0xD80;
	[sflag:s15] =	ssyncadd.s32 $0xFFFFC000  }
0x2cd: {  	[spmem:s3] =	stream.indirect.scatter.add.f32 [tilespmem:s13], [sflag:$0x4], $0x80, s16, s11, $0xb8;
	[tilespmem:$0x1DC00] =	vst v63  }
0x2ce: {  	_ =	swait.ge [sflag:s17], $0x4000  }
0x2cf: {  	[sflag:s17] =	ssyncset.done $0x0  }
0x2d0: {  	[sflag:s17] =	ssyncadd.s32 $0xFFFFC000  }
0x2d1: {  	_ =	swait.ge [sflag:s18], $0x4000  }
0x2d2: {  	[sflag:s18] =	ssyncset.done $0x0  }
0x2d3: {  	s19 =	simm.s32 $0x600;
	[sflag:s18] =	ssyncadd.s32 $0xFFFFC000  }
0x2d4: {  	[tilespmem:s12], [sflag:$0x1] =	stream.indirect.gather [hbm4b:s2+s11], $0x80, s19, s11, $0xb8;
	[tilespmem:$0x1DC00] =	vst v63  }
0x2d5: {  	s20 =	simm.s32 $0x680  }
0x2d6: {  	[tilespmem:s13], [sflag:$0x2] =	stream.indirect.gather [hbm4b:s2+s11], $0x80, s20, s11, $0xb8;
	[tilespmem:$0x1DC00] =	vst v63  }
0x2d7: {  	_ =	swait.ge [sflag:s14], $0x4000  }
0x2d8: {  	[sflag:s14] =	ssyncset.done $0x0  }
0x2d9: {  	s21 =	simm.s32 $0xE00;
	[sflag:s14] =	ssyncadd.s32 $0xFFFFC000  }
0x2da: {  	[spmem:s3] =	stream.indirect.scatter.add.f32 [tilespmem:s12], [sflag:$0x3], $0x80, s21, s11, $0xb8;
	[tilespmem:$0x1DC00] =	vst v63  }
0x2db: {  	_ =	swait.ge [sflag:s15], $0x4000  }
0x2dc: {  	[sflag:s15] =	ssyncset.done $0x0  }
0x2dd: {  	s22 =	simm.s32 $0xE80;
	[sflag:s15] =	ssyncadd.s32 $0xFFFFC000  }
0x2de: {  	[spmem:s3] =	stream.indirect.scatter.add.f32 [tilespmem:s13], [sflag:$0x4], $0x80, s22, s11, $0xb8;
	[tilespmem:$0x1DC00] =	vst v63  }
0x2df: {  	_ =	swait.ge [sflag:s17], $0x4000  }
0x2e0: {  	[sflag:s17] =	ssyncset.done $0x0  }
0x2e1: {  	[sflag:s17] =	ssyncadd.s32 $0xFFFFC000  }
0x2e2: {  	_ =	swait.ge [sflag:s18], $0x4000  }
0x2e3: {  	[sflag:s18] =	ssyncset.done $0x0  }
0x2e4: {  	s23 =	simm.s32 $0x700;
	[sflag:s18] =	ssyncadd.s32 $0xFFFFC000  }
0x2e5: {  	[tilespmem:s12], [sflag:$0x1] =	stream.indirect.gather [hbm4b:s2+s11], $0x80, s23, s11, $0xb8;
	[tilespmem:$0x1DC00] =	vst v63  }
0x2e6: {  	s24 =	simm.s32 $0x780  }
0x2e7: {  	[tilespmem:s13], [sflag:$0x2] =	stream.indirect.gather [hbm4b:s2+s11], $0x80, s24, s11, $0xb8;
	[tilespmem:$0x1DC00] =	vst v63  }
0x2e8: {  	_ =	swait.ge [sflag:s14], $0x4000  }
0x2e9: {  	[sflag:s14] =	ssyncset.done $0x0  }
0x2ea: {  	s25 =	simm.s32 $0xF00;
	[sflag:s14] =	ssyncadd.s32 $0xFFFFC000  }
0x2eb: {  	[spmem:s3] =	stream.indirect.scatter.add.f32 [tilespmem:s12], [sflag:$0x3], $0x80, s25, s11, $0xb8;
	[tilespmem:$0x1DC00] =	vst v63  }
0x2ec: {  	_ =	swait.ge [sflag:s15], $0x4000  }
0x2ed: {  	[sflag:s15] =	ssyncset.done $0x0  }
0x2ee: {  	s26 =	simm.s32 $0xF80;
	[sflag:s15] =	ssyncadd.s32 $0xFFFFC000  }
0x2ef: {  	[spmem:s3] =	stream.indirect.scatter.add.f32 [tilespmem:s13], [sflag:$0x4], $0x80, s26, s11, $0xb8;
	[tilespmem:$0x1DC00] =	vst v63  }
0x2f0: {  	_ =	swait.ge [sflag:s17], $0x4000  }
0x2f1: {  	[sflag:s17] =	ssyncset.done $0x0  }
0x2f2: {  	[sflag:s17] =	ssyncadd.s32 $0xFFFFC000  }
0x2f3: {  	_ =	swait.ge [sflag:s18], $0x4000  }
0x2f4: {  	[sflag:s18] =	ssyncset.done $0x0  }
0x2f5: {  	[sflag:s18] =	ssyncadd.s32 $0xFFFFC000  }
0x2f6: {  	[bflag:$0x0] =	sbarrier.arrive $0xFFFF  }
0x2f7: {  	s28 =	rddreg [dreg:$0x12]  }
0x2f8: {  	s0 =	ssub.s32 $0x2, s28  }
0x2f9: {  	s31 =	sshrl.u32 s0, $0x1  }
0x2fa: {  	s16 =	ssub.s32 s0, s31  }
0x2fb: {  	s16 =	smax.u32 s16, $0x1  }
0x2fc: {  	p0 =	sne.s32 s16, $0x1  }
.Ltmp0:
0x2fd: {  	s29 =	rddreg [dreg:$0xf];
	(pc) =	sbr.rel @!p0 .LBB2_3-.Ltmp0, $4  }
0x2fe: {  	[dreg:$0x10] =	wrdreg s30  }
0x2ff: {  	[dreg:$0x11] =	wrdreg s9  }
0x300: {  	[hbm:s29], [sflag:s30] =	dma.local [spmem:s9], $0x2780  }
0x301: {  	_ =	swait.ge [sflag:s6], $0x2780;
	s16 =	sadd.s32 $0xFFFFFFFF, s16  }
0x302: {  	s8 =	simm.s32 $0x1800;
	s9 =	simm.s32 $0x1100;
	s21 =	simm.s32 $0x1180  }
0x303: {  	s22 =	simm.s32 $0x1900;
	s23 =	simm.s32 $0x1980;
	s24 =	simm.s32 $0x1200  }
0x304: {  	s25 =	simm.s32 $0x1280;
	s26 =	simm.s32 $0x1A00;
	s28 =	simm.s32 $0x1A80  }
0x305: {  	s29 =	simm.s32 $0x1300;
	s30 =	simm.s32 $0x1380;
	s31 =	simm.s32 $0x1B00  }
.LBB2_2:
0x306: {  	s19 =	rddreg [dreg:$0x4]  }
0x307: {  	[sflag:s6] =	ssyncset.done $0x0;
	s0 =	rddreg [dreg:$0x10]  }
0x308: {  	s5 =	rddreg [dreg:$0x11];
	[sflag:s6] =	ssyncadd.s32 $0xFFFFD880  }
0x309: {  	[spmem:s5], [sflag:s0] =	dma.local [hbm:s19], $0x2780  }
0x30a: {  	_ =	swait.ge [sflag:s6], $0x2780  }
0x30b: {  	[sflag:s6] =	ssyncset.done $0x0  }
0x30c: {  	s10 =	rddreg [dreg:$0x5];
	[sflag:s6] =	ssyncadd.s32 $0xFFFFD880  }
0x30d: {  	[tilespmem:s4], [sflag:$0x6] =	stream.linear.gather [hbm4b:s10+s4], $0x800, $0x38;
	[tilespmem:$0x1DC00] =	vst v63  }
0x30e: {  	_ =	swait.ge [sflag:s6], $0x800  }
0x30f: {  	[sflag:s6] =	ssyncset.done $0x0  }
0x310: {  	s0 =	simm.s32 $0x800;
	s20 =	rddreg [dreg:$0x6];
	[sflag:s6] =	ssyncadd.s32 $0xFFFFF800  }
0x311: {  	[tilespmem:s0], [sflag:$0x6] =	stream.linear.gather [hbm4b:s20+s4], $0x800, $0x38;
	[tilespmem:$0x1DC00] =	vst v63  }
0x312: {  	_ =	swait.ge [sflag:s6], $0x800  }
0x313: {  	[sflag:s6] =	ssyncset.done $0x0  }
0x314: {  	[sflag:s6] =	ssyncadd.s32 $0xFFFFF800  }
0x315: {  	[bflag:$0x0] =	sbarrier.arrive $0xFFFF  }
0x316: {  	s10 =	simm.s32 $0x1000;
	s5 =	rddreg [dreg:$0x7]  }
0x317: {  	[tilespmem:s10], [sflag:$0x5] =	stream.linear.gather [hbm4b:s5+s4], $0x800, $0x38;
	[tilespmem:$0x1DC00] =	vst v63  }
0x318: {  	s20 =	rddreg [dreg:$0x8]  }
0x319: {  	[tilespmem:s8], [sflag:$0x5] =	stream.linear.gather [hbm4b:s20+s4], $0x800, $0x38;
	[tilespmem:$0x1DC00] =	vst v63  }
0x31a: {  	_ = 	snop  }
0x31b: {  	[tilespmem:s12], [sflag:$0x1] =	stream.indirect.gather [hbm4b:s2+s11], $0x80, s4, s11, $0xb8;
	[tilespmem:$0x1DC00] =	vst v63  }
0x31c: {  	_ = 	snop  }
0x31d: {  	[tilespmem:s13], [sflag:$0x2] =	stream.indirect.gather [hbm4b:s2+s11], $0x80, s11, s11, $0xb8;
	[tilespmem:$0x1DC00] =	vst v63  }
0x31e: {  	_ =	swait.ge [sflag:s14], $0x4000  }
0x31f: {  	[sflag:s14] =	ssyncset.done $0x0  }
0x320: {  	[sflag:s14] =	ssyncadd.s32 $0xFFFFC000  }
0x321: {  	[spmem:s3] =	stream.indirect.scatter.add.f32 [tilespmem:s12], [sflag:$0x3], $0x80, s0, s11, $0xb8;
	[tilespmem:$0x1DC00] =	vst v63  }
0x322: {  	_ =	swait.ge [sflag:s15], $0x4000  }
0x323: {  	[sflag:s15] =	ssyncset.done $0x0  }
0x324: {  	s7 =	simm.s32 $0x880;
	[sflag:s15] =	ssyncadd.s32 $0xFFFFC000  }
0x325: {  	[spmem:s3] =	stream.indirect.scatter.add.f32 [tilespmem:s13], [sflag:$0x4], $0x80, s7, s11, $0xb8;
	[tilespmem:$0x1DC00] =	vst v63  }
0x326: {  	_ =	swait.ge [sflag:s17], $0x4000  }
0x327: {  	[sflag:s17] =	ssyncset.done $0x0  }
0x328: {  	[sflag:s17] =	ssyncadd.s32 $0xFFFFC000  }
0x329: {  	_ =	swait.ge [sflag:s18], $0x4000  }
0x32a: {  	[sflag:s18] =	ssyncset.done $0x0  }
0x32b: {  	s19 =	simm.s32 $0x100;
	[sflag:s18] =	ssyncadd.s32 $0xFFFFC000  }
0x32c: {  	[tilespmem:s12], [sflag:$0x1] =	stream.indirect.gather [hbm4b:s2+s11], $0x80, s19, s11, $0xb8;
	[tilespmem:$0x1DC00] =	vst v63  }
0x32d: {  	s20 =	simm.s32 $0x180  }
0x32e: {  	[tilespmem:s13], [sflag:$0x2] =	stream.indirect.gather [hbm4b:s2+s11], $0x80, s20, s11, $0xb8;
	[tilespmem:$0x1DC00] =	vst v63  }
0x32f: {  	_ =	swait.ge [sflag:s14], $0x4000  }
0x330: {  	[sflag:s14] =	ssyncset.done $0x0  }
0x331: {  	s7 =	simm.s32 $0x900;
	[sflag:s14] =	ssyncadd.s32 $0xFFFFC000  }
0x332: {  	[spmem:s3] =	stream.indirect.scatter.add.f32 [tilespmem:s12], [sflag:$0x3], $0x80, s7, s11, $0xb8;
	[tilespmem:$0x1DC00] =	vst v63  }
0x333: {  	_ =	swait.ge [sflag:s15], $0x4000  }
0x334: {  	[sflag:s15] =	ssyncset.done $0x0  }
0x335: {  	s19 =	simm.s32 $0x980;
	[sflag:s15] =	ssyncadd.s32 $0xFFFFC000  }
0x336: {  	[spmem:s3] =	stream.indirect.scatter.add.f32 [tilespmem:s13], [sflag:$0x4], $0x80, s19, s11, $0xb8;
	[tilespmem:$0x1DC00] =	vst v63  }
0x337: {  	_ =	swait.ge [sflag:s17], $0x4000  }
0x338: {  	[sflag:s17] =	ssyncset.done $0x0  }
0x339: {  	[sflag:s17] =	ssyncadd.s32 $0xFFFFC000  }
0x33a: {  	_ =	swait.ge [sflag:s18], $0x4000  }
0x33b: {  	[sflag:s18] =	ssyncset.done $0x0  }
0x33c: {  	s20 =	simm.s32 $0x200;
	[sflag:s18] =	ssyncadd.s32 $0xFFFFC000  }
0x33d: {  	[tilespmem:s12], [sflag:$0x1] =	stream.indirect.gather [hbm4b:s2+s11], $0x80, s20, s11, $0xb8;
	[tilespmem:$0x1DC00] =	vst v63  }
0x33e: {  	s7 =	simm.s32 $0x280  }
0x33f: {  	[tilespmem:s13], [sflag:$0x2] =	stream.indirect.gather [hbm4b:s2+s11], $0x80, s7, s11, $0xb8;
	[tilespmem:$0x1DC00] =	vst v63  }
0x340: {  	_ =	swait.ge [sflag:s14], $0x4000  }
0x341: {  	[sflag:s14] =	ssyncset.done $0x0  }
0x342: {  	s19 =	simm.s32 $0xA00;
	[sflag:s14] =	ssyncadd.s32 $0xFFFFC000  }
0x343: {  	[spmem:s3] =	stream.indirect.scatter.add.f32 [tilespmem:s12], [sflag:$0x3], $0x80, s19, s11, $0xb8;
	[tilespmem:$0x1DC00] =	vst v63  }
0x344: {  	_ =	swait.ge [sflag:s15], $0x4000  }
0x345: {  	[sflag:s15] =	ssyncset.done $0x0  }
0x346: {  	s20 =	simm.s32 $0xA80;
	[sflag:s15] =	ssyncadd.s32 $0xFFFFC000  }
0x347: {  	[spmem:s3] =	stream.indirect.scatter.add.f32 [tilespmem:s13], [sflag:$0x4], $0x80, s20, s11, $0xb8;
	[tilespmem:$0x1DC00] =	vst v63  }
0x348: {  	_ =	swait.ge [sflag:s17], $0x4000  }
0x349: {  	[sflag:s17] =	ssyncset.done $0x0  }
0x34a: {  	[sflag:s17] =	ssyncadd.s32 $0xFFFFC000  }
0x34b: {  	_ =	swait.ge [sflag:s18], $0x4000  }
0x34c: {  	[sflag:s18] =	ssyncset.done $0x0  }
0x34d: {  	s7 =	simm.s32 $0x300;
	[sflag:s18] =	ssyncadd.s32 $0xFFFFC000  }
0x34e: {  	[tilespmem:s12], [sflag:$0x1] =	stream.indirect.gather [hbm4b:s2+s11], $0x80, s7, s11, $0xb8;
	[tilespmem:$0x1DC00] =	vst v63  }
0x34f: {  	s19 =	simm.s32 $0x380  }
0x350: {  	[tilespmem:s13], [sflag:$0x2] =	stream.indirect.gather [hbm4b:s2+s11], $0x80, s19, s11, $0xb8;
	[tilespmem:$0x1DC00] =	vst v63  }
0x351: {  	_ =	swait.ge [sflag:s14], $0x4000  }
0x352: {  	[sflag:s14] =	ssyncset.done $0x0  }
0x353: {  	s20 =	simm.s32 $0xB00;
	[sflag:s14] =	ssyncadd.s32 $0xFFFFC000  }
0x354: {  	[spmem:s3] =	stream.indirect.scatter.add.f32 [tilespmem:s12], [sflag:$0x3], $0x80, s20, s11, $0xb8;
	[tilespmem:$0x1DC00] =	vst v63  }
0x355: {  	_ =	swait.ge [sflag:s15], $0x4000  }
0x356: {  	[sflag:s15] =	ssyncset.done $0x0  }
0x357: {  	s7 =	simm.s32 $0xB80;
	[sflag:s15] =	ssyncadd.s32 $0xFFFFC000  }
0x358: {  	[spmem:s3] =	stream.indirect.scatter.add.f32 [tilespmem:s13], [sflag:$0x4], $0x80, s7, s11, $0xb8;
	[tilespmem:$0x1DC00] =	vst v63  }
0x359: {  	_ =	swait.ge [sflag:s17], $0x4000  }
0x35a: {  	[sflag:s17] =	ssyncset.done $0x0  }
0x35b: {  	[sflag:s17] =	ssyncadd.s32 $0xFFFFC000  }
0x35c: {  	_ =	swait.ge [sflag:s18], $0x4000  }
0x35d: {  	[sflag:s18] =	ssyncset.done $0x0  }
0x35e: {  	s19 =	simm.s32 $0x400;
	[sflag:s18] =	ssyncadd.s32 $0xFFFFC000  }
0x35f: {  	[tilespmem:s12], [sflag:$0x1] =	stream.indirect.gather [hbm4b:s2+s11], $0x80, s19, s11, $0xb8;
	[tilespmem:$0x1DC00] =	vst v63  }
0x360: {  	s20 =	simm.s32 $0x480  }
0x361: {  	[tilespmem:s13], [sflag:$0x2] =	stream.indirect.gather [hbm4b:s2+s11], $0x80, s20, s11, $0xb8;
	[tilespmem:$0x1DC00] =	vst v63  }
0x362: {  	_ =	swait.ge [sflag:s14], $0x4000  }
0x363: {  	[sflag:s14] =	ssyncset.done $0x0  }
0x364: {  	s7 =	simm.s32 $0xC00;
	[sflag:s14] =	ssyncadd.s32 $0xFFFFC000  }
0x365: {  	[spmem:s3] =	stream.indirect.scatter.add.f32 [tilespmem:s12], [sflag:$0x3], $0x80, s7, s11, $0xb8;
	[tilespmem:$0x1DC00] =	vst v63  }
0x366: {  	_ =	swait.ge [sflag:s15], $0x4000  }
0x367: {  	[sflag:s15] =	ssyncset.done $0x0  }
0x368: {  	s19 =	simm.s32 $0xC80;
	[sflag:s15] =	ssyncadd.s32 $0xFFFFC000  }
0x369: {  	[spmem:s3] =	stream.indirect.scatter.add.f32 [tilespmem:s13], [sflag:$0x4], $0x80, s19, s11, $0xb8;
	[tilespmem:$0x1DC00] =	vst v63  }
0x36a: {  	_ =	swait.ge [sflag:s17], $0x4000  }
0x36b: {  	[sflag:s17] =	ssyncset.done $0x0  }
0x36c: {  	[sflag:s17] =	ssyncadd.s32 $0xFFFFC000  }
0x36d: {  	_ =	swait.ge [sflag:s18], $0x4000  }
0x36e: {  	[sflag:s18] =	ssyncset.done $0x0  }
0x36f: {  	s20 =	simm.s32 $0x500;
	[sflag:s18] =	ssyncadd.s32 $0xFFFFC000  }
0x370: {  	[tilespmem:s12], [sflag:$0x1] =	stream.indirect.gather [hbm4b:s2+s11], $0x80, s20, s11, $0xb8;
	[tilespmem:$0x1DC00] =	vst v63  }
0x371: {  	s7 =	simm.s32 $0x580  }
0x372: {  	[tilespmem:s13], [sflag:$0x2] =	stream.indirect.gather [hbm4b:s2+s11], $0x80, s7, s11, $0xb8;
	[tilespmem:$0x1DC00] =	vst v63  }
0x373: {  	_ =	swait.ge [sflag:s14], $0x4000  }
0x374: {  	[sflag:s14] =	ssyncset.done $0x0  }
0x375: {  	s19 =	simm.s32 $0xD00;
	[sflag:s14] =	ssyncadd.s32 $0xFFFFC000  }
0x376: {  	[spmem:s3] =	stream.indirect.scatter.add.f32 [tilespmem:s12], [sflag:$0x3], $0x80, s19, s11, $0xb8;
	[tilespmem:$0x1DC00] =	vst v63  }
0x377: {  	_ =	swait.ge [sflag:s15], $0x4000  }
0x378: {  	[sflag:s15] =	ssyncset.done $0x0  }
0x379: {  	s20 =	simm.s32 $0xD80;
	[sflag:s15] =	ssyncadd.s32 $0xFFFFC000  }
0x37a: {  	[spmem:s3] =	stream.indirect.scatter.add.f32 [tilespmem:s13], [sflag:$0x4], $0x80, s20, s11, $0xb8;
	[tilespmem:$0x1DC00] =	vst v63  }
0x37b: {  	_ =	swait.ge [sflag:s17], $0x4000  }
0x37c: {  	[sflag:s17] =	ssyncset.done $0x0  }
0x37d: {  	[sflag:s17] =	ssyncadd.s32 $0xFFFFC000  }
0x37e: {  	_ =	swait.ge [sflag:s18], $0x4000  }
0x37f: {  	[sflag:s18] =	ssyncset.done $0x0  }
0x380: {  	s7 =	simm.s32 $0x600;
	[sflag:s18] =	ssyncadd.s32 $0xFFFFC000  }
0x381: {  	[tilespmem:s12], [sflag:$0x1] =	stream.indirect.gather [hbm4b:s2+s11], $0x80, s7, s11, $0xb8;
	[tilespmem:$0x1DC00] =	vst v63  }
0x382: {  	s19 =	simm.s32 $0x680  }
0x383: {  	[tilespmem:s13], [sflag:$0x2] =	stream.indirect.gather [hbm4b:s2+s11], $0x80, s19, s11, $0xb8;
	[tilespmem:$0x1DC00] =	vst v63  }
0x384: {  	_ =	swait.ge [sflag:s14], $0x4000  }
0x385: {  	[sflag:s14] =	ssyncset.done $0x0  }
0x386: {  	s20 =	simm.s32 $0xE00;
	[sflag:s14] =	ssyncadd.s32 $0xFFFFC000  }
0x387: {  	[spmem:s3] =	stream.indirect.scatter.add.f32 [tilespmem:s12], [sflag:$0x3], $0x80, s20, s11, $0xb8;
	[tilespmem:$0x1DC00] =	vst v63  }
0x388: {  	_ =	swait.ge [sflag:s15], $0x4000  }
0x389: {  	[sflag:s15] =	ssyncset.done $0x0  }
0x38a: {  	s7 =	simm.s32 $0xE80;
	[sflag:s15] =	ssyncadd.s32 $0xFFFFC000  }
0x38b: {  	[spmem:s3] =	stream.indirect.scatter.add.f32 [tilespmem:s13], [sflag:$0x4], $0x80, s7, s11, $0xb8;
	[tilespmem:$0x1DC00] =	vst v63  }
0x38c: {  	_ =	swait.ge [sflag:s17], $0x4000  }
0x38d: {  	[sflag:s17] =	ssyncset.done $0x0  }
0x38e: {  	[sflag:s17] =	ssyncadd.s32 $0xFFFFC000  }
0x38f: {  	_ =	swait.ge [sflag:s18], $0x4000  }
0x390: {  	[sflag:s18] =	ssyncset.done $0x0  }
0x391: {  	s19 =	simm.s32 $0x700;
	[sflag:s18] =	ssyncadd.s32 $0xFFFFC000  }
0x392: {  	[tilespmem:s12], [sflag:$0x1] =	stream.indirect.gather [hbm4b:s2+s11], $0x80, s19, s11, $0xb8;
	[tilespmem:$0x1DC00] =	vst v63  }
0x393: {  	s20 =	simm.s32 $0x780  }
0x394: {  	[tilespmem:s13], [sflag:$0x2] =	stream.indirect.gather [hbm4b:s2+s11], $0x80, s20, s11, $0xb8;
	[tilespmem:$0x1DC00] =	vst v63  }
0x395: {  	_ =	swait.ge [sflag:s14], $0x4000  }
0x396: {  	[sflag:s14] =	ssyncset.done $0x0  }
0x397: {  	s7 =	simm.s32 $0xF00;
	[sflag:s14] =	ssyncadd.s32 $0xFFFFC000  }
0x398: {  	[spmem:s3] =	stream.indirect.scatter.add.f32 [tilespmem:s12], [sflag:$0x3], $0x80, s7, s11, $0xb8;
	[tilespmem:$0x1DC00] =	vst v63  }
0x399: {  	_ =	swait.ge [sflag:s15], $0x4000  }
0x39a: {  	[sflag:s15] =	ssyncset.done $0x0  }
0x39b: {  	s19 =	simm.s32 $0xF80;
	[sflag:s15] =	ssyncadd.s32 $0xFFFFC000  }
0x39c: {  	[spmem:s3] =	stream.indirect.scatter.add.f32 [tilespmem:s13], [sflag:$0x4], $0x80, s19, s11, $0xb8;
	[tilespmem:$0x1DC00] =	vst v63  }
0x39d: {  	_ =	swait.ge [sflag:s1], $0x800  }
0x39e: {  	[sflag:s1] =	ssyncset.done $0x0  }
0x39f: {  	[sflag:s1] =	ssyncadd.s32 $0xFFFFF800  }
0x3a0: {  	_ =	swait.ge [sflag:s1], $0x800  }
0x3a1: {  	[sflag:s1] =	ssyncset.done $0x0  }
0x3a2: {  	[sflag:s1] =	ssyncadd.s32 $0xFFFFF800  }
0x3a3: {  	_ =	swait.ge [sflag:s17], $0x4000  }
0x3a4: {  	[sflag:s17] =	ssyncset.done $0x0  }
0x3a5: {  	[sflag:s17] =	ssyncadd.s32 $0xFFFFC000  }
0x3a6: {  	_ =	swait.ge [sflag:s18], $0x4000  }
0x3a7: {  	[sflag:s18] =	ssyncset.done $0x0  }
0x3a8: {  	s20 =	rddreg [dreg:$0x9];
	[sflag:s18] =	ssyncadd.s32 $0xFFFFC000  }
0x3a9: {  	[tilespmem:s4], [sflag:$0x5] =	stream.linear.gather [hbm4b:s20+s4], $0x800, $0x38;
	[tilespmem:$0x1DC00] =	vst v63  }
0x3aa: {  	s5 =	rddreg [dreg:$0xa]  }
0x3ab: {  	[tilespmem:s0], [sflag:$0x5] =	stream.linear.gather [hbm4b:s5+s4], $0x800, $0x38;
	[tilespmem:$0x1DC00] =	vst v63  }
0x3ac: {  	_ = 	snop  }
0x3ad: {  	[tilespmem:s12], [sflag:$0x1] =	stream.indirect.gather [hbm4b:s2+s11], $0x80, s10, s11, $0xb8;
	[tilespmem:$0x1DC00] =	vst v63  }
0x3ae: {  	s7 =	simm.s32 $0x1080  }
0x3af: {  	[tilespmem:s13], [sflag:$0x2] =	stream.indirect.gather [hbm4b:s2+s11], $0x80, s7, s11, $0xb8;
	[tilespmem:$0x1DC00] =	vst v63  }
0x3b0: {  	_ =	swait.ge [sflag:s14], $0x4000  }
0x3b1: {  	[sflag:s14] =	ssyncset.done $0x0  }
0x3b2: {  	[sflag:s14] =	ssyncadd.s32 $0xFFFFC000  }
0x3b3: {  	[spmem:s3] =	stream.indirect.scatter.add.f32 [tilespmem:s12], [sflag:$0x3], $0x80, s8, s11, $0xb8;
	[tilespmem:$0x1DC00] =	vst v63  }
0x3b4: {  	_ =	swait.ge [sflag:s15], $0x4000  }
0x3b5: {  	[sflag:s15] =	ssyncset.done $0x0  }
0x3b6: {  	s7 =	simm.s32 $0x1880;
	[sflag:s15] =	ssyncadd.s32 $0xFFFFC000  }
0x3b7: {  	[spmem:s3] =	stream.indirect.scatter.add.f32 [tilespmem:s13], [sflag:$0x4], $0x80, s7, s11, $0xb8;
	[tilespmem:$0x1DC00] =	vst v63  }
0x3b8: {  	_ =	swait.ge [sflag:s17], $0x4000  }
0x3b9: {  	[sflag:s17] =	ssyncset.done $0x0  }
0x3ba: {  	[sflag:s17] =	ssyncadd.s32 $0xFFFFC000  }
0x3bb: {  	_ =	swait.ge [sflag:s18], $0x4000  }
0x3bc: {  	[sflag:s18] =	ssyncset.done $0x0  }
0x3bd: {  	[sflag:s18] =	ssyncadd.s32 $0xFFFFC000  }
0x3be: {  	[tilespmem:s12], [sflag:$0x1] =	stream.indirect.gather [hbm4b:s2+s11], $0x80, s9, s11, $0xb8;
	[tilespmem:$0x1DC00] =	vst v63  }
0x3bf: {  	_ = 	snop  }
0x3c0: {  	[tilespmem:s13], [sflag:$0x2] =	stream.indirect.gather [hbm4b:s2+s11], $0x80, s21, s11, $0xb8;
	[tilespmem:$0x1DC00] =	vst v63  }
0x3c1: {  	_ =	swait.ge [sflag:s14], $0x4000  }
0x3c2: {  	[sflag:s14] =	ssyncset.done $0x0  }
0x3c3: {  	[sflag:s14] =	ssyncadd.s32 $0xFFFFC000  }
0x3c4: {  	[spmem:s3] =	stream.indirect.scatter.add.f32 [tilespmem:s12], [sflag:$0x3], $0x80, s22, s11, $0xb8;
	[tilespmem:$0x1DC00] =	vst v63  }
0x3c5: {  	_ =	swait.ge [sflag:s15], $0x4000  }
0x3c6: {  	[sflag:s15] =	ssyncset.done $0x0  }
0x3c7: {  	[sflag:s15] =	ssyncadd.s32 $0xFFFFC000  }
0x3c8: {  	[spmem:s3] =	stream.indirect.scatter.add.f32 [tilespmem:s13], [sflag:$0x4], $0x80, s23, s11, $0xb8;
	[tilespmem:$0x1DC00] =	vst v63  }
0x3c9: {  	_ =	swait.ge [sflag:s17], $0x4000  }
0x3ca: {  	[sflag:s17] =	ssyncset.done $0x0  }
0x3cb: {  	[sflag:s17] =	ssyncadd.s32 $0xFFFFC000  }
0x3cc: {  	_ =	swait.ge [sflag:s18], $0x4000  }
0x3cd: {  	[sflag:s18] =	ssyncset.done $0x0  }
0x3ce: {  	[sflag:s18] =	ssyncadd.s32 $0xFFFFC000  }
0x3cf: {  	[tilespmem:s12], [sflag:$0x1] =	stream.indirect.gather [hbm4b:s2+s11], $0x80, s24, s11, $0xb8;
	[tilespmem:$0x1DC00] =	vst v63  }
0x3d0: {  	_ = 	snop  }
0x3d1: {  	[tilespmem:s13], [sflag:$0x2] =	stream.indirect.gather [hbm4b:s2+s11], $0x80, s25, s11, $0xb8;
	[tilespmem:$0x1DC00] =	vst v63  }
0x3d2: {  	_ =	swait.ge [sflag:s14], $0x4000  }
0x3d3: {  	[sflag:s14] =	ssyncset.done $0x0  }
0x3d4: {  	[sflag:s14] =	ssyncadd.s32 $0xFFFFC000  }
0x3d5: {  	[spmem:s3] =	stream.indirect.scatter.add.f32 [tilespmem:s12], [sflag:$0x3], $0x80, s26, s11, $0xb8;
	[tilespmem:$0x1DC00] =	vst v63  }
0x3d6: {  	_ =	swait.ge [sflag:s15], $0x4000  }
0x3d7: {  	[sflag:s15] =	ssyncset.done $0x0  }
0x3d8: {  	[sflag:s15] =	ssyncadd.s32 $0xFFFFC000  }
0x3d9: {  	[spmem:s3] =	stream.indirect.scatter.add.f32 [tilespmem:s13], [sflag:$0x4], $0x80, s28, s11, $0xb8;
	[tilespmem:$0x1DC00] =	vst v63  }
0x3da: {  	_ =	swait.ge [sflag:s17], $0x4000  }
0x3db: {  	[sflag:s17] =	ssyncset.done $0x0  }
0x3dc: {  	[sflag:s17] =	ssyncadd.s32 $0xFFFFC000  }
0x3dd: {  	_ =	swait.ge [sflag:s18], $0x4000  }
0x3de: {  	[sflag:s18] =	ssyncset.done $0x0  }
0x3df: {  	[sflag:s18] =	ssyncadd.s32 $0xFFFFC000  }
0x3e0: {  	[tilespmem:s12], [sflag:$0x1] =	stream.indirect.gather [hbm4b:s2+s11], $0x80, s29, s11, $0xb8;
	[tilespmem:$0x1DC00] =	vst v63  }
0x3e1: {  	_ = 	snop  }
0x3e2: {  	[tilespmem:s13], [sflag:$0x2] =	stream.indirect.gather [hbm4b:s2+s11], $0x80, s30, s11, $0xb8;
	[tilespmem:$0x1DC00] =	vst v63  }
0x3e3: {  	_ =	swait.ge [sflag:s14], $0x4000  }
0x3e4: {  	[sflag:s14] =	ssyncset.done $0x0  }
0x3e5: {  	[sflag:s14] =	ssyncadd.s32 $0xFFFFC000  }
0x3e6: {  	[spmem:s3] =	stream.indirect.scatter.add.f32 [tilespmem:s12], [sflag:$0x3], $0x80, s31, s11, $0xb8;
	[tilespmem:$0x1DC00] =	vst v63  }
0x3e7: {  	_ =	swait.ge [sflag:s15], $0x4000  }
0x3e8: {  	[sflag:s15] =	ssyncset.done $0x0  }
0x3e9: {  	s19 =	simm.s32 $0x1B80;
	[sflag:s15] =	ssyncadd.s32 $0xFFFFC000  }
0x3ea: {  	[spmem:s3] =	stream.indirect.scatter.add.f32 [tilespmem:s13], [sflag:$0x4], $0x80, s19, s11, $0xb8;
	[tilespmem:$0x1DC00] =	vst v63  }
0x3eb: {  	_ =	swait.ge [sflag:s17], $0x4000  }
0x3ec: {  	[sflag:s17] =	ssyncset.done $0x0  }
0x3ed: {  	[sflag:s17] =	ssyncadd.s32 $0xFFFFC000  }
0x3ee: {  	_ =	swait.ge [sflag:s18], $0x4000  }
0x3ef: {  	[sflag:s18] =	ssyncset.done $0x0  }
0x3f0: {  	s20 =	simm.s32 $0x1400;
	[sflag:s18] =	ssyncadd.s32 $0xFFFFC000  }
0x3f1: {  	[tilespmem:s12], [sflag:$0x1] =	stream.indirect.gather [hbm4b:s2+s11], $0x80, s20, s11, $0xb8;
	[tilespmem:$0x1DC00] =	vst v63  }
0x3f2: {  	s19 =	simm.s32 $0x1480  }
0x3f3: {  	[tilespmem:s13], [sflag:$0x2] =	stream.indirect.gather [hbm4b:s2+s11], $0x80, s19, s11, $0xb8;
	[tilespmem:$0x1DC00] =	vst v63  }
0x3f4: {  	_ =	swait.ge [sflag:s14], $0x4000  }
0x3f5: {  	[sflag:s14] =	ssyncset.done $0x0  }
0x3f6: {  	s20 =	simm.s32 $0x1C00;
	[sflag:s14] =	ssyncadd.s32 $0xFFFFC000  }
0x3f7: {  	[spmem:s3] =	stream.indirect.scatter.add.f32 [tilespmem:s12], [sflag:$0x3], $0x80, s20, s11, $0xb8;
	[tilespmem:$0x1DC00] =	vst v63  }
0x3f8: {  	_ =	swait.ge [sflag:s15], $0x4000  }
0x3f9: {  	[sflag:s15] =	ssyncset.done $0x0  }
0x3fa: {  	s19 =	simm.s32 $0x1C80;
	[sflag:s15] =	ssyncadd.s32 $0xFFFFC000  }
0x3fb: {  	[spmem:s3] =	stream.indirect.scatter.add.f32 [tilespmem:s13], [sflag:$0x4], $0x80, s19, s11, $0xb8;
	[tilespmem:$0x1DC00] =	vst v63  }
0x3fc: {  	_ =	swait.ge [sflag:s17], $0x4000  }
0x3fd: {  	[sflag:s17] =	ssyncset.done $0x0  }
0x3fe: {  	[sflag:s17] =	ssyncadd.s32 $0xFFFFC000  }
0x3ff: {  	_ =	swait.ge [sflag:s18], $0x4000  }
0x400: {  	[sflag:s18] =	ssyncset.done $0x0  }
0x401: {  	s20 =	simm.s32 $0x1500;
	[sflag:s18] =	ssyncadd.s32 $0xFFFFC000  }
0x402: {  	[tilespmem:s12], [sflag:$0x1] =	stream.indirect.gather [hbm4b:s2+s11], $0x80, s20, s11, $0xb8;
	[tilespmem:$0x1DC00] =	vst v63  }
0x403: {  	s19 =	simm.s32 $0x1580  }
0x404: {  	[tilespmem:s13], [sflag:$0x2] =	stream.indirect.gather [hbm4b:s2+s11], $0x80, s19, s11, $0xb8;
	[tilespmem:$0x1DC00] =	vst v63  }
0x405: {  	_ =	swait.ge [sflag:s14], $0x4000  }
0x406: {  	[sflag:s14] =	ssyncset.done $0x0  }
0x407: {  	s20 =	simm.s32 $0x1D00;
	[sflag:s14] =	ssyncadd.s32 $0xFFFFC000  }
0x408: {  	[spmem:s3] =	stream.indirect.scatter.add.f32 [tilespmem:s12], [sflag:$0x3], $0x80, s20, s11, $0xb8;
	[tilespmem:$0x1DC00] =	vst v63  }
0x409: {  	_ =	swait.ge [sflag:s15], $0x4000  }
0x40a: {  	[sflag:s15] =	ssyncset.done $0x0  }
0x40b: {  	s19 =	simm.s32 $0x1D80;
	[sflag:s15] =	ssyncadd.s32 $0xFFFFC000  }
0x40c: {  	[spmem:s3] =	stream.indirect.scatter.add.f32 [tilespmem:s13], [sflag:$0x4], $0x80, s19, s11, $0xb8;
	[tilespmem:$0x1DC00] =	vst v63  }
0x40d: {  	_ =	swait.ge [sflag:s17], $0x4000  }
0x40e: {  	[sflag:s17] =	ssyncset.done $0x0  }
0x40f: {  	[sflag:s17] =	ssyncadd.s32 $0xFFFFC000  }
0x410: {  	_ =	swait.ge [sflag:s18], $0x4000  }
0x411: {  	[sflag:s18] =	ssyncset.done $0x0  }
0x412: {  	s20 =	simm.s32 $0x1600;
	[sflag:s18] =	ssyncadd.s32 $0xFFFFC000  }
0x413: {  	[tilespmem:s12], [sflag:$0x1] =	stream.indirect.gather [hbm4b:s2+s11], $0x80, s20, s11, $0xb8;
	[tilespmem:$0x1DC00] =	vst v63  }
0x414: {  	s19 =	simm.s32 $0x1680  }
0x415: {  	[tilespmem:s13], [sflag:$0x2] =	stream.indirect.gather [hbm4b:s2+s11], $0x80, s19, s11, $0xb8;
	[tilespmem:$0x1DC00] =	vst v63  }
0x416: {  	_ =	swait.ge [sflag:s14], $0x4000  }
0x417: {  	[sflag:s14] =	ssyncset.done $0x0  }
0x418: {  	s20 =	simm.s32 $0x1E00;
	[sflag:s14] =	ssyncadd.s32 $0xFFFFC000  }
0x419: {  	[spmem:s3] =	stream.indirect.scatter.add.f32 [tilespmem:s12], [sflag:$0x3], $0x80, s20, s11, $0xb8;
	[tilespmem:$0x1DC00] =	vst v63  }
0x41a: {  	_ =	swait.ge [sflag:s15], $0x4000  }
0x41b: {  	[sflag:s15] =	ssyncset.done $0x0  }
0x41c: {  	s19 =	simm.s32 $0x1E80;
	[sflag:s15] =	ssyncadd.s32 $0xFFFFC000  }
0x41d: {  	[spmem:s3] =	stream.indirect.scatter.add.f32 [tilespmem:s13], [sflag:$0x4], $0x80, s19, s11, $0xb8;
	[tilespmem:$0x1DC00] =	vst v63  }
0x41e: {  	_ =	swait.ge [sflag:s17], $0x4000  }
0x41f: {  	[sflag:s17] =	ssyncset.done $0x0  }
0x420: {  	[sflag:s17] =	ssyncadd.s32 $0xFFFFC000  }
0x421: {  	_ =	swait.ge [sflag:s18], $0x4000  }
0x422: {  	[sflag:s18] =	ssyncset.done $0x0  }
0x423: {  	s20 =	simm.s32 $0x1700;
	[sflag:s18] =	ssyncadd.s32 $0xFFFFC000  }
0x424: {  	[tilespmem:s12], [sflag:$0x1] =	stream.indirect.gather [hbm4b:s2+s11], $0x80, s20, s11, $0xb8;
	[tilespmem:$0x1DC00] =	vst v63  }
0x425: {  	s19 =	simm.s32 $0x1780  }
0x426: {  	[tilespmem:s13], [sflag:$0x2] =	stream.indirect.gather [hbm4b:s2+s11], $0x80, s19, s11, $0xb8;
	[tilespmem:$0x1DC00] =	vst v63  }
0x427: {  	_ =	swait.ge [sflag:s14], $0x4000  }
0x428: {  	[sflag:s14] =	ssyncset.done $0x0  }
0x429: {  	s20 =	simm.s32 $0x1F00;
	[sflag:s14] =	ssyncadd.s32 $0xFFFFC000  }
0x42a: {  	[spmem:s3] =	stream.indirect.scatter.add.f32 [tilespmem:s12], [sflag:$0x3], $0x80, s20, s11, $0xb8;
	[tilespmem:$0x1DC00] =	vst v63  }
0x42b: {  	_ =	swait.ge [sflag:s15], $0x4000  }
0x42c: {  	[sflag:s15] =	ssyncset.done $0x0  }
0x42d: {  	s19 =	simm.s32 $0x1F80;
	[sflag:s15] =	ssyncadd.s32 $0xFFFFC000  }
0x42e: {  	[spmem:s3] =	stream.indirect.scatter.add.f32 [tilespmem:s13], [sflag:$0x4], $0x80, s19, s11, $0xb8;
	[tilespmem:$0x1DC00] =	vst v63  }
0x42f: {  	_ =	swait.ge [sflag:s1], $0x800  }
0x430: {  	[sflag:s1] =	ssyncset.done $0x0  }
0x431: {  	[sflag:s1] =	ssyncadd.s32 $0xFFFFF800  }
0x432: {  	_ =	swait.ge [sflag:s1], $0x800  }
0x433: {  	[sflag:s1] =	ssyncset.done $0x0  }
0x434: {  	[sflag:s1] =	ssyncadd.s32 $0xFFFFF800  }
0x435: {  	_ =	swait.ge [sflag:s17], $0x4000  }
0x436: {  	[sflag:s17] =	ssyncset.done $0x0  }
0x437: {  	[sflag:s17] =	ssyncadd.s32 $0xFFFFC000  }
0x438: {  	_ =	swait.ge [sflag:s18], $0x4000  }
0x439: {  	[sflag:s18] =	ssyncset.done $0x0  }
0x43a: {  	s20 =	rddreg [dreg:$0xb];
	[sflag:s18] =	ssyncadd.s32 $0xFFFFC000  }
0x43b: {  	[tilespmem:s10], [sflag:$0x5] =	stream.linear.gather [hbm4b:s20+s4], $0x800, $0x38;
	[tilespmem:$0x1DC00] =	vst v63  }
0x43c: {  	s5 =	rddreg [dreg:$0xc]  }
0x43d: {  	[tilespmem:s8], [sflag:$0x5] =	stream.linear.gather [hbm4b:s5+s4], $0x800, $0x38;
	[tilespmem:$0x1DC00] =	vst v63  }
0x43e: {  	_ = 	snop  }
0x43f: {  	[tilespmem:s12], [sflag:$0x1] =	stream.indirect.gather [hbm4b:s2+s11], $0x80, s4, s11, $0xb8;
	[tilespmem:$0x1DC00] =	vst v63  }
0x440: {  	_ = 	snop  }
0x441: {  	[tilespmem:s13], [sflag:$0x2] =	stream.indirect.gather [hbm4b:s2+s11], $0x80, s11, s11, $0xb8;
	[tilespmem:$0x1DC00] =	vst v63  }
0x442: {  	_ =	swait.ge [sflag:s14], $0x4000  }
0x443: {  	[sflag:s14] =	ssyncset.done $0x0  }
0x444: {  	[sflag:s14] =	ssyncadd.s32 $0xFFFFC000  }
0x445: {  	[spmem:s3] =	stream.indirect.scatter.add.f32 [tilespmem:s12], [sflag:$0x3], $0x80, s0, s11, $0xb8;
	[tilespmem:$0x1DC00] =	vst v63  }
0x446: {  	_ =	swait.ge [sflag:s15], $0x4000  }
0x447: {  	[sflag:s15] =	ssyncset.done $0x0  }
0x448: {  	s5 =	simm.s32 $0x880;
	[sflag:s15] =	ssyncadd.s32 $0xFFFFC000  }
0x449: {  	[spmem:s3] =	stream.indirect.scatter.add.f32 [tilespmem:s13], [sflag:$0x4], $0x80, s5, s11, $0xb8;
	[tilespmem:$0x1DC00] =	vst v63  }
0x44a: {  	_ =	swait.ge [sflag:s17], $0x4000  }
0x44b: {  	[sflag:s17] =	ssyncset.done $0x0  }
0x44c: {  	[sflag:s17] =	ssyncadd.s32 $0xFFFFC000  }
0x44d: {  	_ =	swait.ge [sflag:s18], $0x4000  }
0x44e: {  	[sflag:s18] =	ssyncset.done $0x0  }
0x44f: {  	s20 =	simm.s32 $0x100;
	[sflag:s18] =	ssyncadd.s32 $0xFFFFC000  }
0x450: {  	[tilespmem:s12], [sflag:$0x1] =	stream.indirect.gather [hbm4b:s2+s11], $0x80, s20, s11, $0xb8;
	[tilespmem:$0x1DC00] =	vst v63  }
0x451: {  	s20 =	simm.s32 $0x180  }
0x452: {  	[tilespmem:s13], [sflag:$0x2] =	stream.indirect.gather [hbm4b:s2+s11], $0x80, s20, s11, $0xb8;
	[tilespmem:$0x1DC00] =	vst v63  }
0x453: {  	_ =	swait.ge [sflag:s14], $0x4000  }
0x454: {  	[sflag:s14] =	ssyncset.done $0x0  }
0x455: {  	s20 =	simm.s32 $0x900;
	[sflag:s14] =	ssyncadd.s32 $0xFFFFC000  }
0x456: {  	[spmem:s3] =	stream.indirect.scatter.add.f32 [tilespmem:s12], [sflag:$0x3], $0x80, s20, s11, $0xb8;
	[tilespmem:$0x1DC00] =	vst v63  }
0x457: {  	_ =	swait.ge [sflag:s15], $0x4000  }
0x458: {  	[sflag:s15] =	ssyncset.done $0x0  }
0x459: {  	s20 =	simm.s32 $0x980;
	[sflag:s15] =	ssyncadd.s32 $0xFFFFC000  }
0x45a: {  	[spmem:s3] =	stream.indirect.scatter.add.f32 [tilespmem:s13], [sflag:$0x4], $0x80, s20, s11, $0xb8;
	[tilespmem:$0x1DC00] =	vst v63  }
0x45b: {  	_ =	swait.ge [sflag:s17], $0x4000  }
0x45c: {  	[sflag:s17] =	ssyncset.done $0x0  }
0x45d: {  	[sflag:s17] =	ssyncadd.s32 $0xFFFFC000  }
0x45e: {  	_ =	swait.ge [sflag:s18], $0x4000  }
0x45f: {  	[sflag:s18] =	ssyncset.done $0x0  }
0x460: {  	s20 =	simm.s32 $0x200;
	[sflag:s18] =	ssyncadd.s32 $0xFFFFC000  }
0x461: {  	[tilespmem:s12], [sflag:$0x1] =	stream.indirect.gather [hbm4b:s2+s11], $0x80, s20, s11, $0xb8;
	[tilespmem:$0x1DC00] =	vst v63  }
0x462: {  	s20 =	simm.s32 $0x280  }
0x463: {  	[tilespmem:s13], [sflag:$0x2] =	stream.indirect.gather [hbm4b:s2+s11], $0x80, s20, s11, $0xb8;
	[tilespmem:$0x1DC00] =	vst v63  }
0x464: {  	_ =	swait.ge [sflag:s14], $0x4000  }
0x465: {  	[sflag:s14] =	ssyncset.done $0x0  }
0x466: {  	s20 =	simm.s32 $0xA00;
	[sflag:s14] =	ssyncadd.s32 $0xFFFFC000  }
0x467: {  	[spmem:s3] =	stream.indirect.scatter.add.f32 [tilespmem:s12], [sflag:$0x3], $0x80, s20, s11, $0xb8;
	[tilespmem:$0x1DC00] =	vst v63  }
0x468: {  	_ =	swait.ge [sflag:s15], $0x4000  }
0x469: {  	[sflag:s15] =	ssyncset.done $0x0  }
0x46a: {  	s20 =	simm.s32 $0xA80;
	[sflag:s15] =	ssyncadd.s32 $0xFFFFC000  }
0x46b: {  	[spmem:s3] =	stream.indirect.scatter.add.f32 [tilespmem:s13], [sflag:$0x4], $0x80, s20, s11, $0xb8;
	[tilespmem:$0x1DC00] =	vst v63  }
0x46c: {  	_ =	swait.ge [sflag:s17], $0x4000  }
0x46d: {  	[sflag:s17] =	ssyncset.done $0x0  }
0x46e: {  	[sflag:s17] =	ssyncadd.s32 $0xFFFFC000  }
0x46f: {  	_ =	swait.ge [sflag:s18], $0x4000  }
0x470: {  	[sflag:s18] =	ssyncset.done $0x0  }
0x471: {  	s20 =	simm.s32 $0x300;
	[sflag:s18] =	ssyncadd.s32 $0xFFFFC000  }
0x472: {  	[tilespmem:s12], [sflag:$0x1] =	stream.indirect.gather [hbm4b:s2+s11], $0x80, s20, s11, $0xb8;
	[tilespmem:$0x1DC00] =	vst v63  }
0x473: {  	s20 =	simm.s32 $0x380  }
0x474: {  	[tilespmem:s13], [sflag:$0x2] =	stream.indirect.gather [hbm4b:s2+s11], $0x80, s20, s11, $0xb8;
	[tilespmem:$0x1DC00] =	vst v63  }
0x475: {  	_ =	swait.ge [sflag:s14], $0x4000  }
0x476: {  	[sflag:s14] =	ssyncset.done $0x0  }
0x477: {  	s20 =	simm.s32 $0xB00;
	[sflag:s14] =	ssyncadd.s32 $0xFFFFC000  }
0x478: {  	[spmem:s3] =	stream.indirect.scatter.add.f32 [tilespmem:s12], [sflag:$0x3], $0x80, s20, s11, $0xb8;
	[tilespmem:$0x1DC00] =	vst v63  }
0x479: {  	_ =	swait.ge [sflag:s15], $0x4000  }
0x47a: {  	[sflag:s15] =	ssyncset.done $0x0  }
0x47b: {  	s20 =	simm.s32 $0xB80;
	[sflag:s15] =	ssyncadd.s32 $0xFFFFC000  }
0x47c: {  	[spmem:s3] =	stream.indirect.scatter.add.f32 [tilespmem:s13], [sflag:$0x4], $0x80, s20, s11, $0xb8;
	[tilespmem:$0x1DC00] =	vst v63  }
0x47d: {  	_ =	swait.ge [sflag:s17], $0x4000  }
0x47e: {  	[sflag:s17] =	ssyncset.done $0x0  }
0x47f: {  	[sflag:s17] =	ssyncadd.s32 $0xFFFFC000  }
0x480: {  	_ =	swait.ge [sflag:s18], $0x4000  }
0x481: {  	[sflag:s18] =	ssyncset.done $0x0  }
0x482: {  	s20 =	simm.s32 $0x400;
	[sflag:s18] =	ssyncadd.s32 $0xFFFFC000  }
0x483: {  	[tilespmem:s12], [sflag:$0x1] =	stream.indirect.gather [hbm4b:s2+s11], $0x80, s20, s11, $0xb8;
	[tilespmem:$0x1DC00] =	vst v63  }
0x484: {  	s20 =	simm.s32 $0x480  }
0x485: {  	[tilespmem:s13], [sflag:$0x2] =	stream.indirect.gather [hbm4b:s2+s11], $0x80, s20, s11, $0xb8;
	[tilespmem:$0x1DC00] =	vst v63  }
0x486: {  	_ =	swait.ge [sflag:s14], $0x4000  }
0x487: {  	[sflag:s14] =	ssyncset.done $0x0  }
0x488: {  	s20 =	simm.s32 $0xC00;
	[sflag:s14] =	ssyncadd.s32 $0xFFFFC000  }
0x489: {  	[spmem:s3] =	stream.indirect.scatter.add.f32 [tilespmem:s12], [sflag:$0x3], $0x80, s20, s11, $0xb8;
	[tilespmem:$0x1DC00] =	vst v63  }
0x48a: {  	_ =	swait.ge [sflag:s15], $0x4000  }
0x48b: {  	[sflag:s15] =	ssyncset.done $0x0  }
0x48c: {  	s20 =	simm.s32 $0xC80;
	[sflag:s15] =	ssyncadd.s32 $0xFFFFC000  }
0x48d: {  	[spmem:s3] =	stream.indirect.scatter.add.f32 [tilespmem:s13], [sflag:$0x4], $0x80, s20, s11, $0xb8;
	[tilespmem:$0x1DC00] =	vst v63  }
0x48e: {  	_ =	swait.ge [sflag:s17], $0x4000  }
0x48f: {  	[sflag:s17] =	ssyncset.done $0x0  }
0x490: {  	[sflag:s17] =	ssyncadd.s32 $0xFFFFC000  }
0x491: {  	_ =	swait.ge [sflag:s18], $0x4000  }
0x492: {  	[sflag:s18] =	ssyncset.done $0x0  }
0x493: {  	s20 =	simm.s32 $0x500;
	[sflag:s18] =	ssyncadd.s32 $0xFFFFC000  }
0x494: {  	[tilespmem:s12], [sflag:$0x1] =	stream.indirect.gather [hbm4b:s2+s11], $0x80, s20, s11, $0xb8;
	[tilespmem:$0x1DC00] =	vst v63  }
0x495: {  	s20 =	simm.s32 $0x580  }
0x496: {  	[tilespmem:s13], [sflag:$0x2] =	stream.indirect.gather [hbm4b:s2+s11], $0x80, s20, s11, $0xb8;
	[tilespmem:$0x1DC00] =	vst v63  }
0x497: {  	_ =	swait.ge [sflag:s14], $0x4000  }
0x498: {  	[sflag:s14] =	ssyncset.done $0x0  }
0x499: {  	s20 =	simm.s32 $0xD00;
	[sflag:s14] =	ssyncadd.s32 $0xFFFFC000  }
0x49a: {  	[spmem:s3] =	stream.indirect.scatter.add.f32 [tilespmem:s12], [sflag:$0x3], $0x80, s20, s11, $0xb8;
	[tilespmem:$0x1DC00] =	vst v63  }
0x49b: {  	_ =	swait.ge [sflag:s15], $0x4000  }
0x49c: {  	[sflag:s15] =	ssyncset.done $0x0  }
0x49d: {  	s20 =	simm.s32 $0xD80;
	[sflag:s15] =	ssyncadd.s32 $0xFFFFC000  }
0x49e: {  	[spmem:s3] =	stream.indirect.scatter.add.f32 [tilespmem:s13], [sflag:$0x4], $0x80, s20, s11, $0xb8;
	[tilespmem:$0x1DC00] =	vst v63  }
0x49f: {  	_ =	swait.ge [sflag:s17], $0x4000  }
0x4a0: {  	[sflag:s17] =	ssyncset.done $0x0  }
0x4a1: {  	[sflag:s17] =	ssyncadd.s32 $0xFFFFC000  }
0x4a2: {  	_ =	swait.ge [sflag:s18], $0x4000  }
0x4a3: {  	[sflag:s18] =	ssyncset.done $0x0  }
0x4a4: {  	s20 =	simm.s32 $0x600;
	[sflag:s18] =	ssyncadd.s32 $0xFFFFC000  }
0x4a5: {  	[tilespmem:s12], [sflag:$0x1] =	stream.indirect.gather [hbm4b:s2+s11], $0x80, s20, s11, $0xb8;
	[tilespmem:$0x1DC00] =	vst v63  }
0x4a6: {  	s20 =	simm.s32 $0x680  }
0x4a7: {  	[tilespmem:s13], [sflag:$0x2] =	stream.indirect.gather [hbm4b:s2+s11], $0x80, s20, s11, $0xb8;
	[tilespmem:$0x1DC00] =	vst v63  }
0x4a8: {  	_ =	swait.ge [sflag:s14], $0x4000  }
0x4a9: {  	[sflag:s14] =	ssyncset.done $0x0  }
0x4aa: {  	s20 =	simm.s32 $0xE00;
	[sflag:s14] =	ssyncadd.s32 $0xFFFFC000  }
0x4ab: {  	[spmem:s3] =	stream.indirect.scatter.add.f32 [tilespmem:s12], [sflag:$0x3], $0x80, s20, s11, $0xb8;
	[tilespmem:$0x1DC00] =	vst v63  }
0x4ac: {  	_ =	swait.ge [sflag:s15], $0x4000  }
0x4ad: {  	[sflag:s15] =	ssyncset.done $0x0  }
0x4ae: {  	s20 =	simm.s32 $0xE80;
	[sflag:s15] =	ssyncadd.s32 $0xFFFFC000  }
0x4af: {  	[spmem:s3] =	stream.indirect.scatter.add.f32 [tilespmem:s13], [sflag:$0x4], $0x80, s20, s11, $0xb8;
	[tilespmem:$0x1DC00] =	vst v63  }
0x4b0: {  	_ =	swait.ge [sflag:s17], $0x4000  }
0x4b1: {  	[sflag:s17] =	ssyncset.done $0x0  }
0x4b2: {  	[sflag:s17] =	ssyncadd.s32 $0xFFFFC000  }
0x4b3: {  	_ =	swait.ge [sflag:s18], $0x4000  }
0x4b4: {  	[sflag:s18] =	ssyncset.done $0x0  }
0x4b5: {  	s20 =	simm.s32 $0x700;
	[sflag:s18] =	ssyncadd.s32 $0xFFFFC000  }
0x4b6: {  	[tilespmem:s12], [sflag:$0x1] =	stream.indirect.gather [hbm4b:s2+s11], $0x80, s20, s11, $0xb8;
	[tilespmem:$0x1DC00] =	vst v63  }
0x4b7: {  	s20 =	simm.s32 $0x780  }
0x4b8: {  	[tilespmem:s13], [sflag:$0x2] =	stream.indirect.gather [hbm4b:s2+s11], $0x80, s20, s11, $0xb8;
	[tilespmem:$0x1DC00] =	vst v63  }
0x4b9: {  	_ =	swait.ge [sflag:s14], $0x4000  }
0x4ba: {  	[sflag:s14] =	ssyncset.done $0x0  }
0x4bb: {  	s20 =	simm.s32 $0xF00;
	[sflag:s14] =	ssyncadd.s32 $0xFFFFC000  }
0x4bc: {  	[spmem:s3] =	stream.indirect.scatter.add.f32 [tilespmem:s12], [sflag:$0x3], $0x80, s20, s11, $0xb8;
	[tilespmem:$0x1DC00] =	vst v63  }
0x4bd: {  	_ =	swait.ge [sflag:s15], $0x4000  }
0x4be: {  	[sflag:s15] =	ssyncset.done $0x0  }
0x4bf: {  	s20 =	simm.s32 $0xF80;
	[sflag:s15] =	ssyncadd.s32 $0xFFFFC000  }
0x4c0: {  	[spmem:s3] =	stream.indirect.scatter.add.f32 [tilespmem:s13], [sflag:$0x4], $0x80, s20, s11, $0xb8;
	[tilespmem:$0x1DC00] =	vst v63  }
0x4c1: {  	_ =	swait.ge [sflag:s1], $0x800  }
0x4c2: {  	[sflag:s1] =	ssyncset.done $0x0  }
0x4c3: {  	[sflag:s1] =	ssyncadd.s32 $0xFFFFF800  }
0x4c4: {  	_ =	swait.ge [sflag:s1], $0x800  }
0x4c5: {  	[sflag:s1] =	ssyncset.done $0x0  }
0x4c6: {  	[sflag:s1] =	ssyncadd.s32 $0xFFFFF800  }
0x4c7: {  	_ =	swait.ge [sflag:s17], $0x4000  }
0x4c8: {  	[sflag:s17] =	ssyncset.done $0x0  }
0x4c9: {  	[sflag:s17] =	ssyncadd.s32 $0xFFFFC000  }
0x4ca: {  	_ =	swait.ge [sflag:s18], $0x4000  }
0x4cb: {  	[sflag:s18] =	ssyncset.done $0x0  }
0x4cc: {  	s19 =	rddreg [dreg:$0xd];
	[sflag:s18] =	ssyncadd.s32 $0xFFFFC000  }
0x4cd: {  	[tilespmem:s4], [sflag:$0x5] =	stream.linear.gather [hbm4b:s19+s4], $0x800, $0x38;
	[tilespmem:$0x1DC00] =	vst v63  }
0x4ce: {  	s20 =	rddreg [dreg:$0xe]  }
0x4cf: {  	[tilespmem:s0], [sflag:$0x5] =	stream.linear.gather [hbm4b:s20+s4], $0x800, $0x38;
	[tilespmem:$0x1DC00] =	vst v63  }
0x4d0: {  	_ = 	snop  }
0x4d1: {  	[tilespmem:s12], [sflag:$0x1] =	stream.indirect.gather [hbm4b:s2+s11], $0x80, s10, s11, $0xb8;
	[tilespmem:$0x1DC00] =	vst v63  }
0x4d2: {  	s19 =	simm.s32 $0x1080  }
0x4d3: {  	[tilespmem:s13], [sflag:$0x2] =	stream.indirect.gather [hbm4b:s2+s11], $0x80, s19, s11, $0xb8;
	[tilespmem:$0x1DC00] =	vst v63  }
0x4d4: {  	_ =	swait.ge [sflag:s14], $0x4000  }
0x4d5: {  	[sflag:s14] =	ssyncset.done $0x0  }
0x4d6: {  	[sflag:s14] =	ssyncadd.s32 $0xFFFFC000  }
0x4d7: {  	[spmem:s3] =	stream.indirect.scatter.add.f32 [tilespmem:s12], [sflag:$0x3], $0x80, s8, s11, $0xb8;
	[tilespmem:$0x1DC00] =	vst v63  }
0x4d8: {  	_ =	swait.ge [sflag:s15], $0x4000  }
0x4d9: {  	[sflag:s15] =	ssyncset.done $0x0  }
0x4da: {  	[sflag:s15] =	ssyncadd.s32 $0xFFFFC000  }
0x4db: {  	[spmem:s3] =	stream.indirect.scatter.add.f32 [tilespmem:s13], [sflag:$0x4], $0x80, s7, s11, $0xb8;
	[tilespmem:$0x1DC00] =	vst v63  }
0x4dc: {  	_ =	swait.ge [sflag:s17], $0x4000  }
0x4dd: {  	[sflag:s17] =	ssyncset.done $0x0  }
0x4de: {  	[sflag:s17] =	ssyncadd.s32 $0xFFFFC000  }
0x4df: {  	_ =	swait.ge [sflag:s18], $0x4000  }
0x4e0: {  	[sflag:s18] =	ssyncset.done $0x0  }
0x4e1: {  	[sflag:s18] =	ssyncadd.s32 $0xFFFFC000  }
0x4e2: {  	[tilespmem:s12], [sflag:$0x1] =	stream.indirect.gather [hbm4b:s2+s11], $0x80, s9, s11, $0xb8;
	[tilespmem:$0x1DC00] =	vst v63  }
0x4e3: {  	_ = 	snop  }
0x4e4: {  	[tilespmem:s13], [sflag:$0x2] =	stream.indirect.gather [hbm4b:s2+s11], $0x80, s21, s11, $0xb8;
	[tilespmem:$0x1DC00] =	vst v63  }
0x4e5: {  	_ =	swait.ge [sflag:s14], $0x4000  }
0x4e6: {  	[sflag:s14] =	ssyncset.done $0x0  }
0x4e7: {  	[sflag:s14] =	ssyncadd.s32 $0xFFFFC000  }
0x4e8: {  	[spmem:s3] =	stream.indirect.scatter.add.f32 [tilespmem:s12], [sflag:$0x3], $0x80, s22, s11, $0xb8;
	[tilespmem:$0x1DC00] =	vst v63  }
0x4e9: {  	_ =	swait.ge [sflag:s15], $0x4000  }
0x4ea: {  	[sflag:s15] =	ssyncset.done $0x0  }
0x4eb: {  	[sflag:s15] =	ssyncadd.s32 $0xFFFFC000  }
0x4ec: {  	[spmem:s3] =	stream.indirect.scatter.add.f32 [tilespmem:s13], [sflag:$0x4], $0x80, s23, s11, $0xb8;
	[tilespmem:$0x1DC00] =	vst v63  }
0x4ed: {  	_ =	swait.ge [sflag:s17], $0x4000  }
0x4ee: {  	[sflag:s17] =	ssyncset.done $0x0  }
0x4ef: {  	[sflag:s17] =	ssyncadd.s32 $0xFFFFC000  }
0x4f0: {  	_ =	swait.ge [sflag:s18], $0x4000  }
0x4f1: {  	[sflag:s18] =	ssyncset.done $0x0  }
0x4f2: {  	[sflag:s18] =	ssyncadd.s32 $0xFFFFC000  }
0x4f3: {  	[tilespmem:s12], [sflag:$0x1] =	stream.indirect.gather [hbm4b:s2+s11], $0x80, s24, s11, $0xb8;
	[tilespmem:$0x1DC00] =	vst v63  }
0x4f4: {  	_ = 	snop  }
0x4f5: {  	[tilespmem:s13], [sflag:$0x2] =	stream.indirect.gather [hbm4b:s2+s11], $0x80, s25, s11, $0xb8;
	[tilespmem:$0x1DC00] =	vst v63  }
0x4f6: {  	_ =	swait.ge [sflag:s14], $0x4000  }
0x4f7: {  	[sflag:s14] =	ssyncset.done $0x0  }
0x4f8: {  	[sflag:s14] =	ssyncadd.s32 $0xFFFFC000  }
0x4f9: {  	[spmem:s3] =	stream.indirect.scatter.add.f32 [tilespmem:s12], [sflag:$0x3], $0x80, s26, s11, $0xb8;
	[tilespmem:$0x1DC00] =	vst v63  }
0x4fa: {  	_ =	swait.ge [sflag:s15], $0x4000  }
0x4fb: {  	[sflag:s15] =	ssyncset.done $0x0  }
0x4fc: {  	[sflag:s15] =	ssyncadd.s32 $0xFFFFC000  }
0x4fd: {  	[spmem:s3] =	stream.indirect.scatter.add.f32 [tilespmem:s13], [sflag:$0x4], $0x80, s28, s11, $0xb8;
	[tilespmem:$0x1DC00] =	vst v63  }
0x4fe: {  	_ =	swait.ge [sflag:s17], $0x4000  }
0x4ff: {  	[sflag:s17] =	ssyncset.done $0x0  }
0x500: {  	[sflag:s17] =	ssyncadd.s32 $0xFFFFC000  }
0x501: {  	_ =	swait.ge [sflag:s18], $0x4000  }
0x502: {  	[sflag:s18] =	ssyncset.done $0x0  }
0x503: {  	[sflag:s18] =	ssyncadd.s32 $0xFFFFC000  }
0x504: {  	[tilespmem:s12], [sflag:$0x1] =	stream.indirect.gather [hbm4b:s2+s11], $0x80, s29, s11, $0xb8;
	[tilespmem:$0x1DC00] =	vst v63  }
0x505: {  	_ = 	snop  }
0x506: {  	[tilespmem:s13], [sflag:$0x2] =	stream.indirect.gather [hbm4b:s2+s11], $0x80, s30, s11, $0xb8;
	[tilespmem:$0x1DC00] =	vst v63  }
0x507: {  	_ =	swait.ge [sflag:s14], $0x4000  }
0x508: {  	[sflag:s14] =	ssyncset.done $0x0  }
0x509: {  	[sflag:s14] =	ssyncadd.s32 $0xFFFFC000  }
0x50a: {  	[spmem:s3] =	stream.indirect.scatter.add.f32 [tilespmem:s12], [sflag:$0x3], $0x80, s31, s11, $0xb8;
	[tilespmem:$0x1DC00] =	vst v63  }
0x50b: {  	_ =	swait.ge [sflag:s15], $0x4000  }
0x50c: {  	[sflag:s15] =	ssyncset.done $0x0  }
0x50d: {  	s20 =	simm.s32 $0x1B80;
	[sflag:s15] =	ssyncadd.s32 $0xFFFFC000  }
0x50e: {  	[spmem:s3] =	stream.indirect.scatter.add.f32 [tilespmem:s13], [sflag:$0x4], $0x80, s20, s11, $0xb8;
	[tilespmem:$0x1DC00] =	vst v63  }
0x50f: {  	_ =	swait.ge [sflag:s17], $0x4000  }
0x510: {  	[sflag:s17] =	ssyncset.done $0x0  }
0x511: {  	[sflag:s17] =	ssyncadd.s32 $0xFFFFC000  }
0x512: {  	_ =	swait.ge [sflag:s18], $0x4000  }
0x513: {  	[sflag:s18] =	ssyncset.done $0x0  }
0x514: {  	s10 =	simm.s32 $0x1400;
	[sflag:s18] =	ssyncadd.s32 $0xFFFFC000  }
0x515: {  	[tilespmem:s12], [sflag:$0x1] =	stream.indirect.gather [hbm4b:s2+s11], $0x80, s10, s11, $0xb8;
	[tilespmem:$0x1DC00] =	vst v63  }
0x516: {  	s19 =	simm.s32 $0x1480  }
0x517: {  	[tilespmem:s13], [sflag:$0x2] =	stream.indirect.gather [hbm4b:s2+s11], $0x80, s19, s11, $0xb8;
	[tilespmem:$0x1DC00] =	vst v63  }
0x518: {  	_ =	swait.ge [sflag:s14], $0x4000  }
0x519: {  	[sflag:s14] =	ssyncset.done $0x0  }
0x51a: {  	s20 =	simm.s32 $0x1C00;
	[sflag:s14] =	ssyncadd.s32 $0xFFFFC000  }
0x51b: {  	[spmem:s3] =	stream.indirect.scatter.add.f32 [tilespmem:s12], [sflag:$0x3], $0x80, s20, s11, $0xb8;
	[tilespmem:$0x1DC00] =	vst v63  }
0x51c: {  	_ =	swait.ge [sflag:s15], $0x4000  }
0x51d: {  	[sflag:s15] =	ssyncset.done $0x0  }
0x51e: {  	s10 =	simm.s32 $0x1C80;
	[sflag:s15] =	ssyncadd.s32 $0xFFFFC000  }
0x51f: {  	[spmem:s3] =	stream.indirect.scatter.add.f32 [tilespmem:s13], [sflag:$0x4], $0x80, s10, s11, $0xb8;
	[tilespmem:$0x1DC00] =	vst v63  }
0x520: {  	_ =	swait.ge [sflag:s17], $0x4000  }
0x521: {  	[sflag:s17] =	ssyncset.done $0x0  }
0x522: {  	[sflag:s17] =	ssyncadd.s32 $0xFFFFC000  }
0x523: {  	_ =	swait.ge [sflag:s18], $0x4000  }
0x524: {  	[sflag:s18] =	ssyncset.done $0x0  }
0x525: {  	s19 =	simm.s32 $0x1500;
	[sflag:s18] =	ssyncadd.s32 $0xFFFFC000  }
0x526: {  	[tilespmem:s12], [sflag:$0x1] =	stream.indirect.gather [hbm4b:s2+s11], $0x80, s19, s11, $0xb8;
	[tilespmem:$0x1DC00] =	vst v63  }
0x527: {  	s20 =	simm.s32 $0x1580  }
0x528: {  	[tilespmem:s13], [sflag:$0x2] =	stream.indirect.gather [hbm4b:s2+s11], $0x80, s20, s11, $0xb8;
	[tilespmem:$0x1DC00] =	vst v63  }
0x529: {  	_ =	swait.ge [sflag:s14], $0x4000  }
0x52a: {  	[sflag:s14] =	ssyncset.done $0x0  }
0x52b: {  	s10 =	simm.s32 $0x1D00;
	[sflag:s14] =	ssyncadd.s32 $0xFFFFC000  }
0x52c: {  	[spmem:s3] =	stream.indirect.scatter.add.f32 [tilespmem:s12], [sflag:$0x3], $0x80, s10, s11, $0xb8;
	[tilespmem:$0x1DC00] =	vst v63  }
0x52d: {  	_ =	swait.ge [sflag:s15], $0x4000  }
0x52e: {  	[sflag:s15] =	ssyncset.done $0x0  }
0x52f: {  	s19 =	simm.s32 $0x1D80;
	[sflag:s15] =	ssyncadd.s32 $0xFFFFC000  }
0x530: {  	[spmem:s3] =	stream.indirect.scatter.add.f32 [tilespmem:s13], [sflag:$0x4], $0x80, s19, s11, $0xb8;
	[tilespmem:$0x1DC00] =	vst v63  }
0x531: {  	_ =	swait.ge [sflag:s17], $0x4000  }
0x532: {  	[sflag:s17] =	ssyncset.done $0x0  }
0x533: {  	[sflag:s17] =	ssyncadd.s32 $0xFFFFC000  }
0x534: {  	_ =	swait.ge [sflag:s18], $0x4000  }
0x535: {  	[sflag:s18] =	ssyncset.done $0x0  }
0x536: {  	s20 =	simm.s32 $0x1600;
	[sflag:s18] =	ssyncadd.s32 $0xFFFFC000  }
0x537: {  	[tilespmem:s12], [sflag:$0x1] =	stream.indirect.gather [hbm4b:s2+s11], $0x80, s20, s11, $0xb8;
	[tilespmem:$0x1DC00] =	vst v63  }
0x538: {  	s10 =	simm.s32 $0x1680  }
0x539: {  	[tilespmem:s13], [sflag:$0x2] =	stream.indirect.gather [hbm4b:s2+s11], $0x80, s10, s11, $0xb8;
	[tilespmem:$0x1DC00] =	vst v63  }
0x53a: {  	_ =	swait.ge [sflag:s14], $0x4000  }
0x53b: {  	[sflag:s14] =	ssyncset.done $0x0  }
0x53c: {  	s19 =	simm.s32 $0x1E00;
	[sflag:s14] =	ssyncadd.s32 $0xFFFFC000  }
0x53d: {  	[spmem:s3] =	stream.indirect.scatter.add.f32 [tilespmem:s12], [sflag:$0x3], $0x80, s19, s11, $0xb8;
	[tilespmem:$0x1DC00] =	vst v63  }
0x53e: {  	_ =	swait.ge [sflag:s15], $0x4000  }
0x53f: {  	[sflag:s15] =	ssyncset.done $0x0  }
0x540: {  	s20 =	simm.s32 $0x1E80;
	[sflag:s15] =	ssyncadd.s32 $0xFFFFC000  }
0x541: {  	[spmem:s3] =	stream.indirect.scatter.add.f32 [tilespmem:s13], [sflag:$0x4], $0x80, s20, s11, $0xb8;
	[tilespmem:$0x1DC00] =	vst v63  }
0x542: {  	_ =	swait.ge [sflag:s17], $0x4000  }
0x543: {  	[sflag:s17] =	ssyncset.done $0x0  }
0x544: {  	[sflag:s17] =	ssyncadd.s32 $0xFFFFC000  }
0x545: {  	_ =	swait.ge [sflag:s18], $0x4000  }
0x546: {  	[sflag:s18] =	ssyncset.done $0x0  }
0x547: {  	s10 =	simm.s32 $0x1700;
	[sflag:s18] =	ssyncadd.s32 $0xFFFFC000  }
0x548: {  	[tilespmem:s12], [sflag:$0x1] =	stream.indirect.gather [hbm4b:s2+s11], $0x80, s10, s11, $0xb8;
	[tilespmem:$0x1DC00] =	vst v63  }
0x549: {  	s19 =	simm.s32 $0x1780  }
0x54a: {  	[tilespmem:s13], [sflag:$0x2] =	stream.indirect.gather [hbm4b:s2+s11], $0x80, s19, s11, $0xb8;
	[tilespmem:$0x1DC00] =	vst v63  }
0x54b: {  	_ =	swait.ge [sflag:s14], $0x4000  }
0x54c: {  	[sflag:s14] =	ssyncset.done $0x0  }
0x54d: {  	s20 =	simm.s32 $0x1F00;
	[sflag:s14] =	ssyncadd.s32 $0xFFFFC000  }
0x54e: {  	[spmem:s3] =	stream.indirect.scatter.add.f32 [tilespmem:s12], [sflag:$0x3], $0x80, s20, s11, $0xb8;
	[tilespmem:$0x1DC00] =	vst v63  }
0x54f: {  	_ =	swait.ge [sflag:s15], $0x4000  }
0x550: {  	[sflag:s15] =	ssyncset.done $0x0  }
0x551: {  	s10 =	simm.s32 $0x1F80;
	[sflag:s15] =	ssyncadd.s32 $0xFFFFC000  }
0x552: {  	[spmem:s3] =	stream.indirect.scatter.add.f32 [tilespmem:s13], [sflag:$0x4], $0x80, s10, s11, $0xb8;
	[tilespmem:$0x1DC00] =	vst v63  }
0x553: {  	_ =	swait.ge [sflag:s1], $0x800  }
0x554: {  	[sflag:s1] =	ssyncset.done $0x0  }
0x555: {  	[sflag:s1] =	ssyncadd.s32 $0xFFFFF800  }
0x556: {  	_ =	swait.ge [sflag:s1], $0x800  }
0x557: {  	[sflag:s1] =	ssyncset.done $0x0  }
0x558: {  	[sflag:s1] =	ssyncadd.s32 $0xFFFFF800  }
0x559: {  	_ =	swait.ge [sflag:s17], $0x4000  }
0x55a: {  	[sflag:s17] =	ssyncset.done $0x0  }
0x55b: {  	[sflag:s17] =	ssyncadd.s32 $0xFFFFC000  }
0x55c: {  	_ =	swait.ge [sflag:s18], $0x4000  }
0x55d: {  	[sflag:s18] =	ssyncset.done $0x0  }
0x55e: {  	[sflag:s18] =	ssyncadd.s32 $0xFFFFC000  }
0x55f: {  	[tilespmem:s12], [sflag:$0x1] =	stream.indirect.gather [hbm4b:s2+s11], $0x80, s4, s11, $0xb8;
	[tilespmem:$0x1DC00] =	vst v63  }
0x560: {  	_ = 	snop  }
0x561: {  	[tilespmem:s13], [sflag:$0x2] =	stream.indirect.gather [hbm4b:s2+s11], $0x80, s11, s11, $0xb8;
	[tilespmem:$0x1DC00] =	vst v63  }
0x562: {  	_ =	swait.ge [sflag:s14], $0x4000  }
0x563: {  	[sflag:s14] =	ssyncset.done $0x0  }
0x564: {  	[sflag:s14] =	ssyncadd.s32 $0xFFFFC000  }
0x565: {  	[spmem:s3] =	stream.indirect.scatter.add.f32 [tilespmem:s12], [sflag:$0x3], $0x80, s0, s11, $0xb8;
	[tilespmem:$0x1DC00] =	vst v63  }
0x566: {  	_ =	swait.ge [sflag:s15], $0x4000  }
0x567: {  	[sflag:s15] =	ssyncset.done $0x0  }
0x568: {  	[sflag:s15] =	ssyncadd.s32 $0xFFFFC000  }
0x569: {  	[spmem:s3] =	stream.indirect.scatter.add.f32 [tilespmem:s13], [sflag:$0x4], $0x80, s5, s11, $0xb8;
	[tilespmem:$0x1DC00] =	vst v63  }
0x56a: {  	_ =	swait.ge [sflag:s17], $0x4000  }
0x56b: {  	[sflag:s17] =	ssyncset.done $0x0  }
0x56c: {  	[sflag:s17] =	ssyncadd.s32 $0xFFFFC000  }
0x56d: {  	_ =	swait.ge [sflag:s18], $0x4000  }
0x56e: {  	[sflag:s18] =	ssyncset.done $0x0  }
0x56f: {  	s19 =	simm.s32 $0x100;
	[sflag:s18] =	ssyncadd.s32 $0xFFFFC000  }
0x570: {  	[tilespmem:s12], [sflag:$0x1] =	stream.indirect.gather [hbm4b:s2+s11], $0x80, s19, s11, $0xb8;
	[tilespmem:$0x1DC00] =	vst v63  }
0x571: {  	s20 =	simm.s32 $0x180  }
0x572: {  	[tilespmem:s13], [sflag:$0x2] =	stream.indirect.gather [hbm4b:s2+s11], $0x80, s20, s11, $0xb8;
	[tilespmem:$0x1DC00] =	vst v63  }
0x573: {  	_ =	swait.ge [sflag:s14], $0x4000  }
0x574: {  	[sflag:s14] =	ssyncset.done $0x0  }
0x575: {  	s5 =	simm.s32 $0x900;
	[sflag:s14] =	ssyncadd.s32 $0xFFFFC000  }
0x576: {  	[spmem:s3] =	stream.indirect.scatter.add.f32 [tilespmem:s12], [sflag:$0x3], $0x80, s5, s11, $0xb8;
	[tilespmem:$0x1DC00] =	vst v63  }
0x577: {  	_ =	swait.ge [sflag:s15], $0x4000  }
0x578: {  	[sflag:s15] =	ssyncset.done $0x0  }
0x579: {  	s7 =	simm.s32 $0x980;
	[sflag:s15] =	ssyncadd.s32 $0xFFFFC000  }
0x57a: {  	[spmem:s3] =	stream.indirect.scatter.add.f32 [tilespmem:s13], [sflag:$0x4], $0x80, s7, s11, $0xb8;
	[tilespmem:$0x1DC00] =	vst v63  }
0x57b: {  	_ =	swait.ge [sflag:s17], $0x4000  }
0x57c: {  	[sflag:s17] =	ssyncset.done $0x0  }
0x57d: {  	[sflag:s17] =	ssyncadd.s32 $0xFFFFC000  }
0x57e: {  	_ =	swait.ge [sflag:s18], $0x4000  }
0x57f: {  	[sflag:s18] =	ssyncset.done $0x0  }
0x580: {  	s10 =	simm.s32 $0x200;
	[sflag:s18] =	ssyncadd.s32 $0xFFFFC000  }
0x581: {  	[tilespmem:s12], [sflag:$0x1] =	stream.indirect.gather [hbm4b:s2+s11], $0x80, s10, s11, $0xb8;
	[tilespmem:$0x1DC00] =	vst v63  }
0x582: {  	s19 =	simm.s32 $0x280  }
0x583: {  	[tilespmem:s13], [sflag:$0x2] =	stream.indirect.gather [hbm4b:s2+s11], $0x80, s19, s11, $0xb8;
	[tilespmem:$0x1DC00] =	vst v63  }
0x584: {  	_ =	swait.ge [sflag:s14], $0x4000  }
0x585: {  	[sflag:s14] =	ssyncset.done $0x0  }
0x586: {  	s20 =	simm.s32 $0xA00;
	[sflag:s14] =	ssyncadd.s32 $0xFFFFC000  }
0x587: {  	[spmem:s3] =	stream.indirect.scatter.add.f32 [tilespmem:s12], [sflag:$0x3], $0x80, s20, s11, $0xb8;
	[tilespmem:$0x1DC00] =	vst v63  }
0x588: {  	_ =	swait.ge [sflag:s15], $0x4000  }
0x589: {  	[sflag:s15] =	ssyncset.done $0x0  }
0x58a: {  	s5 =	simm.s32 $0xA80;
	[sflag:s15] =	ssyncadd.s32 $0xFFFFC000  }
0x58b: {  	[spmem:s3] =	stream.indirect.scatter.add.f32 [tilespmem:s13], [sflag:$0x4], $0x80, s5, s11, $0xb8;
	[tilespmem:$0x1DC00] =	vst v63  }
0x58c: {  	_ =	swait.ge [sflag:s17], $0x4000  }
0x58d: {  	[sflag:s17] =	ssyncset.done $0x0  }
0x58e: {  	[sflag:s17] =	ssyncadd.s32 $0xFFFFC000  }
0x58f: {  	_ =	swait.ge [sflag:s18], $0x4000  }
0x590: {  	[sflag:s18] =	ssyncset.done $0x0  }
0x591: {  	s7 =	simm.s32 $0x300;
	[sflag:s18] =	ssyncadd.s32 $0xFFFFC000  }
0x592: {  	[tilespmem:s12], [sflag:$0x1] =	stream.indirect.gather [hbm4b:s2+s11], $0x80, s7, s11, $0xb8;
	[tilespmem:$0x1DC00] =	vst v63  }
0x593: {  	s10 =	simm.s32 $0x380  }
0x594: {  	[tilespmem:s13], [sflag:$0x2] =	stream.indirect.gather [hbm4b:s2+s11], $0x80, s10, s11, $0xb8;
	[tilespmem:$0x1DC00] =	vst v63  }
0x595: {  	_ =	swait.ge [sflag:s14], $0x4000  }
0x596: {  	[sflag:s14] =	ssyncset.done $0x0  }
0x597: {  	s19 =	simm.s32 $0xB00;
	[sflag:s14] =	ssyncadd.s32 $0xFFFFC000  }
0x598: {  	[spmem:s3] =	stream.indirect.scatter.add.f32 [tilespmem:s12], [sflag:$0x3], $0x80, s19, s11, $0xb8;
	[tilespmem:$0x1DC00] =	vst v63  }
0x599: {  	_ =	swait.ge [sflag:s15], $0x4000  }
0x59a: {  	[sflag:s15] =	ssyncset.done $0x0  }
0x59b: {  	s20 =	simm.s32 $0xB80;
	[sflag:s15] =	ssyncadd.s32 $0xFFFFC000  }
0x59c: {  	[spmem:s3] =	stream.indirect.scatter.add.f32 [tilespmem:s13], [sflag:$0x4], $0x80, s20, s11, $0xb8;
	[tilespmem:$0x1DC00] =	vst v63  }
0x59d: {  	_ =	swait.ge [sflag:s17], $0x4000  }
0x59e: {  	[sflag:s17] =	ssyncset.done $0x0  }
0x59f: {  	[sflag:s17] =	ssyncadd.s32 $0xFFFFC000  }
0x5a0: {  	_ =	swait.ge [sflag:s18], $0x4000  }
0x5a1: {  	[sflag:s18] =	ssyncset.done $0x0  }
0x5a2: {  	s5 =	simm.s32 $0x400;
	[sflag:s18] =	ssyncadd.s32 $0xFFFFC000  }
0x5a3: {  	[tilespmem:s12], [sflag:$0x1] =	stream.indirect.gather [hbm4b:s2+s11], $0x80, s5, s11, $0xb8;
	[tilespmem:$0x1DC00] =	vst v63  }
0x5a4: {  	s7 =	simm.s32 $0x480  }
0x5a5: {  	[tilespmem:s13], [sflag:$0x2] =	stream.indirect.gather [hbm4b:s2+s11], $0x80, s7, s11, $0xb8;
	[tilespmem:$0x1DC00] =	vst v63  }
0x5a6: {  	_ =	swait.ge [sflag:s14], $0x4000  }
0x5a7: {  	[sflag:s14] =	ssyncset.done $0x0  }
0x5a8: {  	s10 =	simm.s32 $0xC00;
	[sflag:s14] =	ssyncadd.s32 $0xFFFFC000  }
0x5a9: {  	[spmem:s3] =	stream.indirect.scatter.add.f32 [tilespmem:s12], [sflag:$0x3], $0x80, s10, s11, $0xb8;
	[tilespmem:$0x1DC00] =	vst v63  }
0x5aa: {  	_ =	swait.ge [sflag:s15], $0x4000  }
0x5ab: {  	[sflag:s15] =	ssyncset.done $0x0  }
0x5ac: {  	s19 =	simm.s32 $0xC80;
	[sflag:s15] =	ssyncadd.s32 $0xFFFFC000  }
0x5ad: {  	[spmem:s3] =	stream.indirect.scatter.add.f32 [tilespmem:s13], [sflag:$0x4], $0x80, s19, s11, $0xb8;
	[tilespmem:$0x1DC00] =	vst v63  }
0x5ae: {  	_ =	swait.ge [sflag:s17], $0x4000  }
0x5af: {  	[sflag:s17] =	ssyncset.done $0x0  }
0x5b0: {  	[sflag:s17] =	ssyncadd.s32 $0xFFFFC000  }
0x5b1: {  	_ =	swait.ge [sflag:s18], $0x4000  }
0x5b2: {  	[sflag:s18] =	ssyncset.done $0x0  }
0x5b3: {  	s20 =	simm.s32 $0x500;
	[sflag:s18] =	ssyncadd.s32 $0xFFFFC000  }
0x5b4: {  	[tilespmem:s12], [sflag:$0x1] =	stream.indirect.gather [hbm4b:s2+s11], $0x80, s20, s11, $0xb8;
	[tilespmem:$0x1DC00] =	vst v63  }
0x5b5: {  	s5 =	simm.s32 $0x580  }
0x5b6: {  	[tilespmem:s13], [sflag:$0x2] =	stream.indirect.gather [hbm4b:s2+s11], $0x80, s5, s11, $0xb8;
	[tilespmem:$0x1DC00] =	vst v63  }
0x5b7: {  	_ =	swait.ge [sflag:s14], $0x4000  }
0x5b8: {  	[sflag:s14] =	ssyncset.done $0x0  }
0x5b9: {  	s7 =	simm.s32 $0xD00;
	[sflag:s14] =	ssyncadd.s32 $0xFFFFC000  }
0x5ba: {  	[spmem:s3] =	stream.indirect.scatter.add.f32 [tilespmem:s12], [sflag:$0x3], $0x80, s7, s11, $0xb8;
	[tilespmem:$0x1DC00] =	vst v63  }
0x5bb: {  	_ =	swait.ge [sflag:s15], $0x4000  }
0x5bc: {  	[sflag:s15] =	ssyncset.done $0x0  }
0x5bd: {  	s10 =	simm.s32 $0xD80;
	[sflag:s15] =	ssyncadd.s32 $0xFFFFC000  }
0x5be: {  	[spmem:s3] =	stream.indirect.scatter.add.f32 [tilespmem:s13], [sflag:$0x4], $0x80, s10, s11, $0xb8;
	[tilespmem:$0x1DC00] =	vst v63  }
0x5bf: {  	_ =	swait.ge [sflag:s17], $0x4000  }
0x5c0: {  	[sflag:s17] =	ssyncset.done $0x0  }
0x5c1: {  	[sflag:s17] =	ssyncadd.s32 $0xFFFFC000  }
0x5c2: {  	_ =	swait.ge [sflag:s18], $0x4000  }
0x5c3: {  	[sflag:s18] =	ssyncset.done $0x0  }
0x5c4: {  	s19 =	simm.s32 $0x600;
	[sflag:s18] =	ssyncadd.s32 $0xFFFFC000  }
0x5c5: {  	[tilespmem:s12], [sflag:$0x1] =	stream.indirect.gather [hbm4b:s2+s11], $0x80, s19, s11, $0xb8;
	[tilespmem:$0x1DC00] =	vst v63  }
0x5c6: {  	s20 =	simm.s32 $0x680  }
0x5c7: {  	[tilespmem:s13], [sflag:$0x2] =	stream.indirect.gather [hbm4b:s2+s11], $0x80, s20, s11, $0xb8;
	[tilespmem:$0x1DC00] =	vst v63  }
0x5c8: {  	_ =	swait.ge [sflag:s14], $0x4000  }
0x5c9: {  	[sflag:s14] =	ssyncset.done $0x0  }
0x5ca: {  	s5 =	simm.s32 $0xE00;
	[sflag:s14] =	ssyncadd.s32 $0xFFFFC000  }
0x5cb: {  	[spmem:s3] =	stream.indirect.scatter.add.f32 [tilespmem:s12], [sflag:$0x3], $0x80, s5, s11, $0xb8;
	[tilespmem:$0x1DC00] =	vst v63  }
0x5cc: {  	_ =	swait.ge [sflag:s15], $0x4000  }
0x5cd: {  	[sflag:s15] =	ssyncset.done $0x0  }
0x5ce: {  	s7 =	simm.s32 $0xE80;
	[sflag:s15] =	ssyncadd.s32 $0xFFFFC000  }
0x5cf: {  	[spmem:s3] =	stream.indirect.scatter.add.f32 [tilespmem:s13], [sflag:$0x4], $0x80, s7, s11, $0xb8;
	[tilespmem:$0x1DC00] =	vst v63  }
0x5d0: {  	_ =	swait.ge [sflag:s17], $0x4000  }
0x5d1: {  	[sflag:s17] =	ssyncset.done $0x0  }
0x5d2: {  	[sflag:s17] =	ssyncadd.s32 $0xFFFFC000  }
0x5d3: {  	_ =	swait.ge [sflag:s18], $0x4000  }
0x5d4: {  	[sflag:s18] =	ssyncset.done $0x0  }
0x5d5: {  	s10 =	simm.s32 $0x700;
	[sflag:s18] =	ssyncadd.s32 $0xFFFFC000  }
0x5d6: {  	[tilespmem:s12], [sflag:$0x1] =	stream.indirect.gather [hbm4b:s2+s11], $0x80, s10, s11, $0xb8;
	[tilespmem:$0x1DC00] =	vst v63  }
0x5d7: {  	s19 =	simm.s32 $0x780  }
0x5d8: {  	[tilespmem:s13], [sflag:$0x2] =	stream.indirect.gather [hbm4b:s2+s11], $0x80, s19, s11, $0xb8;
	[tilespmem:$0x1DC00] =	vst v63  }
0x5d9: {  	_ =	swait.ge [sflag:s14], $0x4000  }
0x5da: {  	[sflag:s14] =	ssyncset.done $0x0  }
0x5db: {  	s20 =	simm.s32 $0xF00;
	[sflag:s14] =	ssyncadd.s32 $0xFFFFC000  }
0x5dc: {  	[spmem:s3] =	stream.indirect.scatter.add.f32 [tilespmem:s12], [sflag:$0x3], $0x80, s20, s11, $0xb8;
	[tilespmem:$0x1DC00] =	vst v63  }
0x5dd: {  	_ =	swait.ge [sflag:s15], $0x4000  }
0x5de: {  	[sflag:s15] =	ssyncset.done $0x0  }
0x5df: {  	s5 =	simm.s32 $0xF80;
	[sflag:s15] =	ssyncadd.s32 $0xFFFFC000  }
0x5e0: {  	[spmem:s3] =	stream.indirect.scatter.add.f32 [tilespmem:s13], [sflag:$0x4], $0x80, s5, s11, $0xb8;
	[tilespmem:$0x1DC00] =	vst v63  }
0x5e1: {  	_ =	swait.ge [sflag:s17], $0x4000  }
0x5e2: {  	[sflag:s17] =	ssyncset.done $0x0  }
0x5e3: {  	[sflag:s17] =	ssyncadd.s32 $0xFFFFC000  }
0x5e4: {  	_ =	swait.ge [sflag:s18], $0x4000  }
0x5e5: {  	[sflag:s18] =	ssyncset.done $0x0  }
0x5e6: {  	[sflag:s18] =	ssyncadd.s32 $0xFFFFC000  }
0x5e7: {  	p0 =	sne.s32 s16, $0x1;
	[bflag:$0x0] =	sbarrier.arrive $0xFFFF  }
.Ltmp1:
0x5e8: {  	s7 =	rddreg [dreg:$0xf];
	(pc) =	sbr.rel @p0 .LBB2_2-.Ltmp1, $4  }
0x5e9: {  	s10 =	rddreg [dreg:$0x11]  }
0x5ea: {  	s20 =	rddreg [dreg:$0x10]  }
0x5eb: {  	[hbm:s7], [sflag:s20] =	dma.local [spmem:s10], $0x2780  }
0x5ec: {  	s16 =	sadd.s32 $0xFFFFFFFF, s16;
	_ =	swait.ge [sflag:s6], $0x2780  }
.LBB2_3:
0x5ed: {  	[sflag:s6] =	ssyncset.done $0x0  }
0x5ee: {  	[sflag:s6] =	ssyncadd.s32 $0xFFFFD880  }
0x5ef: {  	_ =	sfence.sel $0x180000  }
0x5f0: {  	[bflag:$0x0] =	sbarrier.arrive $0xFFFF  }
0x5f1: {  	_ =	strace $0x9000004A  }
0x5f2: {  	s0 =	stileid.u32;
	[bflag:$0x2] =	sbarrier.arrive $0xFFFF  }
0x5f3: {  	p0 =	sne.s32 s0, $0x0;
	s0 =	rddreg [dreg:$0x3]  }
0x5f4: {  	s0 =	sadd.s32 @!p0 $0x100000, s0  }
0x5f5: {  	[sflag:s0] =	ssyncadd.tile.s32 @!p0 $0x1;
	_ =	shalt  }
.Lfunc_end2:
_tile_overlayer_lowered:
.L_overlay_start_2:
0x5f6: {  	(tag) =	ssettag $0x2  }
0x5f7: {  	s0 =	rddreg [dreg:$0x0];
	s2 =	stileid.u32  }
0x5f8: {  	s1 =	rddreg [dreg:$0x1];
	p0 =	sne.s32 s2, $0x0  }
0x5f9: {  	s3 =	rddreg [dreg:$0x2];
	[bflag:$0x3] =	sbarrier.arrive $0xFFFF;
	s2 =	simm.s32 @!p0 $0x1C06  }
0x5fa: {  	[timem:s3], [sflag:s2] =	dma.local @!p0 [hbm:s0], s1  }
0x5fb: {  	s0 =	simm.s32 @!p0 $0x6  }
0x5fc: {  	_ =	swait.ge @!p0 [sflag:s0], s1  }
0x5fd: {  	s1 =	ssub.s32 @!p0 $0x0, s1;
	[sflag:s0] =	ssyncset.done @!p0 $0x0  }
0x5fe: {  	[sflag:s0] =	ssyncadd.s32 @!p0 s1  }
0x5ff: {  	[bflag:$0x3] =	sbarrier.arrive $0xFFFF  }
0x600: {  	_ =	shalt  }

// kernel: kernel.7.cloned.1.call-start
scs
__scs_entry_jumppad:
0x0: {  	(pc) =	sbr.rel $0x88, $3  }
0x1: {  	(tag) =	ssettag $0x0;
	lr =	simm.s32 $0x1  }
0x2: {  	[smem:$0x3F9B] =	sst lr;
	_ =	strace $0xD0000000  }
0x3: {  	_ = 	snop  }
0x4: {  	_ = 	snop  }
0x5: {  	_ = 	snop  }
0x6: {  	_ = 	snop  }
0x7: {  	_ = 	snop  }
__scs_overlays_trampoline_lowered:
0x8: {  	[smem:$0x3FAA] =	sst s0  }
0x9: {  	[smem:$0x3FAB] =	sst s1  }
0xa: {  	[smem:$0x3FAC] =	sst s2  }
0xb: {  	[smem:$0x3FAD] =	sst s3  }
0xc: {  	[smem:$0x3FAE] =	sst s4  }
0xd: {  	[smem:$0x3FAF] =	sst s5  }
0xe: {  	[smem:$0x3FB0] =	sst s6  }
0xf: {  	[smem:$0x3FB1] =	sst s7  }
0x10: {  	[smem:$0x3FB2] =	sst s8  }
0x11: {  	[smem:$0x3FB3] =	sst s9;
	s0 =	simm.s32 @!p0 $0x0  }
0x12: {  	s1 =	sld [smem:$0x3F99];
	s0 =	simm.s32 @p0 $0x1  }
0x13: {  	[smem:$0x3FB4] =	sst s0;
	s0 =	simm.s32 @!p1 $0x0  }
0x14: {  	s2 =	sld [smem:$0x3F98];
	s0 =	simm.s32 @p1 $0x1  }
0x15: {  	[smem:$0x3FB5] =	sst s0;
	s0 =	simm.s32 @!p2 $0x0  }
0x16: {  	s3 =	sld [smem:$0x3FDB];
	s0 =	simm.s32 @p2 $0x1  }
0x17: {  	s4 =	simm.s32 $0x1BF5;
	[smem:$0x3FB7] =	sst s0  }
0x18: {  	s0 =	sld [smem:$0x3F9A];
	_ =	swait.ge [sflag:s4], $0x0  }
0x19: {  	s7 =	sld [smem:$0x3F9B]  }
0x1a: {  	s8 =	sadd.s32 $0xFFFFE003, lr  }
0x1b: {  	s9 =	sadd.s32 $0xFFFFFEF7, lr;
	s5 =	simm.s32 $0xFFFFFFFF;
	p2 =	slt.u32 s8, $0xFFFFF086  }
0x1c: {  	p1 =	slt.u32 s9, $0xF7A;
	s5 =	simm.s32 @!p2 $0x0  }
0x1d: {  	s5 =	simm.s32 @p1 $0x1;
	p0 =	seq.s32 s7, s2  }
0x1e: {  	s7 =	smul.u32 @!p0 $0xF7A, s2;
	p2 =	seq.s32 @!p0 s5, $0x0  }
0x1f: {  	s9 =	smul.u32 $0xF7A, s1;
	s8 =	simm.s32 @!p0 $0x1BF5;
	p2 =	por !p2, p0  }
0x20: {  	[sflag:s8] =	ssyncset.s32 @!p0 $0xFFFFF086;
	s6 =	sadd.s32 @!p0 s3, s7;
	s7 =	simm.s32 @!p0 $0x108  }
0x21: {  	s3 =	sadd.s32 s3, s9;
	s6 =	sadd.s32 @!p0 $0x88, s6;
	s7 =	simm.s32 @p2 $0x1082  }
0x22: {  	[simem:s7], [sflag:s8] =	dma.local @!p0 [hbm:s6], $0xF7A  }
0x23: {  	s9 =	sor.u32 $0xD0000000, s2;
	s6 =	simm.s32 $0x108;
	_ =	swait.ge @!p0 [sflag:s8], $0x0  }
0x24: {  	s3 =	sadd.s32 $0x88, s3;
	s6 =	simm.s32 @!p1 $0x1082;
	[sflag:s4] =	ssyncset.s32 $0xFFFFF086  }
0x25: {  	[simem:s6], [sflag:s4] =	dma.local [hbm:s3], $0xF7A  }
0x26: {  	[smem:$0x3F9B] =	sst s1;
	(tag) =	ssettag s2;
	_ =	strace s9  }
0x27: {  	s1 =	sld [smem:$0x3FAB]  }
0x28: {  	s2 =	sld [smem:$0x3FAC]  }
0x29: {  	s4 =	sld [smem:$0x3FAE]  }
0x2a: {  	p0 =	seq.s32 s5, $0x0;
	s5 =	sld [smem:$0x3FAF]  }
0x2b: {  	s6 =	sld [smem:$0x3FB0]  }
0x2c: {  	s7 =	sld [smem:$0x3FB1]  }
0x2d: {  	s3 =	simm.s32 $0x108;
	s8 =	sld [smem:$0x3FB2]  }
0x2e: {  	s3 =	simm.s32 @!p0 $0x1082;
	s9 =	sld [smem:$0x3FB3]  }
0x2f: {  	lr =	sadd.s32 s0, s3;
	s0 =	sld [smem:$0x3FAA]  }
0x30: {  	s3 =	sld [smem:$0x3FAD]  }
0x31: {  	[smem:$0x3FB6] =	sst s10  }
0x32: {  	s10 =	sld [smem:$0x3FB4];
	_ =	sdelay $0x3  }
0x33: {  	p0 =	seq.s32 s10, $0x1;
	s10 =	sld [smem:$0x3FB6];
	_ =	sdelay $0x3  }
0x34: {  	[smem:$0x3FB6] =	sst s10  }
0x35: {  	s10 =	sld [smem:$0x3FB5];
	_ =	sdelay $0x3  }
0x36: {  	p1 =	seq.s32 s10, $0x1;
	s10 =	sld [smem:$0x3FB6];
	_ =	sdelay $0x3  }
0x37: {  	[smem:$0x3FB6] =	sst s10  }
0x38: {  	s10 =	sld [smem:$0x3FB7]  }
0x39: {  	_ = 	snop;
	(pc) =	sbr.ind lr, $3  }
0x3a: {  	_ = 	snop  }
0x3b: {  	_ = 	snop  }
0x3c: {  	p2 =	seq.s32 s10, $0x1;
	s10 =	sld [smem:$0x3FB6]  }
0x3d: {  	_ =	shalt  }
0x3e: {  	_ =	shalt  }
0x3f: {  	_ =	shalt  }
0x40: {  	_ =	shalt  }
0x41: {  	_ =	shalt  }
0x42: {  	_ =	shalt  }
0x43: {  	_ =	shalt  }
0x44: {  	_ =	shalt  }
0x45: {  	_ =	shalt  }
0x46: {  	_ =	shalt  }
0x47: {  	_ =	shalt  }
0x48: {  	_ =	shalt  }
0x49: {  	_ =	shalt  }
0x4a: {  	_ =	shalt  }
0x4b: {  	_ =	shalt  }
0x4c: {  	_ =	shalt  }
0x4d: {  	_ =	shalt  }
0x4e: {  	_ =	shalt  }
0x4f: {  	_ =	shalt  }
0x50: {  	_ =	shalt  }
0x51: {  	_ =	shalt  }
0x52: {  	_ =	shalt  }
0x53: {  	_ =	shalt  }
0x54: {  	_ =	shalt  }
0x55: {  	_ =	shalt  }
0x56: {  	_ =	shalt  }
0x57: {  	_ =	shalt  }
0x58: {  	_ =	shalt  }
0x59: {  	_ =	shalt  }
0x5a: {  	_ =	shalt  }
0x5b: {  	_ =	shalt  }
0x5c: {  	_ =	shalt  }
0x5d: {  	_ =	shalt  }
0x5e: {  	_ =	shalt  }
0x5f: {  	_ =	shalt  }
0x60: {  	_ =	shalt  }
0x61: {  	_ =	shalt  }
0x62: {  	_ =	shalt  }
0x63: {  	_ =	shalt  }
0x64: {  	_ =	shalt  }
0x65: {  	_ =	shalt  }
0x66: {  	_ =	shalt  }
0x67: {  	_ =	shalt  }
0x68: {  	_ =	shalt  }
0x69: {  	_ =	shalt  }
0x6a: {  	_ =	shalt  }
0x6b: {  	_ =	shalt  }
0x6c: {  	_ =	shalt  }
0x6d: {  	_ =	shalt  }
0x6e: {  	_ =	shalt  }
0x6f: {  	_ =	shalt  }
0x70: {  	_ =	shalt  }
0x71: {  	_ =	shalt  }
0x72: {  	_ =	shalt  }
0x73: {  	_ =	shalt  }
0x74: {  	_ =	shalt  }
0x75: {  	_ =	shalt  }
0x76: {  	_ =	shalt  }
0x77: {  	_ =	shalt  }
0x78: {  	_ =	shalt  }
0x79: {  	_ =	shalt  }
0x7a: {  	_ =	shalt  }
0x7b: {  	_ =	shalt  }
0x7c: {  	_ =	shalt  }
0x7d: {  	_ =	shalt  }
0x7e: {  	_ =	shalt  }
0x7f: {  	_ =	shalt  }
0x80: {  	_ =	shalt  }
0x81: {  	_ =	shalt  }
0x82: {  	_ =	shalt  }
0x83: {  	_ =	shalt  }
0x84: {  	_ =	shalt  }
0x85: {  	_ =	shalt  }
0x86: {  	_ =	shalt  }
0x87: {  	_ =	shalt  }
.Lfunc_end0:
.L_simem_size_0:
called_computation_lowered:
.L_overlay_start_0:
0x88: {  	s2 =	sld [smem:$0x3FD9]  }
0x89: {  	s3 =	sld [smem:$0x3FFE];
	_ =	sdelay $0x1  }
0x8a: {  	s1 =	srdreg.scid  }
0x8b: {  	s0 =	sand.u32 $0x1, s1  }
0x8c: {  	s17 =	sshll.u32 s0, $0xA;
	s2 =	sadd.s32 s3, s2  }
0x8d: {  	s2 =	sadd.s32 s2, s17  }
0x8e: {  	[smem:$0x3FC2] =	sst s2  }
0x8f: {  	_ = 	snop  }
0x90: {  	s2 =	sld [smem:$0x3FD0];
	(tm) =	ssettm $0x1  }
0x91: {  	s18 =	sld [smem:$0x3FFB];
	_ =	sdelay $0x3  }
0x92: {  	_ =	strace s18  }
0x93: {  	s3 =	sld [smem:$0x3FFC];
	_ =	sdelay $0x3  }
0x94: {  	_ =	strace s3  }
0x95: {  	s3 =	sld [smem:$0x3FFD];
	_ =	sdelay $0x3  }
0x96: {  	_ =	strace s3  }
0x97: {  	_ =	strace $0x8FFFFFFF  }
0x98: {  	s19 =	sld [smem:$0x3FDB];
	_ =	sdelay $0x1  }
0x99: {  	s4 =	simm.s32 $_scs_section_size  }
0x9a: {  	s5 =	simm.s32 $_size__tile_overlayer_lowered;
	s6 =	simm.s32 $_tile_overlayer_lowered  }
0x9b: {  	s22 =	simm.s32 $0x1BFF;
	s21 =	sshll.u32 s6, $0x1;
	s3 =	sadd.s32 s4, s19  }
0x9c: {  	s7 =	simm.s32 $0x0;
	s20 =	sshll.u32 s5, $0x1;
	s5 =	sadd.s32 s21, s3  }
0x9d: {  	[timem:s7], [sflag:s22] =	dma.local [hbm:s5], s20  }
0x9e: {  	_ =	swait.ge [sflag:s22], s20  }
0x9f: {  	s4 =	ssub.s32 $0x0, s20;
	[sflag:s22] =	ssyncset.done $0x0  }
0xa0: {  	[sflag:s22] =	ssyncadd.s32 s4;
	_ =	sdelay $0x1  }
0xa1: {  	s23 =	simm.s32 $0x1B8B  }
0xa2: {  	_ =	swait.ge [sflag:s23], $0x1  }
0xa3: {  	[sflag:s23] =	ssyncset.done $0x0  }
0xa4: {  	s25 =	simm.s32 $0x1B8E;
	s24 =	sld [smem:$0x3FFE];
	[sflag:s23] =	ssyncadd.s32 $0xFFFFFFFF  }
0xa5: {  	s26 =	simm.s32 $execute0_lowered;
	[smem:$0x3FD2] =	sst s25  }
0xa6: {  	s5 =	sshll.u32 s26, $0x1;
	_ =	strace $0x80000046;
	[dreg:$0x1] =	wrdreg $0xFFFFFFFF  }
0xa7: {  	s28 =	simm.s32 $_size_execute0_lowered;
	s3 =	sadd.s32 s3, s5;
	[dreg:$0x0] =	wrdreg $0x0  }
0xa8: {  	s5 =	sshll.u32 s28, $0x1;
	[dreg:$0x2] =	wrdreg s3  }
0xa9: {  	[dreg:$0x3] =	wrdreg s5  }
0xaa: {  	[dreg:$0x4] =	wrdreg $0xC0  }
0xab: {  	_ =	task [dreg:s7], $0x5FFFF  }
0xac: {  	[dreg:$0x1] =	wrdreg $0xFFFFFFFF  }
0xad: {  	[dreg:$0x0] =	wrdreg $0x60  }
0xae: {  	[dreg:$0x2] =	wrdreg s24  }
0xaf: {  	[dreg:$0x3] =	wrdreg s2  }
0xb0: {  	[dreg:$0x4] =	wrdreg $0xA0000  }
0xb1: {  	[dreg:$0x5] =	wrdreg $0x9  }
0xb2: {  	_ =	task.clear_ibuf [dreg:s7], $0x6FFFF;
	_ =	strace $0x90000046  }
0xb3: {  	s29 =	simm.s32 $0x9;
	_ =	strace $0x80000048  }
0xb4: {  	_ =	swait.ge [sflag:s29], $0x1  }
0xb5: {  	[sflag:s29] =	ssyncadd.s32 $0xFFFFFFFF  }
0xb6: {  	_ =	strace $0x90000048  }
0xb7: {  	_ =	sfence  }
0xb8: {  	s30 =	sld [smem:$0x0];
	_ =	sdelay $0x2  }
0xb9: {  	s31 =	sshll.u32 s1, $0xD;
	s1 =	sshrl.u32 s1, $0x2  }
0xba: {  	s3 =	sand.u32 $0x4000, s31;
	s1 =	sadd.s32 s1, s30  }
0xbb: {  	s0 =	sor.u32 s3, s0;
	s1 =	sshll.u32 s1, $0x11  }
0xbc: {  	s0 =	sor.u32 s1, s0  }
0xbd: {  	s0 =	sadd.s32 $0x8F2B, s0  }
0xbe: {  	[sflag:s0] =	ssyncadd.remote.s32 $0x1  }
0xbf: {  	_ =	sfence.sel $0xFFFF  }
0xc0: {  	[dreg:$0x0] =	wrdreg $0xFFFFFFFF;
	(pc) =	sbr.abs _section_cstart, $3  }
0xc1: {  	[dreg:$0x1] =	wrdreg $0xFFFFFFFF  }
0xc2: {  	_ =	task.clear_ibuf [dreg:s7], $0x2FFFF;
	_ =	strace $0x9FFFFFFF  }
0xc3: {  	(tm) =	ssettm $0x7FFFFFFF  }
tec
execute0_lowered:
.L_overlay_start_1:
0x0: {  	(tag) =	ssettag $0x1  }
0x1: {  	s0 =	rddreg [dreg:$0x0]  }
0x2: {  	s1 =	srdreg.scid;
	s5 =	rddreg [dreg:$0x1]  }
0x3: {  	s11 =	stileid.u32;
	s2 =	rddreg [dreg:$0x2]  }
0x4: {  	s3 =	simm.s32 $0x0;
	s12 =	sand.u32 $0x1, s1;
	s18 =	smul.u32 $0x13C00, s11  }
0x5: {  	[smem:$0x7FF] =	sst s3;
	s8 =	sadd.s32 $0xBE00, s0;
	s4 =	sshll.u32 s12, $0x4  }
0x6: {  	s9 =	sadd.s32 $0x1E00, s0;
	s4 =	sor.u32 s11, s4;
	s6 =	sshrl.u32 s18, $0x3  }
0x7: {  	[dreg:$0x12] =	wrdreg s12;
	s7 =	smul.u32 $0x500, s4;
	s6 =	sadd.s32 s6, s0  }
0x8: {  	s31 =	smul.u32 $0x13C000, s12;
	_ =	strace $0x80000047;
	s6 =	sadd.s32 $0x3D000, s6  }
0x9: {  	s4 =	smul.u32 $0x2800, s4;
	[dreg:$0x4] =	wrdreg s6;
	s19 =	sadd.s32 s8, s7  }
0xa: {  	s1 =	sadd.s32 s18, s31;
	s20 =	sadd.s32 s9, s7;
	[dreg:$0x5] =	wrdreg s19  }
0xb: {  	s1 =	sshrl.u32 s1, $0x3;
	s4 =	sshrl.u32 s4, $0x3;
	[dreg:$0x6] =	wrdreg s20  }
0xc: {  	s1 =	sadd.s32 s5, s1;
	s21 =	sadd.s32 $0x100, s4;
	s15 =	rddreg [dreg:$0x4]  }
0xd: {  	s10 =	smul.u32 $0x4F000, s11;
	[dreg:$0xf] =	wrdreg s1;
	s22 =	sadd.s32 s8, s21  }
0xe: {  	s24 =	sadd.s32 $0x200, s4;
	s23 =	sadd.s32 s9, s21;
	[dreg:$0x7] =	wrdreg s22  }
0xf: {  	s13 =	sshll.u32 s11, $0x6;
	s25 =	sadd.s32 s8, s24;
	[dreg:$0x8] =	wrdreg s23  }
0x10: {  	s28 =	sadd.s32 $0x300, s4;
	s26 =	sadd.s32 s9, s24;
	[dreg:$0x9] =	wrdreg s25  }
0x11: {  	s10 =	sshrl.u32 s10, $0x2;
	s29 =	sadd.s32 s8, s28;
	[dreg:$0xa] =	wrdreg s26  }
0x12: {  	s4 =	sadd.s32 $0x400, s4;
	s30 =	sadd.s32 s9, s28;
	[dreg:$0xb] =	wrdreg s29  }
0x13: {  	s10 =	sadd.s32 s10, s2;
	s12 =	sadd.s32 s8, s4;
	[dreg:$0xc] =	wrdreg s30  }
0x14: {  	s6 =	sshrl.u32 s10, $0x3;
	s14 =	sadd.s32 s9, s4;
	[dreg:$0xd] =	wrdreg s12  }
0x15: {  	s5 =	simm.s32 $0x6;
	s30 =	sor.u32 $0x1C06, s13;
	[dreg:$0xe] =	wrdreg s14  }
0x16: {  	[spmem:s6], [sflag:s30] =	dma.local [hbm:s15], $0x2780  }
0x17: {  	_ =	swait.ge [sflag:s5], $0x2780  }
0x18: {  	[sflag:s5] =	ssyncset.done $0x0  }
0x19: {  	s16 =	rddreg [dreg:$0x5];
	[sflag:s5] =	ssyncadd.s32 $0xFFFFD880  }
0x1a: {  	[tilespmem:s3], [sflag:$0x6] =	stream.linear.gather [hbm4b:s16+s3], $0x800, $0x38;
	[tilespmem:$0x1DC00] =	vst v63  }
0x1b: {  	_ =	swait.ge [sflag:s5], $0x800  }
0x1c: {  	[sflag:s5] =	ssyncset.done $0x0  }
0x1d: {  	s9 =	simm.s32 $0x800;
	s17 =	rddreg [dreg:$0x6];
	[sflag:s5] =	ssyncadd.s32 $0xFFFFF800  }
0x1e: {  	[tilespmem:s9], [sflag:$0x6] =	stream.linear.gather [hbm4b:s17+s3], $0x800, $0x38;
	[tilespmem:$0x1DC00] =	vst v63  }
0x1f: {  	_ =	swait.ge [sflag:s5], $0x800  }
0x20: {  	[sflag:s5] =	ssyncset.done $0x0  }
0x21: {  	[sflag:s5] =	ssyncadd.s32 $0xFFFFF800  }
0x22: {  	[bflag:$0x0] =	sbarrier.arrive $0xFFFF  }
0x23: {  	s21 =	simm.s32 $0x1000;
	s18 =	rddreg [dreg:$0x7]  }
0x24: {  	[tilespmem:s21], [sflag:$0x5] =	stream.linear.gather [hbm4b:s18+s3], $0x800, $0x38;
	[tilespmem:$0x1DC00] =	vst v63  }
0x25: {  	s23 =	simm.s32 $0x1800;
	s19 =	rddreg [dreg:$0x8]  }
0x26: {  	[tilespmem:s23], [sflag:$0x5] =	stream.linear.gather [hbm4b:s19+s3], $0x800, $0x38;
	[tilespmem:$0x1DC00] =	vst v63  }
0x27: {  	s11 =	simm.s32 $0x80;
	s10 =	sadd.s32 $0x15E00, s0;
	s12 =	simm.s32 $0x2000  }
0x28: {  	[tilespmem:s12], [sflag:$0x1] =	stream.indirect.gather [hbm4b:s10+s11], $0x80, s3, s11, $0xb8;
	[tilespmem:$0x1DC00] =	vst v63  }
0x29: {  	s13 =	simm.s32 $0x6000;
	s14 =	simm.s32 $0x1  }
0x2a: {  	[tilespmem:s13], [sflag:$0x2] =	stream.indirect.gather [hbm4b:s10+s11], $0x80, s11, s11, $0xb8;
	[tilespmem:$0x1DC00] =	vst v63  }
0x2b: {  	_ =	swait.ge [sflag:s14], $0x4000  }
0x2c: {  	[sflag:s14] =	ssyncset.done $0x0  }
0x2d: {  	s15 =	simm.s32 $0x2;
	[sflag:s14] =	ssyncadd.s32 $0xFFFFC000  }
0x2e: {  	[spmem:s2] =	stream.indirect.scatter.add.f32 [tilespmem:s12], [sflag:$0x3], $0x80, s9, s11, $0xb8;
	[tilespmem:$0x1DC00] =	vst v63  }
0x2f: {  	_ =	swait.ge [sflag:s15], $0x4000  }
0x30: {  	[sflag:s15] =	ssyncset.done $0x0  }
0x31: {  	s20 =	simm.s32 $0x880;
	s17 =	simm.s32 $0x3;
	[sflag:s15] =	ssyncadd.s32 $0xFFFFC000  }
0x32: {  	[spmem:s2] =	stream.indirect.scatter.add.f32 [tilespmem:s13], [sflag:$0x4], $0x80, s20, s11, $0xb8;
	[tilespmem:$0x1DC00] =	vst v63  }
0x33: {  	_ =	swait.ge [sflag:s17], $0x4000  }
0x34: {  	[sflag:s17] =	ssyncset.done $0x0  }
0x35: {  	s18 =	simm.s32 $0x4;
	[sflag:s17] =	ssyncadd.s32 $0xFFFFC000  }
0x36: {  	_ =	swait.ge [sflag:s18], $0x4000  }
0x37: {  	[sflag:s18] =	ssyncset.done $0x0  }
0x38: {  	s22 =	simm.s32 $0x100;
	[sflag:s18] =	ssyncadd.s32 $0xFFFFC000  }
0x39: {  	[tilespmem:s12], [sflag:$0x1] =	stream.indirect.gather [hbm4b:s10+s11], $0x80, s22, s11, $0xb8;
	[tilespmem:$0x1DC00] =	vst v63  }
0x3a: {  	s24 =	simm.s32 $0x180  }
0x3b: {  	[tilespmem:s13], [sflag:$0x2] =	stream.indirect.gather [hbm4b:s10+s11], $0x80, s24, s11, $0xb8;
	[tilespmem:$0x1DC00] =	vst v63  }
0x3c: {  	_ =	swait.ge [sflag:s14], $0x4000  }
0x3d: {  	[sflag:s14] =	ssyncset.done $0x0  }
0x3e: {  	s25 =	simm.s32 $0x900;
	[sflag:s14] =	ssyncadd.s32 $0xFFFFC000  }
0x3f: {  	[spmem:s2] =	stream.indirect.scatter.add.f32 [tilespmem:s12], [sflag:$0x3], $0x80, s25, s11, $0xb8;
	[tilespmem:$0x1DC00] =	vst v63  }
0x40: {  	_ =	swait.ge [sflag:s15], $0x4000  }
0x41: {  	[sflag:s15] =	ssyncset.done $0x0  }
0x42: {  	s26 =	simm.s32 $0x980;
	[sflag:s15] =	ssyncadd.s32 $0xFFFFC000  }
0x43: {  	[spmem:s2] =	stream.indirect.scatter.add.f32 [tilespmem:s13], [sflag:$0x4], $0x80, s26, s11, $0xb8;
	[tilespmem:$0x1DC00] =	vst v63  }
0x44: {  	_ =	swait.ge [sflag:s17], $0x4000  }
0x45: {  	[sflag:s17] =	ssyncset.done $0x0  }
0x46: {  	[sflag:s17] =	ssyncadd.s32 $0xFFFFC000  }
0x47: {  	_ =	swait.ge [sflag:s18], $0x4000  }
0x48: {  	[sflag:s18] =	ssyncset.done $0x0  }
0x49: {  	s28 =	simm.s32 $0x200;
	[sflag:s18] =	ssyncadd.s32 $0xFFFFC000  }
0x4a: {  	[tilespmem:s12], [sflag:$0x1] =	stream.indirect.gather [hbm4b:s10+s11], $0x80, s28, s11, $0xb8;
	[tilespmem:$0x1DC00] =	vst v63  }
0x4b: {  	s29 =	simm.s32 $0x280  }
0x4c: {  	[tilespmem:s13], [sflag:$0x2] =	stream.indirect.gather [hbm4b:s10+s11], $0x80, s29, s11, $0xb8;
	[tilespmem:$0x1DC00] =	vst v63  }
0x4d: {  	_ =	swait.ge [sflag:s14], $0x4000  }
0x4e: {  	[sflag:s14] =	ssyncset.done $0x0  }
0x4f: {  	s31 =	simm.s32 $0xA00;
	[sflag:s14] =	ssyncadd.s32 $0xFFFFC000  }
0x50: {  	[spmem:s2] =	stream.indirect.scatter.add.f32 [tilespmem:s12], [sflag:$0x3], $0x80, s31, s11, $0xb8;
	[tilespmem:$0x1DC00] =	vst v63  }
0x51: {  	_ =	swait.ge [sflag:s15], $0x4000  }
0x52: {  	[sflag:s15] =	ssyncset.done $0x0  }
0x53: {  	s1 =	simm.s32 $0xA80;
	[sflag:s15] =	ssyncadd.s32 $0xFFFFC000  }
0x54: {  	[spmem:s2] =	stream.indirect.scatter.add.f32 [tilespmem:s13], [sflag:$0x4], $0x80, s1, s11, $0xb8;
	[tilespmem:$0x1DC00] =	vst v63  }
0x55: {  	_ =	swait.ge [sflag:s17], $0x4000  }
0x56: {  	[sflag:s17] =	ssyncset.done $0x0  }
0x57: {  	[sflag:s17] =	ssyncadd.s32 $0xFFFFC000  }
0x58: {  	_ =	swait.ge [sflag:s18], $0x4000  }
0x59: {  	[sflag:s18] =	ssyncset.done $0x0  }
0x5a: {  	s4 =	simm.s32 $0x300;
	[sflag:s18] =	ssyncadd.s32 $0xFFFFC000  }
0x5b: {  	[tilespmem:s12], [sflag:$0x1] =	stream.indirect.gather [hbm4b:s10+s11], $0x80, s4, s11, $0xb8;
	[tilespmem:$0x1DC00] =	vst v63  }
0x5c: {  	s7 =	simm.s32 $0x380  }
0x5d: {  	[tilespmem:s13], [sflag:$0x2] =	stream.indirect.gather [hbm4b:s10+s11], $0x80, s7, s11, $0xb8;
	[tilespmem:$0x1DC00] =	vst v63  }
0x5e: {  	_ =	swait.ge [sflag:s14], $0x4000  }
0x5f: {  	[sflag:s14] =	ssyncset.done $0x0  }
0x60: {  	s8 =	simm.s32 $0xB00;
	[sflag:s14] =	ssyncadd.s32 $0xFFFFC000  }
0x61: {  	[spmem:s2] =	stream.indirect.scatter.add.f32 [tilespmem:s12], [sflag:$0x3], $0x80, s8, s11, $0xb8;
	[tilespmem:$0x1DC00] =	vst v63  }
0x62: {  	_ =	swait.ge [sflag:s15], $0x4000  }
0x63: {  	[sflag:s15] =	ssyncset.done $0x0  }
0x64: {  	s16 =	simm.s32 $0xB80;
	[sflag:s15] =	ssyncadd.s32 $0xFFFFC000  }
0x65: {  	[spmem:s2] =	stream.indirect.scatter.add.f32 [tilespmem:s13], [sflag:$0x4], $0x80, s16, s11, $0xb8;
	[tilespmem:$0x1DC00] =	vst v63  }
0x66: {  	_ =	swait.ge [sflag:s17], $0x4000  }
0x67: {  	[sflag:s17] =	ssyncset.done $0x0  }
0x68: {  	[sflag:s17] =	ssyncadd.s32 $0xFFFFC000  }
0x69: {  	_ =	swait.ge [sflag:s18], $0x4000  }
0x6a: {  	[sflag:s18] =	ssyncset.done $0x0  }
0x6b: {  	s19 =	simm.s32 $0x400;
	[sflag:s18] =	ssyncadd.s32 $0xFFFFC000  }
0x6c: {  	[tilespmem:s12], [sflag:$0x1] =	stream.indirect.gather [hbm4b:s10+s11], $0x80, s19, s11, $0xb8;
	[tilespmem:$0x1DC00] =	vst v63  }
0x6d: {  	s20 =	simm.s32 $0x480  }
0x6e: {  	[tilespmem:s13], [sflag:$0x2] =	stream.indirect.gather [hbm4b:s10+s11], $0x80, s20, s11, $0xb8;
	[tilespmem:$0x1DC00] =	vst v63  }
0x6f: {  	_ =	swait.ge [sflag:s14], $0x4000  }
0x70: {  	[sflag:s14] =	ssyncset.done $0x0  }
0x71: {  	s22 =	simm.s32 $0xC00;
	[sflag:s14] =	ssyncadd.s32 $0xFFFFC000  }
0x72: {  	[spmem:s2] =	stream.indirect.scatter.add.f32 [tilespmem:s12], [sflag:$0x3], $0x80, s22, s11, $0xb8;
	[tilespmem:$0x1DC00] =	vst v63  }
0x73: {  	_ =	swait.ge [sflag:s15], $0x4000  }
0x74: {  	[sflag:s15] =	ssyncset.done $0x0  }
0x75: {  	s24 =	simm.s32 $0xC80;
	[sflag:s15] =	ssyncadd.s32 $0xFFFFC000  }
0x76: {  	[spmem:s2] =	stream.indirect.scatter.add.f32 [tilespmem:s13], [sflag:$0x4], $0x80, s24, s11, $0xb8;
	[tilespmem:$0x1DC00] =	vst v63  }
0x77: {  	_ =	swait.ge [sflag:s17], $0x4000  }
0x78: {  	[sflag:s17] =	ssyncset.done $0x0  }
0x79: {  	[sflag:s17] =	ssyncadd.s32 $0xFFFFC000  }
0x7a: {  	_ =	swait.ge [sflag:s18], $0x4000  }
0x7b: {  	[sflag:s18] =	ssyncset.done $0x0  }
0x7c: {  	s25 =	simm.s32 $0x500;
	[sflag:s18] =	ssyncadd.s32 $0xFFFFC000  }
0x7d: {  	[tilespmem:s12], [sflag:$0x1] =	stream.indirect.gather [hbm4b:s10+s11], $0x80, s25, s11, $0xb8;
	[tilespmem:$0x1DC00] =	vst v63  }
0x7e: {  	s26 =	simm.s32 $0x580  }
0x7f: {  	[tilespmem:s13], [sflag:$0x2] =	stream.indirect.gather [hbm4b:s10+s11], $0x80, s26, s11, $0xb8;
	[tilespmem:$0x1DC00] =	vst v63  }
0x80: {  	_ =	swait.ge [sflag:s14], $0x4000  }
0x81: {  	[sflag:s14] =	ssyncset.done $0x0  }
0x82: {  	s28 =	simm.s32 $0xD00;
	[sflag:s14] =	ssyncadd.s32 $0xFFFFC000  }
0x83: {  	[spmem:s2] =	stream.indirect.scatter.add.f32 [tilespmem:s12], [sflag:$0x3], $0x80, s28, s11, $0xb8;
	[tilespmem:$0x1DC00] =	vst v63  }
0x84: {  	_ =	swait.ge [sflag:s15], $0x4000  }
0x85: {  	[sflag:s15] =	ssyncset.done $0x0  }
0x86: {  	s29 =	simm.s32 $0xD80;
	[sflag:s15] =	ssyncadd.s32 $0xFFFFC000  }
0x87: {  	[spmem:s2] =	stream.indirect.scatter.add.f32 [tilespmem:s13], [sflag:$0x4], $0x80, s29, s11, $0xb8;
	[tilespmem:$0x1DC00] =	vst v63  }
0x88: {  	_ =	swait.ge [sflag:s17], $0x4000  }
0x89: {  	[sflag:s17] =	ssyncset.done $0x0  }
0x8a: {  	[sflag:s17] =	ssyncadd.s32 $0xFFFFC000  }
0x8b: {  	_ =	swait.ge [sflag:s18], $0x4000  }
0x8c: {  	[sflag:s18] =	ssyncset.done $0x0  }
0x8d: {  	s31 =	simm.s32 $0x600;
	[sflag:s18] =	ssyncadd.s32 $0xFFFFC000  }
0x8e: {  	[tilespmem:s12], [sflag:$0x1] =	stream.indirect.gather [hbm4b:s10+s11], $0x80, s31, s11, $0xb8;
	[tilespmem:$0x1DC00] =	vst v63  }
0x8f: {  	s1 =	simm.s32 $0x680  }
0x90: {  	[tilespmem:s13], [sflag:$0x2] =	stream.indirect.gather [hbm4b:s10+s11], $0x80, s1, s11, $0xb8;
	[tilespmem:$0x1DC00] =	vst v63  }
0x91: {  	_ =	swait.ge [sflag:s14], $0x4000  }
0x92: {  	[sflag:s14] =	ssyncset.done $0x0  }
0x93: {  	s4 =	simm.s32 $0xE00;
	[sflag:s14] =	ssyncadd.s32 $0xFFFFC000  }
0x94: {  	[spmem:s2] =	stream.indirect.scatter.add.f32 [tilespmem:s12], [sflag:$0x3], $0x80, s4, s11, $0xb8;
	[tilespmem:$0x1DC00] =	vst v63  }
0x95: {  	_ =	swait.ge [sflag:s15], $0x4000  }
0x96: {  	[sflag:s15] =	ssyncset.done $0x0  }
0x97: {  	s7 =	simm.s32 $0xE80;
	[sflag:s15] =	ssyncadd.s32 $0xFFFFC000  }
0x98: {  	[spmem:s2] =	stream.indirect.scatter.add.f32 [tilespmem:s13], [sflag:$0x4], $0x80, s7, s11, $0xb8;
	[tilespmem:$0x1DC00] =	vst v63  }
0x99: {  	_ =	swait.ge [sflag:s17], $0x4000  }
0x9a: {  	[sflag:s17] =	ssyncset.done $0x0  }
0x9b: {  	[sflag:s17] =	ssyncadd.s32 $0xFFFFC000  }
0x9c: {  	_ =	swait.ge [sflag:s18], $0x4000  }
0x9d: {  	[sflag:s18] =	ssyncset.done $0x0  }
0x9e: {  	s8 =	simm.s32 $0x700;
	[sflag:s18] =	ssyncadd.s32 $0xFFFFC000  }
0x9f: {  	[tilespmem:s12], [sflag:$0x1] =	stream.indirect.gather [hbm4b:s10+s11], $0x80, s8, s11, $0xb8;
	[tilespmem:$0x1DC00] =	vst v63  }
0xa0: {  	s16 =	simm.s32 $0x780  }
0xa1: {  	[tilespmem:s13], [sflag:$0x2] =	stream.indirect.gather [hbm4b:s10+s11], $0x80, s16, s11, $0xb8;
	[tilespmem:$0x1DC00] =	vst v63  }
0xa2: {  	_ =	swait.ge [sflag:s14], $0x4000  }
0xa3: {  	[sflag:s14] =	ssyncset.done $0x0  }
0xa4: {  	s19 =	simm.s32 $0xF00;
	[sflag:s14] =	ssyncadd.s32 $0xFFFFC000  }
0xa5: {  	[spmem:s2] =	stream.indirect.scatter.add.f32 [tilespmem:s12], [sflag:$0x3], $0x80, s19, s11, $0xb8;
	[tilespmem:$0x1DC00] =	vst v63  }
0xa6: {  	_ =	swait.ge [sflag:s15], $0x4000  }
0xa7: {  	[sflag:s15] =	ssyncset.done $0x0  }
0xa8: {  	s0 =	simm.s32 $0x5;
	s20 =	simm.s32 $0xF80;
	[sflag:s15] =	ssyncadd.s32 $0xFFFFC000  }
0xa9: {  	[spmem:s2] =	stream.indirect.scatter.add.f32 [tilespmem:s13], [sflag:$0x4], $0x80, s20, s11, $0xb8;
	[tilespmem:$0x1DC00] =	vst v63  }
0xaa: {  	_ =	swait.ge [sflag:s0], $0x800  }
0xab: {  	[sflag:s0] =	ssyncset.done $0x0  }
0xac: {  	[sflag:s0] =	ssyncadd.s32 $0xFFFFF800  }
0xad: {  	_ =	swait.ge [sflag:s0], $0x800  }
0xae: {  	[sflag:s0] =	ssyncset.done $0x0  }
0xaf: {  	[sflag:s0] =	ssyncadd.s32 $0xFFFFF800  }
0xb0: {  	_ =	swait.ge [sflag:s17], $0x4000  }
0xb1: {  	[sflag:s17] =	ssyncset.done $0x0  }
0xb2: {  	[sflag:s17] =	ssyncadd.s32 $0xFFFFC000  }
0xb3: {  	_ =	swait.ge [sflag:s18], $0x4000  }
0xb4: {  	[sflag:s18] =	ssyncset.done $0x0  }
0xb5: {  	s22 =	rddreg [dreg:$0x9];
	[sflag:s18] =	ssyncadd.s32 $0xFFFFC000  }
0xb6: {  	[tilespmem:s3], [sflag:$0x5] =	stream.linear.gather [hbm4b:s22+s3], $0x800, $0x38;
	[tilespmem:$0x1DC00] =	vst v63  }
0xb7: {  	s16 =	rddreg [dreg:$0xa]  }
0xb8: {  	[tilespmem:s9], [sflag:$0x5] =	stream.linear.gather [hbm4b:s16+s3], $0x800, $0x38;
	[tilespmem:$0x1DC00] =	vst v63  }
0xb9: {  	_ = 	snop  }
0xba: {  	[tilespmem:s12], [sflag:$0x1] =	stream.indirect.gather [hbm4b:s10+s11], $0x80, s21, s11, $0xb8;
	[tilespmem:$0x1DC00] =	vst v63  }
0xbb: {  	s24 =	simm.s32 $0x1080  }
0xbc: {  	[tilespmem:s13], [sflag:$0x2] =	stream.indirect.gather [hbm4b:s10+s11], $0x80, s24, s11, $0xb8;
	[tilespmem:$0x1DC00] =	vst v63  }
0xbd: {  	_ =	swait.ge [sflag:s14], $0x4000  }
0xbe: {  	[sflag:s14] =	ssyncset.done $0x0  }
0xbf: {  	[sflag:s14] =	ssyncadd.s32 $0xFFFFC000  }
0xc0: {  	[spmem:s2] =	stream.indirect.scatter.add.f32 [tilespmem:s12], [sflag:$0x3], $0x80, s23, s11, $0xb8;
	[tilespmem:$0x1DC00] =	vst v63  }
0xc1: {  	_ =	swait.ge [sflag:s15], $0x4000  }
0xc2: {  	[sflag:s15] =	ssyncset.done $0x0  }
0xc3: {  	s25 =	simm.s32 $0x1880;
	[sflag:s15] =	ssyncadd.s32 $0xFFFFC000  }
0xc4: {  	[spmem:s2] =	stream.indirect.scatter.add.f32 [tilespmem:s13], [sflag:$0x4], $0x80, s25, s11, $0xb8;
	[tilespmem:$0x1DC00] =	vst v63  }
0xc5: {  	_ =	swait.ge [sflag:s17], $0x4000  }
0xc6: {  	[sflag:s17] =	ssyncset.done $0x0  }
0xc7: {  	[sflag:s17] =	ssyncadd.s32 $0xFFFFC000  }
0xc8: {  	_ =	swait.ge [sflag:s18], $0x4000  }
0xc9: {  	[sflag:s18] =	ssyncset.done $0x0  }
0xca: {  	s26 =	simm.s32 $0x1100;
	[sflag:s18] =	ssyncadd.s32 $0xFFFFC000  }
0xcb: {  	[tilespmem:s12], [sflag:$0x1] =	stream.indirect.gather [hbm4b:s10+s11], $0x80, s26, s11, $0xb8;
	[tilespmem:$0x1DC00] =	vst v63  }
0xcc: {  	s28 =	simm.s32 $0x1180  }
0xcd: {  	[tilespmem:s13], [sflag:$0x2] =	stream.indirect.gather [hbm4b:s10+s11], $0x80, s28, s11, $0xb8;
	[tilespmem:$0x1DC00] =	vst v63  }
0xce: {  	_ =	swait.ge [sflag:s14], $0x4000  }
0xcf: {  	[sflag:s14] =	ssyncset.done $0x0  }
0xd0: {  	s29 =	simm.s32 $0x1900;
	[sflag:s14] =	ssyncadd.s32 $0xFFFFC000  }
0xd1: {  	[spmem:s2] =	stream.indirect.scatter.add.f32 [tilespmem:s12], [sflag:$0x3], $0x80, s29, s11, $0xb8;
	[tilespmem:$0x1DC00] =	vst v63  }
0xd2: {  	_ =	swait.ge [sflag:s15], $0x4000  }
0xd3: {  	[sflag:s15] =	ssyncset.done $0x0  }
0xd4: {  	s31 =	simm.s32 $0x1980;
	[sflag:s15] =	ssyncadd.s32 $0xFFFFC000  }
0xd5: {  	[spmem:s2] =	stream.indirect.scatter.add.f32 [tilespmem:s13], [sflag:$0x4], $0x80, s31, s11, $0xb8;
	[tilespmem:$0x1DC00] =	vst v63  }
0xd6: {  	_ =	swait.ge [sflag:s17], $0x4000  }
0xd7: {  	[sflag:s17] =	ssyncset.done $0x0  }
0xd8: {  	[sflag:s17] =	ssyncadd.s32 $0xFFFFC000  }
0xd9: {  	_ =	swait.ge [sflag:s18], $0x4000  }
0xda: {  	[sflag:s18] =	ssyncset.done $0x0  }
0xdb: {  	s4 =	simm.s32 $0x1200;
	[sflag:s18] =	ssyncadd.s32 $0xFFFFC000  }
0xdc: {  	[tilespmem:s12], [sflag:$0x1] =	stream.indirect.gather [hbm4b:s10+s11], $0x80, s4, s11, $0xb8;
	[tilespmem:$0x1DC00] =	vst v63  }
0xdd: {  	s7 =	simm.s32 $0x1280  }
0xde: {  	[tilespmem:s13], [sflag:$0x2] =	stream.indirect.gather [hbm4b:s10+s11], $0x80, s7, s11, $0xb8;
	[tilespmem:$0x1DC00] =	vst v63  }
0xdf: {  	_ =	swait.ge [sflag:s14], $0x4000  }
0xe0: {  	[sflag:s14] =	ssyncset.done $0x0  }
0xe1: {  	s8 =	simm.s32 $0x1A00;
	[sflag:s14] =	ssyncadd.s32 $0xFFFFC000  }
0xe2: {  	[spmem:s2] =	stream.indirect.scatter.add.f32 [tilespmem:s12], [sflag:$0x3], $0x80, s8, s11, $0xb8;
	[tilespmem:$0x1DC00] =	vst v63  }
0xe3: {  	_ =	swait.ge [sflag:s15], $0x4000  }
0xe4: {  	[sflag:s15] =	ssyncset.done $0x0  }
0xe5: {  	s16 =	simm.s32 $0x1A80;
	[sflag:s15] =	ssyncadd.s32 $0xFFFFC000  }
0xe6: {  	[spmem:s2] =	stream.indirect.scatter.add.f32 [tilespmem:s13], [sflag:$0x4], $0x80, s16, s11, $0xb8;
	[tilespmem:$0x1DC00] =	vst v63  }
0xe7: {  	_ =	swait.ge [sflag:s17], $0x4000  }
0xe8: {  	[sflag:s17] =	ssyncset.done $0x0  }
0xe9: {  	[sflag:s17] =	ssyncadd.s32 $0xFFFFC000  }
0xea: {  	_ =	swait.ge [sflag:s18], $0x4000  }
0xeb: {  	[sflag:s18] =	ssyncset.done $0x0  }
0xec: {  	s19 =	simm.s32 $0x1300;
	[sflag:s18] =	ssyncadd.s32 $0xFFFFC000  }
0xed: {  	[tilespmem:s12], [sflag:$0x1] =	stream.indirect.gather [hbm4b:s10+s11], $0x80, s19, s11, $0xb8;
	[tilespmem:$0x1DC00] =	vst v63  }
0xee: {  	s20 =	simm.s32 $0x1380  }
0xef: {  	[tilespmem:s13], [sflag:$0x2] =	stream.indirect.gather [hbm4b:s10+s11], $0x80, s20, s11, $0xb8;
	[tilespmem:$0x1DC00] =	vst v63  }
0xf0: {  	_ =	swait.ge [sflag:s14], $0x4000  }
0xf1: {  	[sflag:s14] =	ssyncset.done $0x0  }
0xf2: {  	s22 =	simm.s32 $0x1B00;
	[sflag:s14] =	ssyncadd.s32 $0xFFFFC000  }
0xf3: {  	[spmem:s2] =	stream.indirect.scatter.add.f32 [tilespmem:s12], [sflag:$0x3], $0x80, s22, s11, $0xb8;
	[tilespmem:$0x1DC00] =	vst v63  }
0xf4: {  	_ =	swait.ge [sflag:s15], $0x4000  }
0xf5: {  	[sflag:s15] =	ssyncset.done $0x0  }
0xf6: {  	s24 =	simm.s32 $0x1B80;
	[sflag:s15] =	ssyncadd.s32 $0xFFFFC000  }
0xf7: {  	[spmem:s2] =	stream.indirect.scatter.add.f32 [tilespmem:s13], [sflag:$0x4], $0x80, s24, s11, $0xb8;
	[tilespmem:$0x1DC00] =	vst v63  }
0xf8: {  	_ =	swait.ge [sflag:s17], $0x4000  }
0xf9: {  	[sflag:s17] =	ssyncset.done $0x0  }
0xfa: {  	[sflag:s17] =	ssyncadd.s32 $0xFFFFC000  }
0xfb: {  	_ =	swait.ge [sflag:s18], $0x4000  }
0xfc: {  	[sflag:s18] =	ssyncset.done $0x0  }
0xfd: {  	s25 =	simm.s32 $0x1400;
	[sflag:s18] =	ssyncadd.s32 $0xFFFFC000  }
0xfe: {  	[tilespmem:s12], [sflag:$0x1] =	stream.indirect.gather [hbm4b:s10+s11], $0x80, s25, s11, $0xb8;
	[tilespmem:$0x1DC00] =	vst v63  }
0xff: {  	s26 =	simm.s32 $0x1480  }
0x100: {  	[tilespmem:s13], [sflag:$0x2] =	stream.indirect.gather [hbm4b:s10+s11], $0x80, s26, s11, $0xb8;
	[tilespmem:$0x1DC00] =	vst v63  }
0x101: {  	_ =	swait.ge [sflag:s14], $0x4000  }
0x102: {  	[sflag:s14] =	ssyncset.done $0x0  }
0x103: {  	s28 =	simm.s32 $0x1C00;
	[sflag:s14] =	ssyncadd.s32 $0xFFFFC000  }
0x104: {  	[spmem:s2] =	stream.indirect.scatter.add.f32 [tilespmem:s12], [sflag:$0x3], $0x80, s28, s11, $0xb8;
	[tilespmem:$0x1DC00] =	vst v63  }
0x105: {  	_ =	swait.ge [sflag:s15], $0x4000  }
0x106: {  	[sflag:s15] =	ssyncset.done $0x0  }
0x107: {  	s29 =	simm.s32 $0x1C80;
	[sflag:s15] =	ssyncadd.s32 $0xFFFFC000  }
0x108: {  	[spmem:s2] =	stream.indirect.scatter.add.f32 [tilespmem:s13], [sflag:$0x4], $0x80, s29, s11, $0xb8;
	[tilespmem:$0x1DC00] =	vst v63  }
0x109: {  	_ =	swait.ge [sflag:s17], $0x4000  }
0x10a: {  	[sflag:s17] =	ssyncset.done $0x0  }
0x10b: {  	[sflag:s17] =	ssyncadd.s32 $0xFFFFC000  }
0x10c: {  	_ =	swait.ge [sflag:s18], $0x4000  }
0x10d: {  	[sflag:s18] =	ssyncset.done $0x0  }
0x10e: {  	s29 =	simm.s32 $0x1500;
	[sflag:s18] =	ssyncadd.s32 $0xFFFFC000  }
0x10f: {  	[tilespmem:s12], [sflag:$0x1] =	stream.indirect.gather [hbm4b:s10+s11], $0x80, s29, s11, $0xb8;
	[tilespmem:$0x1DC00] =	vst v63  }
0x110: {  	s28 =	simm.s32 $0x1580  }
0x111: {  	[tilespmem:s13], [sflag:$0x2] =	stream.indirect.gather [hbm4b:s10+s11], $0x80, s28, s11, $0xb8;
	[tilespmem:$0x1DC00] =	vst v63  }
0x112: {  	_ =	swait.ge [sflag:s14], $0x4000  }
0x113: {  	[sflag:s14] =	ssyncset.done $0x0  }
0x114: {  	s26 =	simm.s32 $0x1D00;
	[sflag:s14] =	ssyncadd.s32 $0xFFFFC000  }
0x115: {  	[spmem:s2] =	stream.indirect.scatter.add.f32 [tilespmem:s12], [sflag:$0x3], $0x80, s26, s11, $0xb8;
	[tilespmem:$0x1DC00] =	vst v63  }
0x116: {  	_ =	swait.ge [sflag:s15], $0x4000  }
0x117: {  	[sflag:s15] =	ssyncset.done $0x0  }
0x118: {  	s25 =	simm.s32 $0x1D80;
	[sflag:s15] =	ssyncadd.s32 $0xFFFFC000  }
0x119: {  	[spmem:s2] =	stream.indirect.scatter.add.f32 [tilespmem:s13], [sflag:$0x4], $0x80, s25, s11, $0xb8;
	[tilespmem:$0x1DC00] =	vst v63  }
0x11a: {  	_ =	swait.ge [sflag:s17], $0x4000  }
0x11b: {  	[sflag:s17] =	ssyncset.done $0x0  }
0x11c: {  	[sflag:s17] =	ssyncadd.s32 $0xFFFFC000  }
0x11d: {  	_ =	swait.ge [sflag:s18], $0x4000  }
0x11e: {  	[sflag:s18] =	ssyncset.done $0x0  }
0x11f: {  	s24 =	simm.s32 $0x1600;
	[sflag:s18] =	ssyncadd.s32 $0xFFFFC000  }
0x120: {  	[tilespmem:s12], [sflag:$0x1] =	stream.indirect.gather [hbm4b:s10+s11], $0x80, s24, s11, $0xb8;
	[tilespmem:$0x1DC00] =	vst v63  }
0x121: {  	s22 =	simm.s32 $0x1680  }
0x122: {  	[tilespmem:s13], [sflag:$0x2] =	stream.indirect.gather [hbm4b:s10+s11], $0x80, s22, s11, $0xb8;
	[tilespmem:$0x1DC00] =	vst v63  }
0x123: {  	_ =	swait.ge [sflag:s14], $0x4000  }
0x124: {  	[sflag:s14] =	ssyncset.done $0x0  }
0x125: {  	s20 =	simm.s32 $0x1E00;
	[sflag:s14] =	ssyncadd.s32 $0xFFFFC000  }
0x126: {  	[spmem:s2] =	stream.indirect.scatter.add.f32 [tilespmem:s12], [sflag:$0x3], $0x80, s20, s11, $0xb8;
	[tilespmem:$0x1DC00] =	vst v63  }
0x127: {  	_ =	swait.ge [sflag:s15], $0x4000  }
0x128: {  	[sflag:s15] =	ssyncset.done $0x0  }
0x129: {  	s19 =	simm.s32 $0x1E80;
	[sflag:s15] =	ssyncadd.s32 $0xFFFFC000  }
0x12a: {  	[spmem:s2] =	stream.indirect.scatter.add.f32 [tilespmem:s13], [sflag:$0x4], $0x80, s19, s11, $0xb8;
	[tilespmem:$0x1DC00] =	vst v63  }
0x12b: {  	_ =	swait.ge [sflag:s17], $0x4000  }
0x12c: {  	[sflag:s17] =	ssyncset.done $0x0  }
0x12d: {  	[sflag:s17] =	ssyncadd.s32 $0xFFFFC000  }
0x12e: {  	_ =	swait.ge [sflag:s18], $0x4000  }
0x12f: {  	[sflag:s18] =	ssyncset.done $0x0  }
0x130: {  	s8 =	simm.s32 $0x1700;
	[sflag:s18] =	ssyncadd.s32 $0xFFFFC000  }
0x131: {  	[tilespmem:s12], [sflag:$0x1] =	stream.indirect.gather [hbm4b:s10+s11], $0x80, s8, s11, $0xb8;
	[tilespmem:$0x1DC00] =	vst v63  }
0x132: {  	s7 =	simm.s32 $0x1780  }
0x133: {  	[tilespmem:s13], [sflag:$0x2] =	stream.indirect.gather [hbm4b:s10+s11], $0x80, s7, s11, $0xb8;
	[tilespmem:$0x1DC00] =	vst v63  }
0x134: {  	_ =	swait.ge [sflag:s14], $0x4000  }
0x135: {  	[sflag:s14] =	ssyncset.done $0x0  }
0x136: {  	s4 =	simm.s32 $0x1F00;
	[sflag:s14] =	ssyncadd.s32 $0xFFFFC000  }
0x137: {  	[spmem:s2] =	stream.indirect.scatter.add.f32 [tilespmem:s12], [sflag:$0x3], $0x80, s4, s11, $0xb8;
	[tilespmem:$0x1DC00] =	vst v63  }
0x138: {  	_ =	swait.ge [sflag:s15], $0x4000  }
0x139: {  	[sflag:s15] =	ssyncset.done $0x0  }
0x13a: {  	s1 =	simm.s32 $0x1F80;
	[sflag:s15] =	ssyncadd.s32 $0xFFFFC000  }
0x13b: {  	[spmem:s2] =	stream.indirect.scatter.add.f32 [tilespmem:s13], [sflag:$0x4], $0x80, s1, s11, $0xb8;
	[tilespmem:$0x1DC00] =	vst v63  }
0x13c: {  	_ =	swait.ge [sflag:s0], $0x800  }
0x13d: {  	[sflag:s0] =	ssyncset.done $0x0  }
0x13e: {  	[sflag:s0] =	ssyncadd.s32 $0xFFFFF800  }
0x13f: {  	_ =	swait.ge [sflag:s0], $0x800  }
0x140: {  	[sflag:s0] =	ssyncset.done $0x0  }
0x141: {  	[sflag:s0] =	ssyncadd.s32 $0xFFFFF800  }
0x142: {  	_ =	swait.ge [sflag:s17], $0x4000  }
0x143: {  	[sflag:s17] =	ssyncset.done $0x0  }
0x144: {  	[sflag:s17] =	ssyncadd.s32 $0xFFFFC000  }
0x145: {  	_ =	swait.ge [sflag:s18], $0x4000  }
0x146: {  	s31 =	rddreg [dreg:$0xb]  }
0x147: {  	[sflag:s18] =	ssyncset.done $0x0;
	[dreg:$0x13] =	wrdreg s31  }
0x148: {  	[sflag:s18] =	ssyncadd.s32 $0xFFFFC000;
	s31 =	rddreg [dreg:$0x13]  }
0x149: {  	[tilespmem:s21], [sflag:$0x5] =	stream.linear.gather [hbm4b:s31+s3], $0x800, $0x38;
	[tilespmem:$0x1DC00] =	vst v63  }
0x14a: {  	s16 =	rddreg [dreg:$0xc]  }
0x14b: {  	[tilespmem:s23], [sflag:$0x5] =	stream.linear.gather [hbm4b:s16+s3], $0x800, $0x38;
	[tilespmem:$0x1DC00] =	vst v63  }
0x14c: {  	_ = 	snop  }
0x14d: {  	[tilespmem:s12], [sflag:$0x1] =	stream.indirect.gather [hbm4b:s10+s11], $0x80, s3, s11, $0xb8;
	[tilespmem:$0x1DC00] =	vst v63  }
0x14e: {  	_ = 	snop  }
0x14f: {  	[tilespmem:s13], [sflag:$0x2] =	stream.indirect.gather [hbm4b:s10+s11], $0x80, s11, s11, $0xb8;
	[tilespmem:$0x1DC00] =	vst v63  }
0x150: {  	_ =	swait.ge [sflag:s14], $0x4000  }
0x151: {  	[sflag:s14] =	ssyncset.done $0x0  }
0x152: {  	[sflag:s14] =	ssyncadd.s32 $0xFFFFC000  }
0x153: {  	[spmem:s2] =	stream.indirect.scatter.add.f32 [tilespmem:s12], [sflag:$0x3], $0x80, s9, s11, $0xb8;
	[tilespmem:$0x1DC00] =	vst v63  }
0x154: {  	_ =	swait.ge [sflag:s15], $0x4000  }
0x155: {  	[sflag:s15] =	ssyncset.done $0x0  }
0x156: {  	s31 =	simm.s32 $0x880;
	[sflag:s15] =	ssyncadd.s32 $0xFFFFC000  }
0x157: {  	[spmem:s2] =	stream.indirect.scatter.add.f32 [tilespmem:s13], [sflag:$0x4], $0x80, s31, s11, $0xb8;
	[tilespmem:$0x1DC00] =	vst v63  }
0x158: {  	_ =	swait.ge [sflag:s17], $0x4000  }
0x159: {  	[sflag:s17] =	ssyncset.done $0x0  }
0x15a: {  	[sflag:s17] =	ssyncadd.s32 $0xFFFFC000  }
0x15b: {  	_ =	swait.ge [sflag:s18], $0x4000  }
0x15c: {  	[sflag:s18] =	ssyncset.done $0x0  }
0x15d: {  	s31 =	simm.s32 $0x100;
	[sflag:s18] =	ssyncadd.s32 $0xFFFFC000  }
0x15e: {  	[tilespmem:s12], [sflag:$0x1] =	stream.indirect.gather [hbm4b:s10+s11], $0x80, s31, s11, $0xb8;
	[tilespmem:$0x1DC00] =	vst v63  }
0x15f: {  	s31 =	simm.s32 $0x180  }
0x160: {  	[tilespmem:s13], [sflag:$0x2] =	stream.indirect.gather [hbm4b:s10+s11], $0x80, s31, s11, $0xb8;
	[tilespmem:$0x1DC00] =	vst v63  }
0x161: {  	_ =	swait.ge [sflag:s14], $0x4000  }
0x162: {  	[sflag:s14] =	ssyncset.done $0x0  }
0x163: {  	s31 =	simm.s32 $0x900;
	[sflag:s14] =	ssyncadd.s32 $0xFFFFC000  }
0x164: {  	[spmem:s2] =	stream.indirect.scatter.add.f32 [tilespmem:s12], [sflag:$0x3], $0x80, s31, s11, $0xb8;
	[tilespmem:$0x1DC00] =	vst v63  }
0x165: {  	_ =	swait.ge [sflag:s15], $0x4000  }
0x166: {  	[sflag:s15] =	ssyncset.done $0x0  }
0x167: {  	s31 =	simm.s32 $0x980;
	[sflag:s15] =	ssyncadd.s32 $0xFFFFC000  }
0x168: {  	[spmem:s2] =	stream.indirect.scatter.add.f32 [tilespmem:s13], [sflag:$0x4], $0x80, s31, s11, $0xb8;
	[tilespmem:$0x1DC00] =	vst v63  }
0x169: {  	_ =	swait.ge [sflag:s17], $0x4000  }
0x16a: {  	[sflag:s17] =	ssyncset.done $0x0  }
0x16b: {  	[sflag:s17] =	ssyncadd.s32 $0xFFFFC000  }
0x16c: {  	_ =	swait.ge [sflag:s18], $0x4000  }
0x16d: {  	[sflag:s18] =	ssyncset.done $0x0  }
0x16e: {  	s31 =	simm.s32 $0x200;
	[sflag:s18] =	ssyncadd.s32 $0xFFFFC000  }
0x16f: {  	[tilespmem:s12], [sflag:$0x1] =	stream.indirect.gather [hbm4b:s10+s11], $0x80, s31, s11, $0xb8;
	[tilespmem:$0x1DC00] =	vst v63  }
0x170: {  	s31 =	simm.s32 $0x280  }
0x171: {  	[tilespmem:s13], [sflag:$0x2] =	stream.indirect.gather [hbm4b:s10+s11], $0x80, s31, s11, $0xb8;
	[tilespmem:$0x1DC00] =	vst v63  }
0x172: {  	_ =	swait.ge [sflag:s14], $0x4000  }
0x173: {  	[sflag:s14] =	ssyncset.done $0x0  }
0x174: {  	s31 =	simm.s32 $0xA00;
	[sflag:s14] =	ssyncadd.s32 $0xFFFFC000  }
0x175: {  	[spmem:s2] =	stream.indirect.scatter.add.f32 [tilespmem:s12], [sflag:$0x3], $0x80, s31, s11, $0xb8;
	[tilespmem:$0x1DC00] =	vst v63  }
0x176: {  	_ =	swait.ge [sflag:s15], $0x4000  }
0x177: {  	[sflag:s15] =	ssyncset.done $0x0  }
0x178: {  	s31 =	simm.s32 $0xA80;
	[sflag:s15] =	ssyncadd.s32 $0xFFFFC000  }
0x179: {  	[spmem:s2] =	stream.indirect.scatter.add.f32 [tilespmem:s13], [sflag:$0x4], $0x80, s31, s11, $0xb8;
	[tilespmem:$0x1DC00] =	vst v63  }
0x17a: {  	_ =	swait.ge [sflag:s17], $0x4000  }
0x17b: {  	[sflag:s17] =	ssyncset.done $0x0  }
0x17c: {  	[sflag:s17] =	ssyncadd.s32 $0xFFFFC000  }
0x17d: {  	_ =	swait.ge [sflag:s18], $0x4000  }
0x17e: {  	[sflag:s18] =	ssyncset.done $0x0  }
0x17f: {  	s31 =	simm.s32 $0x300;
	[sflag:s18] =	ssyncadd.s32 $0xFFFFC000  }
0x180: {  	[tilespmem:s12], [sflag:$0x1] =	stream.indirect.gather [hbm4b:s10+s11], $0x80, s31, s11, $0xb8;
	[tilespmem:$0x1DC00] =	vst v63  }
0x181: {  	s31 =	simm.s32 $0x380  }
0x182: {  	[tilespmem:s13], [sflag:$0x2] =	stream.indirect.gather [hbm4b:s10+s11], $0x80, s31, s11, $0xb8;
	[tilespmem:$0x1DC00] =	vst v63  }
0x183: {  	_ =	swait.ge [sflag:s14], $0x4000  }
0x184: {  	[sflag:s14] =	ssyncset.done $0x0  }
0x185: {  	s31 =	simm.s32 $0xB00;
	[sflag:s14] =	ssyncadd.s32 $0xFFFFC000  }
0x186: {  	[spmem:s2] =	stream.indirect.scatter.add.f32 [tilespmem:s12], [sflag:$0x3], $0x80, s31, s11, $0xb8;
	[tilespmem:$0x1DC00] =	vst v63  }
0x187: {  	_ =	swait.ge [sflag:s15], $0x4000  }
0x188: {  	[sflag:s15] =	ssyncset.done $0x0  }
0x189: {  	s31 =	simm.s32 $0xB80;
	[sflag:s15] =	ssyncadd.s32 $0xFFFFC000  }
0x18a: {  	[spmem:s2] =	stream.indirect.scatter.add.f32 [tilespmem:s13], [sflag:$0x4], $0x80, s31, s11, $0xb8;
	[tilespmem:$0x1DC00] =	vst v63  }
0x18b: {  	_ =	swait.ge [sflag:s17], $0x4000  }
0x18c: {  	[sflag:s17] =	ssyncset.done $0x0  }
0x18d: {  	[sflag:s17] =	ssyncadd.s32 $0xFFFFC000  }
0x18e: {  	_ =	swait.ge [sflag:s18], $0x4000  }
0x18f: {  	[sflag:s18] =	ssyncset.done $0x0  }
0x190: {  	s31 =	simm.s32 $0x400;
	[sflag:s18] =	ssyncadd.s32 $0xFFFFC000  }
0x191: {  	[tilespmem:s12], [sflag:$0x1] =	stream.indirect.gather [hbm4b:s10+s11], $0x80, s31, s11, $0xb8;
	[tilespmem:$0x1DC00] =	vst v63  }
0x192: {  	s31 =	simm.s32 $0x480  }
0x193: {  	[tilespmem:s13], [sflag:$0x2] =	stream.indirect.gather [hbm4b:s10+s11], $0x80, s31, s11, $0xb8;
	[tilespmem:$0x1DC00] =	vst v63  }
0x194: {  	_ =	swait.ge [sflag:s14], $0x4000  }
0x195: {  	[sflag:s14] =	ssyncset.done $0x0  }
0x196: {  	s31 =	simm.s32 $0xC00;
	[sflag:s14] =	ssyncadd.s32 $0xFFFFC000  }
0x197: {  	[spmem:s2] =	stream.indirect.scatter.add.f32 [tilespmem:s12], [sflag:$0x3], $0x80, s31, s11, $0xb8;
	[tilespmem:$0x1DC00] =	vst v63  }
0x198: {  	_ =	swait.ge [sflag:s15], $0x4000  }
0x199: {  	[sflag:s15] =	ssyncset.done $0x0  }
0x19a: {  	s31 =	simm.s32 $0xC80;
	[sflag:s15] =	ssyncadd.s32 $0xFFFFC000  }
0x19b: {  	[spmem:s2] =	stream.indirect.scatter.add.f32 [tilespmem:s13], [sflag:$0x4], $0x80, s31, s11, $0xb8;
	[tilespmem:$0x1DC00] =	vst v63  }
0x19c: {  	_ =	swait.ge [sflag:s17], $0x4000  }
0x19d: {  	[sflag:s17] =	ssyncset.done $0x0  }
0x19e: {  	[sflag:s17] =	ssyncadd.s32 $0xFFFFC000  }
0x19f: {  	_ =	swait.ge [sflag:s18], $0x4000  }
0x1a0: {  	[sflag:s18] =	ssyncset.done $0x0  }
0x1a1: {  	s31 =	simm.s32 $0x500;
	[sflag:s18] =	ssyncadd.s32 $0xFFFFC000  }
0x1a2: {  	[tilespmem:s12], [sflag:$0x1] =	stream.indirect.gather [hbm4b:s10+s11], $0x80, s31, s11, $0xb8;
	[tilespmem:$0x1DC00] =	vst v63  }
0x1a3: {  	s31 =	simm.s32 $0x580  }
0x1a4: {  	[tilespmem:s13], [sflag:$0x2] =	stream.indirect.gather [hbm4b:s10+s11], $0x80, s31, s11, $0xb8;
	[tilespmem:$0x1DC00] =	vst v63  }
0x1a5: {  	_ =	swait.ge [sflag:s14], $0x4000  }
0x1a6: {  	[sflag:s14] =	ssyncset.done $0x0  }
0x1a7: {  	s31 =	simm.s32 $0xD00;
	[sflag:s14] =	ssyncadd.s32 $0xFFFFC000  }
0x1a8: {  	[spmem:s2] =	stream.indirect.scatter.add.f32 [tilespmem:s12], [sflag:$0x3], $0x80, s31, s11, $0xb8;
	[tilespmem:$0x1DC00] =	vst v63  }
0x1a9: {  	_ =	swait.ge [sflag:s15], $0x4000  }
0x1aa: {  	[sflag:s15] =	ssyncset.done $0x0  }
0x1ab: {  	s31 =	simm.s32 $0xD80;
	[sflag:s15] =	ssyncadd.s32 $0xFFFFC000  }
0x1ac: {  	[spmem:s2] =	stream.indirect.scatter.add.f32 [tilespmem:s13], [sflag:$0x4], $0x80, s31, s11, $0xb8;
	[tilespmem:$0x1DC00] =	vst v63  }
0x1ad: {  	_ =	swait.ge [sflag:s17], $0x4000  }
0x1ae: {  	[sflag:s17] =	ssyncset.done $0x0  }
0x1af: {  	[sflag:s17] =	ssyncadd.s32 $0xFFFFC000  }
0x1b0: {  	_ =	swait.ge [sflag:s18], $0x4000  }
0x1b1: {  	[sflag:s18] =	ssyncset.done $0x0  }
0x1b2: {  	s31 =	simm.s32 $0x600;
	[sflag:s18] =	ssyncadd.s32 $0xFFFFC000  }
0x1b3: {  	[tilespmem:s12], [sflag:$0x1] =	stream.indirect.gather [hbm4b:s10+s11], $0x80, s31, s11, $0xb8;
	[tilespmem:$0x1DC00] =	vst v63  }
0x1b4: {  	s31 =	simm.s32 $0x680  }
0x1b5: {  	[tilespmem:s13], [sflag:$0x2] =	stream.indirect.gather [hbm4b:s10+s11], $0x80, s31, s11, $0xb8;
	[tilespmem:$0x1DC00] =	vst v63  }
0x1b6: {  	_ =	swait.ge [sflag:s14], $0x4000  }
0x1b7: {  	[sflag:s14] =	ssyncset.done $0x0  }
0x1b8: {  	s31 =	simm.s32 $0xE00;
	[sflag:s14] =	ssyncadd.s32 $0xFFFFC000  }
0x1b9: {  	[spmem:s2] =	stream.indirect.scatter.add.f32 [tilespmem:s12], [sflag:$0x3], $0x80, s31, s11, $0xb8;
	[tilespmem:$0x1DC00] =	vst v63  }
0x1ba: {  	_ =	swait.ge [sflag:s15], $0x4000  }
0x1bb: {  	[sflag:s15] =	ssyncset.done $0x0  }
0x1bc: {  	s31 =	simm.s32 $0xE80;
	[sflag:s15] =	ssyncadd.s32 $0xFFFFC000  }
0x1bd: {  	[spmem:s2] =	stream.indirect.scatter.add.f32 [tilespmem:s13], [sflag:$0x4], $0x80, s31, s11, $0xb8;
	[tilespmem:$0x1DC00] =	vst v63  }
0x1be: {  	_ =	swait.ge [sflag:s17], $0x4000  }
0x1bf: {  	[sflag:s17] =	ssyncset.done $0x0  }
0x1c0: {  	[sflag:s17] =	ssyncadd.s32 $0xFFFFC000  }
0x1c1: {  	_ =	swait.ge [sflag:s18], $0x4000  }
0x1c2: {  	[sflag:s18] =	ssyncset.done $0x0  }
0x1c3: {  	s31 =	simm.s32 $0x700;
	[sflag:s18] =	ssyncadd.s32 $0xFFFFC000  }
0x1c4: {  	[tilespmem:s12], [sflag:$0x1] =	stream.indirect.gather [hbm4b:s10+s11], $0x80, s31, s11, $0xb8;
	[tilespmem:$0x1DC00] =	vst v63  }
0x1c5: {  	s31 =	simm.s32 $0x780  }
0x1c6: {  	[tilespmem:s13], [sflag:$0x2] =	stream.indirect.gather [hbm4b:s10+s11], $0x80, s31, s11, $0xb8;
	[tilespmem:$0x1DC00] =	vst v63  }
0x1c7: {  	_ =	swait.ge [sflag:s14], $0x4000  }
0x1c8: {  	[sflag:s14] =	ssyncset.done $0x0  }
0x1c9: {  	s31 =	simm.s32 $0xF00;
	[sflag:s14] =	ssyncadd.s32 $0xFFFFC000  }
0x1ca: {  	[spmem:s2] =	stream.indirect.scatter.add.f32 [tilespmem:s12], [sflag:$0x3], $0x80, s31, s11, $0xb8;
	[tilespmem:$0x1DC00] =	vst v63  }
0x1cb: {  	_ =	swait.ge [sflag:s15], $0x4000  }
0x1cc: {  	[sflag:s15] =	ssyncset.done $0x0  }
0x1cd: {  	s31 =	simm.s32 $0xF80;
	[sflag:s15] =	ssyncadd.s32 $0xFFFFC000  }
0x1ce: {  	[spmem:s2] =	stream.indirect.scatter.add.f32 [tilespmem:s13], [sflag:$0x4], $0x80, s31, s11, $0xb8;
	[tilespmem:$0x1DC00] =	vst v63  }
0x1cf: {  	_ =	swait.ge [sflag:s0], $0x800  }
0x1d0: {  	[sflag:s0] =	ssyncset.done $0x0  }
0x1d1: {  	[sflag:s0] =	ssyncadd.s32 $0xFFFFF800  }
0x1d2: {  	_ =	swait.ge [sflag:s0], $0x800  }
0x1d3: {  	[sflag:s0] =	ssyncset.done $0x0  }
0x1d4: {  	[sflag:s0] =	ssyncadd.s32 $0xFFFFF800  }
0x1d5: {  	_ =	swait.ge [sflag:s17], $0x4000  }
0x1d6: {  	[sflag:s17] =	ssyncset.done $0x0  }
0x1d7: {  	[sflag:s17] =	ssyncadd.s32 $0xFFFFC000  }
0x1d8: {  	_ =	swait.ge [sflag:s18], $0x4000  }
0x1d9: {  	[sflag:s18] =	ssyncset.done $0x0  }
0x1da: {  	s31 =	rddreg [dreg:$0xd];
	[sflag:s18] =	ssyncadd.s32 $0xFFFFC000  }
0x1db: {  	[tilespmem:s3], [sflag:$0x5] =	stream.linear.gather [hbm4b:s31+s3], $0x800, $0x38;
	[tilespmem:$0x1DC00] =	vst v63  }
0x1dc: {  	s16 =	rddreg [dreg:$0xe]  }
0x1dd: {  	[tilespmem:s9], [sflag:$0x5] =	stream.linear.gather [hbm4b:s16+s3], $0x800, $0x38;
	[tilespmem:$0x1DC00] =	vst v63  }
0x1de: {  	_ = 	snop  }
0x1df: {  	[tilespmem:s12], [sflag:$0x1] =	stream.indirect.gather [hbm4b:s10+s11], $0x80, s21, s11, $0xb8;
	[tilespmem:$0x1DC00] =	vst v63  }
0x1e0: {  	s21 =	simm.s32 $0x1080  }
0x1e1: {  	[tilespmem:s13], [sflag:$0x2] =	stream.indirect.gather [hbm4b:s10+s11], $0x80, s21, s11, $0xb8;
	[tilespmem:$0x1DC00] =	vst v63  }
0x1e2: {  	_ =	swait.ge [sflag:s14], $0x4000  }
0x1e3: {  	[sflag:s14] =	ssyncset.done $0x0  }
0x1e4: {  	[sflag:s14] =	ssyncadd.s32 $0xFFFFC000  }
0x1e5: {  	[spmem:s2] =	stream.indirect.scatter.add.f32 [tilespmem:s12], [sflag:$0x3], $0x80, s23, s11, $0xb8;
	[tilespmem:$0x1DC00] =	vst v63  }
0x1e6: {  	_ =	swait.ge [sflag:s15], $0x4000  }
0x1e7: {  	[sflag:s15] =	ssyncset.done $0x0  }
0x1e8: {  	s23 =	simm.s32 $0x1880;
	[sflag:s15] =	ssyncadd.s32 $0xFFFFC000  }
0x1e9: {  	[spmem:s2] =	stream.indirect.scatter.add.f32 [tilespmem:s13], [sflag:$0x4], $0x80, s23, s11, $0xb8;
	[tilespmem:$0x1DC00] =	vst v63  }
0x1ea: {  	_ =	swait.ge [sflag:s17], $0x4000  }
0x1eb: {  	[sflag:s17] =	ssyncset.done $0x0  }
0x1ec: {  	[sflag:s17] =	ssyncadd.s32 $0xFFFFC000  }
0x1ed: {  	_ =	swait.ge [sflag:s18], $0x4000  }
0x1ee: {  	[sflag:s18] =	ssyncset.done $0x0  }
0x1ef: {  	s31 =	simm.s32 $0x1100;
	[sflag:s18] =	ssyncadd.s32 $0xFFFFC000  }
0x1f0: {  	[tilespmem:s12], [sflag:$0x1] =	stream.indirect.gather [hbm4b:s10+s11], $0x80, s31, s11, $0xb8;
	[tilespmem:$0x1DC00] =	vst v63  }
0x1f1: {  	s21 =	simm.s32 $0x1180  }
0x1f2: {  	[tilespmem:s13], [sflag:$0x2] =	stream.indirect.gather [hbm4b:s10+s11], $0x80, s21, s11, $0xb8;
	[tilespmem:$0x1DC00] =	vst v63  }
0x1f3: {  	_ =	swait.ge [sflag:s14], $0x4000  }
0x1f4: {  	[sflag:s14] =	ssyncset.done $0x0  }
0x1f5: {  	s23 =	simm.s32 $0x1900;
	[sflag:s14] =	ssyncadd.s32 $0xFFFFC000  }
0x1f6: {  	[spmem:s2] =	stream.indirect.scatter.add.f32 [tilespmem:s12], [sflag:$0x3], $0x80, s23, s11, $0xb8;
	[tilespmem:$0x1DC00] =	vst v63  }
0x1f7: {  	_ =	swait.ge [sflag:s15], $0x4000  }
0x1f8: {  	[sflag:s15] =	ssyncset.done $0x0  }
0x1f9: {  	s31 =	simm.s32 $0x1980;
	[sflag:s15] =	ssyncadd.s32 $0xFFFFC000  }
0x1fa: {  	[spmem:s2] =	stream.indirect.scatter.add.f32 [tilespmem:s13], [sflag:$0x4], $0x80, s31, s11, $0xb8;
	[tilespmem:$0x1DC00] =	vst v63  }
0x1fb: {  	_ =	swait.ge [sflag:s17], $0x4000  }
0x1fc: {  	[sflag:s17] =	ssyncset.done $0x0  }
0x1fd: {  	[sflag:s17] =	ssyncadd.s32 $0xFFFFC000  }
0x1fe: {  	_ =	swait.ge [sflag:s18], $0x4000  }
0x1ff: {  	[sflag:s18] =	ssyncset.done $0x0  }
0x200: {  	s21 =	simm.s32 $0x1200;
	[sflag:s18] =	ssyncadd.s32 $0xFFFFC000  }
0x201: {  	[tilespmem:s12], [sflag:$0x1] =	stream.indirect.gather [hbm4b:s10+s11], $0x80, s21, s11, $0xb8;
	[tilespmem:$0x1DC00] =	vst v63  }
0x202: {  	s23 =	simm.s32 $0x1280  }
0x203: {  	[tilespmem:s13], [sflag:$0x2] =	stream.indirect.gather [hbm4b:s10+s11], $0x80, s23, s11, $0xb8;
	[tilespmem:$0x1DC00] =	vst v63  }
0x204: {  	_ =	swait.ge [sflag:s14], $0x4000  }
0x205: {  	[sflag:s14] =	ssyncset.done $0x0  }
0x206: {  	s31 =	simm.s32 $0x1A00;
	[sflag:s14] =	ssyncadd.s32 $0xFFFFC000  }
0x207: {  	[spmem:s2] =	stream.indirect.scatter.add.f32 [tilespmem:s12], [sflag:$0x3], $0x80, s31, s11, $0xb8;
	[tilespmem:$0x1DC00] =	vst v63  }
0x208: {  	_ =	swait.ge [sflag:s15], $0x4000  }
0x209: {  	[sflag:s15] =	ssyncset.done $0x0  }
0x20a: {  	s21 =	simm.s32 $0x1A80;
	[sflag:s15] =	ssyncadd.s32 $0xFFFFC000  }
0x20b: {  	[spmem:s2] =	stream.indirect.scatter.add.f32 [tilespmem:s13], [sflag:$0x4], $0x80, s21, s11, $0xb8;
	[tilespmem:$0x1DC00] =	vst v63  }
0x20c: {  	_ =	swait.ge [sflag:s17], $0x4000  }
0x20d: {  	[sflag:s17] =	ssyncset.done $0x0  }
0x20e: {  	[sflag:s17] =	ssyncadd.s32 $0xFFFFC000  }
0x20f: {  	_ =	swait.ge [sflag:s18], $0x4000  }
0x210: {  	[sflag:s18] =	ssyncset.done $0x0  }
0x211: {  	s23 =	simm.s32 $0x1300;
	[sflag:s18] =	ssyncadd.s32 $0xFFFFC000  }
0x212: {  	[tilespmem:s12], [sflag:$0x1] =	stream.indirect.gather [hbm4b:s10+s11], $0x80, s23, s11, $0xb8;
	[tilespmem:$0x1DC00] =	vst v63  }
0x213: {  	s31 =	simm.s32 $0x1380  }
0x214: {  	[tilespmem:s13], [sflag:$0x2] =	stream.indirect.gather [hbm4b:s10+s11], $0x80, s31, s11, $0xb8;
	[tilespmem:$0x1DC00] =	vst v63  }
0x215: {  	_ =	swait.ge [sflag:s14], $0x4000  }
0x216: {  	[sflag:s14] =	ssyncset.done $0x0  }
0x217: {  	s21 =	simm.s32 $0x1B00;
	[sflag:s14] =	ssyncadd.s32 $0xFFFFC000  }
0x218: {  	[spmem:s2] =	stream.indirect.scatter.add.f32 [tilespmem:s12], [sflag:$0x3], $0x80, s21, s11, $0xb8;
	[tilespmem:$0x1DC00] =	vst v63  }
0x219: {  	_ =	swait.ge [sflag:s15], $0x4000  }
0x21a: {  	[sflag:s15] =	ssyncset.done $0x0  }
0x21b: {  	s23 =	simm.s32 $0x1B80;
	[sflag:s15] =	ssyncadd.s32 $0xFFFFC000  }
0x21c: {  	[spmem:s2] =	stream.indirect.scatter.add.f32 [tilespmem:s13], [sflag:$0x4], $0x80, s23, s11, $0xb8;
	[tilespmem:$0x1DC00] =	vst v63  }
0x21d: {  	_ =	swait.ge [sflag:s17], $0x4000  }
0x21e: {  	[sflag:s17] =	ssyncset.done $0x0  }
0x21f: {  	[sflag:s17] =	ssyncadd.s32 $0xFFFFC000  }
0x220: {  	_ =	swait.ge [sflag:s18], $0x4000  }
0x221: {  	[sflag:s18] =	ssyncset.done $0x0  }
0x222: {  	s31 =	simm.s32 $0x1400;
	[sflag:s18] =	ssyncadd.s32 $0xFFFFC000  }
0x223: {  	[tilespmem:s12], [sflag:$0x1] =	stream.indirect.gather [hbm4b:s10+s11], $0x80, s31, s11, $0xb8;
	[tilespmem:$0x1DC00] =	vst v63  }
0x224: {  	s21 =	simm.s32 $0x1480  }
0x225: {  	[tilespmem:s13], [sflag:$0x2] =	stream.indirect.gather [hbm4b:s10+s11], $0x80, s21, s11, $0xb8;
	[tilespmem:$0x1DC00] =	vst v63  }
0x226: {  	_ =	swait.ge [sflag:s14], $0x4000  }
0x227: {  	[sflag:s14] =	ssyncset.done $0x0  }
0x228: {  	s23 =	simm.s32 $0x1C00;
	[sflag:s14] =	ssyncadd.s32 $0xFFFFC000  }
0x229: {  	[spmem:s2] =	stream.indirect.scatter.add.f32 [tilespmem:s12], [sflag:$0x3], $0x80, s23, s11, $0xb8;
	[tilespmem:$0x1DC00] =	vst v63  }
0x22a: {  	_ =	swait.ge [sflag:s15], $0x4000  }
0x22b: {  	[sflag:s15] =	ssyncset.done $0x0  }
0x22c: {  	s31 =	simm.s32 $0x1C80;
	[sflag:s15] =	ssyncadd.s32 $0xFFFFC000  }
0x22d: {  	[spmem:s2] =	stream.indirect.scatter.add.f32 [tilespmem:s13], [sflag:$0x4], $0x80, s31, s11, $0xb8;
	[tilespmem:$0x1DC00] =	vst v63  }
0x22e: {  	_ =	swait.ge [sflag:s17], $0x4000  }
0x22f: {  	[sflag:s17] =	ssyncset.done $0x0  }
0x230: {  	[sflag:s17] =	ssyncadd.s32 $0xFFFFC000  }
0x231: {  	_ =	swait.ge [sflag:s18], $0x4000  }
0x232: {  	[sflag:s18] =	ssyncset.done $0x0  }
0x233: {  	[sflag:s18] =	ssyncadd.s32 $0xFFFFC000  }
0x234: {  	[tilespmem:s12], [sflag:$0x1] =	stream.indirect.gather [hbm4b:s10+s11], $0x80, s29, s11, $0xb8;
	[tilespmem:$0x1DC00] =	vst v63  }
0x235: {  	_ = 	snop  }
0x236: {  	[tilespmem:s13], [sflag:$0x2] =	stream.indirect.gather [hbm4b:s10+s11], $0x80, s28, s11, $0xb8;
	[tilespmem:$0x1DC00] =	vst v63  }
0x237: {  	_ =	swait.ge [sflag:s14], $0x4000  }
0x238: {  	[sflag:s14] =	ssyncset.done $0x0  }
0x239: {  	[sflag:s14] =	ssyncadd.s32 $0xFFFFC000  }
0x23a: {  	[spmem:s2] =	stream.indirect.scatter.add.f32 [tilespmem:s12], [sflag:$0x3], $0x80, s26, s11, $0xb8;
	[tilespmem:$0x1DC00] =	vst v63  }
0x23b: {  	_ =	swait.ge [sflag:s15], $0x4000  }
0x23c: {  	[sflag:s15] =	ssyncset.done $0x0  }
0x23d: {  	[sflag:s15] =	ssyncadd.s32 $0xFFFFC000  }
0x23e: {  	[spmem:s2] =	stream.indirect.scatter.add.f32 [tilespmem:s13], [sflag:$0x4], $0x80, s25, s11, $0xb8;
	[tilespmem:$0x1DC00] =	vst v63  }
0x23f: {  	_ =	swait.ge [sflag:s17], $0x4000  }
0x240: {  	[sflag:s17] =	ssyncset.done $0x0  }
0x241: {  	[sflag:s17] =	ssyncadd.s32 $0xFFFFC000  }
0x242: {  	_ =	swait.ge [sflag:s18], $0x4000  }
0x243: {  	[sflag:s18] =	ssyncset.done $0x0  }
0x244: {  	[sflag:s18] =	ssyncadd.s32 $0xFFFFC000  }
0x245: {  	[tilespmem:s12], [sflag:$0x1] =	stream.indirect.gather [hbm4b:s10+s11], $0x80, s24, s11, $0xb8;
	[tilespmem:$0x1DC00] =	vst v63  }
0x246: {  	_ = 	snop  }
0x247: {  	[tilespmem:s13], [sflag:$0x2] =	stream.indirect.gather [hbm4b:s10+s11], $0x80, s22, s11, $0xb8;
	[tilespmem:$0x1DC00] =	vst v63  }
0x248: {  	_ =	swait.ge [sflag:s14], $0x4000  }
0x249: {  	[sflag:s14] =	ssyncset.done $0x0  }
0x24a: {  	[sflag:s14] =	ssyncadd.s32 $0xFFFFC000  }
0x24b: {  	[spmem:s2] =	stream.indirect.scatter.add.f32 [tilespmem:s12], [sflag:$0x3], $0x80, s20, s11, $0xb8;
	[tilespmem:$0x1DC00] =	vst v63  }
0x24c: {  	_ =	swait.ge [sflag:s15], $0x4000  }
0x24d: {  	[sflag:s15] =	ssyncset.done $0x0  }
0x24e: {  	[sflag:s15] =	ssyncadd.s32 $0xFFFFC000  }
0x24f: {  	[spmem:s2] =	stream.indirect.scatter.add.f32 [tilespmem:s13], [sflag:$0x4], $0x80, s19, s11, $0xb8;
	[tilespmem:$0x1DC00] =	vst v63  }
0x250: {  	_ =	swait.ge [sflag:s17], $0x4000  }
0x251: {  	[sflag:s17] =	ssyncset.done $0x0  }
0x252: {  	[sflag:s17] =	ssyncadd.s32 $0xFFFFC000  }
0x253: {  	_ =	swait.ge [sflag:s18], $0x4000  }
0x254: {  	[sflag:s18] =	ssyncset.done $0x0  }
0x255: {  	[sflag:s18] =	ssyncadd.s32 $0xFFFFC000  }
0x256: {  	[tilespmem:s12], [sflag:$0x1] =	stream.indirect.gather [hbm4b:s10+s11], $0x80, s8, s11, $0xb8;
	[tilespmem:$0x1DC00] =	vst v63  }
0x257: {  	_ = 	snop  }
0x258: {  	[tilespmem:s13], [sflag:$0x2] =	stream.indirect.gather [hbm4b:s10+s11], $0x80, s7, s11, $0xb8;
	[tilespmem:$0x1DC00] =	vst v63  }
0x259: {  	_ =	swait.ge [sflag:s14], $0x4000  }
0x25a: {  	[sflag:s14] =	ssyncset.done $0x0  }
0x25b: {  	[sflag:s14] =	ssyncadd.s32 $0xFFFFC000  }
0x25c: {  	[spmem:s2] =	stream.indirect.scatter.add.f32 [tilespmem:s12], [sflag:$0x3], $0x80, s4, s11, $0xb8;
	[tilespmem:$0x1DC00] =	vst v63  }
0x25d: {  	_ =	swait.ge [sflag:s15], $0x4000  }
0x25e: {  	[sflag:s15] =	ssyncset.done $0x0  }
0x25f: {  	[sflag:s15] =	ssyncadd.s32 $0xFFFFC000  }
0x260: {  	[spmem:s2] =	stream.indirect.scatter.add.f32 [tilespmem:s13], [sflag:$0x4], $0x80, s1, s11, $0xb8;
	[tilespmem:$0x1DC00] =	vst v63  }
0x261: {  	_ =	swait.ge [sflag:s0], $0x800  }
0x262: {  	[sflag:s0] =	ssyncset.done $0x0  }
0x263: {  	[sflag:s0] =	ssyncadd.s32 $0xFFFFF800  }
0x264: {  	_ =	swait.ge [sflag:s0], $0x800  }
0x265: {  	[sflag:s0] =	ssyncset.done $0x0  }
0x266: {  	[sflag:s0] =	ssyncadd.s32 $0xFFFFF800  }
0x267: {  	_ =	swait.ge [sflag:s17], $0x4000  }
0x268: {  	[sflag:s17] =	ssyncset.done $0x0  }
0x269: {  	[sflag:s17] =	ssyncadd.s32 $0xFFFFC000  }
0x26a: {  	_ =	swait.ge [sflag:s18], $0x4000  }
0x26b: {  	[sflag:s18] =	ssyncset.done $0x0  }
0x26c: {  	[sflag:s18] =	ssyncadd.s32 $0xFFFFC000  }
0x26d: {  	[tilespmem:s12], [sflag:$0x1] =	stream.indirect.gather [hbm4b:s10+s11], $0x80, s3, s11, $0xb8;
	[tilespmem:$0x1DC00] =	vst v63  }
0x26e: {  	_ = 	snop  }
0x26f: {  	[tilespmem:s13], [sflag:$0x2] =	stream.indirect.gather [hbm4b:s10+s11], $0x80, s11, s11, $0xb8;
	[tilespmem:$0x1DC00] =	vst v63  }
0x270: {  	_ =	swait.ge [sflag:s14], $0x4000  }
0x271: {  	[sflag:s14] =	ssyncset.done $0x0  }
0x272: {  	[sflag:s14] =	ssyncadd.s32 $0xFFFFC000  }
0x273: {  	[spmem:s2] =	stream.indirect.scatter.add.f32 [tilespmem:s12], [sflag:$0x3], $0x80, s9, s11, $0xb8;
	[tilespmem:$0x1DC00] =	vst v63  }
0x274: {  	_ =	swait.ge [sflag:s15], $0x4000  }
0x275: {  	[sflag:s15] =	ssyncset.done $0x0  }
0x276: {  	s4 =	simm.s32 $0x880;
	[sflag:s15] =	ssyncadd.s32 $0xFFFFC000  }
0x277: {  	[spmem:s2] =	stream.indirect.scatter.add.f32 [tilespmem:s13], [sflag:$0x4], $0x80, s4, s11, $0xb8;
	[tilespmem:$0x1DC00] =	vst v63  }
0x278: {  	_ =	swait.ge [sflag:s17], $0x4000  }
0x279: {  	[sflag:s17] =	ssyncset.done $0x0  }
0x27a: {  	[sflag:s17] =	ssyncadd.s32 $0xFFFFC000  }
0x27b: {  	_ =	swait.ge [sflag:s18], $0x4000  }
0x27c: {  	[sflag:s18] =	ssyncset.done $0x0  }
0x27d: {  	s7 =	simm.s32 $0x100;
	[sflag:s18] =	ssyncadd.s32 $0xFFFFC000  }
0x27e: {  	[tilespmem:s12], [sflag:$0x1] =	stream.indirect.gather [hbm4b:s10+s11], $0x80, s7, s11, $0xb8;
	[tilespmem:$0x1DC00] =	vst v63  }
0x27f: {  	s8 =	simm.s32 $0x180  }
0x280: {  	[tilespmem:s13], [sflag:$0x2] =	stream.indirect.gather [hbm4b:s10+s11], $0x80, s8, s11, $0xb8;
	[tilespmem:$0x1DC00] =	vst v63  }
0x281: {  	_ =	swait.ge [sflag:s14], $0x4000  }
0x282: {  	[sflag:s14] =	ssyncset.done $0x0  }
0x283: {  	s9 =	simm.s32 $0x900;
	[sflag:s14] =	ssyncadd.s32 $0xFFFFC000  }
0x284: {  	[spmem:s2] =	stream.indirect.scatter.add.f32 [tilespmem:s12], [sflag:$0x3], $0x80, s9, s11, $0xb8;
	[tilespmem:$0x1DC00] =	vst v63  }
0x285: {  	_ =	swait.ge [sflag:s15], $0x4000  }
0x286: {  	[sflag:s15] =	ssyncset.done $0x0  }
0x287: {  	s16 =	simm.s32 $0x980;
	[sflag:s15] =	ssyncadd.s32 $0xFFFFC000  }
0x288: {  	[spmem:s2] =	stream.indirect.scatter.add.f32 [tilespmem:s13], [sflag:$0x4], $0x80, s16, s11, $0xb8;
	[tilespmem:$0x1DC00] =	vst v63  }
0x289: {  	_ =	swait.ge [sflag:s17], $0x4000  }
0x28a: {  	[sflag:s17] =	ssyncset.done $0x0  }
0x28b: {  	[sflag:s17] =	ssyncadd.s32 $0xFFFFC000  }
0x28c: {  	_ =	swait.ge [sflag:s18], $0x4000  }
0x28d: {  	[sflag:s18] =	ssyncset.done $0x0  }
0x28e: {  	s19 =	simm.s32 $0x200;
	[sflag:s18] =	ssyncadd.s32 $0xFFFFC000  }
0x28f: {  	[tilespmem:s12], [sflag:$0x1] =	stream.indirect.gather [hbm4b:s10+s11], $0x80, s19, s11, $0xb8;
	[tilespmem:$0x1DC00] =	vst v63  }
0x290: {  	s20 =	simm.s32 $0x280  }
0x291: {  	[tilespmem:s13], [sflag:$0x2] =	stream.indirect.gather [hbm4b:s10+s11], $0x80, s20, s11, $0xb8;
	[tilespmem:$0x1DC00] =	vst v63  }
0x292: {  	_ =	swait.ge [sflag:s14], $0x4000  }
0x293: {  	[sflag:s14] =	ssyncset.done $0x0  }
0x294: {  	s21 =	simm.s32 $0xA00;
	[sflag:s14] =	ssyncadd.s32 $0xFFFFC000  }
0x295: {  	[spmem:s2] =	stream.indirect.scatter.add.f32 [tilespmem:s12], [sflag:$0x3], $0x80, s21, s11, $0xb8;
	[tilespmem:$0x1DC00] =	vst v63  }
0x296: {  	_ =	swait.ge [sflag:s15], $0x4000  }
0x297: {  	[sflag:s15] =	ssyncset.done $0x0  }
0x298: {  	s22 =	simm.s32 $0xA80;
	[sflag:s15] =	ssyncadd.s32 $0xFFFFC000  }
0x299: {  	[spmem:s2] =	stream.indirect.scatter.add.f32 [tilespmem:s13], [sflag:$0x4], $0x80, s22, s11, $0xb8;
	[tilespmem:$0x1DC00] =	vst v63  }
0x29a: {  	_ =	swait.ge [sflag:s17], $0x4000  }
0x29b: {  	[sflag:s17] =	ssyncset.done $0x0  }
0x29c: {  	[sflag:s17] =	ssyncadd.s32 $0xFFFFC000  }
0x29d: {  	_ =	swait.ge [sflag:s18], $0x4000  }
0x29e: {  	[sflag:s18] =	ssyncset.done $0x0  }
0x29f: {  	s23 =	simm.s32 $0x300;
	[sflag:s18] =	ssyncadd.s32 $0xFFFFC000  }
0x2a0: {  	[tilespmem:s12], [sflag:$0x1] =	stream.indirect.gather [hbm4b:s10+s11], $0x80, s23, s11, $0xb8;
	[tilespmem:$0x1DC00] =	vst v63  }
0x2a1: {  	s24 =	simm.s32 $0x380  }
0x2a2: {  	[tilespmem:s13], [sflag:$0x2] =	stream.indirect.gather [hbm4b:s10+s11], $0x80, s24, s11, $0xb8;
	[tilespmem:$0x1DC00] =	vst v63  }
0x2a3: {  	_ =	swait.ge [sflag:s14], $0x4000  }
0x2a4: {  	[sflag:s14] =	ssyncset.done $0x0  }
0x2a5: {  	s25 =	simm.s32 $0xB00;
	[sflag:s14] =	ssyncadd.s32 $0xFFFFC000  }
0x2a6: {  	[spmem:s2] =	stream.indirect.scatter.add.f32 [tilespmem:s12], [sflag:$0x3], $0x80, s25, s11, $0xb8;
	[tilespmem:$0x1DC00] =	vst v63  }
0x2a7: {  	_ =	swait.ge [sflag:s15], $0x4000  }
0x2a8: {  	[sflag:s15] =	ssyncset.done $0x0  }
0x2a9: {  	s26 =	simm.s32 $0xB80;
	[sflag:s15] =	ssyncadd.s32 $0xFFFFC000  }
0x2aa: {  	[spmem:s2] =	stream.indirect.scatter.add.f32 [tilespmem:s13], [sflag:$0x4], $0x80, s26, s11, $0xb8;
	[tilespmem:$0x1DC00] =	vst v63  }
0x2ab: {  	_ =	swait.ge [sflag:s17], $0x4000  }
0x2ac: {  	[sflag:s17] =	ssyncset.done $0x0  }
0x2ad: {  	[sflag:s17] =	ssyncadd.s32 $0xFFFFC000  }
0x2ae: {  	_ =	swait.ge [sflag:s18], $0x4000  }
0x2af: {  	[sflag:s18] =	ssyncset.done $0x0  }
0x2b0: {  	s28 =	simm.s32 $0x400;
	[sflag:s18] =	ssyncadd.s32 $0xFFFFC000  }
0x2b1: {  	[tilespmem:s12], [sflag:$0x1] =	stream.indirect.gather [hbm4b:s10+s11], $0x80, s28, s11, $0xb8;
	[tilespmem:$0x1DC00] =	vst v63  }
0x2b2: {  	s29 =	simm.s32 $0x480  }
0x2b3: {  	[tilespmem:s13], [sflag:$0x2] =	stream.indirect.gather [hbm4b:s10+s11], $0x80, s29, s11, $0xb8;
	[tilespmem:$0x1DC00] =	vst v63  }
0x2b4: {  	_ =	swait.ge [sflag:s14], $0x4000  }
0x2b5: {  	[sflag:s14] =	ssyncset.done $0x0  }
0x2b6: {  	s31 =	simm.s32 $0xC00;
	[sflag:s14] =	ssyncadd.s32 $0xFFFFC000  }
0x2b7: {  	[spmem:s2] =	stream.indirect.scatter.add.f32 [tilespmem:s12], [sflag:$0x3], $0x80, s31, s11, $0xb8;
	[tilespmem:$0x1DC00] =	vst v63  }
0x2b8: {  	_ =	swait.ge [sflag:s15], $0x4000  }
0x2b9: {  	[sflag:s15] =	ssyncset.done $0x0  }
0x2ba: {  	s4 =	simm.s32 $0xC80;
	[sflag:s15] =	ssyncadd.s32 $0xFFFFC000  }
0x2bb: {  	[spmem:s2] =	stream.indirect.scatter.add.f32 [tilespmem:s13], [sflag:$0x4], $0x80, s4, s11, $0xb8;
	[tilespmem:$0x1DC00] =	vst v63  }
0x2bc: {  	_ =	swait.ge [sflag:s17], $0x4000  }
0x2bd: {  	[sflag:s17] =	ssyncset.done $0x0  }
0x2be: {  	[sflag:s17] =	ssyncadd.s32 $0xFFFFC000  }
0x2bf: {  	_ =	swait.ge [sflag:s18], $0x4000  }
0x2c0: {  	[sflag:s18] =	ssyncset.done $0x0  }
0x2c1: {  	s7 =	simm.s32 $0x500;
	[sflag:s18] =	ssyncadd.s32 $0xFFFFC000  }
0x2c2: {  	[tilespmem:s12], [sflag:$0x1] =	stream.indirect.gather [hbm4b:s10+s11], $0x80, s7, s11, $0xb8;
	[tilespmem:$0x1DC00] =	vst v63  }
0x2c3: {  	s8 =	simm.s32 $0x580  }
0x2c4: {  	[tilespmem:s13], [sflag:$0x2] =	stream.indirect.gather [hbm4b:s10+s11], $0x80, s8, s11, $0xb8;
	[tilespmem:$0x1DC00] =	vst v63  }
0x2c5: {  	_ =	swait.ge [sflag:s14], $0x4000  }
0x2c6: {  	[sflag:s14] =	ssyncset.done $0x0  }
0x2c7: {  	s9 =	simm.s32 $0xD00;
	[sflag:s14] =	ssyncadd.s32 $0xFFFFC000  }
0x2c8: {  	[spmem:s2] =	stream.indirect.scatter.add.f32 [tilespmem:s12], [sflag:$0x3], $0x80, s9, s11, $0xb8;
	[tilespmem:$0x1DC00] =	vst v63  }
0x2c9: {  	_ =	swait.ge [sflag:s15], $0x4000  }
0x2ca: {  	[sflag:s15] =	ssyncset.done $0x0  }
0x2cb: {  	s16 =	simm.s32 $0xD80;
	[sflag:s15] =	ssyncadd.s32 $0xFFFFC000  }
0x2cc: {  	[spmem:s2] =	stream.indirect.scatter.add.f32 [tilespmem:s13], [sflag:$0x4], $0x80, s16, s11, $0xb8;
	[tilespmem:$0x1DC00] =	vst v63  }
0x2cd: {  	_ =	swait.ge [sflag:s17], $0x4000  }
0x2ce: {  	[sflag:s17] =	ssyncset.done $0x0  }
0x2cf: {  	[sflag:s17] =	ssyncadd.s32 $0xFFFFC000  }
0x2d0: {  	_ =	swait.ge [sflag:s18], $0x4000  }
0x2d1: {  	[sflag:s18] =	ssyncset.done $0x0  }
0x2d2: {  	s19 =	simm.s32 $0x600;
	[sflag:s18] =	ssyncadd.s32 $0xFFFFC000  }
0x2d3: {  	[tilespmem:s12], [sflag:$0x1] =	stream.indirect.gather [hbm4b:s10+s11], $0x80, s19, s11, $0xb8;
	[tilespmem:$0x1DC00] =	vst v63  }
0x2d4: {  	s20 =	simm.s32 $0x680  }
0x2d5: {  	[tilespmem:s13], [sflag:$0x2] =	stream.indirect.gather [hbm4b:s10+s11], $0x80, s20, s11, $0xb8;
	[tilespmem:$0x1DC00] =	vst v63  }
0x2d6: {  	_ =	swait.ge [sflag:s14], $0x4000  }
0x2d7: {  	[sflag:s14] =	ssyncset.done $0x0  }
0x2d8: {  	s21 =	simm.s32 $0xE00;
	[sflag:s14] =	ssyncadd.s32 $0xFFFFC000  }
0x2d9: {  	[spmem:s2] =	stream.indirect.scatter.add.f32 [tilespmem:s12], [sflag:$0x3], $0x80, s21, s11, $0xb8;
	[tilespmem:$0x1DC00] =	vst v63  }
0x2da: {  	_ =	swait.ge [sflag:s15], $0x4000  }
0x2db: {  	[sflag:s15] =	ssyncset.done $0x0  }
0x2dc: {  	s22 =	simm.s32 $0xE80;
	[sflag:s15] =	ssyncadd.s32 $0xFFFFC000  }
0x2dd: {  	[spmem:s2] =	stream.indirect.scatter.add.f32 [tilespmem:s13], [sflag:$0x4], $0x80, s22, s11, $0xb8;
	[tilespmem:$0x1DC00] =	vst v63  }
0x2de: {  	_ =	swait.ge [sflag:s17], $0x4000  }
0x2df: {  	[sflag:s17] =	ssyncset.done $0x0  }
0x2e0: {  	[sflag:s17] =	ssyncadd.s32 $0xFFFFC000  }
0x2e1: {  	_ =	swait.ge [sflag:s18], $0x4000  }
0x2e2: {  	[sflag:s18] =	ssyncset.done $0x0  }
0x2e3: {  	s23 =	simm.s32 $0x700;
	[sflag:s18] =	ssyncadd.s32 $0xFFFFC000  }
0x2e4: {  	[tilespmem:s12], [sflag:$0x1] =	stream.indirect.gather [hbm4b:s10+s11], $0x80, s23, s11, $0xb8;
	[tilespmem:$0x1DC00] =	vst v63  }
0x2e5: {  	s24 =	simm.s32 $0x780  }
0x2e6: {  	[tilespmem:s13], [sflag:$0x2] =	stream.indirect.gather [hbm4b:s10+s11], $0x80, s24, s11, $0xb8;
	[tilespmem:$0x1DC00] =	vst v63  }
0x2e7: {  	_ =	swait.ge [sflag:s14], $0x4000  }
0x2e8: {  	[sflag:s14] =	ssyncset.done $0x0  }
0x2e9: {  	s25 =	simm.s32 $0xF00;
	[sflag:s14] =	ssyncadd.s32 $0xFFFFC000  }
0x2ea: {  	[spmem:s2] =	stream.indirect.scatter.add.f32 [tilespmem:s12], [sflag:$0x3], $0x80, s25, s11, $0xb8;
	[tilespmem:$0x1DC00] =	vst v63  }
0x2eb: {  	_ =	swait.ge [sflag:s15], $0x4000  }
0x2ec: {  	[sflag:s15] =	ssyncset.done $0x0  }
0x2ed: {  	s26 =	simm.s32 $0xF80;
	[sflag:s15] =	ssyncadd.s32 $0xFFFFC000  }
0x2ee: {  	[spmem:s2] =	stream.indirect.scatter.add.f32 [tilespmem:s13], [sflag:$0x4], $0x80, s26, s11, $0xb8;
	[tilespmem:$0x1DC00] =	vst v63  }
0x2ef: {  	_ =	swait.ge [sflag:s17], $0x4000  }
0x2f0: {  	[sflag:s17] =	ssyncset.done $0x0  }
0x2f1: {  	[sflag:s17] =	ssyncadd.s32 $0xFFFFC000  }
0x2f2: {  	_ =	swait.ge [sflag:s18], $0x4000  }
0x2f3: {  	[sflag:s18] =	ssyncset.done $0x0  }
0x2f4: {  	[sflag:s18] =	ssyncadd.s32 $0xFFFFC000  }
0x2f5: {  	[bflag:$0x0] =	sbarrier.arrive $0xFFFF  }
0x2f6: {  	s28 =	rddreg [dreg:$0x12]  }
0x2f7: {  	s1 =	ssub.s32 $0x2, s28  }
0x2f8: {  	s31 =	sshrl.u32 s1, $0x1  }
0x2f9: {  	s16 =	ssub.s32 s1, s31  }
0x2fa: {  	s16 =	smax.u32 s16, $0x1  }
0x2fb: {  	p0 =	sne.s32 s16, $0x1  }
.Ltmp0:
0x2fc: {  	s29 =	rddreg [dreg:$0xf];
	(pc) =	sbr.rel @!p0 .LBB2_3-.Ltmp0, $4  }
0x2fd: {  	[dreg:$0x10] =	wrdreg s30  }
0x2fe: {  	[dreg:$0x11] =	wrdreg s6  }
0x2ff: {  	[hbm:s29], [sflag:s30] =	dma.local [spmem:s6], $0x2780  }
0x300: {  	_ =	swait.ge [sflag:s5], $0x2780;
	s16 =	sadd.s32 $0xFFFFFFFF, s16  }
0x301: {  	s7 =	simm.s32 $0x1800;
	s8 =	simm.s32 $0x1100;
	s21 =	simm.s32 $0x1180  }
0x302: {  	s22 =	simm.s32 $0x1900;
	s23 =	simm.s32 $0x1980;
	s24 =	simm.s32 $0x1200  }
0x303: {  	s25 =	simm.s32 $0x1280;
	s26 =	simm.s32 $0x1A00;
	s28 =	simm.s32 $0x1A80  }
0x304: {  	s29 =	simm.s32 $0x1300;
	s30 =	simm.s32 $0x1380;
	s31 =	simm.s32 $0x1B00  }
.LBB2_2:
0x305: {  	s19 =	rddreg [dreg:$0x4]  }
0x306: {  	[sflag:s5] =	ssyncset.done $0x0;
	s1 =	rddreg [dreg:$0x10]  }
0x307: {  	s4 =	rddreg [dreg:$0x11];
	[sflag:s5] =	ssyncadd.s32 $0xFFFFD880  }
0x308: {  	[spmem:s4], [sflag:s1] =	dma.local [hbm:s19], $0x2780  }
0x309: {  	_ =	swait.ge [sflag:s5], $0x2780  }
0x30a: {  	[sflag:s5] =	ssyncset.done $0x0  }
0x30b: {  	s9 =	rddreg [dreg:$0x5];
	[sflag:s5] =	ssyncadd.s32 $0xFFFFD880  }
0x30c: {  	[tilespmem:s3], [sflag:$0x6] =	stream.linear.gather [hbm4b:s9+s3], $0x800, $0x38;
	[tilespmem:$0x1DC00] =	vst v63  }
0x30d: {  	_ =	swait.ge [sflag:s5], $0x800  }
0x30e: {  	[sflag:s5] =	ssyncset.done $0x0  }
0x30f: {  	s1 =	simm.s32 $0x800;
	s20 =	rddreg [dreg:$0x6];
	[sflag:s5] =	ssyncadd.s32 $0xFFFFF800  }
0x310: {  	[tilespmem:s1], [sflag:$0x6] =	stream.linear.gather [hbm4b:s20+s3], $0x800, $0x38;
	[tilespmem:$0x1DC00] =	vst v63  }
0x311: {  	_ =	swait.ge [sflag:s5], $0x800  }
0x312: {  	[sflag:s5] =	ssyncset.done $0x0  }
0x313: {  	[sflag:s5] =	ssyncadd.s32 $0xFFFFF800  }
0x314: {  	[bflag:$0x0] =	sbarrier.arrive $0xFFFF  }
0x315: {  	s9 =	simm.s32 $0x1000;
	s4 =	rddreg [dreg:$0x7]  }
0x316: {  	[tilespmem:s9], [sflag:$0x5] =	stream.linear.gather [hbm4b:s4+s3], $0x800, $0x38;
	[tilespmem:$0x1DC00] =	vst v63  }
0x317: {  	s20 =	rddreg [dreg:$0x8]  }
0x318: {  	[tilespmem:s7], [sflag:$0x5] =	stream.linear.gather [hbm4b:s20+s3], $0x800, $0x38;
	[tilespmem:$0x1DC00] =	vst v63  }
0x319: {  	_ = 	snop  }
0x31a: {  	[tilespmem:s12], [sflag:$0x1] =	stream.indirect.gather [hbm4b:s10+s11], $0x80, s3, s11, $0xb8;
	[tilespmem:$0x1DC00] =	vst v63  }
0x31b: {  	_ = 	snop  }
0x31c: {  	[tilespmem:s13], [sflag:$0x2] =	stream.indirect.gather [hbm4b:s10+s11], $0x80, s11, s11, $0xb8;
	[tilespmem:$0x1DC00] =	vst v63  }
0x31d: {  	_ =	swait.ge [sflag:s14], $0x4000  }
0x31e: {  	[sflag:s14] =	ssyncset.done $0x0  }
0x31f: {  	[sflag:s14] =	ssyncadd.s32 $0xFFFFC000  }
0x320: {  	[spmem:s2] =	stream.indirect.scatter.add.f32 [tilespmem:s12], [sflag:$0x3], $0x80, s1, s11, $0xb8;
	[tilespmem:$0x1DC00] =	vst v63  }
0x321: {  	_ =	swait.ge [sflag:s15], $0x4000  }
0x322: {  	[sflag:s15] =	ssyncset.done $0x0  }
0x323: {  	s6 =	simm.s32 $0x880;
	[sflag:s15] =	ssyncadd.s32 $0xFFFFC000  }
0x324: {  	[spmem:s2] =	stream.indirect.scatter.add.f32 [tilespmem:s13], [sflag:$0x4], $0x80, s6, s11, $0xb8;
	[tilespmem:$0x1DC00] =	vst v63  }
0x325: {  	_ =	swait.ge [sflag:s17], $0x4000  }
0x326: {  	[sflag:s17] =	ssyncset.done $0x0  }
0x327: {  	[sflag:s17] =	ssyncadd.s32 $0xFFFFC000  }
0x328: {  	_ =	swait.ge [sflag:s18], $0x4000  }
0x329: {  	[sflag:s18] =	ssyncset.done $0x0  }
0x32a: {  	s19 =	simm.s32 $0x100;
	[sflag:s18] =	ssyncadd.s32 $0xFFFFC000  }
0x32b: {  	[tilespmem:s12], [sflag:$0x1] =	stream.indirect.gather [hbm4b:s10+s11], $0x80, s19, s11, $0xb8;
	[tilespmem:$0x1DC00] =	vst v63  }
0x32c: {  	s20 =	simm.s32 $0x180  }
0x32d: {  	[tilespmem:s13], [sflag:$0x2] =	stream.indirect.gather [hbm4b:s10+s11], $0x80, s20, s11, $0xb8;
	[tilespmem:$0x1DC00] =	vst v63  }
0x32e: {  	_ =	swait.ge [sflag:s14], $0x4000  }
0x32f: {  	[sflag:s14] =	ssyncset.done $0x0  }
0x330: {  	s6 =	simm.s32 $0x900;
	[sflag:s14] =	ssyncadd.s32 $0xFFFFC000  }
0x331: {  	[spmem:s2] =	stream.indirect.scatter.add.f32 [tilespmem:s12], [sflag:$0x3], $0x80, s6, s11, $0xb8;
	[tilespmem:$0x1DC00] =	vst v63  }
0x332: {  	_ =	swait.ge [sflag:s15], $0x4000  }
0x333: {  	[sflag:s15] =	ssyncset.done $0x0  }
0x334: {  	s19 =	simm.s32 $0x980;
	[sflag:s15] =	ssyncadd.s32 $0xFFFFC000  }
0x335: {  	[spmem:s2] =	stream.indirect.scatter.add.f32 [tilespmem:s13], [sflag:$0x4], $0x80, s19, s11, $0xb8;
	[tilespmem:$0x1DC00] =	vst v63  }
0x336: {  	_ =	swait.ge [sflag:s17], $0x4000  }
0x337: {  	[sflag:s17] =	ssyncset.done $0x0  }
0x338: {  	[sflag:s17] =	ssyncadd.s32 $0xFFFFC000  }
0x339: {  	_ =	swait.ge [sflag:s18], $0x4000  }
0x33a: {  	[sflag:s18] =	ssyncset.done $0x0  }
0x33b: {  	s20 =	simm.s32 $0x200;
	[sflag:s18] =	ssyncadd.s32 $0xFFFFC000  }
0x33c: {  	[tilespmem:s12], [sflag:$0x1] =	stream.indirect.gather [hbm4b:s10+s11], $0x80, s20, s11, $0xb8;
	[tilespmem:$0x1DC00] =	vst v63  }
0x33d: {  	s6 =	simm.s32 $0x280  }
0x33e: {  	[tilespmem:s13], [sflag:$0x2] =	stream.indirect.gather [hbm4b:s10+s11], $0x80, s6, s11, $0xb8;
	[tilespmem:$0x1DC00] =	vst v63  }
0x33f: {  	_ =	swait.ge [sflag:s14], $0x4000  }
0x340: {  	[sflag:s14] =	ssyncset.done $0x0  }
0x341: {  	s19 =	simm.s32 $0xA00;
	[sflag:s14] =	ssyncadd.s32 $0xFFFFC000  }
0x342: {  	[spmem:s2] =	stream.indirect.scatter.add.f32 [tilespmem:s12], [sflag:$0x3], $0x80, s19, s11, $0xb8;
	[tilespmem:$0x1DC00] =	vst v63  }
0x343: {  	_ =	swait.ge [sflag:s15], $0x4000  }
0x344: {  	[sflag:s15] =	ssyncset.done $0x0  }
0x345: {  	s20 =	simm.s32 $0xA80;
	[sflag:s15] =	ssyncadd.s32 $0xFFFFC000  }
0x346: {  	[spmem:s2] =	stream.indirect.scatter.add.f32 [tilespmem:s13], [sflag:$0x4], $0x80, s20, s11, $0xb8;
	[tilespmem:$0x1DC00] =	vst v63  }
0x347: {  	_ =	swait.ge [sflag:s17], $0x4000  }
0x348: {  	[sflag:s17] =	ssyncset.done $0x0  }
0x349: {  	[sflag:s17] =	ssyncadd.s32 $0xFFFFC000  }
0x34a: {  	_ =	swait.ge [sflag:s18], $0x4000  }
0x34b: {  	[sflag:s18] =	ssyncset.done $0x0  }
0x34c: {  	s6 =	simm.s32 $0x300;
	[sflag:s18] =	ssyncadd.s32 $0xFFFFC000  }
0x34d: {  	[tilespmem:s12], [sflag:$0x1] =	stream.indirect.gather [hbm4b:s10+s11], $0x80, s6, s11, $0xb8;
	[tilespmem:$0x1DC00] =	vst v63  }
0x34e: {  	s19 =	simm.s32 $0x380  }
0x34f: {  	[tilespmem:s13], [sflag:$0x2] =	stream.indirect.gather [hbm4b:s10+s11], $0x80, s19, s11, $0xb8;
	[tilespmem:$0x1DC00] =	vst v63  }
0x350: {  	_ =	swait.ge [sflag:s14], $0x4000  }
0x351: {  	[sflag:s14] =	ssyncset.done $0x0  }
0x352: {  	s20 =	simm.s32 $0xB00;
	[sflag:s14] =	ssyncadd.s32 $0xFFFFC000  }
0x353: {  	[spmem:s2] =	stream.indirect.scatter.add.f32 [tilespmem:s12], [sflag:$0x3], $0x80, s20, s11, $0xb8;
	[tilespmem:$0x1DC00] =	vst v63  }
0x354: {  	_ =	swait.ge [sflag:s15], $0x4000  }
0x355: {  	[sflag:s15] =	ssyncset.done $0x0  }
0x356: {  	s6 =	simm.s32 $0xB80;
	[sflag:s15] =	ssyncadd.s32 $0xFFFFC000  }
0x357: {  	[spmem:s2] =	stream.indirect.scatter.add.f32 [tilespmem:s13], [sflag:$0x4], $0x80, s6, s11, $0xb8;
	[tilespmem:$0x1DC00] =	vst v63  }
0x358: {  	_ =	swait.ge [sflag:s17], $0x4000  }
0x359: {  	[sflag:s17] =	ssyncset.done $0x0  }
0x35a: {  	[sflag:s17] =	ssyncadd.s32 $0xFFFFC000  }
0x35b: {  	_ =	swait.ge [sflag:s18], $0x4000  }
0x35c: {  	[sflag:s18] =	ssyncset.done $0x0  }
0x35d: {  	s19 =	simm.s32 $0x400;
	[sflag:s18] =	ssyncadd.s32 $0xFFFFC000  }
0x35e: {  	[tilespmem:s12], [sflag:$0x1] =	stream.indirect.gather [hbm4b:s10+s11], $0x80, s19, s11, $0xb8;
	[tilespmem:$0x1DC00] =	vst v63  }
0x35f: {  	s20 =	simm.s32 $0x480  }
0x360: {  	[tilespmem:s13], [sflag:$0x2] =	stream.indirect.gather [hbm4b:s10+s11], $0x80, s20, s11, $0xb8;
	[tilespmem:$0x1DC00] =	vst v63  }
0x361: {  	_ =	swait.ge [sflag:s14], $0x4000  }
0x362: {  	[sflag:s14] =	ssyncset.done $0x0  }
0x363: {  	s6 =	simm.s32 $0xC00;
	[sflag:s14] =	ssyncadd.s32 $0xFFFFC000  }
0x364: {  	[spmem:s2] =	stream.indirect.scatter.add.f32 [tilespmem:s12], [sflag:$0x3], $0x80, s6, s11, $0xb8;
	[tilespmem:$0x1DC00] =	vst v63  }
0x365: {  	_ =	swait.ge [sflag:s15], $0x4000  }
0x366: {  	[sflag:s15] =	ssyncset.done $0x0  }
0x367: {  	s19 =	simm.s32 $0xC80;
	[sflag:s15] =	ssyncadd.s32 $0xFFFFC000  }
0x368: {  	[spmem:s2] =	stream.indirect.scatter.add.f32 [tilespmem:s13], [sflag:$0x4], $0x80, s19, s11, $0xb8;
	[tilespmem:$0x1DC00] =	vst v63  }
0x369: {  	_ =	swait.ge [sflag:s17], $0x4000  }
0x36a: {  	[sflag:s17] =	ssyncset.done $0x0  }
0x36b: {  	[sflag:s17] =	ssyncadd.s32 $0xFFFFC000  }
0x36c: {  	_ =	swait.ge [sflag:s18], $0x4000  }
0x36d: {  	[sflag:s18] =	ssyncset.done $0x0  }
0x36e: {  	s20 =	simm.s32 $0x500;
	[sflag:s18] =	ssyncadd.s32 $0xFFFFC000  }
0x36f: {  	[tilespmem:s12], [sflag:$0x1] =	stream.indirect.gather [hbm4b:s10+s11], $0x80, s20, s11, $0xb8;
	[tilespmem:$0x1DC00] =	vst v63  }
0x370: {  	s6 =	simm.s32 $0x580  }
0x371: {  	[tilespmem:s13], [sflag:$0x2] =	stream.indirect.gather [hbm4b:s10+s11], $0x80, s6, s11, $0xb8;
	[tilespmem:$0x1DC00] =	vst v63  }
0x372: {  	_ =	swait.ge [sflag:s14], $0x4000  }
0x373: {  	[sflag:s14] =	ssyncset.done $0x0  }
0x374: {  	s19 =	simm.s32 $0xD00;
	[sflag:s14] =	ssyncadd.s32 $0xFFFFC000  }
0x375: {  	[spmem:s2] =	stream.indirect.scatter.add.f32 [tilespmem:s12], [sflag:$0x3], $0x80, s19, s11, $0xb8;
	[tilespmem:$0x1DC00] =	vst v63  }
0x376: {  	_ =	swait.ge [sflag:s15], $0x4000  }
0x377: {  	[sflag:s15] =	ssyncset.done $0x0  }
0x378: {  	s20 =	simm.s32 $0xD80;
	[sflag:s15] =	ssyncadd.s32 $0xFFFFC000  }
0x379: {  	[spmem:s2] =	stream.indirect.scatter.add.f32 [tilespmem:s13], [sflag:$0x4], $0x80, s20, s11, $0xb8;
	[tilespmem:$0x1DC00] =	vst v63  }
0x37a: {  	_ =	swait.ge [sflag:s17], $0x4000  }
0x37b: {  	[sflag:s17] =	ssyncset.done $0x0  }
0x37c: {  	[sflag:s17] =	ssyncadd.s32 $0xFFFFC000  }
0x37d: {  	_ =	swait.ge [sflag:s18], $0x4000  }
0x37e: {  	[sflag:s18] =	ssyncset.done $0x0  }
0x37f: {  	s6 =	simm.s32 $0x600;
	[sflag:s18] =	ssyncadd.s32 $0xFFFFC000  }
0x380: {  	[tilespmem:s12], [sflag:$0x1] =	stream.indirect.gather [hbm4b:s10+s11], $0x80, s6, s11, $0xb8;
	[tilespmem:$0x1DC00] =	vst v63  }
0x381: {  	s19 =	simm.s32 $0x680  }
0x382: {  	[tilespmem:s13], [sflag:$0x2] =	stream.indirect.gather [hbm4b:s10+s11], $0x80, s19, s11, $0xb8;
	[tilespmem:$0x1DC00] =	vst v63  }
0x383: {  	_ =	swait.ge [sflag:s14], $0x4000  }
0x384: {  	[sflag:s14] =	ssyncset.done $0x0  }
0x385: {  	s20 =	simm.s32 $0xE00;
	[sflag:s14] =	ssyncadd.s32 $0xFFFFC000  }
0x386: {  	[spmem:s2] =	stream.indirect.scatter.add.f32 [tilespmem:s12], [sflag:$0x3], $0x80, s20, s11, $0xb8;
	[tilespmem:$0x1DC00] =	vst v63  }
0x387: {  	_ =	swait.ge [sflag:s15], $0x4000  }
0x388: {  	[sflag:s15] =	ssyncset.done $0x0  }
0x389: {  	s6 =	simm.s32 $0xE80;
	[sflag:s15] =	ssyncadd.s32 $0xFFFFC000  }
0x38a: {  	[spmem:s2] =	stream.indirect.scatter.add.f32 [tilespmem:s13], [sflag:$0x4], $0x80, s6, s11, $0xb8;
	[tilespmem:$0x1DC00] =	vst v63  }
0x38b: {  	_ =	swait.ge [sflag:s17], $0x4000  }
0x38c: {  	[sflag:s17] =	ssyncset.done $0x0  }
0x38d: {  	[sflag:s17] =	ssyncadd.s32 $0xFFFFC000  }
0x38e: {  	_ =	swait.ge [sflag:s18], $0x4000  }
0x38f: {  	[sflag:s18] =	ssyncset.done $0x0  }
0x390: {  	s19 =	simm.s32 $0x700;
	[sflag:s18] =	ssyncadd.s32 $0xFFFFC000  }
0x391: {  	[tilespmem:s12], [sflag:$0x1] =	stream.indirect.gather [hbm4b:s10+s11], $0x80, s19, s11, $0xb8;
	[tilespmem:$0x1DC00] =	vst v63  }
0x392: {  	s20 =	simm.s32 $0x780  }
0x393: {  	[tilespmem:s13], [sflag:$0x2] =	stream.indirect.gather [hbm4b:s10+s11], $0x80, s20, s11, $0xb8;
	[tilespmem:$0x1DC00] =	vst v63  }
0x394: {  	_ =	swait.ge [sflag:s14], $0x4000  }
0x395: {  	[sflag:s14] =	ssyncset.done $0x0  }
0x396: {  	s6 =	simm.s32 $0xF00;
	[sflag:s14] =	ssyncadd.s32 $0xFFFFC000  }
0x397: {  	[spmem:s2] =	stream.indirect.scatter.add.f32 [tilespmem:s12], [sflag:$0x3], $0x80, s6, s11, $0xb8;
	[tilespmem:$0x1DC00] =	vst v63  }
0x398: {  	_ =	swait.ge [sflag:s15], $0x4000  }
0x399: {  	[sflag:s15] =	ssyncset.done $0x0  }
0x39a: {  	s19 =	simm.s32 $0xF80;
	[sflag:s15] =	ssyncadd.s32 $0xFFFFC000  }
0x39b: {  	[spmem:s2] =	stream.indirect.scatter.add.f32 [tilespmem:s13], [sflag:$0x4], $0x80, s19, s11, $0xb8;
	[tilespmem:$0x1DC00] =	vst v63  }
0x39c: {  	_ =	swait.ge [sflag:s0], $0x800  }
0x39d: {  	[sflag:s0] =	ssyncset.done $0x0  }
0x39e: {  	[sflag:s0] =	ssyncadd.s32 $0xFFFFF800  }
0x39f: {  	_ =	swait.ge [sflag:s0], $0x800  }
0x3a0: {  	[sflag:s0] =	ssyncset.done $0x0  }
0x3a1: {  	[sflag:s0] =	ssyncadd.s32 $0xFFFFF800  }
0x3a2: {  	_ =	swait.ge [sflag:s17], $0x4000  }
0x3a3: {  	[sflag:s17] =	ssyncset.done $0x0  }
0x3a4: {  	[sflag:s17] =	ssyncadd.s32 $0xFFFFC000  }
0x3a5: {  	_ =	swait.ge [sflag:s18], $0x4000  }
0x3a6: {  	[sflag:s18] =	ssyncset.done $0x0  }
0x3a7: {  	s20 =	rddreg [dreg:$0x9];
	[sflag:s18] =	ssyncadd.s32 $0xFFFFC000  }
0x3a8: {  	[tilespmem:s3], [sflag:$0x5] =	stream.linear.gather [hbm4b:s20+s3], $0x800, $0x38;
	[tilespmem:$0x1DC00] =	vst v63  }
0x3a9: {  	s4 =	rddreg [dreg:$0xa]  }
0x3aa: {  	[tilespmem:s1], [sflag:$0x5] =	stream.linear.gather [hbm4b:s4+s3], $0x800, $0x38;
	[tilespmem:$0x1DC00] =	vst v63  }
0x3ab: {  	_ = 	snop  }
0x3ac: {  	[tilespmem:s12], [sflag:$0x1] =	stream.indirect.gather [hbm4b:s10+s11], $0x80, s9, s11, $0xb8;
	[tilespmem:$0x1DC00] =	vst v63  }
0x3ad: {  	s6 =	simm.s32 $0x1080  }
0x3ae: {  	[tilespmem:s13], [sflag:$0x2] =	stream.indirect.gather [hbm4b:s10+s11], $0x80, s6, s11, $0xb8;
	[tilespmem:$0x1DC00] =	vst v63  }
0x3af: {  	_ =	swait.ge [sflag:s14], $0x4000  }
0x3b0: {  	[sflag:s14] =	ssyncset.done $0x0  }
0x3b1: {  	[sflag:s14] =	ssyncadd.s32 $0xFFFFC000  }
0x3b2: {  	[spmem:s2] =	stream.indirect.scatter.add.f32 [tilespmem:s12], [sflag:$0x3], $0x80, s7, s11, $0xb8;
	[tilespmem:$0x1DC00] =	vst v63  }
0x3b3: {  	_ =	swait.ge [sflag:s15], $0x4000  }
0x3b4: {  	[sflag:s15] =	ssyncset.done $0x0  }
0x3b5: {  	s6 =	simm.s32 $0x1880;
	[sflag:s15] =	ssyncadd.s32 $0xFFFFC000  }
0x3b6: {  	[spmem:s2] =	stream.indirect.scatter.add.f32 [tilespmem:s13], [sflag:$0x4], $0x80, s6, s11, $0xb8;
	[tilespmem:$0x1DC00] =	vst v63  }
0x3b7: {  	_ =	swait.ge [sflag:s17], $0x4000  }
0x3b8: {  	[sflag:s17] =	ssyncset.done $0x0  }
0x3b9: {  	[sflag:s17] =	ssyncadd.s32 $0xFFFFC000  }
0x3ba: {  	_ =	swait.ge [sflag:s18], $0x4000  }
0x3bb: {  	[sflag:s18] =	ssyncset.done $0x0  }
0x3bc: {  	[sflag:s18] =	ssyncadd.s32 $0xFFFFC000  }
0x3bd: {  	[tilespmem:s12], [sflag:$0x1] =	stream.indirect.gather [hbm4b:s10+s11], $0x80, s8, s11, $0xb8;
	[tilespmem:$0x1DC00] =	vst v63  }
0x3be: {  	_ = 	snop  }
0x3bf: {  	[tilespmem:s13], [sflag:$0x2] =	stream.indirect.gather [hbm4b:s10+s11], $0x80, s21, s11, $0xb8;
	[tilespmem:$0x1DC00] =	vst v63  }
0x3c0: {  	_ =	swait.ge [sflag:s14], $0x4000  }
0x3c1: {  	[sflag:s14] =	ssyncset.done $0x0  }
0x3c2: {  	[sflag:s14] =	ssyncadd.s32 $0xFFFFC000  }
0x3c3: {  	[spmem:s2] =	stream.indirect.scatter.add.f32 [tilespmem:s12], [sflag:$0x3], $0x80, s22, s11, $0xb8;
	[tilespmem:$0x1DC00] =	vst v63  }
0x3c4: {  	_ =	swait.ge [sflag:s15], $0x4000  }
0x3c5: {  	[sflag:s15] =	ssyncset.done $0x0  }
0x3c6: {  	[sflag:s15] =	ssyncadd.s32 $0xFFFFC000  }
0x3c7: {  	[spmem:s2] =	stream.indirect.scatter.add.f32 [tilespmem:s13], [sflag:$0x4], $0x80, s23, s11, $0xb8;
	[tilespmem:$0x1DC00] =	vst v63  }
0x3c8: {  	_ =	swait.ge [sflag:s17], $0x4000  }
0x3c9: {  	[sflag:s17] =	ssyncset.done $0x0  }
0x3ca: {  	[sflag:s17] =	ssyncadd.s32 $0xFFFFC000  }
0x3cb: {  	_ =	swait.ge [sflag:s18], $0x4000  }
0x3cc: {  	[sflag:s18] =	ssyncset.done $0x0  }
0x3cd: {  	[sflag:s18] =	ssyncadd.s32 $0xFFFFC000  }
0x3ce: {  	[tilespmem:s12], [sflag:$0x1] =	stream.indirect.gather [hbm4b:s10+s11], $0x80, s24, s11, $0xb8;
	[tilespmem:$0x1DC00] =	vst v63  }
0x3cf: {  	_ = 	snop  }
0x3d0: {  	[tilespmem:s13], [sflag:$0x2] =	stream.indirect.gather [hbm4b:s10+s11], $0x80, s25, s11, $0xb8;
	[tilespmem:$0x1DC00] =	vst v63  }
0x3d1: {  	_ =	swait.ge [sflag:s14], $0x4000  }
0x3d2: {  	[sflag:s14] =	ssyncset.done $0x0  }
0x3d3: {  	[sflag:s14] =	ssyncadd.s32 $0xFFFFC000  }
0x3d4: {  	[spmem:s2] =	stream.indirect.scatter.add.f32 [tilespmem:s12], [sflag:$0x3], $0x80, s26, s11, $0xb8;
	[tilespmem:$0x1DC00] =	vst v63  }
0x3d5: {  	_ =	swait.ge [sflag:s15], $0x4000  }
0x3d6: {  	[sflag:s15] =	ssyncset.done $0x0  }
0x3d7: {  	[sflag:s15] =	ssyncadd.s32 $0xFFFFC000  }
0x3d8: {  	[spmem:s2] =	stream.indirect.scatter.add.f32 [tilespmem:s13], [sflag:$0x4], $0x80, s28, s11, $0xb8;
	[tilespmem:$0x1DC00] =	vst v63  }
0x3d9: {  	_ =	swait.ge [sflag:s17], $0x4000  }
0x3da: {  	[sflag:s17] =	ssyncset.done $0x0  }
0x3db: {  	[sflag:s17] =	ssyncadd.s32 $0xFFFFC000  }
0x3dc: {  	_ =	swait.ge [sflag:s18], $0x4000  }
0x3dd: {  	[sflag:s18] =	ssyncset.done $0x0  }
0x3de: {  	[sflag:s18] =	ssyncadd.s32 $0xFFFFC000  }
0x3df: {  	[tilespmem:s12], [sflag:$0x1] =	stream.indirect.gather [hbm4b:s10+s11], $0x80, s29, s11, $0xb8;
	[tilespmem:$0x1DC00] =	vst v63  }
0x3e0: {  	_ = 	snop  }
0x3e1: {  	[tilespmem:s13], [sflag:$0x2] =	stream.indirect.gather [hbm4b:s10+s11], $0x80, s30, s11, $0xb8;
	[tilespmem:$0x1DC00] =	vst v63  }
0x3e2: {  	_ =	swait.ge [sflag:s14], $0x4000  }
0x3e3: {  	[sflag:s14] =	ssyncset.done $0x0  }
0x3e4: {  	[sflag:s14] =	ssyncadd.s32 $0xFFFFC000  }
0x3e5: {  	[spmem:s2] =	stream.indirect.scatter.add.f32 [tilespmem:s12], [sflag:$0x3], $0x80, s31, s11, $0xb8;
	[tilespmem:$0x1DC00] =	vst v63  }
0x3e6: {  	_ =	swait.ge [sflag:s15], $0x4000  }
0x3e7: {  	[sflag:s15] =	ssyncset.done $0x0  }
0x3e8: {  	s19 =	simm.s32 $0x1B80;
	[sflag:s15] =	ssyncadd.s32 $0xFFFFC000  }
0x3e9: {  	[spmem:s2] =	stream.indirect.scatter.add.f32 [tilespmem:s13], [sflag:$0x4], $0x80, s19, s11, $0xb8;
	[tilespmem:$0x1DC00] =	vst v63  }
0x3ea: {  	_ =	swait.ge [sflag:s17], $0x4000  }
0x3eb: {  	[sflag:s17] =	ssyncset.done $0x0  }
0x3ec: {  	[sflag:s17] =	ssyncadd.s32 $0xFFFFC000  }
0x3ed: {  	_ =	swait.ge [sflag:s18], $0x4000  }
0x3ee: {  	[sflag:s18] =	ssyncset.done $0x0  }
0x3ef: {  	s20 =	simm.s32 $0x1400;
	[sflag:s18] =	ssyncadd.s32 $0xFFFFC000  }
0x3f0: {  	[tilespmem:s12], [sflag:$0x1] =	stream.indirect.gather [hbm4b:s10+s11], $0x80, s20, s11, $0xb8;
	[tilespmem:$0x1DC00] =	vst v63  }
0x3f1: {  	s19 =	simm.s32 $0x1480  }
0x3f2: {  	[tilespmem:s13], [sflag:$0x2] =	stream.indirect.gather [hbm4b:s10+s11], $0x80, s19, s11, $0xb8;
	[tilespmem:$0x1DC00] =	vst v63  }
0x3f3: {  	_ =	swait.ge [sflag:s14], $0x4000  }
0x3f4: {  	[sflag:s14] =	ssyncset.done $0x0  }
0x3f5: {  	s20 =	simm.s32 $0x1C00;
	[sflag:s14] =	ssyncadd.s32 $0xFFFFC000  }
0x3f6: {  	[spmem:s2] =	stream.indirect.scatter.add.f32 [tilespmem:s12], [sflag:$0x3], $0x80, s20, s11, $0xb8;
	[tilespmem:$0x1DC00] =	vst v63  }
0x3f7: {  	_ =	swait.ge [sflag:s15], $0x4000  }
0x3f8: {  	[sflag:s15] =	ssyncset.done $0x0  }
0x3f9: {  	s19 =	simm.s32 $0x1C80;
	[sflag:s15] =	ssyncadd.s32 $0xFFFFC000  }
0x3fa: {  	[spmem:s2] =	stream.indirect.scatter.add.f32 [tilespmem:s13], [sflag:$0x4], $0x80, s19, s11, $0xb8;
	[tilespmem:$0x1DC00] =	vst v63  }
0x3fb: {  	_ =	swait.ge [sflag:s17], $0x4000  }
0x3fc: {  	[sflag:s17] =	ssyncset.done $0x0  }
0x3fd: {  	[sflag:s17] =	ssyncadd.s32 $0xFFFFC000  }
0x3fe: {  	_ =	swait.ge [sflag:s18], $0x4000  }
0x3ff: {  	[sflag:s18] =	ssyncset.done $0x0  }
0x400: {  	s20 =	simm.s32 $0x1500;
	[sflag:s18] =	ssyncadd.s32 $0xFFFFC000  }
0x401: {  	[tilespmem:s12], [sflag:$0x1] =	stream.indirect.gather [hbm4b:s10+s11], $0x80, s20, s11, $0xb8;
	[tilespmem:$0x1DC00] =	vst v63  }
0x402: {  	s19 =	simm.s32 $0x1580  }
0x403: {  	[tilespmem:s13], [sflag:$0x2] =	stream.indirect.gather [hbm4b:s10+s11], $0x80, s19, s11, $0xb8;
	[tilespmem:$0x1DC00] =	vst v63  }
0x404: {  	_ =	swait.ge [sflag:s14], $0x4000  }
0x405: {  	[sflag:s14] =	ssyncset.done $0x0  }
0x406: {  	s20 =	simm.s32 $0x1D00;
	[sflag:s14] =	ssyncadd.s32 $0xFFFFC000  }
0x407: {  	[spmem:s2] =	stream.indirect.scatter.add.f32 [tilespmem:s12], [sflag:$0x3], $0x80, s20, s11, $0xb8;
	[tilespmem:$0x1DC00] =	vst v63  }
0x408: {  	_ =	swait.ge [sflag:s15], $0x4000  }
0x409: {  	[sflag:s15] =	ssyncset.done $0x0  }
0x40a: {  	s19 =	simm.s32 $0x1D80;
	[sflag:s15] =	ssyncadd.s32 $0xFFFFC000  }
0x40b: {  	[spmem:s2] =	stream.indirect.scatter.add.f32 [tilespmem:s13], [sflag:$0x4], $0x80, s19, s11, $0xb8;
	[tilespmem:$0x1DC00] =	vst v63  }
0x40c: {  	_ =	swait.ge [sflag:s17], $0x4000  }
0x40d: {  	[sflag:s17] =	ssyncset.done $0x0  }
0x40e: {  	[sflag:s17] =	ssyncadd.s32 $0xFFFFC000  }
0x40f: {  	_ =	swait.ge [sflag:s18], $0x4000  }
0x410: {  	[sflag:s18] =	ssyncset.done $0x0  }
0x411: {  	s20 =	simm.s32 $0x1600;
	[sflag:s18] =	ssyncadd.s32 $0xFFFFC000  }
0x412: {  	[tilespmem:s12], [sflag:$0x1] =	stream.indirect.gather [hbm4b:s10+s11], $0x80, s20, s11, $0xb8;
	[tilespmem:$0x1DC00] =	vst v63  }
0x413: {  	s19 =	simm.s32 $0x1680  }
0x414: {  	[tilespmem:s13], [sflag:$0x2] =	stream.indirect.gather [hbm4b:s10+s11], $0x80, s19, s11, $0xb8;
	[tilespmem:$0x1DC00] =	vst v63  }
0x415: {  	_ =	swait.ge [sflag:s14], $0x4000  }
0x416: {  	[sflag:s14] =	ssyncset.done $0x0  }
0x417: {  	s20 =	simm.s32 $0x1E00;
	[sflag:s14] =	ssyncadd.s32 $0xFFFFC000  }
0x418: {  	[spmem:s2] =	stream.indirect.scatter.add.f32 [tilespmem:s12], [sflag:$0x3], $0x80, s20, s11, $0xb8;
	[tilespmem:$0x1DC00] =	vst v63  }
0x419: {  	_ =	swait.ge [sflag:s15], $0x4000  }
0x41a: {  	[sflag:s15] =	ssyncset.done $0x0  }
0x41b: {  	s19 =	simm.s32 $0x1E80;
	[sflag:s15] =	ssyncadd.s32 $0xFFFFC000  }
0x41c: {  	[spmem:s2] =	stream.indirect.scatter.add.f32 [tilespmem:s13], [sflag:$0x4], $0x80, s19, s11, $0xb8;
	[tilespmem:$0x1DC00] =	vst v63  }
0x41d: {  	_ =	swait.ge [sflag:s17], $0x4000  }
0x41e: {  	[sflag:s17] =	ssyncset.done $0x0  }
0x41f: {  	[sflag:s17] =	ssyncadd.s32 $0xFFFFC000  }
0x420: {  	_ =	swait.ge [sflag:s18], $0x4000  }
0x421: {  	[sflag:s18] =	ssyncset.done $0x0  }
0x422: {  	s20 =	simm.s32 $0x1700;
	[sflag:s18] =	ssyncadd.s32 $0xFFFFC000  }
0x423: {  	[tilespmem:s12], [sflag:$0x1] =	stream.indirect.gather [hbm4b:s10+s11], $0x80, s20, s11, $0xb8;
	[tilespmem:$0x1DC00] =	vst v63  }
0x424: {  	s19 =	simm.s32 $0x1780  }
0x425: {  	[tilespmem:s13], [sflag:$0x2] =	stream.indirect.gather [hbm4b:s10+s11], $0x80, s19, s11, $0xb8;
	[tilespmem:$0x1DC00] =	vst v63  }
0x426: {  	_ =	swait.ge [sflag:s14], $0x4000  }
0x427: {  	[sflag:s14] =	ssyncset.done $0x0  }
0x428: {  	s20 =	simm.s32 $0x1F00;
	[sflag:s14] =	ssyncadd.s32 $0xFFFFC000  }
0x429: {  	[spmem:s2] =	stream.indirect.scatter.add.f32 [tilespmem:s12], [sflag:$0x3], $0x80, s20, s11, $0xb8;
	[tilespmem:$0x1DC00] =	vst v63  }
0x42a: {  	_ =	swait.ge [sflag:s15], $0x4000  }
0x42b: {  	[sflag:s15] =	ssyncset.done $0x0  }
0x42c: {  	s19 =	simm.s32 $0x1F80;
	[sflag:s15] =	ssyncadd.s32 $0xFFFFC000  }
0x42d: {  	[spmem:s2] =	stream.indirect.scatter.add.f32 [tilespmem:s13], [sflag:$0x4], $0x80, s19, s11, $0xb8;
	[tilespmem:$0x1DC00] =	vst v63  }
0x42e: {  	_ =	swait.ge [sflag:s0], $0x800  }
0x42f: {  	[sflag:s0] =	ssyncset.done $0x0  }
0x430: {  	[sflag:s0] =	ssyncadd.s32 $0xFFFFF800  }
0x431: {  	_ =	swait.ge [sflag:s0], $0x800  }
0x432: {  	[sflag:s0] =	ssyncset.done $0x0  }
0x433: {  	[sflag:s0] =	ssyncadd.s32 $0xFFFFF800  }
0x434: {  	_ =	swait.ge [sflag:s17], $0x4000  }
0x435: {  	[sflag:s17] =	ssyncset.done $0x0  }
0x436: {  	[sflag:s17] =	ssyncadd.s32 $0xFFFFC000  }
0x437: {  	_ =	swait.ge [sflag:s18], $0x4000  }
0x438: {  	[sflag:s18] =	ssyncset.done $0x0  }
0x439: {  	s20 =	rddreg [dreg:$0xb];
	[sflag:s18] =	ssyncadd.s32 $0xFFFFC000  }
0x43a: {  	[tilespmem:s9], [sflag:$0x5] =	stream.linear.gather [hbm4b:s20+s3], $0x800, $0x38;
	[tilespmem:$0x1DC00] =	vst v63  }
0x43b: {  	s4 =	rddreg [dreg:$0xc]  }
0x43c: {  	[tilespmem:s7], [sflag:$0x5] =	stream.linear.gather [hbm4b:s4+s3], $0x800, $0x38;
	[tilespmem:$0x1DC00] =	vst v63  }
0x43d: {  	_ = 	snop  }
0x43e: {  	[tilespmem:s12], [sflag:$0x1] =	stream.indirect.gather [hbm4b:s10+s11], $0x80, s3, s11, $0xb8;
	[tilespmem:$0x1DC00] =	vst v63  }
0x43f: {  	_ = 	snop  }
0x440: {  	[tilespmem:s13], [sflag:$0x2] =	stream.indirect.gather [hbm4b:s10+s11], $0x80, s11, s11, $0xb8;
	[tilespmem:$0x1DC00] =	vst v63  }
0x441: {  	_ =	swait.ge [sflag:s14], $0x4000  }
0x442: {  	[sflag:s14] =	ssyncset.done $0x0  }
0x443: {  	[sflag:s14] =	ssyncadd.s32 $0xFFFFC000  }
0x444: {  	[spmem:s2] =	stream.indirect.scatter.add.f32 [tilespmem:s12], [sflag:$0x3], $0x80, s1, s11, $0xb8;
	[tilespmem:$0x1DC00] =	vst v63  }
0x445: {  	_ =	swait.ge [sflag:s15], $0x4000  }
0x446: {  	[sflag:s15] =	ssyncset.done $0x0  }
0x447: {  	s4 =	simm.s32 $0x880;
	[sflag:s15] =	ssyncadd.s32 $0xFFFFC000  }
0x448: {  	[spmem:s2] =	stream.indirect.scatter.add.f32 [tilespmem:s13], [sflag:$0x4], $0x80, s4, s11, $0xb8;
	[tilespmem:$0x1DC00] =	vst v63  }
0x449: {  	_ =	swait.ge [sflag:s17], $0x4000  }
0x44a: {  	[sflag:s17] =	ssyncset.done $0x0  }
0x44b: {  	[sflag:s17] =	ssyncadd.s32 $0xFFFFC000  }
0x44c: {  	_ =	swait.ge [sflag:s18], $0x4000  }
0x44d: {  	[sflag:s18] =	ssyncset.done $0x0  }
0x44e: {  	s20 =	simm.s32 $0x100;
	[sflag:s18] =	ssyncadd.s32 $0xFFFFC000  }
0x44f: {  	[tilespmem:s12], [sflag:$0x1] =	stream.indirect.gather [hbm4b:s10+s11], $0x80, s20, s11, $0xb8;
	[tilespmem:$0x1DC00] =	vst v63  }
0x450: {  	s20 =	simm.s32 $0x180  }
0x451: {  	[tilespmem:s13], [sflag:$0x2] =	stream.indirect.gather [hbm4b:s10+s11], $0x80, s20, s11, $0xb8;
	[tilespmem:$0x1DC00] =	vst v63  }
0x452: {  	_ =	swait.ge [sflag:s14], $0x4000  }
0x453: {  	[sflag:s14] =	ssyncset.done $0x0  }
0x454: {  	s20 =	simm.s32 $0x900;
	[sflag:s14] =	ssyncadd.s32 $0xFFFFC000  }
0x455: {  	[spmem:s2] =	stream.indirect.scatter.add.f32 [tilespmem:s12], [sflag:$0x3], $0x80, s20, s11, $0xb8;
	[tilespmem:$0x1DC00] =	vst v63  }
0x456: {  	_ =	swait.ge [sflag:s15], $0x4000  }
0x457: {  	[sflag:s15] =	ssyncset.done $0x0  }
0x458: {  	s20 =	simm.s32 $0x980;
	[sflag:s15] =	ssyncadd.s32 $0xFFFFC000  }
0x459: {  	[spmem:s2] =	stream.indirect.scatter.add.f32 [tilespmem:s13], [sflag:$0x4], $0x80, s20, s11, $0xb8;
	[tilespmem:$0x1DC00] =	vst v63  }
0x45a: {  	_ =	swait.ge [sflag:s17], $0x4000  }
0x45b: {  	[sflag:s17] =	ssyncset.done $0x0  }
0x45c: {  	[sflag:s17] =	ssyncadd.s32 $0xFFFFC000  }
0x45d: {  	_ =	swait.ge [sflag:s18], $0x4000  }
0x45e: {  	[sflag:s18] =	ssyncset.done $0x0  }
0x45f: {  	s20 =	simm.s32 $0x200;
	[sflag:s18] =	ssyncadd.s32 $0xFFFFC000  }
0x460: {  	[tilespmem:s12], [sflag:$0x1] =	stream.indirect.gather [hbm4b:s10+s11], $0x80, s20, s11, $0xb8;
	[tilespmem:$0x1DC00] =	vst v63  }
0x461: {  	s20 =	simm.s32 $0x280  }
0x462: {  	[tilespmem:s13], [sflag:$0x2] =	stream.indirect.gather [hbm4b:s10+s11], $0x80, s20, s11, $0xb8;
	[tilespmem:$0x1DC00] =	vst v63  }
0x463: {  	_ =	swait.ge [sflag:s14], $0x4000  }
0x464: {  	[sflag:s14] =	ssyncset.done $0x0  }
0x465: {  	s20 =	simm.s32 $0xA00;
	[sflag:s14] =	ssyncadd.s32 $0xFFFFC000  }
0x466: {  	[spmem:s2] =	stream.indirect.scatter.add.f32 [tilespmem:s12], [sflag:$0x3], $0x80, s20, s11, $0xb8;
	[tilespmem:$0x1DC00] =	vst v63  }
0x467: {  	_ =	swait.ge [sflag:s15], $0x4000  }
0x468: {  	[sflag:s15] =	ssyncset.done $0x0  }
0x469: {  	s20 =	simm.s32 $0xA80;
	[sflag:s15] =	ssyncadd.s32 $0xFFFFC000  }
0x46a: {  	[spmem:s2] =	stream.indirect.scatter.add.f32 [tilespmem:s13], [sflag:$0x4], $0x80, s20, s11, $0xb8;
	[tilespmem:$0x1DC00] =	vst v63  }
0x46b: {  	_ =	swait.ge [sflag:s17], $0x4000  }
0x46c: {  	[sflag:s17] =	ssyncset.done $0x0  }
0x46d: {  	[sflag:s17] =	ssyncadd.s32 $0xFFFFC000  }
0x46e: {  	_ =	swait.ge [sflag:s18], $0x4000  }
0x46f: {  	[sflag:s18] =	ssyncset.done $0x0  }
0x470: {  	s20 =	simm.s32 $0x300;
	[sflag:s18] =	ssyncadd.s32 $0xFFFFC000  }
0x471: {  	[tilespmem:s12], [sflag:$0x1] =	stream.indirect.gather [hbm4b:s10+s11], $0x80, s20, s11, $0xb8;
	[tilespmem:$0x1DC00] =	vst v63  }
0x472: {  	s20 =	simm.s32 $0x380  }
0x473: {  	[tilespmem:s13], [sflag:$0x2] =	stream.indirect.gather [hbm4b:s10+s11], $0x80, s20, s11, $0xb8;
	[tilespmem:$0x1DC00] =	vst v63  }
0x474: {  	_ =	swait.ge [sflag:s14], $0x4000  }
0x475: {  	[sflag:s14] =	ssyncset.done $0x0  }
0x476: {  	s20 =	simm.s32 $0xB00;
	[sflag:s14] =	ssyncadd.s32 $0xFFFFC000  }
0x477: {  	[spmem:s2] =	stream.indirect.scatter.add.f32 [tilespmem:s12], [sflag:$0x3], $0x80, s20, s11, $0xb8;
	[tilespmem:$0x1DC00] =	vst v63  }
0x478: {  	_ =	swait.ge [sflag:s15], $0x4000  }
0x479: {  	[sflag:s15] =	ssyncset.done $0x0  }
0x47a: {  	s20 =	simm.s32 $0xB80;
	[sflag:s15] =	ssyncadd.s32 $0xFFFFC000  }
0x47b: {  	[spmem:s2] =	stream.indirect.scatter.add.f32 [tilespmem:s13], [sflag:$0x4], $0x80, s20, s11, $0xb8;
	[tilespmem:$0x1DC00] =	vst v63  }
0x47c: {  	_ =	swait.ge [sflag:s17], $0x4000  }
0x47d: {  	[sflag:s17] =	ssyncset.done $0x0  }
0x47e: {  	[sflag:s17] =	ssyncadd.s32 $0xFFFFC000  }
0x47f: {  	_ =	swait.ge [sflag:s18], $0x4000  }
0x480: {  	[sflag:s18] =	ssyncset.done $0x0  }
0x481: {  	s20 =	simm.s32 $0x400;
	[sflag:s18] =	ssyncadd.s32 $0xFFFFC000  }
0x482: {  	[tilespmem:s12], [sflag:$0x1] =	stream.indirect.gather [hbm4b:s10+s11], $0x80, s20, s11, $0xb8;
	[tilespmem:$0x1DC00] =	vst v63  }
0x483: {  	s20 =	simm.s32 $0x480  }
0x484: {  	[tilespmem:s13], [sflag:$0x2] =	stream.indirect.gather [hbm4b:s10+s11], $0x80, s20, s11, $0xb8;
	[tilespmem:$0x1DC00] =	vst v63  }
0x485: {  	_ =	swait.ge [sflag:s14], $0x4000  }
0x486: {  	[sflag:s14] =	ssyncset.done $0x0  }
0x487: {  	s20 =	simm.s32 $0xC00;
	[sflag:s14] =	ssyncadd.s32 $0xFFFFC000  }
0x488: {  	[spmem:s2] =	stream.indirect.scatter.add.f32 [tilespmem:s12], [sflag:$0x3], $0x80, s20, s11, $0xb8;
	[tilespmem:$0x1DC00] =	vst v63  }
0x489: {  	_ =	swait.ge [sflag:s15], $0x4000  }
0x48a: {  	[sflag:s15] =	ssyncset.done $0x0  }
0x48b: {  	s20 =	simm.s32 $0xC80;
	[sflag:s15] =	ssyncadd.s32 $0xFFFFC000  }
0x48c: {  	[spmem:s2] =	stream.indirect.scatter.add.f32 [tilespmem:s13], [sflag:$0x4], $0x80, s20, s11, $0xb8;
	[tilespmem:$0x1DC00] =	vst v63  }
0x48d: {  	_ =	swait.ge [sflag:s17], $0x4000  }
0x48e: {  	[sflag:s17] =	ssyncset.done $0x0  }
0x48f: {  	[sflag:s17] =	ssyncadd.s32 $0xFFFFC000  }
0x490: {  	_ =	swait.ge [sflag:s18], $0x4000  }
0x491: {  	[sflag:s18] =	ssyncset.done $0x0  }
0x492: {  	s20 =	simm.s32 $0x500;
	[sflag:s18] =	ssyncadd.s32 $0xFFFFC000  }
0x493: {  	[tilespmem:s12], [sflag:$0x1] =	stream.indirect.gather [hbm4b:s10+s11], $0x80, s20, s11, $0xb8;
	[tilespmem:$0x1DC00] =	vst v63  }
0x494: {  	s20 =	simm.s32 $0x580  }
0x495: {  	[tilespmem:s13], [sflag:$0x2] =	stream.indirect.gather [hbm4b:s10+s11], $0x80, s20, s11, $0xb8;
	[tilespmem:$0x1DC00] =	vst v63  }
0x496: {  	_ =	swait.ge [sflag:s14], $0x4000  }
0x497: {  	[sflag:s14] =	ssyncset.done $0x0  }
0x498: {  	s20 =	simm.s32 $0xD00;
	[sflag:s14] =	ssyncadd.s32 $0xFFFFC000  }
0x499: {  	[spmem:s2] =	stream.indirect.scatter.add.f32 [tilespmem:s12], [sflag:$0x3], $0x80, s20, s11, $0xb8;
	[tilespmem:$0x1DC00] =	vst v63  }
0x49a: {  	_ =	swait.ge [sflag:s15], $0x4000  }
0x49b: {  	[sflag:s15] =	ssyncset.done $0x0  }
0x49c: {  	s20 =	simm.s32 $0xD80;
	[sflag:s15] =	ssyncadd.s32 $0xFFFFC000  }
0x49d: {  	[spmem:s2] =	stream.indirect.scatter.add.f32 [tilespmem:s13], [sflag:$0x4], $0x80, s20, s11, $0xb8;
	[tilespmem:$0x1DC00] =	vst v63  }
0x49e: {  	_ =	swait.ge [sflag:s17], $0x4000  }
0x49f: {  	[sflag:s17] =	ssyncset.done $0x0  }
0x4a0: {  	[sflag:s17] =	ssyncadd.s32 $0xFFFFC000  }
0x4a1: {  	_ =	swait.ge [sflag:s18], $0x4000  }
0x4a2: {  	[sflag:s18] =	ssyncset.done $0x0  }
0x4a3: {  	s20 =	simm.s32 $0x600;
	[sflag:s18] =	ssyncadd.s32 $0xFFFFC000  }
0x4a4: {  	[tilespmem:s12], [sflag:$0x1] =	stream.indirect.gather [hbm4b:s10+s11], $0x80, s20, s11, $0xb8;
	[tilespmem:$0x1DC00] =	vst v63  }
0x4a5: {  	s20 =	simm.s32 $0x680  }
0x4a6: {  	[tilespmem:s13], [sflag:$0x2] =	stream.indirect.gather [hbm4b:s10+s11], $0x80, s20, s11, $0xb8;
	[tilespmem:$0x1DC00] =	vst v63  }
0x4a7: {  	_ =	swait.ge [sflag:s14], $0x4000  }
0x4a8: {  	[sflag:s14] =	ssyncset.done $0x0  }
0x4a9: {  	s20 =	simm.s32 $0xE00;
	[sflag:s14] =	ssyncadd.s32 $0xFFFFC000  }
0x4aa: {  	[spmem:s2] =	stream.indirect.scatter.add.f32 [tilespmem:s12], [sflag:$0x3], $0x80, s20, s11, $0xb8;
	[tilespmem:$0x1DC00] =	vst v63  }
0x4ab: {  	_ =	swait.ge [sflag:s15], $0x4000  }
0x4ac: {  	[sflag:s15] =	ssyncset.done $0x0  }
0x4ad: {  	s20 =	simm.s32 $0xE80;
	[sflag:s15] =	ssyncadd.s32 $0xFFFFC000  }
0x4ae: {  	[spmem:s2] =	stream.indirect.scatter.add.f32 [tilespmem:s13], [sflag:$0x4], $0x80, s20, s11, $0xb8;
	[tilespmem:$0x1DC00] =	vst v63  }
0x4af: {  	_ =	swait.ge [sflag:s17], $0x4000  }
0x4b0: {  	[sflag:s17] =	ssyncset.done $0x0  }
0x4b1: {  	[sflag:s17] =	ssyncadd.s32 $0xFFFFC000  }
0x4b2: {  	_ =	swait.ge [sflag:s18], $0x4000  }
0x4b3: {  	[sflag:s18] =	ssyncset.done $0x0  }
0x4b4: {  	s20 =	simm.s32 $0x700;
	[sflag:s18] =	ssyncadd.s32 $0xFFFFC000  }
0x4b5: {  	[tilespmem:s12], [sflag:$0x1] =	stream.indirect.gather [hbm4b:s10+s11], $0x80, s20, s11, $0xb8;
	[tilespmem:$0x1DC00] =	vst v63  }
0x4b6: {  	s20 =	simm.s32 $0x780  }
0x4b7: {  	[tilespmem:s13], [sflag:$0x2] =	stream.indirect.gather [hbm4b:s10+s11], $0x80, s20, s11, $0xb8;
	[tilespmem:$0x1DC00] =	vst v63  }
0x4b8: {  	_ =	swait.ge [sflag:s14], $0x4000  }
0x4b9: {  	[sflag:s14] =	ssyncset.done $0x0  }
0x4ba: {  	s20 =	simm.s32 $0xF00;
	[sflag:s14] =	ssyncadd.s32 $0xFFFFC000  }
0x4bb: {  	[spmem:s2] =	stream.indirect.scatter.add.f32 [tilespmem:s12], [sflag:$0x3], $0x80, s20, s11, $0xb8;
	[tilespmem:$0x1DC00] =	vst v63  }
0x4bc: {  	_ =	swait.ge [sflag:s15], $0x4000  }
0x4bd: {  	[sflag:s15] =	ssyncset.done $0x0  }
0x4be: {  	s20 =	simm.s32 $0xF80;
	[sflag:s15] =	ssyncadd.s32 $0xFFFFC000  }
0x4bf: {  	[spmem:s2] =	stream.indirect.scatter.add.f32 [tilespmem:s13], [sflag:$0x4], $0x80, s20, s11, $0xb8;
	[tilespmem:$0x1DC00] =	vst v63  }
0x4c0: {  	_ =	swait.ge [sflag:s0], $0x800  }
0x4c1: {  	[sflag:s0] =	ssyncset.done $0x0  }
0x4c2: {  	[sflag:s0] =	ssyncadd.s32 $0xFFFFF800  }
0x4c3: {  	_ =	swait.ge [sflag:s0], $0x800  }
0x4c4: {  	[sflag:s0] =	ssyncset.done $0x0  }
0x4c5: {  	[sflag:s0] =	ssyncadd.s32 $0xFFFFF800  }
0x4c6: {  	_ =	swait.ge [sflag:s17], $0x4000  }
0x4c7: {  	[sflag:s17] =	ssyncset.done $0x0  }
0x4c8: {  	[sflag:s17] =	ssyncadd.s32 $0xFFFFC000  }
0x4c9: {  	_ =	swait.ge [sflag:s18], $0x4000  }
0x4ca: {  	[sflag:s18] =	ssyncset.done $0x0  }
0x4cb: {  	s19 =	rddreg [dreg:$0xd];
	[sflag:s18] =	ssyncadd.s32 $0xFFFFC000  }
0x4cc: {  	[tilespmem:s3], [sflag:$0x5] =	stream.linear.gather [hbm4b:s19+s3], $0x800, $0x38;
	[tilespmem:$0x1DC00] =	vst v63  }
0x4cd: {  	s20 =	rddreg [dreg:$0xe]  }
0x4ce: {  	[tilespmem:s1], [sflag:$0x5] =	stream.linear.gather [hbm4b:s20+s3], $0x800, $0x38;
	[tilespmem:$0x1DC00] =	vst v63  }
0x4cf: {  	_ = 	snop  }
0x4d0: {  	[tilespmem:s12], [sflag:$0x1] =	stream.indirect.gather [hbm4b:s10+s11], $0x80, s9, s11, $0xb8;
	[tilespmem:$0x1DC00] =	vst v63  }
0x4d1: {  	s19 =	simm.s32 $0x1080  }
0x4d2: {  	[tilespmem:s13], [sflag:$0x2] =	stream.indirect.gather [hbm4b:s10+s11], $0x80, s19, s11, $0xb8;
	[tilespmem:$0x1DC00] =	vst v63  }
0x4d3: {  	_ =	swait.ge [sflag:s14], $0x4000  }
0x4d4: {  	[sflag:s14] =	ssyncset.done $0x0  }
0x4d5: {  	[sflag:s14] =	ssyncadd.s32 $0xFFFFC000  }
0x4d6: {  	[spmem:s2] =	stream.indirect.scatter.add.f32 [tilespmem:s12], [sflag:$0x3], $0x80, s7, s11, $0xb8;
	[tilespmem:$0x1DC00] =	vst v63  }
0x4d7: {  	_ =	swait.ge [sflag:s15], $0x4000  }
0x4d8: {  	[sflag:s15] =	ssyncset.done $0x0  }
0x4d9: {  	[sflag:s15] =	ssyncadd.s32 $0xFFFFC000  }
0x4da: {  	[spmem:s2] =	stream.indirect.scatter.add.f32 [tilespmem:s13], [sflag:$0x4], $0x80, s6, s11, $0xb8;
	[tilespmem:$0x1DC00] =	vst v63  }
0x4db: {  	_ =	swait.ge [sflag:s17], $0x4000  }
0x4dc: {  	[sflag:s17] =	ssyncset.done $0x0  }
0x4dd: {  	[sflag:s17] =	ssyncadd.s32 $0xFFFFC000  }
0x4de: {  	_ =	swait.ge [sflag:s18], $0x4000  }
0x4df: {  	[sflag:s18] =	ssyncset.done $0x0  }
0x4e0: {  	[sflag:s18] =	ssyncadd.s32 $0xFFFFC000  }
0x4e1: {  	[tilespmem:s12], [sflag:$0x1] =	stream.indirect.gather [hbm4b:s10+s11], $0x80, s8, s11, $0xb8;
	[tilespmem:$0x1DC00] =	vst v63  }
0x4e2: {  	_ = 	snop  }
0x4e3: {  	[tilespmem:s13], [sflag:$0x2] =	stream.indirect.gather [hbm4b:s10+s11], $0x80, s21, s11, $0xb8;
	[tilespmem:$0x1DC00] =	vst v63  }
0x4e4: {  	_ =	swait.ge [sflag:s14], $0x4000  }
0x4e5: {  	[sflag:s14] =	ssyncset.done $0x0  }
0x4e6: {  	[sflag:s14] =	ssyncadd.s32 $0xFFFFC000  }
0x4e7: {  	[spmem:s2] =	stream.indirect.scatter.add.f32 [tilespmem:s12], [sflag:$0x3], $0x80, s22, s11, $0xb8;
	[tilespmem:$0x1DC00] =	vst v63  }
0x4e8: {  	_ =	swait.ge [sflag:s15], $0x4000  }
0x4e9: {  	[sflag:s15] =	ssyncset.done $0x0  }
0x4ea: {  	[sflag:s15] =	ssyncadd.s32 $0xFFFFC000  }
0x4eb: {  	[spmem:s2] =	stream.indirect.scatter.add.f32 [tilespmem:s13], [sflag:$0x4], $0x80, s23, s11, $0xb8;
	[tilespmem:$0x1DC00] =	vst v63  }
0x4ec: {  	_ =	swait.ge [sflag:s17], $0x4000  }
0x4ed: {  	[sflag:s17] =	ssyncset.done $0x0  }
0x4ee: {  	[sflag:s17] =	ssyncadd.s32 $0xFFFFC000  }
0x4ef: {  	_ =	swait.ge [sflag:s18], $0x4000  }
0x4f0: {  	[sflag:s18] =	ssyncset.done $0x0  }
0x4f1: {  	[sflag:s18] =	ssyncadd.s32 $0xFFFFC000  }
0x4f2: {  	[tilespmem:s12], [sflag:$0x1] =	stream.indirect.gather [hbm4b:s10+s11], $0x80, s24, s11, $0xb8;
	[tilespmem:$0x1DC00] =	vst v63  }
0x4f3: {  	_ = 	snop  }
0x4f4: {  	[tilespmem:s13], [sflag:$0x2] =	stream.indirect.gather [hbm4b:s10+s11], $0x80, s25, s11, $0xb8;
	[tilespmem:$0x1DC00] =	vst v63  }
0x4f5: {  	_ =	swait.ge [sflag:s14], $0x4000  }
0x4f6: {  	[sflag:s14] =	ssyncset.done $0x0  }
0x4f7: {  	[sflag:s14] =	ssyncadd.s32 $0xFFFFC000  }
0x4f8: {  	[spmem:s2] =	stream.indirect.scatter.add.f32 [tilespmem:s12], [sflag:$0x3], $0x80, s26, s11, $0xb8;
	[tilespmem:$0x1DC00] =	vst v63  }
0x4f9: {  	_ =	swait.ge [sflag:s15], $0x4000  }
0x4fa: {  	[sflag:s15] =	ssyncset.done $0x0  }
0x4fb: {  	[sflag:s15] =	ssyncadd.s32 $0xFFFFC000  }
0x4fc: {  	[spmem:s2] =	stream.indirect.scatter.add.f32 [tilespmem:s13], [sflag:$0x4], $0x80, s28, s11, $0xb8;
	[tilespmem:$0x1DC00] =	vst v63  }
0x4fd: {  	_ =	swait.ge [sflag:s17], $0x4000  }
0x4fe: {  	[sflag:s17] =	ssyncset.done $0x0  }
0x4ff: {  	[sflag:s17] =	ssyncadd.s32 $0xFFFFC000  }
0x500: {  	_ =	swait.ge [sflag:s18], $0x4000  }
0x501: {  	[sflag:s18] =	ssyncset.done $0x0  }
0x502: {  	[sflag:s18] =	ssyncadd.s32 $0xFFFFC000  }
0x503: {  	[tilespmem:s12], [sflag:$0x1] =	stream.indirect.gather [hbm4b:s10+s11], $0x80, s29, s11, $0xb8;
	[tilespmem:$0x1DC00] =	vst v63  }
0x504: {  	_ = 	snop  }
0x505: {  	[tilespmem:s13], [sflag:$0x2] =	stream.indirect.gather [hbm4b:s10+s11], $0x80, s30, s11, $0xb8;
	[tilespmem:$0x1DC00] =	vst v63  }
0x506: {  	_ =	swait.ge [sflag:s14], $0x4000  }
0x507: {  	[sflag:s14] =	ssyncset.done $0x0  }
0x508: {  	[sflag:s14] =	ssyncadd.s32 $0xFFFFC000  }
0x509: {  	[spmem:s2] =	stream.indirect.scatter.add.f32 [tilespmem:s12], [sflag:$0x3], $0x80, s31, s11, $0xb8;
	[tilespmem:$0x1DC00] =	vst v63  }
0x50a: {  	_ =	swait.ge [sflag:s15], $0x4000  }
0x50b: {  	[sflag:s15] =	ssyncset.done $0x0  }
0x50c: {  	s20 =	simm.s32 $0x1B80;
	[sflag:s15] =	ssyncadd.s32 $0xFFFFC000  }
0x50d: {  	[spmem:s2] =	stream.indirect.scatter.add.f32 [tilespmem:s13], [sflag:$0x4], $0x80, s20, s11, $0xb8;
	[tilespmem:$0x1DC00] =	vst v63  }
0x50e: {  	_ =	swait.ge [sflag:s17], $0x4000  }
0x50f: {  	[sflag:s17] =	ssyncset.done $0x0  }
0x510: {  	[sflag:s17] =	ssyncadd.s32 $0xFFFFC000  }
0x511: {  	_ =	swait.ge [sflag:s18], $0x4000  }
0x512: {  	[sflag:s18] =	ssyncset.done $0x0  }
0x513: {  	s9 =	simm.s32 $0x1400;
	[sflag:s18] =	ssyncadd.s32 $0xFFFFC000  }
0x514: {  	[tilespmem:s12], [sflag:$0x1] =	stream.indirect.gather [hbm4b:s10+s11], $0x80, s9, s11, $0xb8;
	[tilespmem:$0x1DC00] =	vst v63  }
0x515: {  	s19 =	simm.s32 $0x1480  }
0x516: {  	[tilespmem:s13], [sflag:$0x2] =	stream.indirect.gather [hbm4b:s10+s11], $0x80, s19, s11, $0xb8;
	[tilespmem:$0x1DC00] =	vst v63  }
0x517: {  	_ =	swait.ge [sflag:s14], $0x4000  }
0x518: {  	[sflag:s14] =	ssyncset.done $0x0  }
0x519: {  	s20 =	simm.s32 $0x1C00;
	[sflag:s14] =	ssyncadd.s32 $0xFFFFC000  }
0x51a: {  	[spmem:s2] =	stream.indirect.scatter.add.f32 [tilespmem:s12], [sflag:$0x3], $0x80, s20, s11, $0xb8;
	[tilespmem:$0x1DC00] =	vst v63  }
0x51b: {  	_ =	swait.ge [sflag:s15], $0x4000  }
0x51c: {  	[sflag:s15] =	ssyncset.done $0x0  }
0x51d: {  	s9 =	simm.s32 $0x1C80;
	[sflag:s15] =	ssyncadd.s32 $0xFFFFC000  }
0x51e: {  	[spmem:s2] =	stream.indirect.scatter.add.f32 [tilespmem:s13], [sflag:$0x4], $0x80, s9, s11, $0xb8;
	[tilespmem:$0x1DC00] =	vst v63  }
0x51f: {  	_ =	swait.ge [sflag:s17], $0x4000  }
0x520: {  	[sflag:s17] =	ssyncset.done $0x0  }
0x521: {  	[sflag:s17] =	ssyncadd.s32 $0xFFFFC000  }
0x522: {  	_ =	swait.ge [sflag:s18], $0x4000  }
0x523: {  	[sflag:s18] =	ssyncset.done $0x0  }
0x524: {  	s19 =	simm.s32 $0x1500;
	[sflag:s18] =	ssyncadd.s32 $0xFFFFC000  }
0x525: {  	[tilespmem:s12], [sflag:$0x1] =	stream.indirect.gather [hbm4b:s10+s11], $0x80, s19, s11, $0xb8;
	[tilespmem:$0x1DC00] =	vst v63  }
0x526: {  	s20 =	simm.s32 $0x1580  }
0x527: {  	[tilespmem:s13], [sflag:$0x2] =	stream.indirect.gather [hbm4b:s10+s11], $0x80, s20, s11, $0xb8;
	[tilespmem:$0x1DC00] =	vst v63  }
0x528: {  	_ =	swait.ge [sflag:s14], $0x4000  }
0x529: {  	[sflag:s14] =	ssyncset.done $0x0  }
0x52a: {  	s9 =	simm.s32 $0x1D00;
	[sflag:s14] =	ssyncadd.s32 $0xFFFFC000  }
0x52b: {  	[spmem:s2] =	stream.indirect.scatter.add.f32 [tilespmem:s12], [sflag:$0x3], $0x80, s9, s11, $0xb8;
	[tilespmem:$0x1DC00] =	vst v63  }
0x52c: {  	_ =	swait.ge [sflag:s15], $0x4000  }
0x52d: {  	[sflag:s15] =	ssyncset.done $0x0  }
0x52e: {  	s19 =	simm.s32 $0x1D80;
	[sflag:s15] =	ssyncadd.s32 $0xFFFFC000  }
0x52f: {  	[spmem:s2] =	stream.indirect.scatter.add.f32 [tilespmem:s13], [sflag:$0x4], $0x80, s19, s11, $0xb8;
	[tilespmem:$0x1DC00] =	vst v63  }
0x530: {  	_ =	swait.ge [sflag:s17], $0x4000  }
0x531: {  	[sflag:s17] =	ssyncset.done $0x0  }
0x532: {  	[sflag:s17] =	ssyncadd.s32 $0xFFFFC000  }
0x533: {  	_ =	swait.ge [sflag:s18], $0x4000  }
0x534: {  	[sflag:s18] =	ssyncset.done $0x0  }
0x535: {  	s20 =	simm.s32 $0x1600;
	[sflag:s18] =	ssyncadd.s32 $0xFFFFC000  }
0x536: {  	[tilespmem:s12], [sflag:$0x1] =	stream.indirect.gather [hbm4b:s10+s11], $0x80, s20, s11, $0xb8;
	[tilespmem:$0x1DC00] =	vst v63  }
0x537: {  	s9 =	simm.s32 $0x1680  }
0x538: {  	[tilespmem:s13], [sflag:$0x2] =	stream.indirect.gather [hbm4b:s10+s11], $0x80, s9, s11, $0xb8;
	[tilespmem:$0x1DC00] =	vst v63  }
0x539: {  	_ =	swait.ge [sflag:s14], $0x4000  }
0x53a: {  	[sflag:s14] =	ssyncset.done $0x0  }
0x53b: {  	s19 =	simm.s32 $0x1E00;
	[sflag:s14] =	ssyncadd.s32 $0xFFFFC000  }
0x53c: {  	[spmem:s2] =	stream.indirect.scatter.add.f32 [tilespmem:s12], [sflag:$0x3], $0x80, s19, s11, $0xb8;
	[tilespmem:$0x1DC00] =	vst v63  }
0x53d: {  	_ =	swait.ge [sflag:s15], $0x4000  }
0x53e: {  	[sflag:s15] =	ssyncset.done $0x0  }
0x53f: {  	s20 =	simm.s32 $0x1E80;
	[sflag:s15] =	ssyncadd.s32 $0xFFFFC000  }
0x540: {  	[spmem:s2] =	stream.indirect.scatter.add.f32 [tilespmem:s13], [sflag:$0x4], $0x80, s20, s11, $0xb8;
	[tilespmem:$0x1DC00] =	vst v63  }
0x541: {  	_ =	swait.ge [sflag:s17], $0x4000  }
0x542: {  	[sflag:s17] =	ssyncset.done $0x0  }
0x543: {  	[sflag:s17] =	ssyncadd.s32 $0xFFFFC000  }
0x544: {  	_ =	swait.ge [sflag:s18], $0x4000  }
0x545: {  	[sflag:s18] =	ssyncset.done $0x0  }
0x546: {  	s9 =	simm.s32 $0x1700;
	[sflag:s18] =	ssyncadd.s32 $0xFFFFC000  }
0x547: {  	[tilespmem:s12], [sflag:$0x1] =	stream.indirect.gather [hbm4b:s10+s11], $0x80, s9, s11, $0xb8;
	[tilespmem:$0x1DC00] =	vst v63  }
0x548: {  	s19 =	simm.s32 $0x1780  }
0x549: {  	[tilespmem:s13], [sflag:$0x2] =	stream.indirect.gather [hbm4b:s10+s11], $0x80, s19, s11, $0xb8;
	[tilespmem:$0x1DC00] =	vst v63  }
0x54a: {  	_ =	swait.ge [sflag:s14], $0x4000  }
0x54b: {  	[sflag:s14] =	ssyncset.done $0x0  }
0x54c: {  	s20 =	simm.s32 $0x1F00;
	[sflag:s14] =	ssyncadd.s32 $0xFFFFC000  }
0x54d: {  	[spmem:s2] =	stream.indirect.scatter.add.f32 [tilespmem:s12], [sflag:$0x3], $0x80, s20, s11, $0xb8;
	[tilespmem:$0x1DC00] =	vst v63  }
0x54e: {  	_ =	swait.ge [sflag:s15], $0x4000  }
0x54f: {  	[sflag:s15] =	ssyncset.done $0x0  }
0x550: {  	s9 =	simm.s32 $0x1F80;
	[sflag:s15] =	ssyncadd.s32 $0xFFFFC000  }
0x551: {  	[spmem:s2] =	stream.indirect.scatter.add.f32 [tilespmem:s13], [sflag:$0x4], $0x80, s9, s11, $0xb8;
	[tilespmem:$0x1DC00] =	vst v63  }
0x552: {  	_ =	swait.ge [sflag:s0], $0x800  }
0x553: {  	[sflag:s0] =	ssyncset.done $0x0  }
0x554: {  	[sflag:s0] =	ssyncadd.s32 $0xFFFFF800  }
0x555: {  	_ =	swait.ge [sflag:s0], $0x800  }
0x556: {  	[sflag:s0] =	ssyncset.done $0x0  }
0x557: {  	[sflag:s0] =	ssyncadd.s32 $0xFFFFF800  }
0x558: {  	_ =	swait.ge [sflag:s17], $0x4000  }
0x559: {  	[sflag:s17] =	ssyncset.done $0x0  }
0x55a: {  	[sflag:s17] =	ssyncadd.s32 $0xFFFFC000  }
0x55b: {  	_ =	swait.ge [sflag:s18], $0x4000  }
0x55c: {  	[sflag:s18] =	ssyncset.done $0x0  }
0x55d: {  	[sflag:s18] =	ssyncadd.s32 $0xFFFFC000  }
0x55e: {  	[tilespmem:s12], [sflag:$0x1] =	stream.indirect.gather [hbm4b:s10+s11], $0x80, s3, s11, $0xb8;
	[tilespmem:$0x1DC00] =	vst v63  }
0x55f: {  	_ = 	snop  }
0x560: {  	[tilespmem:s13], [sflag:$0x2] =	stream.indirect.gather [hbm4b:s10+s11], $0x80, s11, s11, $0xb8;
	[tilespmem:$0x1DC00] =	vst v63  }
0x561: {  	_ =	swait.ge [sflag:s14], $0x4000  }
0x562: {  	[sflag:s14] =	ssyncset.done $0x0  }
0x563: {  	[sflag:s14] =	ssyncadd.s32 $0xFFFFC000  }
0x564: {  	[spmem:s2] =	stream.indirect.scatter.add.f32 [tilespmem:s12], [sflag:$0x3], $0x80, s1, s11, $0xb8;
	[tilespmem:$0x1DC00] =	vst v63  }
0x565: {  	_ =	swait.ge [sflag:s15], $0x4000  }
0x566: {  	[sflag:s15] =	ssyncset.done $0x0  }
0x567: {  	[sflag:s15] =	ssyncadd.s32 $0xFFFFC000  }
0x568: {  	[spmem:s2] =	stream.indirect.scatter.add.f32 [tilespmem:s13], [sflag:$0x4], $0x80, s4, s11, $0xb8;
	[tilespmem:$0x1DC00] =	vst v63  }
0x569: {  	_ =	swait.ge [sflag:s17], $0x4000  }
0x56a: {  	[sflag:s17] =	ssyncset.done $0x0  }
0x56b: {  	[sflag:s17] =	ssyncadd.s32 $0xFFFFC000  }
0x56c: {  	_ =	swait.ge [sflag:s18], $0x4000  }
0x56d: {  	[sflag:s18] =	ssyncset.done $0x0  }
0x56e: {  	s19 =	simm.s32 $0x100;
	[sflag:s18] =	ssyncadd.s32 $0xFFFFC000  }
0x56f: {  	[tilespmem:s12], [sflag:$0x1] =	stream.indirect.gather [hbm4b:s10+s11], $0x80, s19, s11, $0xb8;
	[tilespmem:$0x1DC00] =	vst v63  }
0x570: {  	s20 =	simm.s32 $0x180  }
0x571: {  	[tilespmem:s13], [sflag:$0x2] =	stream.indirect.gather [hbm4b:s10+s11], $0x80, s20, s11, $0xb8;
	[tilespmem:$0x1DC00] =	vst v63  }
0x572: {  	_ =	swait.ge [sflag:s14], $0x4000  }
0x573: {  	[sflag:s14] =	ssyncset.done $0x0  }
0x574: {  	s4 =	simm.s32 $0x900;
	[sflag:s14] =	ssyncadd.s32 $0xFFFFC000  }
0x575: {  	[spmem:s2] =	stream.indirect.scatter.add.f32 [tilespmem:s12], [sflag:$0x3], $0x80, s4, s11, $0xb8;
	[tilespmem:$0x1DC00] =	vst v63  }
0x576: {  	_ =	swait.ge [sflag:s15], $0x4000  }
0x577: {  	[sflag:s15] =	ssyncset.done $0x0  }
0x578: {  	s6 =	simm.s32 $0x980;
	[sflag:s15] =	ssyncadd.s32 $0xFFFFC000  }
0x579: {  	[spmem:s2] =	stream.indirect.scatter.add.f32 [tilespmem:s13], [sflag:$0x4], $0x80, s6, s11, $0xb8;
	[tilespmem:$0x1DC00] =	vst v63  }
0x57a: {  	_ =	swait.ge [sflag:s17], $0x4000  }
0x57b: {  	[sflag:s17] =	ssyncset.done $0x0  }
0x57c: {  	[sflag:s17] =	ssyncadd.s32 $0xFFFFC000  }
0x57d: {  	_ =	swait.ge [sflag:s18], $0x4000  }
0x57e: {  	[sflag:s18] =	ssyncset.done $0x0  }
0x57f: {  	s9 =	simm.s32 $0x200;
	[sflag:s18] =	ssyncadd.s32 $0xFFFFC000  }
0x580: {  	[tilespmem:s12], [sflag:$0x1] =	stream.indirect.gather [hbm4b:s10+s11], $0x80, s9, s11, $0xb8;
	[tilespmem:$0x1DC00] =	vst v63  }
0x581: {  	s19 =	simm.s32 $0x280  }
0x582: {  	[tilespmem:s13], [sflag:$0x2] =	stream.indirect.gather [hbm4b:s10+s11], $0x80, s19, s11, $0xb8;
	[tilespmem:$0x1DC00] =	vst v63  }
0x583: {  	_ =	swait.ge [sflag:s14], $0x4000  }
0x584: {  	[sflag:s14] =	ssyncset.done $0x0  }
0x585: {  	s20 =	simm.s32 $0xA00;
	[sflag:s14] =	ssyncadd.s32 $0xFFFFC000  }
0x586: {  	[spmem:s2] =	stream.indirect.scatter.add.f32 [tilespmem:s12], [sflag:$0x3], $0x80, s20, s11, $0xb8;
	[tilespmem:$0x1DC00] =	vst v63  }
0x587: {  	_ =	swait.ge [sflag:s15], $0x4000  }
0x588: {  	[sflag:s15] =	ssyncset.done $0x0  }
0x589: {  	s4 =	simm.s32 $0xA80;
	[sflag:s15] =	ssyncadd.s32 $0xFFFFC000  }
0x58a: {  	[spmem:s2] =	stream.indirect.scatter.add.f32 [tilespmem:s13], [sflag:$0x4], $0x80, s4, s11, $0xb8;
	[tilespmem:$0x1DC00] =	vst v63  }
0x58b: {  	_ =	swait.ge [sflag:s17], $0x4000  }
0x58c: {  	[sflag:s17] =	ssyncset.done $0x0  }
0x58d: {  	[sflag:s17] =	ssyncadd.s32 $0xFFFFC000  }
0x58e: {  	_ =	swait.ge [sflag:s18], $0x4000  }
0x58f: {  	[sflag:s18] =	ssyncset.done $0x0  }
0x590: {  	s6 =	simm.s32 $0x300;
	[sflag:s18] =	ssyncadd.s32 $0xFFFFC000  }
0x591: {  	[tilespmem:s12], [sflag:$0x1] =	stream.indirect.gather [hbm4b:s10+s11], $0x80, s6, s11, $0xb8;
	[tilespmem:$0x1DC00] =	vst v63  }
0x592: {  	s9 =	simm.s32 $0x380  }
0x593: {  	[tilespmem:s13], [sflag:$0x2] =	stream.indirect.gather [hbm4b:s10+s11], $0x80, s9, s11, $0xb8;
	[tilespmem:$0x1DC00] =	vst v63  }
0x594: {  	_ =	swait.ge [sflag:s14], $0x4000  }
0x595: {  	[sflag:s14] =	ssyncset.done $0x0  }
0x596: {  	s19 =	simm.s32 $0xB00;
	[sflag:s14] =	ssyncadd.s32 $0xFFFFC000  }
0x597: {  	[spmem:s2] =	stream.indirect.scatter.add.f32 [tilespmem:s12], [sflag:$0x3], $0x80, s19, s11, $0xb8;
	[tilespmem:$0x1DC00] =	vst v63  }
0x598: {  	_ =	swait.ge [sflag:s15], $0x4000  }
0x599: {  	[sflag:s15] =	ssyncset.done $0x0  }
0x59a: {  	s20 =	simm.s32 $0xB80;
	[sflag:s15] =	ssyncadd.s32 $0xFFFFC000  }
0x59b: {  	[spmem:s2] =	stream.indirect.scatter.add.f32 [tilespmem:s13], [sflag:$0x4], $0x80, s20, s11, $0xb8;
	[tilespmem:$0x1DC00] =	vst v63  }
0x59c: {  	_ =	swait.ge [sflag:s17], $0x4000  }
0x59d: {  	[sflag:s17] =	ssyncset.done $0x0  }
0x59e: {  	[sflag:s17] =	ssyncadd.s32 $0xFFFFC000  }
0x59f: {  	_ =	swait.ge [sflag:s18], $0x4000  }
0x5a0: {  	[sflag:s18] =	ssyncset.done $0x0  }
0x5a1: {  	s4 =	simm.s32 $0x400;
	[sflag:s18] =	ssyncadd.s32 $0xFFFFC000  }
0x5a2: {  	[tilespmem:s12], [sflag:$0x1] =	stream.indirect.gather [hbm4b:s10+s11], $0x80, s4, s11, $0xb8;
	[tilespmem:$0x1DC00] =	vst v63  }
0x5a3: {  	s6 =	simm.s32 $0x480  }
0x5a4: {  	[tilespmem:s13], [sflag:$0x2] =	stream.indirect.gather [hbm4b:s10+s11], $0x80, s6, s11, $0xb8;
	[tilespmem:$0x1DC00] =	vst v63  }
0x5a5: {  	_ =	swait.ge [sflag:s14], $0x4000  }
0x5a6: {  	[sflag:s14] =	ssyncset.done $0x0  }
0x5a7: {  	s9 =	simm.s32 $0xC00;
	[sflag:s14] =	ssyncadd.s32 $0xFFFFC000  }
0x5a8: {  	[spmem:s2] =	stream.indirect.scatter.add.f32 [tilespmem:s12], [sflag:$0x3], $0x80, s9, s11, $0xb8;
	[tilespmem:$0x1DC00] =	vst v63  }
0x5a9: {  	_ =	swait.ge [sflag:s15], $0x4000  }
0x5aa: {  	[sflag:s15] =	ssyncset.done $0x0  }
0x5ab: {  	s19 =	simm.s32 $0xC80;
	[sflag:s15] =	ssyncadd.s32 $0xFFFFC000  }
0x5ac: {  	[spmem:s2] =	stream.indirect.scatter.add.f32 [tilespmem:s13], [sflag:$0x4], $0x80, s19, s11, $0xb8;
	[tilespmem:$0x1DC00] =	vst v63  }
0x5ad: {  	_ =	swait.ge [sflag:s17], $0x4000  }
0x5ae: {  	[sflag:s17] =	ssyncset.done $0x0  }
0x5af: {  	[sflag:s17] =	ssyncadd.s32 $0xFFFFC000  }
0x5b0: {  	_ =	swait.ge [sflag:s18], $0x4000  }
0x5b1: {  	[sflag:s18] =	ssyncset.done $0x0  }
0x5b2: {  	s20 =	simm.s32 $0x500;
	[sflag:s18] =	ssyncadd.s32 $0xFFFFC000  }
0x5b3: {  	[tilespmem:s12], [sflag:$0x1] =	stream.indirect.gather [hbm4b:s10+s11], $0x80, s20, s11, $0xb8;
	[tilespmem:$0x1DC00] =	vst v63  }
0x5b4: {  	s4 =	simm.s32 $0x580  }
0x5b5: {  	[tilespmem:s13], [sflag:$0x2] =	stream.indirect.gather [hbm4b:s10+s11], $0x80, s4, s11, $0xb8;
	[tilespmem:$0x1DC00] =	vst v63  }
0x5b6: {  	_ =	swait.ge [sflag:s14], $0x4000  }
0x5b7: {  	[sflag:s14] =	ssyncset.done $0x0  }
0x5b8: {  	s6 =	simm.s32 $0xD00;
	[sflag:s14] =	ssyncadd.s32 $0xFFFFC000  }
0x5b9: {  	[spmem:s2] =	stream.indirect.scatter.add.f32 [tilespmem:s12], [sflag:$0x3], $0x80, s6, s11, $0xb8;
	[tilespmem:$0x1DC00] =	vst v63  }
0x5ba: {  	_ =	swait.ge [sflag:s15], $0x4000  }
0x5bb: {  	[sflag:s15] =	ssyncset.done $0x0  }
0x5bc: {  	s9 =	simm.s32 $0xD80;
	[sflag:s15] =	ssyncadd.s32 $0xFFFFC000  }
0x5bd: {  	[spmem:s2] =	stream.indirect.scatter.add.f32 [tilespmem:s13], [sflag:$0x4], $0x80, s9, s11, $0xb8;
	[tilespmem:$0x1DC00] =	vst v63  }
0x5be: {  	_ =	swait.ge [sflag:s17], $0x4000  }
0x5bf: {  	[sflag:s17] =	ssyncset.done $0x0  }
0x5c0: {  	[sflag:s17] =	ssyncadd.s32 $0xFFFFC000  }
0x5c1: {  	_ =	swait.ge [sflag:s18], $0x4000  }
0x5c2: {  	[sflag:s18] =	ssyncset.done $0x0  }
0x5c3: {  	s19 =	simm.s32 $0x600;
	[sflag:s18] =	ssyncadd.s32 $0xFFFFC000  }
0x5c4: {  	[tilespmem:s12], [sflag:$0x1] =	stream.indirect.gather [hbm4b:s10+s11], $0x80, s19, s11, $0xb8;
	[tilespmem:$0x1DC00] =	vst v63  }
0x5c5: {  	s20 =	simm.s32 $0x680  }
0x5c6: {  	[tilespmem:s13], [sflag:$0x2] =	stream.indirect.gather [hbm4b:s10+s11], $0x80, s20, s11, $0xb8;
	[tilespmem:$0x1DC00] =	vst v63  }
0x5c7: {  	_ =	swait.ge [sflag:s14], $0x4000  }
0x5c8: {  	[sflag:s14] =	ssyncset.done $0x0  }
0x5c9: {  	s4 =	simm.s32 $0xE00;
	[sflag:s14] =	ssyncadd.s32 $0xFFFFC000  }
0x5ca: {  	[spmem:s2] =	stream.indirect.scatter.add.f32 [tilespmem:s12], [sflag:$0x3], $0x80, s4, s11, $0xb8;
	[tilespmem:$0x1DC00] =	vst v63  }
0x5cb: {  	_ =	swait.ge [sflag:s15], $0x4000  }
0x5cc: {  	[sflag:s15] =	ssyncset.done $0x0  }
0x5cd: {  	s6 =	simm.s32 $0xE80;
	[sflag:s15] =	ssyncadd.s32 $0xFFFFC000  }
0x5ce: {  	[spmem:s2] =	stream.indirect.scatter.add.f32 [tilespmem:s13], [sflag:$0x4], $0x80, s6, s11, $0xb8;
	[tilespmem:$0x1DC00] =	vst v63  }
0x5cf: {  	_ =	swait.ge [sflag:s17], $0x4000  }
0x5d0: {  	[sflag:s17] =	ssyncset.done $0x0  }
0x5d1: {  	[sflag:s17] =	ssyncadd.s32 $0xFFFFC000  }
0x5d2: {  	_ =	swait.ge [sflag:s18], $0x4000  }
0x5d3: {  	[sflag:s18] =	ssyncset.done $0x0  }
0x5d4: {  	s9 =	simm.s32 $0x700;
	[sflag:s18] =	ssyncadd.s32 $0xFFFFC000  }
0x5d5: {  	[tilespmem:s12], [sflag:$0x1] =	stream.indirect.gather [hbm4b:s10+s11], $0x80, s9, s11, $0xb8;
	[tilespmem:$0x1DC00] =	vst v63  }
0x5d6: {  	s19 =	simm.s32 $0x780  }
0x5d7: {  	[tilespmem:s13], [sflag:$0x2] =	stream.indirect.gather [hbm4b:s10+s11], $0x80, s19, s11, $0xb8;
	[tilespmem:$0x1DC00] =	vst v63  }
0x5d8: {  	_ =	swait.ge [sflag:s14], $0x4000  }
0x5d9: {  	[sflag:s14] =	ssyncset.done $0x0  }
0x5da: {  	s20 =	simm.s32 $0xF00;
	[sflag:s14] =	ssyncadd.s32 $0xFFFFC000  }
0x5db: {  	[spmem:s2] =	stream.indirect.scatter.add.f32 [tilespmem:s12], [sflag:$0x3], $0x80, s20, s11, $0xb8;
	[tilespmem:$0x1DC00] =	vst v63  }
0x5dc: {  	_ =	swait.ge [sflag:s15], $0x4000  }
0x5dd: {  	[sflag:s15] =	ssyncset.done $0x0  }
0x5de: {  	s4 =	simm.s32 $0xF80;
	[sflag:s15] =	ssyncadd.s32 $0xFFFFC000  }
0x5df: {  	[spmem:s2] =	stream.indirect.scatter.add.f32 [tilespmem:s13], [sflag:$0x4], $0x80, s4, s11, $0xb8;
	[tilespmem:$0x1DC00] =	vst v63  }
0x5e0: {  	_ =	swait.ge [sflag:s17], $0x4000  }
0x5e1: {  	[sflag:s17] =	ssyncset.done $0x0  }
0x5e2: {  	[sflag:s17] =	ssyncadd.s32 $0xFFFFC000  }
0x5e3: {  	_ =	swait.ge [sflag:s18], $0x4000  }
0x5e4: {  	[sflag:s18] =	ssyncset.done $0x0  }
0x5e5: {  	[sflag:s18] =	ssyncadd.s32 $0xFFFFC000  }
0x5e6: {  	p0 =	sne.s32 s16, $0x1;
	[bflag:$0x0] =	sbarrier.arrive $0xFFFF  }
.Ltmp1:
0x5e7: {  	s6 =	rddreg [dreg:$0xf];
	(pc) =	sbr.rel @p0 .LBB2_2-.Ltmp1, $4  }
0x5e8: {  	s9 =	rddreg [dreg:$0x11]  }
0x5e9: {  	s20 =	rddreg [dreg:$0x10]  }
0x5ea: {  	[hbm:s6], [sflag:s20] =	dma.local [spmem:s9], $0x2780  }
0x5eb: {  	s16 =	sadd.s32 $0xFFFFFFFF, s16;
	_ =	swait.ge [sflag:s5], $0x2780  }
.LBB2_3:
0x5ec: {  	[sflag:s5] =	ssyncset.done $0x0  }
0x5ed: {  	[sflag:s5] =	ssyncadd.s32 $0xFFFFD880  }
0x5ee: {  	_ =	sfence.sel $0x180000  }
0x5ef: {  	[bflag:$0x0] =	sbarrier.arrive $0xFFFF  }
0x5f0: {  	_ =	strace $0x90000047  }
0x5f1: {  	s0 =	stileid.u32;
	[bflag:$0x2] =	sbarrier.arrive $0xFFFF  }
0x5f2: {  	p0 =	sne.s32 s0, $0x0;
	s0 =	rddreg [dreg:$0x3]  }
0x5f3: {  	s0 =	sadd.s32 @!p0 $0x100000, s0  }
0x5f4: {  	[sflag:s0] =	ssyncadd.tile.s32 @!p0 $0x1;
	_ =	shalt  }
.Lfunc_end2:
_tile_overlayer_lowered:
.L_overlay_start_2:
0x5f5: {  	(tag) =	ssettag $0x2  }
0x5f6: {  	s0 =	rddreg [dreg:$0x0];
	s2 =	stileid.u32  }
0x5f7: {  	s1 =	rddreg [dreg:$0x1];
	p0 =	sne.s32 s2, $0x0  }
0x5f8: {  	s3 =	rddreg [dreg:$0x2];
	[bflag:$0x3] =	sbarrier.arrive $0xFFFF;
	s2 =	simm.s32 @!p0 $0x1C06  }
0x5f9: {  	[timem:s3], [sflag:s2] =	dma.local @!p0 [hbm:s0], s1  }
0x5fa: {  	s0 =	simm.s32 @!p0 $0x6  }
0x5fb: {  	_ =	swait.ge @!p0 [sflag:s0], s1  }
0x5fc: {  	s1 =	ssub.s32 @!p0 $0x0, s1;
	[sflag:s0] =	ssyncset.done @!p0 $0x0  }
0x5fd: {  	[sflag:s0] =	ssyncadd.s32 @!p0 s1  }
0x5fe: {  	[bflag:$0x3] =	sbarrier.arrive $0xFFFF  }
0x5ff: {  	_ =	shalt  }

</sc_bundles>
